<compile_context>
chip_gen: v7x
topology: tpu7x:2x2x1
jax: 0.10.2.dev20260603
libtpu: 0.0.44.dev20260713+nightly
codegen_flags: <defaults>
</compile_context>

<pallas_src>
import jax
import jax.numpy as jnp
from jax import lax
from jax.experimental import pallas as pl
from jax.experimental.pallas import tpu as pltpu
from jax.experimental.pallas import tpu_sc as plsc

B = 16384
F = 26
FH = F // 2
FIELD_SIZE = 100000
NC = 2
NS = 16
NW = NC * NS
BPW = B // NW
IPW = F * BPW
CPB = BPW // 16


def _gather_reduce(x_hbm, w_hbm, bias_hbm, out_hbm, idx_v, vals_v, bias_v,
                   out_v, sem_a, sem_b, sem_o, *sem_f):
    wid = lax.axis_index("s") * NC + lax.axis_index("c")

    half = FH * BPW
    idx_a = pltpu.async_copy(x_hbm.at[wid, pl.ds(0, half)],
                             idx_v.at[pl.ds(0, half)], sem_a)
    idx_b = pltpu.async_copy(x_hbm.at[wid, pl.ds(half, half)],
                             idx_v.at[pl.ds(half, half)], sem_b)
    pltpu.sync_copy(bias_hbm, bias_v)
    biasv = bias_v[...]

    def seed(cb, carry):
        for u in range(4):
            out_v[pl.ds(cb * 64 + u * 16, 16)] = biasv
        return carry

    lax.fori_loop(0, CPB // 4, seed, 0)

    def fire(f):
        sl = pl.ds(f * BPW, BPW)
        return pltpu.async_copy(
            w_hbm.at[pl.ds(f * FIELD_SIZE, FIELD_SIZE)].at[idx_v.at[sl]],
            vals_v.at[sl], sem_f[f])

    idx_a.wait()
    copies = [fire(f) for f in range(FH)]
    idx_b.wait()
    copies += [fire(f) for f in range(FH, F)]

    for f in range(F):
        copies[f].wait()

        def accum(cb, carry, f=f):
            for u in range(4):
                sl = pl.ds(cb * 64 + u * 16, 16)
                out_v[sl] = out_v[sl] + vals_v[pl.ds(f * BPW + cb * 64 + u * 16, 16)]
            return carry

        lax.fori_loop(0, CPB // 4, accum, 0)

    pltpu.sync_copy(out_v, out_hbm.at[pl.ds(wid * BPW, BPW)])


def kernel(x, W, bias):
    xi = x.astype(jnp.int32)
    xb = xi.reshape(NW, BPW, F).transpose(0, 2, 1).reshape(NW, IPW)
    w1 = W.reshape(-1)
    bias16 = jnp.broadcast_to(bias.astype(jnp.float32), (16,))

    mesh = plsc.VectorSubcoreMesh(core_axis_name="c", subcore_axis_name="s")
    run = pl.kernel(
        _gather_reduce,
        mesh=mesh,
        out_type=jax.ShapeDtypeStruct((B,), jnp.float32),
        scratch_types=[
            pltpu.VMEM((IPW,), jnp.int32),
            pltpu.VMEM((IPW,), jnp.float32),
            pltpu.VMEM((16,), jnp.float32),
            pltpu.VMEM((BPW,), jnp.float32),
        ] + [pltpu.SemaphoreType.DMA] * (3 + F),
    )
    out = run(xb, w1, bias16)
    return out.reshape(B, 1)

# --- scband reference (transcript-rebuilt; emitter-appended) ---
"""Pipeline reference for scband-features-linear-6811818131681 (READ-ONLY COPY).

The authoritative reference and input builder live on the scoring server;
editing this copy changes nothing except your own understanding.
"""

import jax, jax.numpy as jnp
import numpy as np

FIELD_DIMS = [100000] * 26
OUTPUT_DIM = 1
NUM_EMB = sum(FIELD_DIMS)
OFFSETS = jnp.asarray(np.array((0, *np.cumsum(FIELD_DIMS)[:-1]), dtype=np.int64))


def setup_inputs(seed: int = 0) -> dict:
    key = jax.random.key(seed)
    k1, k2 = jax.random.split(key)
    x = jax.random.randint(k1, (16384, 26), 0, 100000, dtype=jnp.int64)
    W = jax.random.normal(k2, (NUM_EMB, OUTPUT_DIM), dtype=jnp.float32) * 0.01
    bias = jnp.zeros((OUTPUT_DIM,), dtype=jnp.float32)
    return {"x": x, "W": W, "bias": bias}


def reference(x, W, bias):
    # x: int64 [B, F]; add per-field offsets into the concatenated table
    idx = x + OFFSETS[None, :]
    emb = jnp.take(W, idx, axis=0)  # [B, F, output_dim]
    return jnp.sum(emb, axis=1) + bias  # [B, output_dim]

if __name__ == "__main__":
    import jax
    _d = setup_inputs()
    print(jax.jit(kernel)(*tuple(_d.values())))

</pallas_src>

<mosaic_0001>
#map = affine_map<(d0, d1) -> (0, 0)>
#map1 = affine_map<(d0, d1) -> (0)>
module attributes {stable_mosaic.version = 14 : i64} {
  func.func @_gather_reduce(%arg0: i32, %arg1: i32, %arg2: memref<32x13312xi32, #tpu.memory_space<hbm>>, %arg3: memref<2600000xf32, #tpu.memory_space<hbm>>, %arg4: memref<16xf32, #tpu.memory_space<hbm>>, %arg5: memref<16384xf32, #tpu.memory_space<hbm>>, %arg6: memref<13312xi32, #tpu.memory_space<vmem>>, %arg7: memref<13312xf32, #tpu.memory_space<vmem>>, %arg8: memref<16xf32, #tpu.memory_space<vmem>>, %arg9: memref<512xf32, #tpu.memory_space<vmem>>, %arg10: memref<!tpu.dma_semaphore, #tpu.memory_space<semaphore_mem>>, %arg11: memref<!tpu.dma_semaphore, #tpu.memory_space<semaphore_mem>>, %arg12: memref<!tpu.dma_semaphore, #tpu.memory_space<semaphore_mem>>, %arg13: memref<!tpu.dma_semaphore, #tpu.memory_space<semaphore_mem>>, %arg14: memref<!tpu.dma_semaphore, #tpu.memory_space<semaphore_mem>>, %arg15: memref<!tpu.dma_semaphore, #tpu.memory_space<semaphore_mem>>, %arg16: memref<!tpu.dma_semaphore, #tpu.memory_space<semaphore_mem>>, %arg17: memref<!tpu.dma_semaphore, #tpu.memory_space<semaphore_mem>>, %arg18: memref<!tpu.dma_semaphore, #tpu.memory_space<semaphore_mem>>, %arg19: memref<!tpu.dma_semaphore, #tpu.memory_space<semaphore_mem>>, %arg20: memref<!tpu.dma_semaphore, #tpu.memory_space<semaphore_mem>>, %arg21: memref<!tpu.dma_semaphore, #tpu.memory_space<semaphore_mem>>, %arg22: memref<!tpu.dma_semaphore, #tpu.memory_space<semaphore_mem>>, %arg23: memref<!tpu.dma_semaphore, #tpu.memory_space<semaphore_mem>>, %arg24: memref<!tpu.dma_semaphore, #tpu.memory_space<semaphore_mem>>, %arg25: memref<!tpu.dma_semaphore, #tpu.memory_space<semaphore_mem>>, %arg26: memref<!tpu.dma_semaphore, #tpu.memory_space<semaphore_mem>>, %arg27: memref<!tpu.dma_semaphore, #tpu.memory_space<semaphore_mem>>, %arg28: memref<!tpu.dma_semaphore, #tpu.memory_space<semaphore_mem>>, %arg29: memref<!tpu.dma_semaphore, #tpu.memory_space<semaphore_mem>>, %arg30: memref<!tpu.dma_semaphore, #tpu.memory_space<semaphore_mem>>, %arg31: memref<!tpu.dma_semaphore, #tpu.memory_space<semaphore_mem>>, %arg32: memref<!tpu.dma_semaphore, #tpu.memory_space<semaphore_mem>>, %arg33: memref<!tpu.dma_semaphore, #tpu.memory_space<semaphore_mem>>, %arg34: memref<!tpu.dma_semaphore, #tpu.memory_space<semaphore_mem>>, %arg35: memref<!tpu.dma_semaphore, #tpu.memory_space<semaphore_mem>>, %arg36: memref<!tpu.dma_semaphore, #tpu.memory_space<semaphore_mem>>, %arg37: memref<!tpu.dma_semaphore, #tpu.memory_space<semaphore_mem>>, %arg38: memref<!tpu.dma_semaphore, #tpu.memory_space<semaphore_mem>>) attributes {dimension_semantics = [#tpu.dimension_semantics<core_parallel>, #tpu.dimension_semantics<subcore_parallel>], iteration_bounds = array<i64: 2, 16>, scalar_prefetch = 0 : i64, scratch_operands = 33 : i64, tpu.core_type = #tpu.core_type<sc_vector_subcore>, window_params = [{transform_indices = #map}, {transform_indices = #map1}, {transform_indices = #map1}, {transform_indices = #map1}]} {
    %mul3A = arith.constant 2 : i32
    %mul3A_0 = arith.muli %arg1, %mul3A : i32
    %add3A = arith.addi %mul3A_0, %arg0 : i32
    %dma_start3A = arith.constant 0 : i32
    %dma_start3A_1 = tpu.memref_slice %arg6[%dma_start3A] : memref<13312xi32, #tpu.memory_space<vmem>> -> memref<6656xi32, #tpu.memory_space<vmem>>
    %dma_start3A_2 = arith.constant 0 : i32
    %dma_start3A_3 = tpu.memref_slice %arg2[%add3A, %dma_start3A_2] : memref<32x13312xi32, #tpu.memory_space<hbm>> -> memref<1x6656xi32, #tpu.memory_space<hbm>>
    %dma_start3A_4 = tpu.memref_squeeze %dma_start3A_3 : memref<1x6656xi32, #tpu.memory_space<hbm>> -> memref<6656xi32, #tpu.memory_space<hbm>>
    %dma_start3A_5 = arith.constant 0 : i32
    %dma_start3A_6 = tpu.memref_slice %arg6[%dma_start3A_5] : memref<13312xi32, #tpu.memory_space<vmem>> -> memref<6656xi32, #tpu.memory_space<vmem>>
    %dma_start3A_7 = arith.constant 0 : i32
    %dma_start3A_8 = tpu.memref_slice %arg2[%add3A, %dma_start3A_7] : memref<32x13312xi32, #tpu.memory_space<hbm>> -> memref<1x6656xi32, #tpu.memory_space<hbm>>
    %dma_start3A_9 = tpu.memref_squeeze %dma_start3A_8 : memref<1x6656xi32, #tpu.memory_space<hbm>> -> memref<6656xi32, #tpu.memory_space<hbm>>
    tpu.enqueue_dma source(%dma_start3A_9 : memref<6656xi32, #tpu.memory_space<hbm>>) target(%dma_start3A_6 : memref<6656xi32, #tpu.memory_space<vmem>>) target_semaphore(%arg10 : memref<!tpu.dma_semaphore, #tpu.memory_space<semaphore_mem>>)
    %dma_start3A_10 = arith.constant 6656 : i32
    %dma_start3A_11 = tpu.memref_slice %arg6[%dma_start3A_10] : memref<13312xi32, #tpu.memory_space<vmem>> -> memref<6656xi32, #tpu.memory_space<vmem>>
    %dma_start3A_12 = arith.constant 6656 : i32
    %dma_start3A_13 = tpu.memref_slice %arg2[%add3A, %dma_start3A_12] : memref<32x13312xi32, #tpu.memory_space<hbm>> -> memref<1x6656xi32, #tpu.memory_space<hbm>>
    %dma_start3A_14 = tpu.memref_squeeze %dma_start3A_13 : memref<1x6656xi32, #tpu.memory_space<hbm>> -> memref<6656xi32, #tpu.memory_space<hbm>>
    %dma_start3A_15 = arith.constant 6656 : i32
    %dma_start3A_16 = tpu.memref_slice %arg6[%dma_start3A_15] : memref<13312xi32, #tpu.memory_space<vmem>> -> memref<6656xi32, #tpu.memory_space<vmem>>
    %dma_start3A_17 = arith.constant 6656 : i32
    %dma_start3A_18 = tpu.memref_slice %arg2[%add3A, %dma_start3A_17] : memref<32x13312xi32, #tpu.memory_space<hbm>> -> memref<1x6656xi32, #tpu.memory_space<hbm>>
    %dma_start3A_19 = tpu.memref_squeeze %dma_start3A_18 : memref<1x6656xi32, #tpu.memory_space<hbm>> -> memref<6656xi32, #tpu.memory_space<hbm>>
    tpu.enqueue_dma source(%dma_start3A_19 : memref<6656xi32, #tpu.memory_space<hbm>>) target(%dma_start3A_16 : memref<6656xi32, #tpu.memory_space<vmem>>) target_semaphore(%arg11 : memref<!tpu.dma_semaphore, #tpu.memory_space<semaphore_mem>>)
    "tpu.region"() ({
      %run_scoped3A = tpu.sem_alloc : memref<!tpu.dma_semaphore, #tpu.memory_space<semaphore_mem>>
      tpu.enqueue_dma source(%arg4 : memref<16xf32, #tpu.memory_space<hbm>>) target(%arg8 : memref<16xf32, #tpu.memory_space<vmem>>) target_semaphore(%run_scoped3A : memref<!tpu.dma_semaphore, #tpu.memory_space<semaphore_mem>>)
      tpu.wait_dma2 semaphore(%run_scoped3A : memref<!tpu.dma_semaphore, #tpu.memory_space<semaphore_mem>>) src(%arg4 : memref<16xf32, #tpu.memory_space<hbm>>) dst(%arg8 : memref<16xf32, #tpu.memory_space<vmem>>)
      tpu.yield
    }) : () -> ()
    %get3A = arith.constant 0 : index
    %get3A_20 = tpu.vector_load %arg8[%get3A] {strides = array<i32>} : memref<16xf32, #tpu.memory_space<vmem>>, vector<16xf32>,
    %get3A_21 = vector.shape_cast %get3A_20 : vector<16xf32> to vector<16xf32>
    %scan3A = arith.constant 0 : i32
    %scan3A_22 = arith.constant 0 : i32
    %scan3A_23 = arith.constant 8 : i32
    %scan3A_24 = arith.addi %scan3A_22, %scan3A_23 : i32
    %scan3A_25 = arith.constant 1 : i32
    scf.for %scan3A_620 = %scan3A_22 to %scan3A_24 step %scan3A_25  : i32 {
      %mul3A_621 = arith.constant 64 : i32
      %mul3A_622 = arith.muli %scan3A_620, %mul3A_621 : i32
      %add3A_623 = arith.constant 0 : i32
      %add3A_624 = arith.addi %mul3A_622, %add3A_623 : i32
      %swap3A = arith.index_cast %add3A_624 : i32 to index
      %swap3A_625 = tpu.vector_load %arg9[%swap3A] {strides = array<i32>} : memref<512xf32, #tpu.memory_space<vmem>>, vector<16xf32>,
      %swap3A_626 = vector.shape_cast %swap3A_625 : vector<16xf32> to vector<16xf32>
      %swap3A_627 = vector.shape_cast %get3A_21 : vector<16xf32> to vector<16xf32>
      tpu.vector_store %arg9[%swap3A], %swap3A_627 {strides = array<i32>} : memref<512xf32, #tpu.memory_space<vmem>>, vector<16xf32>,
      %mul3A_628 = arith.constant 64 : i32
      %mul3A_629 = arith.muli %scan3A_620, %mul3A_628 : i32
      %add3A_630 = arith.constant 16 : i32
      %add3A_631 = arith.addi %mul3A_629, %add3A_630 : i32
      %swap3A_632 = arith.index_cast %add3A_631 : i32 to index
      %swap3A_633 = tpu.vector_load %arg9[%swap3A_632] {strides = array<i32>} : memref<512xf32, #tpu.memory_space<vmem>>, vector<16xf32>,
      %swap3A_634 = vector.shape_cast %swap3A_633 : vector<16xf32> to vector<16xf32>
      %swap3A_635 = vector.shape_cast %get3A_21 : vector<16xf32> to vector<16xf32>
      tpu.vector_store %arg9[%swap3A_632], %swap3A_635 {strides = array<i32>} : memref<512xf32, #tpu.memory_space<vmem>>, vector<16xf32>,
      %mul3A_636 = arith.constant 64 : i32
      %mul3A_637 = arith.muli %scan3A_620, %mul3A_636 : i32
      %add3A_638 = arith.constant 32 : i32
      %add3A_639 = arith.addi %mul3A_637, %add3A_638 : i32
      %swap3A_640 = arith.index_cast %add3A_639 : i32 to index
      %swap3A_641 = tpu.vector_load %arg9[%swap3A_640] {strides = array<i32>} : memref<512xf32, #tpu.memory_space<vmem>>, vector<16xf32>,
      %swap3A_642 = vector.shape_cast %swap3A_641 : vector<16xf32> to vector<16xf32>
      %swap3A_643 = vector.shape_cast %get3A_21 : vector<16xf32> to vector<16xf32>
      tpu.vector_store %arg9[%swap3A_640], %swap3A_643 {strides = array<i32>} : memref<512xf32, #tpu.memory_space<vmem>>, vector<16xf32>,
      %mul3A_644 = arith.constant 64 : i32
      %mul3A_645 = arith.muli %scan3A_620, %mul3A_644 : i32
      %add3A_646 = arith.constant 48 : i32
      %add3A_647 = arith.addi %mul3A_645, %add3A_646 : i32
      %swap3A_648 = arith.index_cast %add3A_647 : i32 to index
      %swap3A_649 = tpu.vector_load %arg9[%swap3A_648] {strides = array<i32>} : memref<512xf32, #tpu.memory_space<vmem>>, vector<16xf32>,
      %swap3A_650 = vector.shape_cast %swap3A_649 : vector<16xf32> to vector<16xf32>
      %swap3A_651 = vector.shape_cast %get3A_21 : vector<16xf32> to vector<16xf32>
      tpu.vector_store %arg9[%swap3A_648], %swap3A_651 {strides = array<i32>} : memref<512xf32, #tpu.memory_space<vmem>>, vector<16xf32>,
    }
    %scan3A_26 = arith.constant 8 : i32
    %dma_wait3A = arith.constant 0 : i32
    %dma_wait3A_27 = tpu.memref_slice %arg6[%dma_wait3A] : memref<13312xi32, #tpu.memory_space<vmem>> -> memref<6656xi32, #tpu.memory_space<vmem>>
    %dma_wait3A_28 = arith.constant 0 : i32
    %dma_wait3A_29 = tpu.memref_slice %arg2[%add3A, %dma_wait3A_28] : memref<32x13312xi32, #tpu.memory_space<hbm>> -> memref<1x6656xi32, #tpu.memory_space<hbm>>
    %dma_wait3A_30 = tpu.memref_squeeze %dma_wait3A_29 : memref<1x6656xi32, #tpu.memory_space<hbm>> -> memref<6656xi32, #tpu.memory_space<hbm>>
    %dma_wait3A_31 = arith.constant 0 : i32
    %dma_wait3A_32 = tpu.memref_slice %arg6[%dma_wait3A_31] : memref<13312xi32, #tpu.memory_space<vmem>> -> memref<6656xi32, #tpu.memory_space<vmem>>
    %dma_wait3A_33 = arith.constant 0 : i32
    %dma_wait3A_34 = tpu.memref_slice %arg2[%add3A, %dma_wait3A_33] : memref<32x13312xi32, #tpu.memory_space<hbm>> -> memref<1x6656xi32, #tpu.memory_space<hbm>>
    %dma_wait3A_35 = tpu.memref_squeeze %dma_wait3A_34 : memref<1x6656xi32, #tpu.memory_space<hbm>> -> memref<6656xi32, #tpu.memory_space<hbm>>
    tpu.wait_dma2 semaphore(%arg10 : memref<!tpu.dma_semaphore, #tpu.memory_space<semaphore_mem>>) src(%dma_wait3A_35 : memref<6656xi32, #tpu.memory_space<hbm>>) dst(%dma_wait3A_32 : memref<6656xi32, #tpu.memory_space<vmem>>)
    %dma_start3A_36 = arith.constant 0 : i32
    %dma_start3A_37 = tpu.memref_slice %arg7[%dma_start3A_36] : memref<13312xf32, #tpu.memory_space<vmem>> -> memref<512xf32, #tpu.memory_space<vmem>>
    %dma_start3A_38 = arith.constant 0 : i32
    %dma_start3A_39 = tpu.memref_slice %arg6[%dma_start3A_38] : memref<13312xi32, #tpu.memory_space<vmem>> -> memref<512xi32, #tpu.memory_space<vmem>>
    %dma_start3A_40 = arith.constant 0 : i32
    %dma_start3A_41 = tpu.memref_slice %arg3[%dma_start3A_40] : memref<2600000xf32, #tpu.memory_space<hbm>> -> memref<100000xf32, #tpu.memory_space<hbm>>
    %dma_start3A_42 = arith.constant 0 : i32
    %dma_start3A_43 = tpu.memref_slice %dma_start3A_41[%dma_start3A_42] : memref<100000xf32, #tpu.memory_space<hbm>> -> memref<100000xf32, #tpu.memory_space<hbm>>
    tpu.enqueue_indirect_dma source(%dma_start3A_43 : memref<100000xf32, #tpu.memory_space<hbm>>) target(%dma_start3A_37 : memref<512xf32, #tpu.memory_space<vmem>>) offsets(%dma_start3A_39 : memref<512xi32, #tpu.memory_space<vmem>>) semaphore(%arg13 : memref<!tpu.dma_semaphore, #tpu.memory_space<semaphore_mem>>)
    %dma_start3A_44 = arith.constant 512 : i32
    %dma_start3A_45 = tpu.memref_slice %arg7[%dma_start3A_44] : memref<13312xf32, #tpu.memory_space<vmem>> -> memref<512xf32, #tpu.memory_space<vmem>>
    %dma_start3A_46 = arith.constant 512 : i32
    %dma_start3A_47 = tpu.memref_slice %arg6[%dma_start3A_46] : memref<13312xi32, #tpu.memory_space<vmem>> -> memref<512xi32, #tpu.memory_space<vmem>>
    %dma_start3A_48 = arith.constant 100000 : i32
    %dma_start3A_49 = tpu.memref_slice %arg3[%dma_start3A_48] : memref<2600000xf32, #tpu.memory_space<hbm>> -> memref<100000xf32, #tpu.memory_space<hbm>>
    %dma_start3A_50 = arith.constant 0 : i32
    %dma_start3A_51 = tpu.memref_slice %dma_start3A_49[%dma_start3A_50] : memref<100000xf32, #tpu.memory_space<hbm>> -> memref<100000xf32, #tpu.memory_space<hbm>>
    tpu.enqueue_indirect_dma source(%dma_start3A_51 : memref<100000xf32, #tpu.memory_space<hbm>>) target(%dma_start3A_45 : memref<512xf32, #tpu.memory_space<vmem>>) offsets(%dma_start3A_47 : memref<512xi32, #tpu.memory_space<vmem>>) semaphore(%arg14 : memref<!tpu.dma_semaphore, #tpu.memory_space<semaphore_mem>>)
    %dma_start3A_52 = arith.constant 1024 : i32
    %dma_start3A_53 = tpu.memref_slice %arg7[%dma_start3A_52] : memref<13312xf32, #tpu.memory_space<vmem>> -> memref<512xf32, #tpu.memory_space<vmem>>
    %dma_start3A_54 = arith.constant 1024 : i32
    %dma_start3A_55 = tpu.memref_slice %arg6[%dma_start3A_54] : memref<13312xi32, #tpu.memory_space<vmem>> -> memref<512xi32, #tpu.memory_space<vmem>>
    %dma_start3A_56 = arith.constant 200000 : i32
    %dma_start3A_57 = tpu.memref_slice %arg3[%dma_start3A_56] : memref<2600000xf32, #tpu.memory_space<hbm>> -> memref<100000xf32, #tpu.memory_space<hbm>>
    %dma_start3A_58 = arith.constant 0 : i32
    %dma_start3A_59 = tpu.memref_slice %dma_start3A_57[%dma_start3A_58] : memref<100000xf32, #tpu.memory_space<hbm>> -> memref<100000xf32, #tpu.memory_space<hbm>>
    tpu.enqueue_indirect_dma source(%dma_start3A_59 : memref<100000xf32, #tpu.memory_space<hbm>>) target(%dma_start3A_53 : memref<512xf32, #tpu.memory_space<vmem>>) offsets(%dma_start3A_55 : memref<512xi32, #tpu.memory_space<vmem>>) semaphore(%arg15 : memref<!tpu.dma_semaphore, #tpu.memory_space<semaphore_mem>>)
    %dma_start3A_60 = arith.constant 1536 : i32
    %dma_start3A_61 = tpu.memref_slice %arg7[%dma_start3A_60] : memref<13312xf32, #tpu.memory_space<vmem>> -> memref<512xf32, #tpu.memory_space<vmem>>
    %dma_start3A_62 = arith.constant 1536 : i32
    %dma_start3A_63 = tpu.memref_slice %arg6[%dma_start3A_62] : memref<13312xi32, #tpu.memory_space<vmem>> -> memref<512xi32, #tpu.memory_space<vmem>>
    %dma_start3A_64 = arith.constant 300000 : i32
    %dma_start3A_65 = tpu.memref_slice %arg3[%dma_start3A_64] : memref<2600000xf32, #tpu.memory_space<hbm>> -> memref<100000xf32, #tpu.memory_space<hbm>>
    %dma_start3A_66 = arith.constant 0 : i32
    %dma_start3A_67 = tpu.memref_slice %dma_start3A_65[%dma_start3A_66] : memref<100000xf32, #tpu.memory_space<hbm>> -> memref<100000xf32, #tpu.memory_space<hbm>>
    tpu.enqueue_indirect_dma source(%dma_start3A_67 : memref<100000xf32, #tpu.memory_space<hbm>>) target(%dma_start3A_61 : memref<512xf32, #tpu.memory_space<vmem>>) offsets(%dma_start3A_63 : memref<512xi32, #tpu.memory_space<vmem>>) semaphore(%arg16 : memref<!tpu.dma_semaphore, #tpu.memory_space<semaphore_mem>>)
    %dma_start3A_68 = arith.constant 2048 : i32
    %dma_start3A_69 = tpu.memref_slice %arg7[%dma_start3A_68] : memref<13312xf32, #tpu.memory_space<vmem>> -> memref<512xf32, #tpu.memory_space<vmem>>
    %dma_start3A_70 = arith.constant 2048 : i32
    %dma_start3A_71 = tpu.memref_slice %arg6[%dma_start3A_70] : memref<13312xi32, #tpu.memory_space<vmem>> -> memref<512xi32, #tpu.memory_space<vmem>>
    %dma_start3A_72 = arith.constant 400000 : i32
    %dma_start3A_73 = tpu.memref_slice %arg3[%dma_start3A_72] : memref<2600000xf32, #tpu.memory_space<hbm>> -> memref<100000xf32, #tpu.memory_space<hbm>>
    %dma_start3A_74 = arith.constant 0 : i32
    %dma_start3A_75 = tpu.memref_slice %dma_start3A_73[%dma_start3A_74] : memref<100000xf32, #tpu.memory_space<hbm>> -> memref<100000xf32, #tpu.memory_space<hbm>>
    tpu.enqueue_indirect_dma source(%dma_start3A_75 : memref<100000xf32, #tpu.memory_space<hbm>>) target(%dma_start3A_69 : memref<512xf32, #tpu.memory_space<vmem>>) offsets(%dma_start3A_71 : memref<512xi32, #tpu.memory_space<vmem>>) semaphore(%arg17 : memref<!tpu.dma_semaphore, #tpu.memory_space<semaphore_mem>>)
    %dma_start3A_76 = arith.constant 2560 : i32
    %dma_start3A_77 = tpu.memref_slice %arg7[%dma_start3A_76] : memref<13312xf32, #tpu.memory_space<vmem>> -> memref<512xf32, #tpu.memory_space<vmem>>
    %dma_start3A_78 = arith.constant 2560 : i32
    %dma_start3A_79 = tpu.memref_slice %arg6[%dma_start3A_78] : memref<13312xi32, #tpu.memory_space<vmem>> -> memref<512xi32, #tpu.memory_space<vmem>>
    %dma_start3A_80 = arith.constant 500000 : i32
    %dma_start3A_81 = tpu.memref_slice %arg3[%dma_start3A_80] : memref<2600000xf32, #tpu.memory_space<hbm>> -> memref<100000xf32, #tpu.memory_space<hbm>>
    %dma_start3A_82 = arith.constant 0 : i32
    %dma_start3A_83 = tpu.memref_slice %dma_start3A_81[%dma_start3A_82] : memref<100000xf32, #tpu.memory_space<hbm>> -> memref<100000xf32, #tpu.memory_space<hbm>>
    tpu.enqueue_indirect_dma source(%dma_start3A_83 : memref<100000xf32, #tpu.memory_space<hbm>>) target(%dma_start3A_77 : memref<512xf32, #tpu.memory_space<vmem>>) offsets(%dma_start3A_79 : memref<512xi32, #tpu.memory_space<vmem>>) semaphore(%arg18 : memref<!tpu.dma_semaphore, #tpu.memory_space<semaphore_mem>>)
    %dma_start3A_84 = arith.constant 3072 : i32
    %dma_start3A_85 = tpu.memref_slice %arg7[%dma_start3A_84] : memref<13312xf32, #tpu.memory_space<vmem>> -> memref<512xf32, #tpu.memory_space<vmem>>
    %dma_start3A_86 = arith.constant 3072 : i32
    %dma_start3A_87 = tpu.memref_slice %arg6[%dma_start3A_86] : memref<13312xi32, #tpu.memory_space<vmem>> -> memref<512xi32, #tpu.memory_space<vmem>>
    %dma_start3A_88 = arith.constant 600000 : i32
    %dma_start3A_89 = tpu.memref_slice %arg3[%dma_start3A_88] : memref<2600000xf32, #tpu.memory_space<hbm>> -> memref<100000xf32, #tpu.memory_space<hbm>>
    %dma_start3A_90 = arith.constant 0 : i32
    %dma_start3A_91 = tpu.memref_slice %dma_start3A_89[%dma_start3A_90] : memref<100000xf32, #tpu.memory_space<hbm>> -> memref<100000xf32, #tpu.memory_space<hbm>>
    tpu.enqueue_indirect_dma source(%dma_start3A_91 : memref<100000xf32, #tpu.memory_space<hbm>>) target(%dma_start3A_85 : memref<512xf32, #tpu.memory_space<vmem>>) offsets(%dma_start3A_87 : memref<512xi32, #tpu.memory_space<vmem>>) semaphore(%arg19 : memref<!tpu.dma_semaphore, #tpu.memory_space<semaphore_mem>>)
    %dma_start3A_92 = arith.constant 3584 : i32
    %dma_start3A_93 = tpu.memref_slice %arg7[%dma_start3A_92] : memref<13312xf32, #tpu.memory_space<vmem>> -> memref<512xf32, #tpu.memory_space<vmem>>
    %dma_start3A_94 = arith.constant 3584 : i32
    %dma_start3A_95 = tpu.memref_slice %arg6[%dma_start3A_94] : memref<13312xi32, #tpu.memory_space<vmem>> -> memref<512xi32, #tpu.memory_space<vmem>>
    %dma_start3A_96 = arith.constant 700000 : i32
    %dma_start3A_97 = tpu.memref_slice %arg3[%dma_start3A_96] : memref<2600000xf32, #tpu.memory_space<hbm>> -> memref<100000xf32, #tpu.memory_space<hbm>>
    %dma_start3A_98 = arith.constant 0 : i32
    %dma_start3A_99 = tpu.memref_slice %dma_start3A_97[%dma_start3A_98] : memref<100000xf32, #tpu.memory_space<hbm>> -> memref<100000xf32, #tpu.memory_space<hbm>>
    tpu.enqueue_indirect_dma source(%dma_start3A_99 : memref<100000xf32, #tpu.memory_space<hbm>>) target(%dma_start3A_93 : memref<512xf32, #tpu.memory_space<vmem>>) offsets(%dma_start3A_95 : memref<512xi32, #tpu.memory_space<vmem>>) semaphore(%arg20 : memref<!tpu.dma_semaphore, #tpu.memory_space<semaphore_mem>>)
    %dma_start3A_100 = arith.constant 4096 : i32
    %dma_start3A_101 = tpu.memref_slice %arg7[%dma_start3A_100] : memref<13312xf32, #tpu.memory_space<vmem>> -> memref<512xf32, #tpu.memory_space<vmem>>
    %dma_start3A_102 = arith.constant 4096 : i32
    %dma_start3A_103 = tpu.memref_slice %arg6[%dma_start3A_102] : memref<13312xi32, #tpu.memory_space<vmem>> -> memref<512xi32, #tpu.memory_space<vmem>>
    %dma_start3A_104 = arith.constant 800000 : i32
    %dma_start3A_105 = tpu.memref_slice %arg3[%dma_start3A_104] : memref<2600000xf32, #tpu.memory_space<hbm>> -> memref<100000xf32, #tpu.memory_space<hbm>>
    %dma_start3A_106 = arith.constant 0 : i32
    %dma_start3A_107 = tpu.memref_slice %dma_start3A_105[%dma_start3A_106] : memref<100000xf32, #tpu.memory_space<hbm>> -> memref<100000xf32, #tpu.memory_space<hbm>>
    tpu.enqueue_indirect_dma source(%dma_start3A_107 : memref<100000xf32, #tpu.memory_space<hbm>>) target(%dma_start3A_101 : memref<512xf32, #tpu.memory_space<vmem>>) offsets(%dma_start3A_103 : memref<512xi32, #tpu.memory_space<vmem>>) semaphore(%arg21 : memref<!tpu.dma_semaphore, #tpu.memory_space<semaphore_mem>>)
    %dma_start3A_108 = arith.constant 4608 : i32
    %dma_start3A_109 = tpu.memref_slice %arg7[%dma_start3A_108] : memref<13312xf32, #tpu.memory_space<vmem>> -> memref<512xf32, #tpu.memory_space<vmem>>
    %dma_start3A_110 = arith.constant 4608 : i32
    %dma_start3A_111 = tpu.memref_slice %arg6[%dma_start3A_110] : memref<13312xi32, #tpu.memory_space<vmem>> -> memref<512xi32, #tpu.memory_space<vmem>>
    %dma_start3A_112 = arith.constant 900000 : i32
    %dma_start3A_113 = tpu.memref_slice %arg3[%dma_start3A_112] : memref<2600000xf32, #tpu.memory_space<hbm>> -> memref<100000xf32, #tpu.memory_space<hbm>>
    %dma_start3A_114 = arith.constant 0 : i32
    %dma_start3A_115 = tpu.memref_slice %dma_start3A_113[%dma_start3A_114] : memref<100000xf32, #tpu.memory_space<hbm>> -> memref<100000xf32, #tpu.memory_space<hbm>>
    tpu.enqueue_indirect_dma source(%dma_start3A_115 : memref<100000xf32, #tpu.memory_space<hbm>>) target(%dma_start3A_109 : memref<512xf32, #tpu.memory_space<vmem>>) offsets(%dma_start3A_111 : memref<512xi32, #tpu.memory_space<vmem>>) semaphore(%arg22 : memref<!tpu.dma_semaphore, #tpu.memory_space<semaphore_mem>>)
    %dma_start3A_116 = arith.constant 5120 : i32
    %dma_start3A_117 = tpu.memref_slice %arg7[%dma_start3A_116] : memref<13312xf32, #tpu.memory_space<vmem>> -> memref<512xf32, #tpu.memory_space<vmem>>
    %dma_start3A_118 = arith.constant 5120 : i32
    %dma_start3A_119 = tpu.memref_slice %arg6[%dma_start3A_118] : memref<13312xi32, #tpu.memory_space<vmem>> -> memref<512xi32, #tpu.memory_space<vmem>>
    %dma_start3A_120 = arith.constant 1000000 : i32
    %dma_start3A_121 = tpu.memref_slice %arg3[%dma_start3A_120] : memref<2600000xf32, #tpu.memory_space<hbm>> -> memref<100000xf32, #tpu.memory_space<hbm>>
    %dma_start3A_122 = arith.constant 0 : i32
    %dma_start3A_123 = tpu.memref_slice %dma_start3A_121[%dma_start3A_122] : memref<100000xf32, #tpu.memory_space<hbm>> -> memref<100000xf32, #tpu.memory_space<hbm>>
    tpu.enqueue_indirect_dma source(%dma_start3A_123 : memref<100000xf32, #tpu.memory_space<hbm>>) target(%dma_start3A_117 : memref<512xf32, #tpu.memory_space<vmem>>) offsets(%dma_start3A_119 : memref<512xi32, #tpu.memory_space<vmem>>) semaphore(%arg23 : memref<!tpu.dma_semaphore, #tpu.memory_space<semaphore_mem>>)
    %dma_start3A_124 = arith.constant 5632 : i32
    %dma_start3A_125 = tpu.memref_slice %arg7[%dma_start3A_124] : memref<13312xf32, #tpu.memory_space<vmem>> -> memref<512xf32, #tpu.memory_space<vmem>>
    %dma_start3A_126 = arith.constant 5632 : i32
    %dma_start3A_127 = tpu.memref_slice %arg6[%dma_start3A_126] : memref<13312xi32, #tpu.memory_space<vmem>> -> memref<512xi32, #tpu.memory_space<vmem>>
    %dma_start3A_128 = arith.constant 1100000 : i32
    %dma_start3A_129 = tpu.memref_slice %arg3[%dma_start3A_128] : memref<2600000xf32, #tpu.memory_space<hbm>> -> memref<100000xf32, #tpu.memory_space<hbm>>
    %dma_start3A_130 = arith.constant 0 : i32
    %dma_start3A_131 = tpu.memref_slice %dma_start3A_129[%dma_start3A_130] : memref<100000xf32, #tpu.memory_space<hbm>> -> memref<100000xf32, #tpu.memory_space<hbm>>
    tpu.enqueue_indirect_dma source(%dma_start3A_131 : memref<100000xf32, #tpu.memory_space<hbm>>) target(%dma_start3A_125 : memref<512xf32, #tpu.memory_space<vmem>>) offsets(%dma_start3A_127 : memref<512xi32, #tpu.memory_space<vmem>>) semaphore(%arg24 : memref<!tpu.dma_semaphore, #tpu.memory_space<semaphore_mem>>)
    %dma_start3A_132 = arith.constant 6144 : i32
    %dma_start3A_133 = tpu.memref_slice %arg7[%dma_start3A_132] : memref<13312xf32, #tpu.memory_space<vmem>> -> memref<512xf32, #tpu.memory_space<vmem>>
    %dma_start3A_134 = arith.constant 6144 : i32
    %dma_start3A_135 = tpu.memref_slice %arg6[%dma_start3A_134] : memref<13312xi32, #tpu.memory_space<vmem>> -> memref<512xi32, #tpu.memory_space<vmem>>
    %dma_start3A_136 = arith.constant 1200000 : i32
    %dma_start3A_137 = tpu.memref_slice %arg3[%dma_start3A_136] : memref<2600000xf32, #tpu.memory_space<hbm>> -> memref<100000xf32, #tpu.memory_space<hbm>>
    %dma_start3A_138 = arith.constant 0 : i32
    %dma_start3A_139 = tpu.memref_slice %dma_start3A_137[%dma_start3A_138] : memref<100000xf32, #tpu.memory_space<hbm>> -> memref<100000xf32, #tpu.memory_space<hbm>>
    tpu.enqueue_indirect_dma source(%dma_start3A_139 : memref<100000xf32, #tpu.memory_space<hbm>>) target(%dma_start3A_133 : memref<512xf32, #tpu.memory_space<vmem>>) offsets(%dma_start3A_135 : memref<512xi32, #tpu.memory_space<vmem>>) semaphore(%arg25 : memref<!tpu.dma_semaphore, #tpu.memory_space<semaphore_mem>>)
    %dma_wait3A_140 = arith.constant 6656 : i32
    %dma_wait3A_141 = tpu.memref_slice %arg6[%dma_wait3A_140] : memref<13312xi32, #tpu.memory_space<vmem>> -> memref<6656xi32, #tpu.memory_space<vmem>>
    %dma_wait3A_142 = arith.constant 6656 : i32
    %dma_wait3A_143 = tpu.memref_slice %arg2[%add3A, %dma_wait3A_142] : memref<32x13312xi32, #tpu.memory_space<hbm>> -> memref<1x6656xi32, #tpu.memory_space<hbm>>
    %dma_wait3A_144 = tpu.memref_squeeze %dma_wait3A_143 : memref<1x6656xi32, #tpu.memory_space<hbm>> -> memref<6656xi32, #tpu.memory_space<hbm>>
    %dma_wait3A_145 = arith.constant 6656 : i32
    %dma_wait3A_146 = tpu.memref_slice %arg6[%dma_wait3A_145] : memref<13312xi32, #tpu.memory_space<vmem>> -> memref<6656xi32, #tpu.memory_space<vmem>>
    %dma_wait3A_147 = arith.constant 6656 : i32
    %dma_wait3A_148 = tpu.memref_slice %arg2[%add3A, %dma_wait3A_147] : memref<32x13312xi32, #tpu.memory_space<hbm>> -> memref<1x6656xi32, #tpu.memory_space<hbm>>
    %dma_wait3A_149 = tpu.memref_squeeze %dma_wait3A_148 : memref<1x6656xi32, #tpu.memory_space<hbm>> -> memref<6656xi32, #tpu.memory_space<hbm>>
    tpu.wait_dma2 semaphore(%arg11 : memref<!tpu.dma_semaphore, #tpu.memory_space<semaphore_mem>>) src(%dma_wait3A_149 : memref<6656xi32, #tpu.memory_space<hbm>>) dst(%dma_wait3A_146 : memref<6656xi32, #tpu.memory_space<vmem>>)
    %dma_start3A_150 = arith.constant 6656 : i32
    %dma_start3A_151 = tpu.memref_slice %arg7[%dma_start3A_150] : memref<13312xf32, #tpu.memory_space<vmem>> -> memref<512xf32, #tpu.memory_space<vmem>>
    %dma_start3A_152 = arith.constant 6656 : i32
    %dma_start3A_153 = tpu.memref_slice %arg6[%dma_start3A_152] : memref<13312xi32, #tpu.memory_space<vmem>> -> memref<512xi32, #tpu.memory_space<vmem>>
    %dma_start3A_154 = arith.constant 1300000 : i32
    %dma_start3A_155 = tpu.memref_slice %arg3[%dma_start3A_154] : memref<2600000xf32, #tpu.memory_space<hbm>> -> memref<100000xf32, #tpu.memory_space<hbm>>
    %dma_start3A_156 = arith.constant 0 : i32
    %dma_start3A_157 = tpu.memref_slice %dma_start3A_155[%dma_start3A_156] : memref<100000xf32, #tpu.memory_space<hbm>> -> memref<100000xf32, #tpu.memory_space<hbm>>
    tpu.enqueue_indirect_dma source(%dma_start3A_157 : memref<100000xf32, #tpu.memory_space<hbm>>) target(%dma_start3A_151 : memref<512xf32, #tpu.memory_space<vmem>>) offsets(%dma_start3A_153 : memref<512xi32, #tpu.memory_space<vmem>>) semaphore(%arg26 : memref<!tpu.dma_semaphore, #tpu.memory_space<semaphore_mem>>)
    %dma_start3A_158 = arith.constant 7168 : i32
    %dma_start3A_159 = tpu.memref_slice %arg7[%dma_start3A_158] : memref<13312xf32, #tpu.memory_space<vmem>> -> memref<512xf32, #tpu.memory_space<vmem>>
    %dma_start3A_160 = arith.constant 7168 : i32
    %dma_start3A_161 = tpu.memref_slice %arg6[%dma_start3A_160] : memref<13312xi32, #tpu.memory_space<vmem>> -> memref<512xi32, #tpu.memory_space<vmem>>
    %dma_start3A_162 = arith.constant 1400000 : i32
    %dma_start3A_163 = tpu.memref_slice %arg3[%dma_start3A_162] : memref<2600000xf32, #tpu.memory_space<hbm>> -> memref<100000xf32, #tpu.memory_space<hbm>>
    %dma_start3A_164 = arith.constant 0 : i32
    %dma_start3A_165 = tpu.memref_slice %dma_start3A_163[%dma_start3A_164] : memref<100000xf32, #tpu.memory_space<hbm>> -> memref<100000xf32, #tpu.memory_space<hbm>>
    tpu.enqueue_indirect_dma source(%dma_start3A_165 : memref<100000xf32, #tpu.memory_space<hbm>>) target(%dma_start3A_159 : memref<512xf32, #tpu.memory_space<vmem>>) offsets(%dma_start3A_161 : memref<512xi32, #tpu.memory_space<vmem>>) semaphore(%arg27 : memref<!tpu.dma_semaphore, #tpu.memory_space<semaphore_mem>>)
    %dma_start3A_166 = arith.constant 7680 : i32
    %dma_start3A_167 = tpu.memref_slice %arg7[%dma_start3A_166] : memref<13312xf32, #tpu.memory_space<vmem>> -> memref<512xf32, #tpu.memory_space<vmem>>
    %dma_start3A_168 = arith.constant 7680 : i32
    %dma_start3A_169 = tpu.memref_slice %arg6[%dma_start3A_168] : memref<13312xi32, #tpu.memory_space<vmem>> -> memref<512xi32, #tpu.memory_space<vmem>>
    %dma_start3A_170 = arith.constant 1500000 : i32
    %dma_start3A_171 = tpu.memref_slice %arg3[%dma_start3A_170] : memref<2600000xf32, #tpu.memory_space<hbm>> -> memref<100000xf32, #tpu.memory_space<hbm>>
    %dma_start3A_172 = arith.constant 0 : i32
    %dma_start3A_173 = tpu.memref_slice %dma_start3A_171[%dma_start3A_172] : memref<100000xf32, #tpu.memory_space<hbm>> -> memref<100000xf32, #tpu.memory_space<hbm>>
    tpu.enqueue_indirect_dma source(%dma_start3A_173 : memref<100000xf32, #tpu.memory_space<hbm>>) target(%dma_start3A_167 : memref<512xf32, #tpu.memory_space<vmem>>) offsets(%dma_start3A_169 : memref<512xi32, #tpu.memory_space<vmem>>) semaphore(%arg28 : memref<!tpu.dma_semaphore, #tpu.memory_space<semaphore_mem>>)
    %dma_start3A_174 = arith.constant 8192 : i32
    %dma_start3A_175 = tpu.memref_slice %arg7[%dma_start3A_174] : memref<13312xf32, #tpu.memory_space<vmem>> -> memref<512xf32, #tpu.memory_space<vmem>>
    %dma_start3A_176 = arith.constant 8192 : i32
    %dma_start3A_177 = tpu.memref_slice %arg6[%dma_start3A_176] : memref<13312xi32, #tpu.memory_space<vmem>> -> memref<512xi32, #tpu.memory_space<vmem>>
    %dma_start3A_178 = arith.constant 1600000 : i32
    %dma_start3A_179 = tpu.memref_slice %arg3[%dma_start3A_178] : memref<2600000xf32, #tpu.memory_space<hbm>> -> memref<100000xf32, #tpu.memory_space<hbm>>
    %dma_start3A_180 = arith.constant 0 : i32
    %dma_start3A_181 = tpu.memref_slice %dma_start3A_179[%dma_start3A_180] : memref<100000xf32, #tpu.memory_space<hbm>> -> memref<100000xf32, #tpu.memory_space<hbm>>
    tpu.enqueue_indirect_dma source(%dma_start3A_181 : memref<100000xf32, #tpu.memory_space<hbm>>) target(%dma_start3A_175 : memref<512xf32, #tpu.memory_space<vmem>>) offsets(%dma_start3A_177 : memref<512xi32, #tpu.memory_space<vmem>>) semaphore(%arg29 : memref<!tpu.dma_semaphore, #tpu.memory_space<semaphore_mem>>)
    %dma_start3A_182 = arith.constant 8704 : i32
    %dma_start3A_183 = tpu.memref_slice %arg7[%dma_start3A_182] : memref<13312xf32, #tpu.memory_space<vmem>> -> memref<512xf32, #tpu.memory_space<vmem>>
    %dma_start3A_184 = arith.constant 8704 : i32
    %dma_start3A_185 = tpu.memref_slice %arg6[%dma_start3A_184] : memref<13312xi32, #tpu.memory_space<vmem>> -> memref<512xi32, #tpu.memory_space<vmem>>
    %dma_start3A_186 = arith.constant 1700000 : i32
    %dma_start3A_187 = tpu.memref_slice %arg3[%dma_start3A_186] : memref<2600000xf32, #tpu.memory_space<hbm>> -> memref<100000xf32, #tpu.memory_space<hbm>>
    %dma_start3A_188 = arith.constant 0 : i32
    %dma_start3A_189 = tpu.memref_slice %dma_start3A_187[%dma_start3A_188] : memref<100000xf32, #tpu.memory_space<hbm>> -> memref<100000xf32, #tpu.memory_space<hbm>>
    tpu.enqueue_indirect_dma source(%dma_start3A_189 : memref<100000xf32, #tpu.memory_space<hbm>>) target(%dma_start3A_183 : memref<512xf32, #tpu.memory_space<vmem>>) offsets(%dma_start3A_185 : memref<512xi32, #tpu.memory_space<vmem>>) semaphore(%arg30 : memref<!tpu.dma_semaphore, #tpu.memory_space<semaphore_mem>>)
    %dma_start3A_190 = arith.constant 9216 : i32
    %dma_start3A_191 = tpu.memref_slice %arg7[%dma_start3A_190] : memref<13312xf32, #tpu.memory_space<vmem>> -> memref<512xf32, #tpu.memory_space<vmem>>
    %dma_start3A_192 = arith.constant 9216 : i32
    %dma_start3A_193 = tpu.memref_slice %arg6[%dma_start3A_192] : memref<13312xi32, #tpu.memory_space<vmem>> -> memref<512xi32, #tpu.memory_space<vmem>>
    %dma_start3A_194 = arith.constant 1800000 : i32
    %dma_start3A_195 = tpu.memref_slice %arg3[%dma_start3A_194] : memref<2600000xf32, #tpu.memory_space<hbm>> -> memref<100000xf32, #tpu.memory_space<hbm>>
    %dma_start3A_196 = arith.constant 0 : i32
    %dma_start3A_197 = tpu.memref_slice %dma_start3A_195[%dma_start3A_196] : memref<100000xf32, #tpu.memory_space<hbm>> -> memref<100000xf32, #tpu.memory_space<hbm>>
    tpu.enqueue_indirect_dma source(%dma_start3A_197 : memref<100000xf32, #tpu.memory_space<hbm>>) target(%dma_start3A_191 : memref<512xf32, #tpu.memory_space<vmem>>) offsets(%dma_start3A_193 : memref<512xi32, #tpu.memory_space<vmem>>) semaphore(%arg31 : memref<!tpu.dma_semaphore, #tpu.memory_space<semaphore_mem>>)
    %dma_start3A_198 = arith.constant 9728 : i32
    %dma_start3A_199 = tpu.memref_slice %arg7[%dma_start3A_198] : memref<13312xf32, #tpu.memory_space<vmem>> -> memref<512xf32, #tpu.memory_space<vmem>>
    %dma_start3A_200 = arith.constant 9728 : i32
    %dma_start3A_201 = tpu.memref_slice %arg6[%dma_start3A_200] : memref<13312xi32, #tpu.memory_space<vmem>> -> memref<512xi32, #tpu.memory_space<vmem>>
    %dma_start3A_202 = arith.constant 1900000 : i32
    %dma_start3A_203 = tpu.memref_slice %arg3[%dma_start3A_202] : memref<2600000xf32, #tpu.memory_space<hbm>> -> memref<100000xf32, #tpu.memory_space<hbm>>
    %dma_start3A_204 = arith.constant 0 : i32
    %dma_start3A_205 = tpu.memref_slice %dma_start3A_203[%dma_start3A_204] : memref<100000xf32, #tpu.memory_space<hbm>> -> memref<100000xf32, #tpu.memory_space<hbm>>
    tpu.enqueue_indirect_dma source(%dma_start3A_205 : memref<100000xf32, #tpu.memory_space<hbm>>) target(%dma_start3A_199 : memref<512xf32, #tpu.memory_space<vmem>>) offsets(%dma_start3A_201 : memref<512xi32, #tpu.memory_space<vmem>>) semaphore(%arg32 : memref<!tpu.dma_semaphore, #tpu.memory_space<semaphore_mem>>)
    %dma_start3A_206 = arith.constant 10240 : i32
    %dma_start3A_207 = tpu.memref_slice %arg7[%dma_start3A_206] : memref<13312xf32, #tpu.memory_space<vmem>> -> memref<512xf32, #tpu.memory_space<vmem>>
    %dma_start3A_208 = arith.constant 10240 : i32
    %dma_start3A_209 = tpu.memref_slice %arg6[%dma_start3A_208] : memref<13312xi32, #tpu.memory_space<vmem>> -> memref<512xi32, #tpu.memory_space<vmem>>
    %dma_start3A_210 = arith.constant 2000000 : i32
    %dma_start3A_211 = tpu.memref_slice %arg3[%dma_start3A_210] : memref<2600000xf32, #tpu.memory_space<hbm>> -> memref<100000xf32, #tpu.memory_space<hbm>>
    %dma_start3A_212 = arith.constant 0 : i32
    %dma_start3A_213 = tpu.memref_slice %dma_start3A_211[%dma_start3A_212] : memref<100000xf32, #tpu.memory_space<hbm>> -> memref<100000xf32, #tpu.memory_space<hbm>>
    tpu.enqueue_indirect_dma source(%dma_start3A_213 : memref<100000xf32, #tpu.memory_space<hbm>>) target(%dma_start3A_207 : memref<512xf32, #tpu.memory_space<vmem>>) offsets(%dma_start3A_209 : memref<512xi32, #tpu.memory_space<vmem>>) semaphore(%arg33 : memref<!tpu.dma_semaphore, #tpu.memory_space<semaphore_mem>>)
    %dma_start3A_214 = arith.constant 10752 : i32
    %dma_start3A_215 = tpu.memref_slice %arg7[%dma_start3A_214] : memref<13312xf32, #tpu.memory_space<vmem>> -> memref<512xf32, #tpu.memory_space<vmem>>
    %dma_start3A_216 = arith.constant 10752 : i32
    %dma_start3A_217 = tpu.memref_slice %arg6[%dma_start3A_216] : memref<13312xi32, #tpu.memory_space<vmem>> -> memref<512xi32, #tpu.memory_space<vmem>>
    %dma_start3A_218 = arith.constant 2100000 : i32
    %dma_start3A_219 = tpu.memref_slice %arg3[%dma_start3A_218] : memref<2600000xf32, #tpu.memory_space<hbm>> -> memref<100000xf32, #tpu.memory_space<hbm>>
    %dma_start3A_220 = arith.constant 0 : i32
    %dma_start3A_221 = tpu.memref_slice %dma_start3A_219[%dma_start3A_220] : memref<100000xf32, #tpu.memory_space<hbm>> -> memref<100000xf32, #tpu.memory_space<hbm>>
    tpu.enqueue_indirect_dma source(%dma_start3A_221 : memref<100000xf32, #tpu.memory_space<hbm>>) target(%dma_start3A_215 : memref<512xf32, #tpu.memory_space<vmem>>) offsets(%dma_start3A_217 : memref<512xi32, #tpu.memory_space<vmem>>) semaphore(%arg34 : memref<!tpu.dma_semaphore, #tpu.memory_space<semaphore_mem>>)
    %dma_start3A_222 = arith.constant 11264 : i32
    %dma_start3A_223 = tpu.memref_slice %arg7[%dma_start3A_222] : memref<13312xf32, #tpu.memory_space<vmem>> -> memref<512xf32, #tpu.memory_space<vmem>>
    %dma_start3A_224 = arith.constant 11264 : i32
    %dma_start3A_225 = tpu.memref_slice %arg6[%dma_start3A_224] : memref<13312xi32, #tpu.memory_space<vmem>> -> memref<512xi32, #tpu.memory_space<vmem>>
    %dma_start3A_226 = arith.constant 2200000 : i32
    %dma_start3A_227 = tpu.memref_slice %arg3[%dma_start3A_226] : memref<2600000xf32, #tpu.memory_space<hbm>> -> memref<100000xf32, #tpu.memory_space<hbm>>
    %dma_start3A_228 = arith.constant 0 : i32
    %dma_start3A_229 = tpu.memref_slice %dma_start3A_227[%dma_start3A_228] : memref<100000xf32, #tpu.memory_space<hbm>> -> memref<100000xf32, #tpu.memory_space<hbm>>
    tpu.enqueue_indirect_dma source(%dma_start3A_229 : memref<100000xf32, #tpu.memory_space<hbm>>) target(%dma_start3A_223 : memref<512xf32, #tpu.memory_space<vmem>>) offsets(%dma_start3A_225 : memref<512xi32, #tpu.memory_space<vmem>>) semaphore(%arg35 : memref<!tpu.dma_semaphore, #tpu.memory_space<semaphore_mem>>)
    %dma_start3A_230 = arith.constant 11776 : i32
    %dma_start3A_231 = tpu.memref_slice %arg7[%dma_start3A_230] : memref<13312xf32, #tpu.memory_space<vmem>> -> memref<512xf32, #tpu.memory_space<vmem>>
    %dma_start3A_232 = arith.constant 11776 : i32
    %dma_start3A_233 = tpu.memref_slice %arg6[%dma_start3A_232] : memref<13312xi32, #tpu.memory_space<vmem>> -> memref<512xi32, #tpu.memory_space<vmem>>
    %dma_start3A_234 = arith.constant 2300000 : i32
    %dma_start3A_235 = tpu.memref_slice %arg3[%dma_start3A_234] : memref<2600000xf32, #tpu.memory_space<hbm>> -> memref<100000xf32, #tpu.memory_space<hbm>>
    %dma_start3A_236 = arith.constant 0 : i32
    %dma_start3A_237 = tpu.memref_slice %dma_start3A_235[%dma_start3A_236] : memref<100000xf32, #tpu.memory_space<hbm>> -> memref<100000xf32, #tpu.memory_space<hbm>>
    tpu.enqueue_indirect_dma source(%dma_start3A_237 : memref<100000xf32, #tpu.memory_space<hbm>>) target(%dma_start3A_231 : memref<512xf32, #tpu.memory_space<vmem>>) offsets(%dma_start3A_233 : memref<512xi32, #tpu.memory_space<vmem>>) semaphore(%arg36 : memref<!tpu.dma_semaphore, #tpu.memory_space<semaphore_mem>>)
    %dma_start3A_238 = arith.constant 12288 : i32
    %dma_start3A_239 = tpu.memref_slice %arg7[%dma_start3A_238] : memref<13312xf32, #tpu.memory_space<vmem>> -> memref<512xf32, #tpu.memory_space<vmem>>
    %dma_start3A_240 = arith.constant 12288 : i32
    %dma_start3A_241 = tpu.memref_slice %arg6[%dma_start3A_240] : memref<13312xi32, #tpu.memory_space<vmem>> -> memref<512xi32, #tpu.memory_space<vmem>>
    %dma_start3A_242 = arith.constant 2400000 : i32
    %dma_start3A_243 = tpu.memref_slice %arg3[%dma_start3A_242] : memref<2600000xf32, #tpu.memory_space<hbm>> -> memref<100000xf32, #tpu.memory_space<hbm>>
    %dma_start3A_244 = arith.constant 0 : i32
    %dma_start3A_245 = tpu.memref_slice %dma_start3A_243[%dma_start3A_244] : memref<100000xf32, #tpu.memory_space<hbm>> -> memref<100000xf32, #tpu.memory_space<hbm>>
    tpu.enqueue_indirect_dma source(%dma_start3A_245 : memref<100000xf32, #tpu.memory_space<hbm>>) target(%dma_start3A_239 : memref<512xf32, #tpu.memory_space<vmem>>) offsets(%dma_start3A_241 : memref<512xi32, #tpu.memory_space<vmem>>) semaphore(%arg37 : memref<!tpu.dma_semaphore, #tpu.memory_space<semaphore_mem>>)
    %dma_start3A_246 = arith.constant 12800 : i32
    %dma_start3A_247 = tpu.memref_slice %arg7[%dma_start3A_246] : memref<13312xf32, #tpu.memory_space<vmem>> -> memref<512xf32, #tpu.memory_space<vmem>>
    %dma_start3A_248 = arith.constant 12800 : i32
    %dma_start3A_249 = tpu.memref_slice %arg6[%dma_start3A_248] : memref<13312xi32, #tpu.memory_space<vmem>> -> memref<512xi32, #tpu.memory_space<vmem>>
    %dma_start3A_250 = arith.constant 2500000 : i32
    %dma_start3A_251 = tpu.memref_slice %arg3[%dma_start3A_250] : memref<2600000xf32, #tpu.memory_space<hbm>> -> memref<100000xf32, #tpu.memory_space<hbm>>
    %dma_start3A_252 = arith.constant 0 : i32
    %dma_start3A_253 = tpu.memref_slice %dma_start3A_251[%dma_start3A_252] : memref<100000xf32, #tpu.memory_space<hbm>> -> memref<100000xf32, #tpu.memory_space<hbm>>
    tpu.enqueue_indirect_dma source(%dma_start3A_253 : memref<100000xf32, #tpu.memory_space<hbm>>) target(%dma_start3A_247 : memref<512xf32, #tpu.memory_space<vmem>>) offsets(%dma_start3A_249 : memref<512xi32, #tpu.memory_space<vmem>>) semaphore(%arg38 : memref<!tpu.dma_semaphore, #tpu.memory_space<semaphore_mem>>)
    %dma_wait3A_254 = arith.constant 0 : i32
    %dma_wait3A_255 = tpu.memref_slice %arg7[%dma_wait3A_254] : memref<13312xf32, #tpu.memory_space<vmem>> -> memref<512xf32, #tpu.memory_space<vmem>>
    %dma_wait3A_256 = arith.constant 0 : i32
    %dma_wait3A_257 = tpu.memref_slice %arg6[%dma_wait3A_256] : memref<13312xi32, #tpu.memory_space<vmem>> -> memref<512xi32, #tpu.memory_space<vmem>>
    %dma_wait3A_258 = arith.constant 0 : i32
    %dma_wait3A_259 = tpu.memref_slice %arg3[%dma_wait3A_258] : memref<2600000xf32, #tpu.memory_space<hbm>> -> memref<100000xf32, #tpu.memory_space<hbm>>
    %dma_wait3A_260 = arith.constant 0 : i32
    %dma_wait3A_261 = tpu.memref_slice %dma_wait3A_259[%dma_wait3A_260] : memref<100000xf32, #tpu.memory_space<hbm>> -> memref<100000xf32, #tpu.memory_space<hbm>>
    tpu.wait_indirect_dma semaphore(%arg13 : memref<!tpu.dma_semaphore, #tpu.memory_space<semaphore_mem>>) src(%dma_wait3A_261 : memref<100000xf32, #tpu.memory_space<hbm>>) dst(%dma_wait3A_255 : memref<512xf32, #tpu.memory_space<vmem>>)
    %scan3A_262 = arith.constant 0 : i32
    %scan3A_263 = arith.constant 0 : i32
    %scan3A_264 = arith.constant 8 : i32
    %scan3A_265 = arith.addi %scan3A_263, %scan3A_264 : i32
    %scan3A_266 = arith.constant 1 : i32
    scf.for %scan3A_620 = %scan3A_263 to %scan3A_265 step %scan3A_266  : i32 {
      %mul3A_621 = arith.constant 64 : i32
      %mul3A_622 = arith.muli %scan3A_620, %mul3A_621 : i32
      %add3A_623 = arith.constant 0 : i32
      %add3A_624 = arith.addi %mul3A_622, %add3A_623 : i32
      %get3A_625 = arith.index_cast %add3A_624 : i32 to index
      %get3A_626 = tpu.vector_load %arg9[%get3A_625] {strides = array<i32>} : memref<512xf32, #tpu.memory_space<vmem>>, vector<16xf32>,
      %get3A_627 = vector.shape_cast %get3A_626 : vector<16xf32> to vector<16xf32>
      %mul3A_628 = arith.constant 64 : i32
      %mul3A_629 = arith.muli %scan3A_620, %mul3A_628 : i32
      %add3A_630 = arith.constant 0 : i32
      %add3A_631 = arith.addi %add3A_630, %mul3A_629 : i32
      %add3A_632 = arith.constant 0 : i32
      %add3A_633 = arith.addi %add3A_631, %add3A_632 : i32
      %get3A_634 = arith.index_cast %add3A_633 : i32 to index
      %get3A_635 = tpu.vector_load %arg7[%get3A_634] {strides = array<i32>} : memref<13312xf32, #tpu.memory_space<vmem>>, vector<16xf32>,
      %get3A_636 = vector.shape_cast %get3A_635 : vector<16xf32> to vector<16xf32>
      %add3A_637 = arith.addf %get3A_627, %get3A_636 : vector<16xf32>
      %swap3A = arith.index_cast %add3A_624 : i32 to index
      %swap3A_638 = tpu.vector_load %arg9[%swap3A] {strides = array<i32>} : memref<512xf32, #tpu.memory_space<vmem>>, vector<16xf32>,
      %swap3A_639 = vector.shape_cast %swap3A_638 : vector<16xf32> to vector<16xf32>
      %swap3A_640 = vector.shape_cast %add3A_637 : vector<16xf32> to vector<16xf32>
      tpu.vector_store %arg9[%swap3A], %swap3A_640 {strides = array<i32>} : memref<512xf32, #tpu.memory_space<vmem>>, vector<16xf32>,
      %mul3A_641 = arith.constant 64 : i32
      %mul3A_642 = arith.muli %scan3A_620, %mul3A_641 : i32
      %add3A_643 = arith.constant 16 : i32
      %add3A_644 = arith.addi %mul3A_642, %add3A_643 : i32
      %get3A_645 = arith.index_cast %add3A_644 : i32 to index
      %get3A_646 = tpu.vector_load %arg9[%get3A_645] {strides = array<i32>} : memref<512xf32, #tpu.memory_space<vmem>>, vector<16xf32>,
      %get3A_647 = vector.shape_cast %get3A_646 : vector<16xf32> to vector<16xf32>
      %mul3A_648 = arith.constant 64 : i32
      %mul3A_649 = arith.muli %scan3A_620, %mul3A_648 : i32
      %add3A_650 = arith.constant 0 : i32
      %add3A_651 = arith.addi %add3A_650, %mul3A_649 : i32
      %add3A_652 = arith.constant 16 : i32
      %add3A_653 = arith.addi %add3A_651, %add3A_652 : i32
      %get3A_654 = arith.index_cast %add3A_653 : i32 to index
      %get3A_655 = tpu.vector_load %arg7[%get3A_654] {strides = array<i32>} : memref<13312xf32, #tpu.memory_space<vmem>>, vector<16xf32>,
      %get3A_656 = vector.shape_cast %get3A_655 : vector<16xf32> to vector<16xf32>
      %add3A_657 = arith.addf %get3A_647, %get3A_656 : vector<16xf32>
      %swap3A_658 = arith.index_cast %add3A_644 : i32 to index
      %swap3A_659 = tpu.vector_load %arg9[%swap3A_658] {strides = array<i32>} : memref<512xf32, #tpu.memory_space<vmem>>, vector<16xf32>,
      %swap3A_660 = vector.shape_cast %swap3A_659 : vector<16xf32> to vector<16xf32>
      %swap3A_661 = vector.shape_cast %add3A_657 : vector<16xf32> to vector<16xf32>
      tpu.vector_store %arg9[%swap3A_658], %swap3A_661 {strides = array<i32>} : memref<512xf32, #tpu.memory_space<vmem>>, vector<16xf32>,
      %mul3A_662 = arith.constant 64 : i32
      %mul3A_663 = arith.muli %scan3A_620, %mul3A_662 : i32
      %add3A_664 = arith.constant 32 : i32
      %add3A_665 = arith.addi %mul3A_663, %add3A_664 : i32
      %get3A_666 = arith.index_cast %add3A_665 : i32 to index
      %get3A_667 = tpu.vector_load %arg9[%get3A_666] {strides = array<i32>} : memref<512xf32, #tpu.memory_space<vmem>>, vector<16xf32>,
      %get3A_668 = vector.shape_cast %get3A_667 : vector<16xf32> to vector<16xf32>
      %mul3A_669 = arith.constant 64 : i32
      %mul3A_670 = arith.muli %scan3A_620, %mul3A_669 : i32
      %add3A_671 = arith.constant 0 : i32
      %add3A_672 = arith.addi %add3A_671, %mul3A_670 : i32
      %add3A_673 = arith.constant 32 : i32
      %add3A_674 = arith.addi %add3A_672, %add3A_673 : i32
      %get3A_675 = arith.index_cast %add3A_674 : i32 to index
      %get3A_676 = tpu.vector_load %arg7[%get3A_675] {strides = array<i32>} : memref<13312xf32, #tpu.memory_space<vmem>>, vector<16xf32>,
      %get3A_677 = vector.shape_cast %get3A_676 : vector<16xf32> to vector<16xf32>
      %add3A_678 = arith.addf %get3A_668, %get3A_677 : vector<16xf32>
      %swap3A_679 = arith.index_cast %add3A_665 : i32 to index
      %swap3A_680 = tpu.vector_load %arg9[%swap3A_679] {strides = array<i32>} : memref<512xf32, #tpu.memory_space<vmem>>, vector<16xf32>,
      %swap3A_681 = vector.shape_cast %swap3A_680 : vector<16xf32> to vector<16xf32>
      %swap3A_682 = vector.shape_cast %add3A_678 : vector<16xf32> to vector<16xf32>
      tpu.vector_store %arg9[%swap3A_679], %swap3A_682 {strides = array<i32>} : memref<512xf32, #tpu.memory_space<vmem>>, vector<16xf32>,
      %mul3A_683 = arith.constant 64 : i32
      %mul3A_684 = arith.muli %scan3A_620, %mul3A_683 : i32
      %add3A_685 = arith.constant 48 : i32
      %add3A_686 = arith.addi %mul3A_684, %add3A_685 : i32
      %get3A_687 = arith.index_cast %add3A_686 : i32 to index
      %get3A_688 = tpu.vector_load %arg9[%get3A_687] {strides = array<i32>} : memref<512xf32, #tpu.memory_space<vmem>>, vector<16xf32>,
      %get3A_689 = vector.shape_cast %get3A_688 : vector<16xf32> to vector<16xf32>
      %mul3A_690 = arith.constant 64 : i32
      %mul3A_691 = arith.muli %scan3A_620, %mul3A_690 : i32
      %add3A_692 = arith.constant 0 : i32
      %add3A_693 = arith.addi %add3A_692, %mul3A_691 : i32
      %add3A_694 = arith.constant 48 : i32
      %add3A_695 = arith.addi %add3A_693, %add3A_694 : i32
      %get3A_696 = arith.index_cast %add3A_695 : i32 to index
      %get3A_697 = tpu.vector_load %arg7[%get3A_696] {strides = array<i32>} : memref<13312xf32, #tpu.memory_space<vmem>>, vector<16xf32>,
      %get3A_698 = vector.shape_cast %get3A_697 : vector<16xf32> to vector<16xf32>
      %add3A_699 = arith.addf %get3A_689, %get3A_698 : vector<16xf32>
      %swap3A_700 = arith.index_cast %add3A_686 : i32 to index
      %swap3A_701 = tpu.vector_load %arg9[%swap3A_700] {strides = array<i32>} : memref<512xf32, #tpu.memory_space<vmem>>, vector<16xf32>,
      %swap3A_702 = vector.shape_cast %swap3A_701 : vector<16xf32> to vector<16xf32>
      %swap3A_703 = vector.shape_cast %add3A_699 : vector<16xf32> to vector<16xf32>
      tpu.vector_store %arg9[%swap3A_700], %swap3A_703 {strides = array<i32>} : memref<512xf32, #tpu.memory_space<vmem>>, vector<16xf32>,
    }
    %scan3A_267 = arith.constant 8 : i32
    %dma_wait3A_268 = arith.constant 512 : i32
    %dma_wait3A_269 = tpu.memref_slice %arg7[%dma_wait3A_268] : memref<13312xf32, #tpu.memory_space<vmem>> -> memref<512xf32, #tpu.memory_space<vmem>>
    %dma_wait3A_270 = arith.constant 512 : i32
    %dma_wait3A_271 = tpu.memref_slice %arg6[%dma_wait3A_270] : memref<13312xi32, #tpu.memory_space<vmem>> -> memref<512xi32, #tpu.memory_space<vmem>>
    %dma_wait3A_272 = arith.constant 100000 : i32
    %dma_wait3A_273 = tpu.memref_slice %arg3[%dma_wait3A_272] : memref<2600000xf32, #tpu.memory_space<hbm>> -> memref<100000xf32, #tpu.memory_space<hbm>>
    %dma_wait3A_274 = arith.constant 0 : i32
    %dma_wait3A_275 = tpu.memref_slice %dma_wait3A_273[%dma_wait3A_274] : memref<100000xf32, #tpu.memory_space<hbm>> -> memref<100000xf32, #tpu.memory_space<hbm>>
    tpu.wait_indirect_dma semaphore(%arg14 : memref<!tpu.dma_semaphore, #tpu.memory_space<semaphore_mem>>) src(%dma_wait3A_275 : memref<100000xf32, #tpu.memory_space<hbm>>) dst(%dma_wait3A_269 : memref<512xf32, #tpu.memory_space<vmem>>)
    %scan3A_276 = arith.constant 0 : i32
    %scan3A_277 = arith.constant 0 : i32
    %scan3A_278 = arith.constant 8 : i32
    %scan3A_279 = arith.addi %scan3A_277, %scan3A_278 : i32
    %scan3A_280 = arith.constant 1 : i32
    scf.for %scan3A_620 = %scan3A_277 to %scan3A_279 step %scan3A_280  : i32 {
      %mul3A_621 = arith.constant 64 : i32
      %mul3A_622 = arith.muli %scan3A_620, %mul3A_621 : i32
      %add3A_623 = arith.constant 0 : i32
      %add3A_624 = arith.addi %mul3A_622, %add3A_623 : i32
      %get3A_625 = arith.index_cast %add3A_624 : i32 to index
      %get3A_626 = tpu.vector_load %arg9[%get3A_625] {strides = array<i32>} : memref<512xf32, #tpu.memory_space<vmem>>, vector<16xf32>,
      %get3A_627 = vector.shape_cast %get3A_626 : vector<16xf32> to vector<16xf32>
      %mul3A_628 = arith.constant 64 : i32
      %mul3A_629 = arith.muli %scan3A_620, %mul3A_628 : i32
      %add3A_630 = arith.constant 512 : i32
      %add3A_631 = arith.addi %add3A_630, %mul3A_629 : i32
      %add3A_632 = arith.constant 0 : i32
      %add3A_633 = arith.addi %add3A_631, %add3A_632 : i32
      %get3A_634 = arith.index_cast %add3A_633 : i32 to index
      %get3A_635 = tpu.vector_load %arg7[%get3A_634] {strides = array<i32>} : memref<13312xf32, #tpu.memory_space<vmem>>, vector<16xf32>,
      %get3A_636 = vector.shape_cast %get3A_635 : vector<16xf32> to vector<16xf32>
      %add3A_637 = arith.addf %get3A_627, %get3A_636 : vector<16xf32>
      %swap3A = arith.index_cast %add3A_624 : i32 to index
      %swap3A_638 = tpu.vector_load %arg9[%swap3A] {strides = array<i32>} : memref<512xf32, #tpu.memory_space<vmem>>, vector<16xf32>,
      %swap3A_639 = vector.shape_cast %swap3A_638 : vector<16xf32> to vector<16xf32>
      %swap3A_640 = vector.shape_cast %add3A_637 : vector<16xf32> to vector<16xf32>
      tpu.vector_store %arg9[%swap3A], %swap3A_640 {strides = array<i32>} : memref<512xf32, #tpu.memory_space<vmem>>, vector<16xf32>,
      %mul3A_641 = arith.constant 64 : i32
      %mul3A_642 = arith.muli %scan3A_620, %mul3A_641 : i32
      %add3A_643 = arith.constant 16 : i32
      %add3A_644 = arith.addi %mul3A_642, %add3A_643 : i32
      %get3A_645 = arith.index_cast %add3A_644 : i32 to index
      %get3A_646 = tpu.vector_load %arg9[%get3A_645] {strides = array<i32>} : memref<512xf32, #tpu.memory_space<vmem>>, vector<16xf32>,
      %get3A_647 = vector.shape_cast %get3A_646 : vector<16xf32> to vector<16xf32>
      %mul3A_648 = arith.constant 64 : i32
      %mul3A_649 = arith.muli %scan3A_620, %mul3A_648 : i32
      %add3A_650 = arith.constant 512 : i32
      %add3A_651 = arith.addi %add3A_650, %mul3A_649 : i32
      %add3A_652 = arith.constant 16 : i32
      %add3A_653 = arith.addi %add3A_651, %add3A_652 : i32
      %get3A_654 = arith.index_cast %add3A_653 : i32 to index
      %get3A_655 = tpu.vector_load %arg7[%get3A_654] {strides = array<i32>} : memref<13312xf32, #tpu.memory_space<vmem>>, vector<16xf32>,
      %get3A_656 = vector.shape_cast %get3A_655 : vector<16xf32> to vector<16xf32>
      %add3A_657 = arith.addf %get3A_647, %get3A_656 : vector<16xf32>
      %swap3A_658 = arith.index_cast %add3A_644 : i32 to index
      %swap3A_659 = tpu.vector_load %arg9[%swap3A_658] {strides = array<i32>} : memref<512xf32, #tpu.memory_space<vmem>>, vector<16xf32>,
      %swap3A_660 = vector.shape_cast %swap3A_659 : vector<16xf32> to vector<16xf32>
      %swap3A_661 = vector.shape_cast %add3A_657 : vector<16xf32> to vector<16xf32>
      tpu.vector_store %arg9[%swap3A_658], %swap3A_661 {strides = array<i32>} : memref<512xf32, #tpu.memory_space<vmem>>, vector<16xf32>,
      %mul3A_662 = arith.constant 64 : i32
      %mul3A_663 = arith.muli %scan3A_620, %mul3A_662 : i32
      %add3A_664 = arith.constant 32 : i32
      %add3A_665 = arith.addi %mul3A_663, %add3A_664 : i32
      %get3A_666 = arith.index_cast %add3A_665 : i32 to index
      %get3A_667 = tpu.vector_load %arg9[%get3A_666] {strides = array<i32>} : memref<512xf32, #tpu.memory_space<vmem>>, vector<16xf32>,
      %get3A_668 = vector.shape_cast %get3A_667 : vector<16xf32> to vector<16xf32>
      %mul3A_669 = arith.constant 64 : i32
      %mul3A_670 = arith.muli %scan3A_620, %mul3A_669 : i32
      %add3A_671 = arith.constant 512 : i32
      %add3A_672 = arith.addi %add3A_671, %mul3A_670 : i32
      %add3A_673 = arith.constant 32 : i32
      %add3A_674 = arith.addi %add3A_672, %add3A_673 : i32
      %get3A_675 = arith.index_cast %add3A_674 : i32 to index
      %get3A_676 = tpu.vector_load %arg7[%get3A_675] {strides = array<i32>} : memref<13312xf32, #tpu.memory_space<vmem>>, vector<16xf32>,
      %get3A_677 = vector.shape_cast %get3A_676 : vector<16xf32> to vector<16xf32>
      %add3A_678 = arith.addf %get3A_668, %get3A_677 : vector<16xf32>
      %swap3A_679 = arith.index_cast %add3A_665 : i32 to index
      %swap3A_680 = tpu.vector_load %arg9[%swap3A_679] {strides = array<i32>} : memref<512xf32, #tpu.memory_space<vmem>>, vector<16xf32>,
      %swap3A_681 = vector.shape_cast %swap3A_680 : vector<16xf32> to vector<16xf32>
      %swap3A_682 = vector.shape_cast %add3A_678 : vector<16xf32> to vector<16xf32>
      tpu.vector_store %arg9[%swap3A_679], %swap3A_682 {strides = array<i32>} : memref<512xf32, #tpu.memory_space<vmem>>, vector<16xf32>,
      %mul3A_683 = arith.constant 64 : i32
      %mul3A_684 = arith.muli %scan3A_620, %mul3A_683 : i32
      %add3A_685 = arith.constant 48 : i32
      %add3A_686 = arith.addi %mul3A_684, %add3A_685 : i32
      %get3A_687 = arith.index_cast %add3A_686 : i32 to index
      %get3A_688 = tpu.vector_load %arg9[%get3A_687] {strides = array<i32>} : memref<512xf32, #tpu.memory_space<vmem>>, vector<16xf32>,
      %get3A_689 = vector.shape_cast %get3A_688 : vector<16xf32> to vector<16xf32>
      %mul3A_690 = arith.constant 64 : i32
      %mul3A_691 = arith.muli %scan3A_620, %mul3A_690 : i32
      %add3A_692 = arith.constant 512 : i32
      %add3A_693 = arith.addi %add3A_692, %mul3A_691 : i32
      %add3A_694 = arith.constant 48 : i32
      %add3A_695 = arith.addi %add3A_693, %add3A_694 : i32
      %get3A_696 = arith.index_cast %add3A_695 : i32 to index
      %get3A_697 = tpu.vector_load %arg7[%get3A_696] {strides = array<i32>} : memref<13312xf32, #tpu.memory_space<vmem>>, vector<16xf32>,
      %get3A_698 = vector.shape_cast %get3A_697 : vector<16xf32> to vector<16xf32>
      %add3A_699 = arith.addf %get3A_689, %get3A_698 : vector<16xf32>
      %swap3A_700 = arith.index_cast %add3A_686 : i32 to index
      %swap3A_701 = tpu.vector_load %arg9[%swap3A_700] {strides = array<i32>} : memref<512xf32, #tpu.memory_space<vmem>>, vector<16xf32>,
      %swap3A_702 = vector.shape_cast %swap3A_701 : vector<16xf32> to vector<16xf32>
      %swap3A_703 = vector.shape_cast %add3A_699 : vector<16xf32> to vector<16xf32>
      tpu.vector_store %arg9[%swap3A_700], %swap3A_703 {strides = array<i32>} : memref<512xf32, #tpu.memory_space<vmem>>, vector<16xf32>,
    }
    %scan3A_281 = arith.constant 8 : i32
    %dma_wait3A_282 = arith.constant 1024 : i32
    %dma_wait3A_283 = tpu.memref_slice %arg7[%dma_wait3A_282] : memref<13312xf32, #tpu.memory_space<vmem>> -> memref<512xf32, #tpu.memory_space<vmem>>
    %dma_wait3A_284 = arith.constant 1024 : i32
    %dma_wait3A_285 = tpu.memref_slice %arg6[%dma_wait3A_284] : memref<13312xi32, #tpu.memory_space<vmem>> -> memref<512xi32, #tpu.memory_space<vmem>>
    %dma_wait3A_286 = arith.constant 200000 : i32
    %dma_wait3A_287 = tpu.memref_slice %arg3[%dma_wait3A_286] : memref<2600000xf32, #tpu.memory_space<hbm>> -> memref<100000xf32, #tpu.memory_space<hbm>>
    %dma_wait3A_288 = arith.constant 0 : i32
    %dma_wait3A_289 = tpu.memref_slice %dma_wait3A_287[%dma_wait3A_288] : memref<100000xf32, #tpu.memory_space<hbm>> -> memref<100000xf32, #tpu.memory_space<hbm>>
    tpu.wait_indirect_dma semaphore(%arg15 : memref<!tpu.dma_semaphore, #tpu.memory_space<semaphore_mem>>) src(%dma_wait3A_289 : memref<100000xf32, #tpu.memory_space<hbm>>) dst(%dma_wait3A_283 : memref<512xf32, #tpu.memory_space<vmem>>)
    %scan3A_290 = arith.constant 0 : i32
    %scan3A_291 = arith.constant 0 : i32
    %scan3A_292 = arith.constant 8 : i32
    %scan3A_293 = arith.addi %scan3A_291, %scan3A_292 : i32
    %scan3A_294 = arith.constant 1 : i32
    scf.for %scan3A_620 = %scan3A_291 to %scan3A_293 step %scan3A_294  : i32 {
      %mul3A_621 = arith.constant 64 : i32
      %mul3A_622 = arith.muli %scan3A_620, %mul3A_621 : i32
      %add3A_623 = arith.constant 0 : i32
      %add3A_624 = arith.addi %mul3A_622, %add3A_623 : i32
      %get3A_625 = arith.index_cast %add3A_624 : i32 to index
      %get3A_626 = tpu.vector_load %arg9[%get3A_625] {strides = array<i32>} : memref<512xf32, #tpu.memory_space<vmem>>, vector<16xf32>,
      %get3A_627 = vector.shape_cast %get3A_626 : vector<16xf32> to vector<16xf32>
      %mul3A_628 = arith.constant 64 : i32
      %mul3A_629 = arith.muli %scan3A_620, %mul3A_628 : i32
      %add3A_630 = arith.constant 1024 : i32
      %add3A_631 = arith.addi %add3A_630, %mul3A_629 : i32
      %add3A_632 = arith.constant 0 : i32
      %add3A_633 = arith.addi %add3A_631, %add3A_632 : i32
      %get3A_634 = arith.index_cast %add3A_633 : i32 to index
      %get3A_635 = tpu.vector_load %arg7[%get3A_634] {strides = array<i32>} : memref<13312xf32, #tpu.memory_space<vmem>>, vector<16xf32>,
      %get3A_636 = vector.shape_cast %get3A_635 : vector<16xf32> to vector<16xf32>
      %add3A_637 = arith.addf %get3A_627, %get3A_636 : vector<16xf32>
      %swap3A = arith.index_cast %add3A_624 : i32 to index
      %swap3A_638 = tpu.vector_load %arg9[%swap3A] {strides = array<i32>} : memref<512xf32, #tpu.memory_space<vmem>>, vector<16xf32>,
      %swap3A_639 = vector.shape_cast %swap3A_638 : vector<16xf32> to vector<16xf32>
      %swap3A_640 = vector.shape_cast %add3A_637 : vector<16xf32> to vector<16xf32>
      tpu.vector_store %arg9[%swap3A], %swap3A_640 {strides = array<i32>} : memref<512xf32, #tpu.memory_space<vmem>>, vector<16xf32>,
      %mul3A_641 = arith.constant 64 : i32
      %mul3A_642 = arith.muli %scan3A_620, %mul3A_641 : i32
      %add3A_643 = arith.constant 16 : i32
      %add3A_644 = arith.addi %mul3A_642, %add3A_643 : i32
      %get3A_645 = arith.index_cast %add3A_644 : i32 to index
      %get3A_646 = tpu.vector_load %arg9[%get3A_645] {strides = array<i32>} : memref<512xf32, #tpu.memory_space<vmem>>, vector<16xf32>,
      %get3A_647 = vector.shape_cast %get3A_646 : vector<16xf32> to vector<16xf32>
      %mul3A_648 = arith.constant 64 : i32
      %mul3A_649 = arith.muli %scan3A_620, %mul3A_648 : i32
      %add3A_650 = arith.constant 1024 : i32
      %add3A_651 = arith.addi %add3A_650, %mul3A_649 : i32
      %add3A_652 = arith.constant 16 : i32
      %add3A_653 = arith.addi %add3A_651, %add3A_652 : i32
      %get3A_654 = arith.index_cast %add3A_653 : i32 to index
      %get3A_655 = tpu.vector_load %arg7[%get3A_654] {strides = array<i32>} : memref<13312xf32, #tpu.memory_space<vmem>>, vector<16xf32>,
      %get3A_656 = vector.shape_cast %get3A_655 : vector<16xf32> to vector<16xf32>
      %add3A_657 = arith.addf %get3A_647, %get3A_656 : vector<16xf32>
      %swap3A_658 = arith.index_cast %add3A_644 : i32 to index
      %swap3A_659 = tpu.vector_load %arg9[%swap3A_658] {strides = array<i32>} : memref<512xf32, #tpu.memory_space<vmem>>, vector<16xf32>,
      %swap3A_660 = vector.shape_cast %swap3A_659 : vector<16xf32> to vector<16xf32>
      %swap3A_661 = vector.shape_cast %add3A_657 : vector<16xf32> to vector<16xf32>
      tpu.vector_store %arg9[%swap3A_658], %swap3A_661 {strides = array<i32>} : memref<512xf32, #tpu.memory_space<vmem>>, vector<16xf32>,
      %mul3A_662 = arith.constant 64 : i32
      %mul3A_663 = arith.muli %scan3A_620, %mul3A_662 : i32
      %add3A_664 = arith.constant 32 : i32
      %add3A_665 = arith.addi %mul3A_663, %add3A_664 : i32
      %get3A_666 = arith.index_cast %add3A_665 : i32 to index
      %get3A_667 = tpu.vector_load %arg9[%get3A_666] {strides = array<i32>} : memref<512xf32, #tpu.memory_space<vmem>>, vector<16xf32>,
      %get3A_668 = vector.shape_cast %get3A_667 : vector<16xf32> to vector<16xf32>
      %mul3A_669 = arith.constant 64 : i32
      %mul3A_670 = arith.muli %scan3A_620, %mul3A_669 : i32
      %add3A_671 = arith.constant 1024 : i32
      %add3A_672 = arith.addi %add3A_671, %mul3A_670 : i32
      %add3A_673 = arith.constant 32 : i32
      %add3A_674 = arith.addi %add3A_672, %add3A_673 : i32
      %get3A_675 = arith.index_cast %add3A_674 : i32 to index
      %get3A_676 = tpu.vector_load %arg7[%get3A_675] {strides = array<i32>} : memref<13312xf32, #tpu.memory_space<vmem>>, vector<16xf32>,
      %get3A_677 = vector.shape_cast %get3A_676 : vector<16xf32> to vector<16xf32>
      %add3A_678 = arith.addf %get3A_668, %get3A_677 : vector<16xf32>
      %swap3A_679 = arith.index_cast %add3A_665 : i32 to index
      %swap3A_680 = tpu.vector_load %arg9[%swap3A_679] {strides = array<i32>} : memref<512xf32, #tpu.memory_space<vmem>>, vector<16xf32>,
      %swap3A_681 = vector.shape_cast %swap3A_680 : vector<16xf32> to vector<16xf32>
      %swap3A_682 = vector.shape_cast %add3A_678 : vector<16xf32> to vector<16xf32>
      tpu.vector_store %arg9[%swap3A_679], %swap3A_682 {strides = array<i32>} : memref<512xf32, #tpu.memory_space<vmem>>, vector<16xf32>,
      %mul3A_683 = arith.constant 64 : i32
      %mul3A_684 = arith.muli %scan3A_620, %mul3A_683 : i32
      %add3A_685 = arith.constant 48 : i32
      %add3A_686 = arith.addi %mul3A_684, %add3A_685 : i32
      %get3A_687 = arith.index_cast %add3A_686 : i32 to index
      %get3A_688 = tpu.vector_load %arg9[%get3A_687] {strides = array<i32>} : memref<512xf32, #tpu.memory_space<vmem>>, vector<16xf32>,
      %get3A_689 = vector.shape_cast %get3A_688 : vector<16xf32> to vector<16xf32>
      %mul3A_690 = arith.constant 64 : i32
      %mul3A_691 = arith.muli %scan3A_620, %mul3A_690 : i32
      %add3A_692 = arith.constant 1024 : i32
      %add3A_693 = arith.addi %add3A_692, %mul3A_691 : i32
      %add3A_694 = arith.constant 48 : i32
      %add3A_695 = arith.addi %add3A_693, %add3A_694 : i32
      %get3A_696 = arith.index_cast %add3A_695 : i32 to index
      %get3A_697 = tpu.vector_load %arg7[%get3A_696] {strides = array<i32>} : memref<13312xf32, #tpu.memory_space<vmem>>, vector<16xf32>,
      %get3A_698 = vector.shape_cast %get3A_697 : vector<16xf32> to vector<16xf32>
      %add3A_699 = arith.addf %get3A_689, %get3A_698 : vector<16xf32>
      %swap3A_700 = arith.index_cast %add3A_686 : i32 to index
      %swap3A_701 = tpu.vector_load %arg9[%swap3A_700] {strides = array<i32>} : memref<512xf32, #tpu.memory_space<vmem>>, vector<16xf32>,
      %swap3A_702 = vector.shape_cast %swap3A_701 : vector<16xf32> to vector<16xf32>
      %swap3A_703 = vector.shape_cast %add3A_699 : vector<16xf32> to vector<16xf32>
      tpu.vector_store %arg9[%swap3A_700], %swap3A_703 {strides = array<i32>} : memref<512xf32, #tpu.memory_space<vmem>>, vector<16xf32>,
    }
    %scan3A_295 = arith.constant 8 : i32
    %dma_wait3A_296 = arith.constant 1536 : i32
    %dma_wait3A_297 = tpu.memref_slice %arg7[%dma_wait3A_296] : memref<13312xf32, #tpu.memory_space<vmem>> -> memref<512xf32, #tpu.memory_space<vmem>>
    %dma_wait3A_298 = arith.constant 1536 : i32
    %dma_wait3A_299 = tpu.memref_slice %arg6[%dma_wait3A_298] : memref<13312xi32, #tpu.memory_space<vmem>> -> memref<512xi32, #tpu.memory_space<vmem>>
    %dma_wait3A_300 = arith.constant 300000 : i32
    %dma_wait3A_301 = tpu.memref_slice %arg3[%dma_wait3A_300] : memref<2600000xf32, #tpu.memory_space<hbm>> -> memref<100000xf32, #tpu.memory_space<hbm>>
    %dma_wait3A_302 = arith.constant 0 : i32
    %dma_wait3A_303 = tpu.memref_slice %dma_wait3A_301[%dma_wait3A_302] : memref<100000xf32, #tpu.memory_space<hbm>> -> memref<100000xf32, #tpu.memory_space<hbm>>
    tpu.wait_indirect_dma semaphore(%arg16 : memref<!tpu.dma_semaphore, #tpu.memory_space<semaphore_mem>>) src(%dma_wait3A_303 : memref<100000xf32, #tpu.memory_space<hbm>>) dst(%dma_wait3A_297 : memref<512xf32, #tpu.memory_space<vmem>>)
    %scan3A_304 = arith.constant 0 : i32
    %scan3A_305 = arith.constant 0 : i32
    %scan3A_306 = arith.constant 8 : i32
    %scan3A_307 = arith.addi %scan3A_305, %scan3A_306 : i32
    %scan3A_308 = arith.constant 1 : i32
    scf.for %scan3A_620 = %scan3A_305 to %scan3A_307 step %scan3A_308  : i32 {
      %mul3A_621 = arith.constant 64 : i32
      %mul3A_622 = arith.muli %scan3A_620, %mul3A_621 : i32
      %add3A_623 = arith.constant 0 : i32
      %add3A_624 = arith.addi %mul3A_622, %add3A_623 : i32
      %get3A_625 = arith.index_cast %add3A_624 : i32 to index
      %get3A_626 = tpu.vector_load %arg9[%get3A_625] {strides = array<i32>} : memref<512xf32, #tpu.memory_space<vmem>>, vector<16xf32>,
      %get3A_627 = vector.shape_cast %get3A_626 : vector<16xf32> to vector<16xf32>
      %mul3A_628 = arith.constant 64 : i32
      %mul3A_629 = arith.muli %scan3A_620, %mul3A_628 : i32
      %add3A_630 = arith.constant 1536 : i32
      %add3A_631 = arith.addi %add3A_630, %mul3A_629 : i32
      %add3A_632 = arith.constant 0 : i32
      %add3A_633 = arith.addi %add3A_631, %add3A_632 : i32
      %get3A_634 = arith.index_cast %add3A_633 : i32 to index
      %get3A_635 = tpu.vector_load %arg7[%get3A_634] {strides = array<i32>} : memref<13312xf32, #tpu.memory_space<vmem>>, vector<16xf32>,
      %get3A_636 = vector.shape_cast %get3A_635 : vector<16xf32> to vector<16xf32>
      %add3A_637 = arith.addf %get3A_627, %get3A_636 : vector<16xf32>
      %swap3A = arith.index_cast %add3A_624 : i32 to index
      %swap3A_638 = tpu.vector_load %arg9[%swap3A] {strides = array<i32>} : memref<512xf32, #tpu.memory_space<vmem>>, vector<16xf32>,
      %swap3A_639 = vector.shape_cast %swap3A_638 : vector<16xf32> to vector<16xf32>
      %swap3A_640 = vector.shape_cast %add3A_637 : vector<16xf32> to vector<16xf32>
      tpu.vector_store %arg9[%swap3A], %swap3A_640 {strides = array<i32>} : memref<512xf32, #tpu.memory_space<vmem>>, vector<16xf32>,
      %mul3A_641 = arith.constant 64 : i32
      %mul3A_642 = arith.muli %scan3A_620, %mul3A_641 : i32
      %add3A_643 = arith.constant 16 : i32
      %add3A_644 = arith.addi %mul3A_642, %add3A_643 : i32
      %get3A_645 = arith.index_cast %add3A_644 : i32 to index
      %get3A_646 = tpu.vector_load %arg9[%get3A_645] {strides = array<i32>} : memref<512xf32, #tpu.memory_space<vmem>>, vector<16xf32>,
      %get3A_647 = vector.shape_cast %get3A_646 : vector<16xf32> to vector<16xf32>
      %mul3A_648 = arith.constant 64 : i32
      %mul3A_649 = arith.muli %scan3A_620, %mul3A_648 : i32
      %add3A_650 = arith.constant 1536 : i32
      %add3A_651 = arith.addi %add3A_650, %mul3A_649 : i32
      %add3A_652 = arith.constant 16 : i32
      %add3A_653 = arith.addi %add3A_651, %add3A_652 : i32
      %get3A_654 = arith.index_cast %add3A_653 : i32 to index
      %get3A_655 = tpu.vector_load %arg7[%get3A_654] {strides = array<i32>} : memref<13312xf32, #tpu.memory_space<vmem>>, vector<16xf32>,
      %get3A_656 = vector.shape_cast %get3A_655 : vector<16xf32> to vector<16xf32>
      %add3A_657 = arith.addf %get3A_647, %get3A_656 : vector<16xf32>
      %swap3A_658 = arith.index_cast %add3A_644 : i32 to index
      %swap3A_659 = tpu.vector_load %arg9[%swap3A_658] {strides = array<i32>} : memref<512xf32, #tpu.memory_space<vmem>>, vector<16xf32>,
      %swap3A_660 = vector.shape_cast %swap3A_659 : vector<16xf32> to vector<16xf32>
      %swap3A_661 = vector.shape_cast %add3A_657 : vector<16xf32> to vector<16xf32>
      tpu.vector_store %arg9[%swap3A_658], %swap3A_661 {strides = array<i32>} : memref<512xf32, #tpu.memory_space<vmem>>, vector<16xf32>,
      %mul3A_662 = arith.constant 64 : i32
      %mul3A_663 = arith.muli %scan3A_620, %mul3A_662 : i32
      %add3A_664 = arith.constant 32 : i32
      %add3A_665 = arith.addi %mul3A_663, %add3A_664 : i32
      %get3A_666 = arith.index_cast %add3A_665 : i32 to index
      %get3A_667 = tpu.vector_load %arg9[%get3A_666] {strides = array<i32>} : memref<512xf32, #tpu.memory_space<vmem>>, vector<16xf32>,
      %get3A_668 = vector.shape_cast %get3A_667 : vector<16xf32> to vector<16xf32>
      %mul3A_669 = arith.constant 64 : i32
      %mul3A_670 = arith.muli %scan3A_620, %mul3A_669 : i32
      %add3A_671 = arith.constant 1536 : i32
      %add3A_672 = arith.addi %add3A_671, %mul3A_670 : i32
      %add3A_673 = arith.constant 32 : i32
      %add3A_674 = arith.addi %add3A_672, %add3A_673 : i32
      %get3A_675 = arith.index_cast %add3A_674 : i32 to index
      %get3A_676 = tpu.vector_load %arg7[%get3A_675] {strides = array<i32>} : memref<13312xf32, #tpu.memory_space<vmem>>, vector<16xf32>,
      %get3A_677 = vector.shape_cast %get3A_676 : vector<16xf32> to vector<16xf32>
      %add3A_678 = arith.addf %get3A_668, %get3A_677 : vector<16xf32>
      %swap3A_679 = arith.index_cast %add3A_665 : i32 to index
      %swap3A_680 = tpu.vector_load %arg9[%swap3A_679] {strides = array<i32>} : memref<512xf32, #tpu.memory_space<vmem>>, vector<16xf32>,
      %swap3A_681 = vector.shape_cast %swap3A_680 : vector<16xf32> to vector<16xf32>
      %swap3A_682 = vector.shape_cast %add3A_678 : vector<16xf32> to vector<16xf32>
      tpu.vector_store %arg9[%swap3A_679], %swap3A_682 {strides = array<i32>} : memref<512xf32, #tpu.memory_space<vmem>>, vector<16xf32>,
      %mul3A_683 = arith.constant 64 : i32
      %mul3A_684 = arith.muli %scan3A_620, %mul3A_683 : i32
      %add3A_685 = arith.constant 48 : i32
      %add3A_686 = arith.addi %mul3A_684, %add3A_685 : i32
      %get3A_687 = arith.index_cast %add3A_686 : i32 to index
      %get3A_688 = tpu.vector_load %arg9[%get3A_687] {strides = array<i32>} : memref<512xf32, #tpu.memory_space<vmem>>, vector<16xf32>,
      %get3A_689 = vector.shape_cast %get3A_688 : vector<16xf32> to vector<16xf32>
      %mul3A_690 = arith.constant 64 : i32
      %mul3A_691 = arith.muli %scan3A_620, %mul3A_690 : i32
      %add3A_692 = arith.constant 1536 : i32
      %add3A_693 = arith.addi %add3A_692, %mul3A_691 : i32
      %add3A_694 = arith.constant 48 : i32
      %add3A_695 = arith.addi %add3A_693, %add3A_694 : i32
      %get3A_696 = arith.index_cast %add3A_695 : i32 to index
      %get3A_697 = tpu.vector_load %arg7[%get3A_696] {strides = array<i32>} : memref<13312xf32, #tpu.memory_space<vmem>>, vector<16xf32>,
      %get3A_698 = vector.shape_cast %get3A_697 : vector<16xf32> to vector<16xf32>
      %add3A_699 = arith.addf %get3A_689, %get3A_698 : vector<16xf32>
      %swap3A_700 = arith.index_cast %add3A_686 : i32 to index
      %swap3A_701 = tpu.vector_load %arg9[%swap3A_700] {strides = array<i32>} : memref<512xf32, #tpu.memory_space<vmem>>, vector<16xf32>,
      %swap3A_702 = vector.shape_cast %swap3A_701 : vector<16xf32> to vector<16xf32>
      %swap3A_703 = vector.shape_cast %add3A_699 : vector<16xf32> to vector<16xf32>
      tpu.vector_store %arg9[%swap3A_700], %swap3A_703 {strides = array<i32>} : memref<512xf32, #tpu.memory_space<vmem>>, vector<16xf32>,
    }
    %scan3A_309 = arith.constant 8 : i32
    %dma_wait3A_310 = arith.constant 2048 : i32
    %dma_wait3A_311 = tpu.memref_slice %arg7[%dma_wait3A_310] : memref<13312xf32, #tpu.memory_space<vmem>> -> memref<512xf32, #tpu.memory_space<vmem>>
    %dma_wait3A_312 = arith.constant 2048 : i32
    %dma_wait3A_313 = tpu.memref_slice %arg6[%dma_wait3A_312] : memref<13312xi32, #tpu.memory_space<vmem>> -> memref<512xi32, #tpu.memory_space<vmem>>
    %dma_wait3A_314 = arith.constant 400000 : i32
    %dma_wait3A_315 = tpu.memref_slice %arg3[%dma_wait3A_314] : memref<2600000xf32, #tpu.memory_space<hbm>> -> memref<100000xf32, #tpu.memory_space<hbm>>
    %dma_wait3A_316 = arith.constant 0 : i32
    %dma_wait3A_317 = tpu.memref_slice %dma_wait3A_315[%dma_wait3A_316] : memref<100000xf32, #tpu.memory_space<hbm>> -> memref<100000xf32, #tpu.memory_space<hbm>>
    tpu.wait_indirect_dma semaphore(%arg17 : memref<!tpu.dma_semaphore, #tpu.memory_space<semaphore_mem>>) src(%dma_wait3A_317 : memref<100000xf32, #tpu.memory_space<hbm>>) dst(%dma_wait3A_311 : memref<512xf32, #tpu.memory_space<vmem>>)
    %scan3A_318 = arith.constant 0 : i32
    %scan3A_319 = arith.constant 0 : i32
    %scan3A_320 = arith.constant 8 : i32
    %scan3A_321 = arith.addi %scan3A_319, %scan3A_320 : i32
    %scan3A_322 = arith.constant 1 : i32
    scf.for %scan3A_620 = %scan3A_319 to %scan3A_321 step %scan3A_322  : i32 {
      %mul3A_621 = arith.constant 64 : i32
      %mul3A_622 = arith.muli %scan3A_620, %mul3A_621 : i32
      %add3A_623 = arith.constant 0 : i32
      %add3A_624 = arith.addi %mul3A_622, %add3A_623 : i32
      %get3A_625 = arith.index_cast %add3A_624 : i32 to index
      %get3A_626 = tpu.vector_load %arg9[%get3A_625] {strides = array<i32>} : memref<512xf32, #tpu.memory_space<vmem>>, vector<16xf32>,
      %get3A_627 = vector.shape_cast %get3A_626 : vector<16xf32> to vector<16xf32>
      %mul3A_628 = arith.constant 64 : i32
      %mul3A_629 = arith.muli %scan3A_620, %mul3A_628 : i32
      %add3A_630 = arith.constant 2048 : i32
      %add3A_631 = arith.addi %add3A_630, %mul3A_629 : i32
      %add3A_632 = arith.constant 0 : i32
      %add3A_633 = arith.addi %add3A_631, %add3A_632 : i32
      %get3A_634 = arith.index_cast %add3A_633 : i32 to index
      %get3A_635 = tpu.vector_load %arg7[%get3A_634] {strides = array<i32>} : memref<13312xf32, #tpu.memory_space<vmem>>, vector<16xf32>,
      %get3A_636 = vector.shape_cast %get3A_635 : vector<16xf32> to vector<16xf32>
      %add3A_637 = arith.addf %get3A_627, %get3A_636 : vector<16xf32>
      %swap3A = arith.index_cast %add3A_624 : i32 to index
      %swap3A_638 = tpu.vector_load %arg9[%swap3A] {strides = array<i32>} : memref<512xf32, #tpu.memory_space<vmem>>, vector<16xf32>,
      %swap3A_639 = vector.shape_cast %swap3A_638 : vector<16xf32> to vector<16xf32>
      %swap3A_640 = vector.shape_cast %add3A_637 : vector<16xf32> to vector<16xf32>
      tpu.vector_store %arg9[%swap3A], %swap3A_640 {strides = array<i32>} : memref<512xf32, #tpu.memory_space<vmem>>, vector<16xf32>,
      %mul3A_641 = arith.constant 64 : i32
      %mul3A_642 = arith.muli %scan3A_620, %mul3A_641 : i32
      %add3A_643 = arith.constant 16 : i32
      %add3A_644 = arith.addi %mul3A_642, %add3A_643 : i32
      %get3A_645 = arith.index_cast %add3A_644 : i32 to index
      %get3A_646 = tpu.vector_load %arg9[%get3A_645] {strides = array<i32>} : memref<512xf32, #tpu.memory_space<vmem>>, vector<16xf32>,
      %get3A_647 = vector.shape_cast %get3A_646 : vector<16xf32> to vector<16xf32>
      %mul3A_648 = arith.constant 64 : i32
      %mul3A_649 = arith.muli %scan3A_620, %mul3A_648 : i32
      %add3A_650 = arith.constant 2048 : i32
      %add3A_651 = arith.addi %add3A_650, %mul3A_649 : i32
      %add3A_652 = arith.constant 16 : i32
      %add3A_653 = arith.addi %add3A_651, %add3A_652 : i32
      %get3A_654 = arith.index_cast %add3A_653 : i32 to index
      %get3A_655 = tpu.vector_load %arg7[%get3A_654] {strides = array<i32>} : memref<13312xf32, #tpu.memory_space<vmem>>, vector<16xf32>,
      %get3A_656 = vector.shape_cast %get3A_655 : vector<16xf32> to vector<16xf32>
      %add3A_657 = arith.addf %get3A_647, %get3A_656 : vector<16xf32>
      %swap3A_658 = arith.index_cast %add3A_644 : i32 to index
      %swap3A_659 = tpu.vector_load %arg9[%swap3A_658] {strides = array<i32>} : memref<512xf32, #tpu.memory_space<vmem>>, vector<16xf32>,
      %swap3A_660 = vector.shape_cast %swap3A_659 : vector<16xf32> to vector<16xf32>
      %swap3A_661 = vector.shape_cast %add3A_657 : vector<16xf32> to vector<16xf32>
      tpu.vector_store %arg9[%swap3A_658], %swap3A_661 {strides = array<i32>} : memref<512xf32, #tpu.memory_space<vmem>>, vector<16xf32>,
      %mul3A_662 = arith.constant 64 : i32
      %mul3A_663 = arith.muli %scan3A_620, %mul3A_662 : i32
      %add3A_664 = arith.constant 32 : i32
      %add3A_665 = arith.addi %mul3A_663, %add3A_664 : i32
      %get3A_666 = arith.index_cast %add3A_665 : i32 to index
      %get3A_667 = tpu.vector_load %arg9[%get3A_666] {strides = array<i32>} : memref<512xf32, #tpu.memory_space<vmem>>, vector<16xf32>,
      %get3A_668 = vector.shape_cast %get3A_667 : vector<16xf32> to vector<16xf32>
      %mul3A_669 = arith.constant 64 : i32
      %mul3A_670 = arith.muli %scan3A_620, %mul3A_669 : i32
      %add3A_671 = arith.constant 2048 : i32
      %add3A_672 = arith.addi %add3A_671, %mul3A_670 : i32
      %add3A_673 = arith.constant 32 : i32
      %add3A_674 = arith.addi %add3A_672, %add3A_673 : i32
      %get3A_675 = arith.index_cast %add3A_674 : i32 to index
      %get3A_676 = tpu.vector_load %arg7[%get3A_675] {strides = array<i32>} : memref<13312xf32, #tpu.memory_space<vmem>>, vector<16xf32>,
      %get3A_677 = vector.shape_cast %get3A_676 : vector<16xf32> to vector<16xf32>
      %add3A_678 = arith.addf %get3A_668, %get3A_677 : vector<16xf32>
      %swap3A_679 = arith.index_cast %add3A_665 : i32 to index
      %swap3A_680 = tpu.vector_load %arg9[%swap3A_679] {strides = array<i32>} : memref<512xf32, #tpu.memory_space<vmem>>, vector<16xf32>,
      %swap3A_681 = vector.shape_cast %swap3A_680 : vector<16xf32> to vector<16xf32>
      %swap3A_682 = vector.shape_cast %add3A_678 : vector<16xf32> to vector<16xf32>
      tpu.vector_store %arg9[%swap3A_679], %swap3A_682 {strides = array<i32>} : memref<512xf32, #tpu.memory_space<vmem>>, vector<16xf32>,
      %mul3A_683 = arith.constant 64 : i32
      %mul3A_684 = arith.muli %scan3A_620, %mul3A_683 : i32
      %add3A_685 = arith.constant 48 : i32
      %add3A_686 = arith.addi %mul3A_684, %add3A_685 : i32
      %get3A_687 = arith.index_cast %add3A_686 : i32 to index
      %get3A_688 = tpu.vector_load %arg9[%get3A_687] {strides = array<i32>} : memref<512xf32, #tpu.memory_space<vmem>>, vector<16xf32>,
      %get3A_689 = vector.shape_cast %get3A_688 : vector<16xf32> to vector<16xf32>
      %mul3A_690 = arith.constant 64 : i32
      %mul3A_691 = arith.muli %scan3A_620, %mul3A_690 : i32
      %add3A_692 = arith.constant 2048 : i32
      %add3A_693 = arith.addi %add3A_692, %mul3A_691 : i32
      %add3A_694 = arith.constant 48 : i32
      %add3A_695 = arith.addi %add3A_693, %add3A_694 : i32
      %get3A_696 = arith.index_cast %add3A_695 : i32 to index
      %get3A_697 = tpu.vector_load %arg7[%get3A_696] {strides = array<i32>} : memref<13312xf32, #tpu.memory_space<vmem>>, vector<16xf32>,
      %get3A_698 = vector.shape_cast %get3A_697 : vector<16xf32> to vector<16xf32>
      %add3A_699 = arith.addf %get3A_689, %get3A_698 : vector<16xf32>
      %swap3A_700 = arith.index_cast %add3A_686 : i32 to index
      %swap3A_701 = tpu.vector_load %arg9[%swap3A_700] {strides = array<i32>} : memref<512xf32, #tpu.memory_space<vmem>>, vector<16xf32>,
      %swap3A_702 = vector.shape_cast %swap3A_701 : vector<16xf32> to vector<16xf32>
      %swap3A_703 = vector.shape_cast %add3A_699 : vector<16xf32> to vector<16xf32>
      tpu.vector_store %arg9[%swap3A_700], %swap3A_703 {strides = array<i32>} : memref<512xf32, #tpu.memory_space<vmem>>, vector<16xf32>,
    }
    %scan3A_323 = arith.constant 8 : i32
    %dma_wait3A_324 = arith.constant 2560 : i32
    %dma_wait3A_325 = tpu.memref_slice %arg7[%dma_wait3A_324] : memref<13312xf32, #tpu.memory_space<vmem>> -> memref<512xf32, #tpu.memory_space<vmem>>
    %dma_wait3A_326 = arith.constant 2560 : i32
    %dma_wait3A_327 = tpu.memref_slice %arg6[%dma_wait3A_326] : memref<13312xi32, #tpu.memory_space<vmem>> -> memref<512xi32, #tpu.memory_space<vmem>>
    %dma_wait3A_328 = arith.constant 500000 : i32
    %dma_wait3A_329 = tpu.memref_slice %arg3[%dma_wait3A_328] : memref<2600000xf32, #tpu.memory_space<hbm>> -> memref<100000xf32, #tpu.memory_space<hbm>>
    %dma_wait3A_330 = arith.constant 0 : i32
    %dma_wait3A_331 = tpu.memref_slice %dma_wait3A_329[%dma_wait3A_330] : memref<100000xf32, #tpu.memory_space<hbm>> -> memref<100000xf32, #tpu.memory_space<hbm>>
    tpu.wait_indirect_dma semaphore(%arg18 : memref<!tpu.dma_semaphore, #tpu.memory_space<semaphore_mem>>) src(%dma_wait3A_331 : memref<100000xf32, #tpu.memory_space<hbm>>) dst(%dma_wait3A_325 : memref<512xf32, #tpu.memory_space<vmem>>)
    %scan3A_332 = arith.constant 0 : i32
    %scan3A_333 = arith.constant 0 : i32
    %scan3A_334 = arith.constant 8 : i32
    %scan3A_335 = arith.addi %scan3A_333, %scan3A_334 : i32
    %scan3A_336 = arith.constant 1 : i32
    scf.for %scan3A_620 = %scan3A_333 to %scan3A_335 step %scan3A_336  : i32 {
      %mul3A_621 = arith.constant 64 : i32
      %mul3A_622 = arith.muli %scan3A_620, %mul3A_621 : i32
      %add3A_623 = arith.constant 0 : i32
      %add3A_624 = arith.addi %mul3A_622, %add3A_623 : i32
      %get3A_625 = arith.index_cast %add3A_624 : i32 to index
      %get3A_626 = tpu.vector_load %arg9[%get3A_625] {strides = array<i32>} : memref<512xf32, #tpu.memory_space<vmem>>, vector<16xf32>,
      %get3A_627 = vector.shape_cast %get3A_626 : vector<16xf32> to vector<16xf32>
      %mul3A_628 = arith.constant 64 : i32
      %mul3A_629 = arith.muli %scan3A_620, %mul3A_628 : i32
      %add3A_630 = arith.constant 2560 : i32
      %add3A_631 = arith.addi %add3A_630, %mul3A_629 : i32
      %add3A_632 = arith.constant 0 : i32
      %add3A_633 = arith.addi %add3A_631, %add3A_632 : i32
      %get3A_634 = arith.index_cast %add3A_633 : i32 to index
      %get3A_635 = tpu.vector_load %arg7[%get3A_634] {strides = array<i32>} : memref<13312xf32, #tpu.memory_space<vmem>>, vector<16xf32>,
      %get3A_636 = vector.shape_cast %get3A_635 : vector<16xf32> to vector<16xf32>
      %add3A_637 = arith.addf %get3A_627, %get3A_636 : vector<16xf32>
      %swap3A = arith.index_cast %add3A_624 : i32 to index
      %swap3A_638 = tpu.vector_load %arg9[%swap3A] {strides = array<i32>} : memref<512xf32, #tpu.memory_space<vmem>>, vector<16xf32>,
      %swap3A_639 = vector.shape_cast %swap3A_638 : vector<16xf32> to vector<16xf32>
      %swap3A_640 = vector.shape_cast %add3A_637 : vector<16xf32> to vector<16xf32>
      tpu.vector_store %arg9[%swap3A], %swap3A_640 {strides = array<i32>} : memref<512xf32, #tpu.memory_space<vmem>>, vector<16xf32>,
      %mul3A_641 = arith.constant 64 : i32
      %mul3A_642 = arith.muli %scan3A_620, %mul3A_641 : i32
      %add3A_643 = arith.constant 16 : i32
      %add3A_644 = arith.addi %mul3A_642, %add3A_643 : i32
      %get3A_645 = arith.index_cast %add3A_644 : i32 to index
      %get3A_646 = tpu.vector_load %arg9[%get3A_645] {strides = array<i32>} : memref<512xf32, #tpu.memory_space<vmem>>, vector<16xf32>,
      %get3A_647 = vector.shape_cast %get3A_646 : vector<16xf32> to vector<16xf32>
      %mul3A_648 = arith.constant 64 : i32
      %mul3A_649 = arith.muli %scan3A_620, %mul3A_648 : i32
      %add3A_650 = arith.constant 2560 : i32
      %add3A_651 = arith.addi %add3A_650, %mul3A_649 : i32
      %add3A_652 = arith.constant 16 : i32
      %add3A_653 = arith.addi %add3A_651, %add3A_652 : i32
      %get3A_654 = arith.index_cast %add3A_653 : i32 to index
      %get3A_655 = tpu.vector_load %arg7[%get3A_654] {strides = array<i32>} : memref<13312xf32, #tpu.memory_space<vmem>>, vector<16xf32>,
      %get3A_656 = vector.shape_cast %get3A_655 : vector<16xf32> to vector<16xf32>
      %add3A_657 = arith.addf %get3A_647, %get3A_656 : vector<16xf32>
      %swap3A_658 = arith.index_cast %add3A_644 : i32 to index
      %swap3A_659 = tpu.vector_load %arg9[%swap3A_658] {strides = array<i32>} : memref<512xf32, #tpu.memory_space<vmem>>, vector<16xf32>,
      %swap3A_660 = vector.shape_cast %swap3A_659 : vector<16xf32> to vector<16xf32>
      %swap3A_661 = vector.shape_cast %add3A_657 : vector<16xf32> to vector<16xf32>
      tpu.vector_store %arg9[%swap3A_658], %swap3A_661 {strides = array<i32>} : memref<512xf32, #tpu.memory_space<vmem>>, vector<16xf32>,
      %mul3A_662 = arith.constant 64 : i32
      %mul3A_663 = arith.muli %scan3A_620, %mul3A_662 : i32
      %add3A_664 = arith.constant 32 : i32
      %add3A_665 = arith.addi %mul3A_663, %add3A_664 : i32
      %get3A_666 = arith.index_cast %add3A_665 : i32 to index
      %get3A_667 = tpu.vector_load %arg9[%get3A_666] {strides = array<i32>} : memref<512xf32, #tpu.memory_space<vmem>>, vector<16xf32>,
      %get3A_668 = vector.shape_cast %get3A_667 : vector<16xf32> to vector<16xf32>
      %mul3A_669 = arith.constant 64 : i32
      %mul3A_670 = arith.muli %scan3A_620, %mul3A_669 : i32
      %add3A_671 = arith.constant 2560 : i32
      %add3A_672 = arith.addi %add3A_671, %mul3A_670 : i32
      %add3A_673 = arith.constant 32 : i32
      %add3A_674 = arith.addi %add3A_672, %add3A_673 : i32
      %get3A_675 = arith.index_cast %add3A_674 : i32 to index
      %get3A_676 = tpu.vector_load %arg7[%get3A_675] {strides = array<i32>} : memref<13312xf32, #tpu.memory_space<vmem>>, vector<16xf32>,
      %get3A_677 = vector.shape_cast %get3A_676 : vector<16xf32> to vector<16xf32>
      %add3A_678 = arith.addf %get3A_668, %get3A_677 : vector<16xf32>
      %swap3A_679 = arith.index_cast %add3A_665 : i32 to index
      %swap3A_680 = tpu.vector_load %arg9[%swap3A_679] {strides = array<i32>} : memref<512xf32, #tpu.memory_space<vmem>>, vector<16xf32>,
      %swap3A_681 = vector.shape_cast %swap3A_680 : vector<16xf32> to vector<16xf32>
      %swap3A_682 = vector.shape_cast %add3A_678 : vector<16xf32> to vector<16xf32>
      tpu.vector_store %arg9[%swap3A_679], %swap3A_682 {strides = array<i32>} : memref<512xf32, #tpu.memory_space<vmem>>, vector<16xf32>,
      %mul3A_683 = arith.constant 64 : i32
      %mul3A_684 = arith.muli %scan3A_620, %mul3A_683 : i32
      %add3A_685 = arith.constant 48 : i32
      %add3A_686 = arith.addi %mul3A_684, %add3A_685 : i32
      %get3A_687 = arith.index_cast %add3A_686 : i32 to index
      %get3A_688 = tpu.vector_load %arg9[%get3A_687] {strides = array<i32>} : memref<512xf32, #tpu.memory_space<vmem>>, vector<16xf32>,
      %get3A_689 = vector.shape_cast %get3A_688 : vector<16xf32> to vector<16xf32>
      %mul3A_690 = arith.constant 64 : i32
      %mul3A_691 = arith.muli %scan3A_620, %mul3A_690 : i32
      %add3A_692 = arith.constant 2560 : i32
      %add3A_693 = arith.addi %add3A_692, %mul3A_691 : i32
      %add3A_694 = arith.constant 48 : i32
      %add3A_695 = arith.addi %add3A_693, %add3A_694 : i32
      %get3A_696 = arith.index_cast %add3A_695 : i32 to index
      %get3A_697 = tpu.vector_load %arg7[%get3A_696] {strides = array<i32>} : memref<13312xf32, #tpu.memory_space<vmem>>, vector<16xf32>,
      %get3A_698 = vector.shape_cast %get3A_697 : vector<16xf32> to vector<16xf32>
      %add3A_699 = arith.addf %get3A_689, %get3A_698 : vector<16xf32>
      %swap3A_700 = arith.index_cast %add3A_686 : i32 to index
      %swap3A_701 = tpu.vector_load %arg9[%swap3A_700] {strides = array<i32>} : memref<512xf32, #tpu.memory_space<vmem>>, vector<16xf32>,
      %swap3A_702 = vector.shape_cast %swap3A_701 : vector<16xf32> to vector<16xf32>
      %swap3A_703 = vector.shape_cast %add3A_699 : vector<16xf32> to vector<16xf32>
      tpu.vector_store %arg9[%swap3A_700], %swap3A_703 {strides = array<i32>} : memref<512xf32, #tpu.memory_space<vmem>>, vector<16xf32>,
    }
    %scan3A_337 = arith.constant 8 : i32
    %dma_wait3A_338 = arith.constant 3072 : i32
    %dma_wait3A_339 = tpu.memref_slice %arg7[%dma_wait3A_338] : memref<13312xf32, #tpu.memory_space<vmem>> -> memref<512xf32, #tpu.memory_space<vmem>>
    %dma_wait3A_340 = arith.constant 3072 : i32
    %dma_wait3A_341 = tpu.memref_slice %arg6[%dma_wait3A_340] : memref<13312xi32, #tpu.memory_space<vmem>> -> memref<512xi32, #tpu.memory_space<vmem>>
    %dma_wait3A_342 = arith.constant 600000 : i32
    %dma_wait3A_343 = tpu.memref_slice %arg3[%dma_wait3A_342] : memref<2600000xf32, #tpu.memory_space<hbm>> -> memref<100000xf32, #tpu.memory_space<hbm>>
    %dma_wait3A_344 = arith.constant 0 : i32
    %dma_wait3A_345 = tpu.memref_slice %dma_wait3A_343[%dma_wait3A_344] : memref<100000xf32, #tpu.memory_space<hbm>> -> memref<100000xf32, #tpu.memory_space<hbm>>
    tpu.wait_indirect_dma semaphore(%arg19 : memref<!tpu.dma_semaphore, #tpu.memory_space<semaphore_mem>>) src(%dma_wait3A_345 : memref<100000xf32, #tpu.memory_space<hbm>>) dst(%dma_wait3A_339 : memref<512xf32, #tpu.memory_space<vmem>>)
    %scan3A_346 = arith.constant 0 : i32
    %scan3A_347 = arith.constant 0 : i32
    %scan3A_348 = arith.constant 8 : i32
    %scan3A_349 = arith.addi %scan3A_347, %scan3A_348 : i32
    %scan3A_350 = arith.constant 1 : i32
    scf.for %scan3A_620 = %scan3A_347 to %scan3A_349 step %scan3A_350  : i32 {
      %mul3A_621 = arith.constant 64 : i32
      %mul3A_622 = arith.muli %scan3A_620, %mul3A_621 : i32
      %add3A_623 = arith.constant 0 : i32
      %add3A_624 = arith.addi %mul3A_622, %add3A_623 : i32
      %get3A_625 = arith.index_cast %add3A_624 : i32 to index
      %get3A_626 = tpu.vector_load %arg9[%get3A_625] {strides = array<i32>} : memref<512xf32, #tpu.memory_space<vmem>>, vector<16xf32>,
      %get3A_627 = vector.shape_cast %get3A_626 : vector<16xf32> to vector<16xf32>
      %mul3A_628 = arith.constant 64 : i32
      %mul3A_629 = arith.muli %scan3A_620, %mul3A_628 : i32
      %add3A_630 = arith.constant 3072 : i32
      %add3A_631 = arith.addi %add3A_630, %mul3A_629 : i32
      %add3A_632 = arith.constant 0 : i32
      %add3A_633 = arith.addi %add3A_631, %add3A_632 : i32
      %get3A_634 = arith.index_cast %add3A_633 : i32 to index
      %get3A_635 = tpu.vector_load %arg7[%get3A_634] {strides = array<i32>} : memref<13312xf32, #tpu.memory_space<vmem>>, vector<16xf32>,
      %get3A_636 = vector.shape_cast %get3A_635 : vector<16xf32> to vector<16xf32>
      %add3A_637 = arith.addf %get3A_627, %get3A_636 : vector<16xf32>
      %swap3A = arith.index_cast %add3A_624 : i32 to index
      %swap3A_638 = tpu.vector_load %arg9[%swap3A] {strides = array<i32>} : memref<512xf32, #tpu.memory_space<vmem>>, vector<16xf32>,
      %swap3A_639 = vector.shape_cast %swap3A_638 : vector<16xf32> to vector<16xf32>
      %swap3A_640 = vector.shape_cast %add3A_637 : vector<16xf32> to vector<16xf32>
      tpu.vector_store %arg9[%swap3A], %swap3A_640 {strides = array<i32>} : memref<512xf32, #tpu.memory_space<vmem>>, vector<16xf32>,
      %mul3A_641 = arith.constant 64 : i32
      %mul3A_642 = arith.muli %scan3A_620, %mul3A_641 : i32
      %add3A_643 = arith.constant 16 : i32
      %add3A_644 = arith.addi %mul3A_642, %add3A_643 : i32
      %get3A_645 = arith.index_cast %add3A_644 : i32 to index
      %get3A_646 = tpu.vector_load %arg9[%get3A_645] {strides = array<i32>} : memref<512xf32, #tpu.memory_space<vmem>>, vector<16xf32>,
      %get3A_647 = vector.shape_cast %get3A_646 : vector<16xf32> to vector<16xf32>
      %mul3A_648 = arith.constant 64 : i32
      %mul3A_649 = arith.muli %scan3A_620, %mul3A_648 : i32
      %add3A_650 = arith.constant 3072 : i32
      %add3A_651 = arith.addi %add3A_650, %mul3A_649 : i32
      %add3A_652 = arith.constant 16 : i32
      %add3A_653 = arith.addi %add3A_651, %add3A_652 : i32
      %get3A_654 = arith.index_cast %add3A_653 : i32 to index
      %get3A_655 = tpu.vector_load %arg7[%get3A_654] {strides = array<i32>} : memref<13312xf32, #tpu.memory_space<vmem>>, vector<16xf32>,
      %get3A_656 = vector.shape_cast %get3A_655 : vector<16xf32> to vector<16xf32>
      %add3A_657 = arith.addf %get3A_647, %get3A_656 : vector<16xf32>
      %swap3A_658 = arith.index_cast %add3A_644 : i32 to index
      %swap3A_659 = tpu.vector_load %arg9[%swap3A_658] {strides = array<i32>} : memref<512xf32, #tpu.memory_space<vmem>>, vector<16xf32>,
      %swap3A_660 = vector.shape_cast %swap3A_659 : vector<16xf32> to vector<16xf32>
      %swap3A_661 = vector.shape_cast %add3A_657 : vector<16xf32> to vector<16xf32>
      tpu.vector_store %arg9[%swap3A_658], %swap3A_661 {strides = array<i32>} : memref<512xf32, #tpu.memory_space<vmem>>, vector<16xf32>,
      %mul3A_662 = arith.constant 64 : i32
      %mul3A_663 = arith.muli %scan3A_620, %mul3A_662 : i32
      %add3A_664 = arith.constant 32 : i32
      %add3A_665 = arith.addi %mul3A_663, %add3A_664 : i32
      %get3A_666 = arith.index_cast %add3A_665 : i32 to index
      %get3A_667 = tpu.vector_load %arg9[%get3A_666] {strides = array<i32>} : memref<512xf32, #tpu.memory_space<vmem>>, vector<16xf32>,
      %get3A_668 = vector.shape_cast %get3A_667 : vector<16xf32> to vector<16xf32>
      %mul3A_669 = arith.constant 64 : i32
      %mul3A_670 = arith.muli %scan3A_620, %mul3A_669 : i32
      %add3A_671 = arith.constant 3072 : i32
      %add3A_672 = arith.addi %add3A_671, %mul3A_670 : i32
      %add3A_673 = arith.constant 32 : i32
      %add3A_674 = arith.addi %add3A_672, %add3A_673 : i32
      %get3A_675 = arith.index_cast %add3A_674 : i32 to index
      %get3A_676 = tpu.vector_load %arg7[%get3A_675] {strides = array<i32>} : memref<13312xf32, #tpu.memory_space<vmem>>, vector<16xf32>,
      %get3A_677 = vector.shape_cast %get3A_676 : vector<16xf32> to vector<16xf32>
      %add3A_678 = arith.addf %get3A_668, %get3A_677 : vector<16xf32>
      %swap3A_679 = arith.index_cast %add3A_665 : i32 to index
      %swap3A_680 = tpu.vector_load %arg9[%swap3A_679] {strides = array<i32>} : memref<512xf32, #tpu.memory_space<vmem>>, vector<16xf32>,
      %swap3A_681 = vector.shape_cast %swap3A_680 : vector<16xf32> to vector<16xf32>
      %swap3A_682 = vector.shape_cast %add3A_678 : vector<16xf32> to vector<16xf32>
      tpu.vector_store %arg9[%swap3A_679], %swap3A_682 {strides = array<i32>} : memref<512xf32, #tpu.memory_space<vmem>>, vector<16xf32>,
      %mul3A_683 = arith.constant 64 : i32
      %mul3A_684 = arith.muli %scan3A_620, %mul3A_683 : i32
      %add3A_685 = arith.constant 48 : i32
      %add3A_686 = arith.addi %mul3A_684, %add3A_685 : i32
      %get3A_687 = arith.index_cast %add3A_686 : i32 to index
      %get3A_688 = tpu.vector_load %arg9[%get3A_687] {strides = array<i32>} : memref<512xf32, #tpu.memory_space<vmem>>, vector<16xf32>,
      %get3A_689 = vector.shape_cast %get3A_688 : vector<16xf32> to vector<16xf32>
      %mul3A_690 = arith.constant 64 : i32
      %mul3A_691 = arith.muli %scan3A_620, %mul3A_690 : i32
      %add3A_692 = arith.constant 3072 : i32
      %add3A_693 = arith.addi %add3A_692, %mul3A_691 : i32
      %add3A_694 = arith.constant 48 : i32
      %add3A_695 = arith.addi %add3A_693, %add3A_694 : i32
      %get3A_696 = arith.index_cast %add3A_695 : i32 to index
      %get3A_697 = tpu.vector_load %arg7[%get3A_696] {strides = array<i32>} : memref<13312xf32, #tpu.memory_space<vmem>>, vector<16xf32>,
      %get3A_698 = vector.shape_cast %get3A_697 : vector<16xf32> to vector<16xf32>
      %add3A_699 = arith.addf %get3A_689, %get3A_698 : vector<16xf32>
      %swap3A_700 = arith.index_cast %add3A_686 : i32 to index
      %swap3A_701 = tpu.vector_load %arg9[%swap3A_700] {strides = array<i32>} : memref<512xf32, #tpu.memory_space<vmem>>, vector<16xf32>,
      %swap3A_702 = vector.shape_cast %swap3A_701 : vector<16xf32> to vector<16xf32>
      %swap3A_703 = vector.shape_cast %add3A_699 : vector<16xf32> to vector<16xf32>
      tpu.vector_store %arg9[%swap3A_700], %swap3A_703 {strides = array<i32>} : memref<512xf32, #tpu.memory_space<vmem>>, vector<16xf32>,
    }
    %scan3A_351 = arith.constant 8 : i32
    %dma_wait3A_352 = arith.constant 3584 : i32
    %dma_wait3A_353 = tpu.memref_slice %arg7[%dma_wait3A_352] : memref<13312xf32, #tpu.memory_space<vmem>> -> memref<512xf32, #tpu.memory_space<vmem>>
    %dma_wait3A_354 = arith.constant 3584 : i32
    %dma_wait3A_355 = tpu.memref_slice %arg6[%dma_wait3A_354] : memref<13312xi32, #tpu.memory_space<vmem>> -> memref<512xi32, #tpu.memory_space<vmem>>
    %dma_wait3A_356 = arith.constant 700000 : i32
    %dma_wait3A_357 = tpu.memref_slice %arg3[%dma_wait3A_356] : memref<2600000xf32, #tpu.memory_space<hbm>> -> memref<100000xf32, #tpu.memory_space<hbm>>
    %dma_wait3A_358 = arith.constant 0 : i32
    %dma_wait3A_359 = tpu.memref_slice %dma_wait3A_357[%dma_wait3A_358] : memref<100000xf32, #tpu.memory_space<hbm>> -> memref<100000xf32, #tpu.memory_space<hbm>>
    tpu.wait_indirect_dma semaphore(%arg20 : memref<!tpu.dma_semaphore, #tpu.memory_space<semaphore_mem>>) src(%dma_wait3A_359 : memref<100000xf32, #tpu.memory_space<hbm>>) dst(%dma_wait3A_353 : memref<512xf32, #tpu.memory_space<vmem>>)
    %scan3A_360 = arith.constant 0 : i32
    %scan3A_361 = arith.constant 0 : i32
    %scan3A_362 = arith.constant 8 : i32
    %scan3A_363 = arith.addi %scan3A_361, %scan3A_362 : i32
    %scan3A_364 = arith.constant 1 : i32
    scf.for %scan3A_620 = %scan3A_361 to %scan3A_363 step %scan3A_364  : i32 {
      %mul3A_621 = arith.constant 64 : i32
      %mul3A_622 = arith.muli %scan3A_620, %mul3A_621 : i32
      %add3A_623 = arith.constant 0 : i32
      %add3A_624 = arith.addi %mul3A_622, %add3A_623 : i32
      %get3A_625 = arith.index_cast %add3A_624 : i32 to index
      %get3A_626 = tpu.vector_load %arg9[%get3A_625] {strides = array<i32>} : memref<512xf32, #tpu.memory_space<vmem>>, vector<16xf32>,
      %get3A_627 = vector.shape_cast %get3A_626 : vector<16xf32> to vector<16xf32>
      %mul3A_628 = arith.constant 64 : i32
      %mul3A_629 = arith.muli %scan3A_620, %mul3A_628 : i32
      %add3A_630 = arith.constant 3584 : i32
      %add3A_631 = arith.addi %add3A_630, %mul3A_629 : i32
      %add3A_632 = arith.constant 0 : i32
      %add3A_633 = arith.addi %add3A_631, %add3A_632 : i32
      %get3A_634 = arith.index_cast %add3A_633 : i32 to index
      %get3A_635 = tpu.vector_load %arg7[%get3A_634] {strides = array<i32>} : memref<13312xf32, #tpu.memory_space<vmem>>, vector<16xf32>,
      %get3A_636 = vector.shape_cast %get3A_635 : vector<16xf32> to vector<16xf32>
      %add3A_637 = arith.addf %get3A_627, %get3A_636 : vector<16xf32>
      %swap3A = arith.index_cast %add3A_624 : i32 to index
      %swap3A_638 = tpu.vector_load %arg9[%swap3A] {strides = array<i32>} : memref<512xf32, #tpu.memory_space<vmem>>, vector<16xf32>,
      %swap3A_639 = vector.shape_cast %swap3A_638 : vector<16xf32> to vector<16xf32>
      %swap3A_640 = vector.shape_cast %add3A_637 : vector<16xf32> to vector<16xf32>
      tpu.vector_store %arg9[%swap3A], %swap3A_640 {strides = array<i32>} : memref<512xf32, #tpu.memory_space<vmem>>, vector<16xf32>,
      %mul3A_641 = arith.constant 64 : i32
      %mul3A_642 = arith.muli %scan3A_620, %mul3A_641 : i32
      %add3A_643 = arith.constant 16 : i32
      %add3A_644 = arith.addi %mul3A_642, %add3A_643 : i32
      %get3A_645 = arith.index_cast %add3A_644 : i32 to index
      %get3A_646 = tpu.vector_load %arg9[%get3A_645] {strides = array<i32>} : memref<512xf32, #tpu.memory_space<vmem>>, vector<16xf32>,
      %get3A_647 = vector.shape_cast %get3A_646 : vector<16xf32> to vector<16xf32>
      %mul3A_648 = arith.constant 64 : i32
      %mul3A_649 = arith.muli %scan3A_620, %mul3A_648 : i32
      %add3A_650 = arith.constant 3584 : i32
      %add3A_651 = arith.addi %add3A_650, %mul3A_649 : i32
      %add3A_652 = arith.constant 16 : i32
      %add3A_653 = arith.addi %add3A_651, %add3A_652 : i32
      %get3A_654 = arith.index_cast %add3A_653 : i32 to index
      %get3A_655 = tpu.vector_load %arg7[%get3A_654] {strides = array<i32>} : memref<13312xf32, #tpu.memory_space<vmem>>, vector<16xf32>,
      %get3A_656 = vector.shape_cast %get3A_655 : vector<16xf32> to vector<16xf32>
      %add3A_657 = arith.addf %get3A_647, %get3A_656 : vector<16xf32>
      %swap3A_658 = arith.index_cast %add3A_644 : i32 to index
      %swap3A_659 = tpu.vector_load %arg9[%swap3A_658] {strides = array<i32>} : memref<512xf32, #tpu.memory_space<vmem>>, vector<16xf32>,
      %swap3A_660 = vector.shape_cast %swap3A_659 : vector<16xf32> to vector<16xf32>
      %swap3A_661 = vector.shape_cast %add3A_657 : vector<16xf32> to vector<16xf32>
      tpu.vector_store %arg9[%swap3A_658], %swap3A_661 {strides = array<i32>} : memref<512xf32, #tpu.memory_space<vmem>>, vector<16xf32>,
      %mul3A_662 = arith.constant 64 : i32
      %mul3A_663 = arith.muli %scan3A_620, %mul3A_662 : i32
      %add3A_664 = arith.constant 32 : i32
      %add3A_665 = arith.addi %mul3A_663, %add3A_664 : i32
      %get3A_666 = arith.index_cast %add3A_665 : i32 to index
      %get3A_667 = tpu.vector_load %arg9[%get3A_666] {strides = array<i32>} : memref<512xf32, #tpu.memory_space<vmem>>, vector<16xf32>,
      %get3A_668 = vector.shape_cast %get3A_667 : vector<16xf32> to vector<16xf32>
      %mul3A_669 = arith.constant 64 : i32
      %mul3A_670 = arith.muli %scan3A_620, %mul3A_669 : i32
      %add3A_671 = arith.constant 3584 : i32
      %add3A_672 = arith.addi %add3A_671, %mul3A_670 : i32
      %add3A_673 = arith.constant 32 : i32
      %add3A_674 = arith.addi %add3A_672, %add3A_673 : i32
      %get3A_675 = arith.index_cast %add3A_674 : i32 to index
      %get3A_676 = tpu.vector_load %arg7[%get3A_675] {strides = array<i32>} : memref<13312xf32, #tpu.memory_space<vmem>>, vector<16xf32>,
      %get3A_677 = vector.shape_cast %get3A_676 : vector<16xf32> to vector<16xf32>
      %add3A_678 = arith.addf %get3A_668, %get3A_677 : vector<16xf32>
      %swap3A_679 = arith.index_cast %add3A_665 : i32 to index
      %swap3A_680 = tpu.vector_load %arg9[%swap3A_679] {strides = array<i32>} : memref<512xf32, #tpu.memory_space<vmem>>, vector<16xf32>,
      %swap3A_681 = vector.shape_cast %swap3A_680 : vector<16xf32> to vector<16xf32>
      %swap3A_682 = vector.shape_cast %add3A_678 : vector<16xf32> to vector<16xf32>
      tpu.vector_store %arg9[%swap3A_679], %swap3A_682 {strides = array<i32>} : memref<512xf32, #tpu.memory_space<vmem>>, vector<16xf32>,
      %mul3A_683 = arith.constant 64 : i32
      %mul3A_684 = arith.muli %scan3A_620, %mul3A_683 : i32
      %add3A_685 = arith.constant 48 : i32
      %add3A_686 = arith.addi %mul3A_684, %add3A_685 : i32
      %get3A_687 = arith.index_cast %add3A_686 : i32 to index
      %get3A_688 = tpu.vector_load %arg9[%get3A_687] {strides = array<i32>} : memref<512xf32, #tpu.memory_space<vmem>>, vector<16xf32>,
      %get3A_689 = vector.shape_cast %get3A_688 : vector<16xf32> to vector<16xf32>
      %mul3A_690 = arith.constant 64 : i32
      %mul3A_691 = arith.muli %scan3A_620, %mul3A_690 : i32
      %add3A_692 = arith.constant 3584 : i32
      %add3A_693 = arith.addi %add3A_692, %mul3A_691 : i32
      %add3A_694 = arith.constant 48 : i32
      %add3A_695 = arith.addi %add3A_693, %add3A_694 : i32
      %get3A_696 = arith.index_cast %add3A_695 : i32 to index
      %get3A_697 = tpu.vector_load %arg7[%get3A_696] {strides = array<i32>} : memref<13312xf32, #tpu.memory_space<vmem>>, vector<16xf32>,
      %get3A_698 = vector.shape_cast %get3A_697 : vector<16xf32> to vector<16xf32>
      %add3A_699 = arith.addf %get3A_689, %get3A_698 : vector<16xf32>
      %swap3A_700 = arith.index_cast %add3A_686 : i32 to index
      %swap3A_701 = tpu.vector_load %arg9[%swap3A_700] {strides = array<i32>} : memref<512xf32, #tpu.memory_space<vmem>>, vector<16xf32>,
      %swap3A_702 = vector.shape_cast %swap3A_701 : vector<16xf32> to vector<16xf32>
      %swap3A_703 = vector.shape_cast %add3A_699 : vector<16xf32> to vector<16xf32>
      tpu.vector_store %arg9[%swap3A_700], %swap3A_703 {strides = array<i32>} : memref<512xf32, #tpu.memory_space<vmem>>, vector<16xf32>,
    }
    %scan3A_365 = arith.constant 8 : i32
    %dma_wait3A_366 = arith.constant 4096 : i32
    %dma_wait3A_367 = tpu.memref_slice %arg7[%dma_wait3A_366] : memref<13312xf32, #tpu.memory_space<vmem>> -> memref<512xf32, #tpu.memory_space<vmem>>
    %dma_wait3A_368 = arith.constant 4096 : i32
    %dma_wait3A_369 = tpu.memref_slice %arg6[%dma_wait3A_368] : memref<13312xi32, #tpu.memory_space<vmem>> -> memref<512xi32, #tpu.memory_space<vmem>>
    %dma_wait3A_370 = arith.constant 800000 : i32
    %dma_wait3A_371 = tpu.memref_slice %arg3[%dma_wait3A_370] : memref<2600000xf32, #tpu.memory_space<hbm>> -> memref<100000xf32, #tpu.memory_space<hbm>>
    %dma_wait3A_372 = arith.constant 0 : i32
    %dma_wait3A_373 = tpu.memref_slice %dma_wait3A_371[%dma_wait3A_372] : memref<100000xf32, #tpu.memory_space<hbm>> -> memref<100000xf32, #tpu.memory_space<hbm>>
    tpu.wait_indirect_dma semaphore(%arg21 : memref<!tpu.dma_semaphore, #tpu.memory_space<semaphore_mem>>) src(%dma_wait3A_373 : memref<100000xf32, #tpu.memory_space<hbm>>) dst(%dma_wait3A_367 : memref<512xf32, #tpu.memory_space<vmem>>)
    %scan3A_374 = arith.constant 0 : i32
    %scan3A_375 = arith.constant 0 : i32
    %scan3A_376 = arith.constant 8 : i32
    %scan3A_377 = arith.addi %scan3A_375, %scan3A_376 : i32
    %scan3A_378 = arith.constant 1 : i32
    scf.for %scan3A_620 = %scan3A_375 to %scan3A_377 step %scan3A_378  : i32 {
      %mul3A_621 = arith.constant 64 : i32
      %mul3A_622 = arith.muli %scan3A_620, %mul3A_621 : i32
      %add3A_623 = arith.constant 0 : i32
      %add3A_624 = arith.addi %mul3A_622, %add3A_623 : i32
      %get3A_625 = arith.index_cast %add3A_624 : i32 to index
      %get3A_626 = tpu.vector_load %arg9[%get3A_625] {strides = array<i32>} : memref<512xf32, #tpu.memory_space<vmem>>, vector<16xf32>,
      %get3A_627 = vector.shape_cast %get3A_626 : vector<16xf32> to vector<16xf32>
      %mul3A_628 = arith.constant 64 : i32
      %mul3A_629 = arith.muli %scan3A_620, %mul3A_628 : i32
      %add3A_630 = arith.constant 4096 : i32
      %add3A_631 = arith.addi %add3A_630, %mul3A_629 : i32
      %add3A_632 = arith.constant 0 : i32
      %add3A_633 = arith.addi %add3A_631, %add3A_632 : i32
      %get3A_634 = arith.index_cast %add3A_633 : i32 to index
      %get3A_635 = tpu.vector_load %arg7[%get3A_634] {strides = array<i32>} : memref<13312xf32, #tpu.memory_space<vmem>>, vector<16xf32>,
      %get3A_636 = vector.shape_cast %get3A_635 : vector<16xf32> to vector<16xf32>
      %add3A_637 = arith.addf %get3A_627, %get3A_636 : vector<16xf32>
      %swap3A = arith.index_cast %add3A_624 : i32 to index
      %swap3A_638 = tpu.vector_load %arg9[%swap3A] {strides = array<i32>} : memref<512xf32, #tpu.memory_space<vmem>>, vector<16xf32>,
      %swap3A_639 = vector.shape_cast %swap3A_638 : vector<16xf32> to vector<16xf32>
      %swap3A_640 = vector.shape_cast %add3A_637 : vector<16xf32> to vector<16xf32>
      tpu.vector_store %arg9[%swap3A], %swap3A_640 {strides = array<i32>} : memref<512xf32, #tpu.memory_space<vmem>>, vector<16xf32>,
      %mul3A_641 = arith.constant 64 : i32
      %mul3A_642 = arith.muli %scan3A_620, %mul3A_641 : i32
      %add3A_643 = arith.constant 16 : i32
      %add3A_644 = arith.addi %mul3A_642, %add3A_643 : i32
      %get3A_645 = arith.index_cast %add3A_644 : i32 to index
      %get3A_646 = tpu.vector_load %arg9[%get3A_645] {strides = array<i32>} : memref<512xf32, #tpu.memory_space<vmem>>, vector<16xf32>,
      %get3A_647 = vector.shape_cast %get3A_646 : vector<16xf32> to vector<16xf32>
      %mul3A_648 = arith.constant 64 : i32
      %mul3A_649 = arith.muli %scan3A_620, %mul3A_648 : i32
      %add3A_650 = arith.constant 4096 : i32
      %add3A_651 = arith.addi %add3A_650, %mul3A_649 : i32
      %add3A_652 = arith.constant 16 : i32
      %add3A_653 = arith.addi %add3A_651, %add3A_652 : i32
      %get3A_654 = arith.index_cast %add3A_653 : i32 to index
      %get3A_655 = tpu.vector_load %arg7[%get3A_654] {strides = array<i32>} : memref<13312xf32, #tpu.memory_space<vmem>>, vector<16xf32>,
      %get3A_656 = vector.shape_cast %get3A_655 : vector<16xf32> to vector<16xf32>
      %add3A_657 = arith.addf %get3A_647, %get3A_656 : vector<16xf32>
      %swap3A_658 = arith.index_cast %add3A_644 : i32 to index
      %swap3A_659 = tpu.vector_load %arg9[%swap3A_658] {strides = array<i32>} : memref<512xf32, #tpu.memory_space<vmem>>, vector<16xf32>,
      %swap3A_660 = vector.shape_cast %swap3A_659 : vector<16xf32> to vector<16xf32>
      %swap3A_661 = vector.shape_cast %add3A_657 : vector<16xf32> to vector<16xf32>
      tpu.vector_store %arg9[%swap3A_658], %swap3A_661 {strides = array<i32>} : memref<512xf32, #tpu.memory_space<vmem>>, vector<16xf32>,
      %mul3A_662 = arith.constant 64 : i32
      %mul3A_663 = arith.muli %scan3A_620, %mul3A_662 : i32
      %add3A_664 = arith.constant 32 : i32
      %add3A_665 = arith.addi %mul3A_663, %add3A_664 : i32
      %get3A_666 = arith.index_cast %add3A_665 : i32 to index
      %get3A_667 = tpu.vector_load %arg9[%get3A_666] {strides = array<i32>} : memref<512xf32, #tpu.memory_space<vmem>>, vector<16xf32>,
      %get3A_668 = vector.shape_cast %get3A_667 : vector<16xf32> to vector<16xf32>
      %mul3A_669 = arith.constant 64 : i32
      %mul3A_670 = arith.muli %scan3A_620, %mul3A_669 : i32
      %add3A_671 = arith.constant 4096 : i32
      %add3A_672 = arith.addi %add3A_671, %mul3A_670 : i32
      %add3A_673 = arith.constant 32 : i32
      %add3A_674 = arith.addi %add3A_672, %add3A_673 : i32
      %get3A_675 = arith.index_cast %add3A_674 : i32 to index
      %get3A_676 = tpu.vector_load %arg7[%get3A_675] {strides = array<i32>} : memref<13312xf32, #tpu.memory_space<vmem>>, vector<16xf32>,
      %get3A_677 = vector.shape_cast %get3A_676 : vector<16xf32> to vector<16xf32>
      %add3A_678 = arith.addf %get3A_668, %get3A_677 : vector<16xf32>
      %swap3A_679 = arith.index_cast %add3A_665 : i32 to index
      %swap3A_680 = tpu.vector_load %arg9[%swap3A_679] {strides = array<i32>} : memref<512xf32, #tpu.memory_space<vmem>>, vector<16xf32>,
      %swap3A_681 = vector.shape_cast %swap3A_680 : vector<16xf32> to vector<16xf32>
      %swap3A_682 = vector.shape_cast %add3A_678 : vector<16xf32> to vector<16xf32>
      tpu.vector_store %arg9[%swap3A_679], %swap3A_682 {strides = array<i32>} : memref<512xf32, #tpu.memory_space<vmem>>, vector<16xf32>,
      %mul3A_683 = arith.constant 64 : i32
      %mul3A_684 = arith.muli %scan3A_620, %mul3A_683 : i32
      %add3A_685 = arith.constant 48 : i32
      %add3A_686 = arith.addi %mul3A_684, %add3A_685 : i32
      %get3A_687 = arith.index_cast %add3A_686 : i32 to index
      %get3A_688 = tpu.vector_load %arg9[%get3A_687] {strides = array<i32>} : memref<512xf32, #tpu.memory_space<vmem>>, vector<16xf32>,
      %get3A_689 = vector.shape_cast %get3A_688 : vector<16xf32> to vector<16xf32>
      %mul3A_690 = arith.constant 64 : i32
      %mul3A_691 = arith.muli %scan3A_620, %mul3A_690 : i32
      %add3A_692 = arith.constant 4096 : i32
      %add3A_693 = arith.addi %add3A_692, %mul3A_691 : i32
      %add3A_694 = arith.constant 48 : i32
      %add3A_695 = arith.addi %add3A_693, %add3A_694 : i32
      %get3A_696 = arith.index_cast %add3A_695 : i32 to index
      %get3A_697 = tpu.vector_load %arg7[%get3A_696] {strides = array<i32>} : memref<13312xf32, #tpu.memory_space<vmem>>, vector<16xf32>,
      %get3A_698 = vector.shape_cast %get3A_697 : vector<16xf32> to vector<16xf32>
      %add3A_699 = arith.addf %get3A_689, %get3A_698 : vector<16xf32>
      %swap3A_700 = arith.index_cast %add3A_686 : i32 to index
      %swap3A_701 = tpu.vector_load %arg9[%swap3A_700] {strides = array<i32>} : memref<512xf32, #tpu.memory_space<vmem>>, vector<16xf32>,
      %swap3A_702 = vector.shape_cast %swap3A_701 : vector<16xf32> to vector<16xf32>
      %swap3A_703 = vector.shape_cast %add3A_699 : vector<16xf32> to vector<16xf32>
      tpu.vector_store %arg9[%swap3A_700], %swap3A_703 {strides = array<i32>} : memref<512xf32, #tpu.memory_space<vmem>>, vector<16xf32>,
    }
    %scan3A_379 = arith.constant 8 : i32
    %dma_wait3A_380 = arith.constant 4608 : i32
    %dma_wait3A_381 = tpu.memref_slice %arg7[%dma_wait3A_380] : memref<13312xf32, #tpu.memory_space<vmem>> -> memref<512xf32, #tpu.memory_space<vmem>>
    %dma_wait3A_382 = arith.constant 4608 : i32
    %dma_wait3A_383 = tpu.memref_slice %arg6[%dma_wait3A_382] : memref<13312xi32, #tpu.memory_space<vmem>> -> memref<512xi32, #tpu.memory_space<vmem>>
    %dma_wait3A_384 = arith.constant 900000 : i32
    %dma_wait3A_385 = tpu.memref_slice %arg3[%dma_wait3A_384] : memref<2600000xf32, #tpu.memory_space<hbm>> -> memref<100000xf32, #tpu.memory_space<hbm>>
    %dma_wait3A_386 = arith.constant 0 : i32
    %dma_wait3A_387 = tpu.memref_slice %dma_wait3A_385[%dma_wait3A_386] : memref<100000xf32, #tpu.memory_space<hbm>> -> memref<100000xf32, #tpu.memory_space<hbm>>
    tpu.wait_indirect_dma semaphore(%arg22 : memref<!tpu.dma_semaphore, #tpu.memory_space<semaphore_mem>>) src(%dma_wait3A_387 : memref<100000xf32, #tpu.memory_space<hbm>>) dst(%dma_wait3A_381 : memref<512xf32, #tpu.memory_space<vmem>>)
    %scan3A_388 = arith.constant 0 : i32
    %scan3A_389 = arith.constant 0 : i32
    %scan3A_390 = arith.constant 8 : i32
    %scan3A_391 = arith.addi %scan3A_389, %scan3A_390 : i32
    %scan3A_392 = arith.constant 1 : i32
    scf.for %scan3A_620 = %scan3A_389 to %scan3A_391 step %scan3A_392  : i32 {
      %mul3A_621 = arith.constant 64 : i32
      %mul3A_622 = arith.muli %scan3A_620, %mul3A_621 : i32
      %add3A_623 = arith.constant 0 : i32
      %add3A_624 = arith.addi %mul3A_622, %add3A_623 : i32
      %get3A_625 = arith.index_cast %add3A_624 : i32 to index
      %get3A_626 = tpu.vector_load %arg9[%get3A_625] {strides = array<i32>} : memref<512xf32, #tpu.memory_space<vmem>>, vector<16xf32>,
      %get3A_627 = vector.shape_cast %get3A_626 : vector<16xf32> to vector<16xf32>
      %mul3A_628 = arith.constant 64 : i32
      %mul3A_629 = arith.muli %scan3A_620, %mul3A_628 : i32
      %add3A_630 = arith.constant 4608 : i32
      %add3A_631 = arith.addi %add3A_630, %mul3A_629 : i32
      %add3A_632 = arith.constant 0 : i32
      %add3A_633 = arith.addi %add3A_631, %add3A_632 : i32
      %get3A_634 = arith.index_cast %add3A_633 : i32 to index
      %get3A_635 = tpu.vector_load %arg7[%get3A_634] {strides = array<i32>} : memref<13312xf32, #tpu.memory_space<vmem>>, vector<16xf32>,
      %get3A_636 = vector.shape_cast %get3A_635 : vector<16xf32> to vector<16xf32>
      %add3A_637 = arith.addf %get3A_627, %get3A_636 : vector<16xf32>
      %swap3A = arith.index_cast %add3A_624 : i32 to index
      %swap3A_638 = tpu.vector_load %arg9[%swap3A] {strides = array<i32>} : memref<512xf32, #tpu.memory_space<vmem>>, vector<16xf32>,
      %swap3A_639 = vector.shape_cast %swap3A_638 : vector<16xf32> to vector<16xf32>
      %swap3A_640 = vector.shape_cast %add3A_637 : vector<16xf32> to vector<16xf32>
      tpu.vector_store %arg9[%swap3A], %swap3A_640 {strides = array<i32>} : memref<512xf32, #tpu.memory_space<vmem>>, vector<16xf32>,
      %mul3A_641 = arith.constant 64 : i32
      %mul3A_642 = arith.muli %scan3A_620, %mul3A_641 : i32
      %add3A_643 = arith.constant 16 : i32
      %add3A_644 = arith.addi %mul3A_642, %add3A_643 : i32
      %get3A_645 = arith.index_cast %add3A_644 : i32 to index
      %get3A_646 = tpu.vector_load %arg9[%get3A_645] {strides = array<i32>} : memref<512xf32, #tpu.memory_space<vmem>>, vector<16xf32>,
      %get3A_647 = vector.shape_cast %get3A_646 : vector<16xf32> to vector<16xf32>
      %mul3A_648 = arith.constant 64 : i32
      %mul3A_649 = arith.muli %scan3A_620, %mul3A_648 : i32
      %add3A_650 = arith.constant 4608 : i32
      %add3A_651 = arith.addi %add3A_650, %mul3A_649 : i32
      %add3A_652 = arith.constant 16 : i32
      %add3A_653 = arith.addi %add3A_651, %add3A_652 : i32
      %get3A_654 = arith.index_cast %add3A_653 : i32 to index
      %get3A_655 = tpu.vector_load %arg7[%get3A_654] {strides = array<i32>} : memref<13312xf32, #tpu.memory_space<vmem>>, vector<16xf32>,
      %get3A_656 = vector.shape_cast %get3A_655 : vector<16xf32> to vector<16xf32>
      %add3A_657 = arith.addf %get3A_647, %get3A_656 : vector<16xf32>
      %swap3A_658 = arith.index_cast %add3A_644 : i32 to index
      %swap3A_659 = tpu.vector_load %arg9[%swap3A_658] {strides = array<i32>} : memref<512xf32, #tpu.memory_space<vmem>>, vector<16xf32>,
      %swap3A_660 = vector.shape_cast %swap3A_659 : vector<16xf32> to vector<16xf32>
      %swap3A_661 = vector.shape_cast %add3A_657 : vector<16xf32> to vector<16xf32>
      tpu.vector_store %arg9[%swap3A_658], %swap3A_661 {strides = array<i32>} : memref<512xf32, #tpu.memory_space<vmem>>, vector<16xf32>,
      %mul3A_662 = arith.constant 64 : i32
      %mul3A_663 = arith.muli %scan3A_620, %mul3A_662 : i32
      %add3A_664 = arith.constant 32 : i32
      %add3A_665 = arith.addi %mul3A_663, %add3A_664 : i32
      %get3A_666 = arith.index_cast %add3A_665 : i32 to index
      %get3A_667 = tpu.vector_load %arg9[%get3A_666] {strides = array<i32>} : memref<512xf32, #tpu.memory_space<vmem>>, vector<16xf32>,
      %get3A_668 = vector.shape_cast %get3A_667 : vector<16xf32> to vector<16xf32>
      %mul3A_669 = arith.constant 64 : i32
      %mul3A_670 = arith.muli %scan3A_620, %mul3A_669 : i32
      %add3A_671 = arith.constant 4608 : i32
      %add3A_672 = arith.addi %add3A_671, %mul3A_670 : i32
      %add3A_673 = arith.constant 32 : i32
      %add3A_674 = arith.addi %add3A_672, %add3A_673 : i32
      %get3A_675 = arith.index_cast %add3A_674 : i32 to index
      %get3A_676 = tpu.vector_load %arg7[%get3A_675] {strides = array<i32>} : memref<13312xf32, #tpu.memory_space<vmem>>, vector<16xf32>,
      %get3A_677 = vector.shape_cast %get3A_676 : vector<16xf32> to vector<16xf32>
      %add3A_678 = arith.addf %get3A_668, %get3A_677 : vector<16xf32>
      %swap3A_679 = arith.index_cast %add3A_665 : i32 to index
      %swap3A_680 = tpu.vector_load %arg9[%swap3A_679] {strides = array<i32>} : memref<512xf32, #tpu.memory_space<vmem>>, vector<16xf32>,
      %swap3A_681 = vector.shape_cast %swap3A_680 : vector<16xf32> to vector<16xf32>
      %swap3A_682 = vector.shape_cast %add3A_678 : vector<16xf32> to vector<16xf32>
      tpu.vector_store %arg9[%swap3A_679], %swap3A_682 {strides = array<i32>} : memref<512xf32, #tpu.memory_space<vmem>>, vector<16xf32>,
      %mul3A_683 = arith.constant 64 : i32
      %mul3A_684 = arith.muli %scan3A_620, %mul3A_683 : i32
      %add3A_685 = arith.constant 48 : i32
      %add3A_686 = arith.addi %mul3A_684, %add3A_685 : i32
      %get3A_687 = arith.index_cast %add3A_686 : i32 to index
      %get3A_688 = tpu.vector_load %arg9[%get3A_687] {strides = array<i32>} : memref<512xf32, #tpu.memory_space<vmem>>, vector<16xf32>,
      %get3A_689 = vector.shape_cast %get3A_688 : vector<16xf32> to vector<16xf32>
      %mul3A_690 = arith.constant 64 : i32
      %mul3A_691 = arith.muli %scan3A_620, %mul3A_690 : i32
      %add3A_692 = arith.constant 4608 : i32
      %add3A_693 = arith.addi %add3A_692, %mul3A_691 : i32
      %add3A_694 = arith.constant 48 : i32
      %add3A_695 = arith.addi %add3A_693, %add3A_694 : i32
      %get3A_696 = arith.index_cast %add3A_695 : i32 to index
      %get3A_697 = tpu.vector_load %arg7[%get3A_696] {strides = array<i32>} : memref<13312xf32, #tpu.memory_space<vmem>>, vector<16xf32>,
      %get3A_698 = vector.shape_cast %get3A_697 : vector<16xf32> to vector<16xf32>
      %add3A_699 = arith.addf %get3A_689, %get3A_698 : vector<16xf32>
      %swap3A_700 = arith.index_cast %add3A_686 : i32 to index
      %swap3A_701 = tpu.vector_load %arg9[%swap3A_700] {strides = array<i32>} : memref<512xf32, #tpu.memory_space<vmem>>, vector<16xf32>,
      %swap3A_702 = vector.shape_cast %swap3A_701 : vector<16xf32> to vector<16xf32>
      %swap3A_703 = vector.shape_cast %add3A_699 : vector<16xf32> to vector<16xf32>
      tpu.vector_store %arg9[%swap3A_700], %swap3A_703 {strides = array<i32>} : memref<512xf32, #tpu.memory_space<vmem>>, vector<16xf32>,
    }
    %scan3A_393 = arith.constant 8 : i32
    %dma_wait3A_394 = arith.constant 5120 : i32
    %dma_wait3A_395 = tpu.memref_slice %arg7[%dma_wait3A_394] : memref<13312xf32, #tpu.memory_space<vmem>> -> memref<512xf32, #tpu.memory_space<vmem>>
    %dma_wait3A_396 = arith.constant 5120 : i32
    %dma_wait3A_397 = tpu.memref_slice %arg6[%dma_wait3A_396] : memref<13312xi32, #tpu.memory_space<vmem>> -> memref<512xi32, #tpu.memory_space<vmem>>
    %dma_wait3A_398 = arith.constant 1000000 : i32
    %dma_wait3A_399 = tpu.memref_slice %arg3[%dma_wait3A_398] : memref<2600000xf32, #tpu.memory_space<hbm>> -> memref<100000xf32, #tpu.memory_space<hbm>>
    %dma_wait3A_400 = arith.constant 0 : i32
    %dma_wait3A_401 = tpu.memref_slice %dma_wait3A_399[%dma_wait3A_400] : memref<100000xf32, #tpu.memory_space<hbm>> -> memref<100000xf32, #tpu.memory_space<hbm>>
    tpu.wait_indirect_dma semaphore(%arg23 : memref<!tpu.dma_semaphore, #tpu.memory_space<semaphore_mem>>) src(%dma_wait3A_401 : memref<100000xf32, #tpu.memory_space<hbm>>) dst(%dma_wait3A_395 : memref<512xf32, #tpu.memory_space<vmem>>)
    %scan3A_402 = arith.constant 0 : i32
    %scan3A_403 = arith.constant 0 : i32
    %scan3A_404 = arith.constant 8 : i32
    %scan3A_405 = arith.addi %scan3A_403, %scan3A_404 : i32
    %scan3A_406 = arith.constant 1 : i32
    scf.for %scan3A_620 = %scan3A_403 to %scan3A_405 step %scan3A_406  : i32 {
      %mul3A_621 = arith.constant 64 : i32
      %mul3A_622 = arith.muli %scan3A_620, %mul3A_621 : i32
      %add3A_623 = arith.constant 0 : i32
      %add3A_624 = arith.addi %mul3A_622, %add3A_623 : i32
      %get3A_625 = arith.index_cast %add3A_624 : i32 to index
      %get3A_626 = tpu.vector_load %arg9[%get3A_625] {strides = array<i32>} : memref<512xf32, #tpu.memory_space<vmem>>, vector<16xf32>,
      %get3A_627 = vector.shape_cast %get3A_626 : vector<16xf32> to vector<16xf32>
      %mul3A_628 = arith.constant 64 : i32
      %mul3A_629 = arith.muli %scan3A_620, %mul3A_628 : i32
      %add3A_630 = arith.constant 5120 : i32
      %add3A_631 = arith.addi %add3A_630, %mul3A_629 : i32
      %add3A_632 = arith.constant 0 : i32
      %add3A_633 = arith.addi %add3A_631, %add3A_632 : i32
      %get3A_634 = arith.index_cast %add3A_633 : i32 to index
      %get3A_635 = tpu.vector_load %arg7[%get3A_634] {strides = array<i32>} : memref<13312xf32, #tpu.memory_space<vmem>>, vector<16xf32>,
      %get3A_636 = vector.shape_cast %get3A_635 : vector<16xf32> to vector<16xf32>
      %add3A_637 = arith.addf %get3A_627, %get3A_636 : vector<16xf32>
      %swap3A = arith.index_cast %add3A_624 : i32 to index
      %swap3A_638 = tpu.vector_load %arg9[%swap3A] {strides = array<i32>} : memref<512xf32, #tpu.memory_space<vmem>>, vector<16xf32>,
      %swap3A_639 = vector.shape_cast %swap3A_638 : vector<16xf32> to vector<16xf32>
      %swap3A_640 = vector.shape_cast %add3A_637 : vector<16xf32> to vector<16xf32>
      tpu.vector_store %arg9[%swap3A], %swap3A_640 {strides = array<i32>} : memref<512xf32, #tpu.memory_space<vmem>>, vector<16xf32>,
      %mul3A_641 = arith.constant 64 : i32
      %mul3A_642 = arith.muli %scan3A_620, %mul3A_641 : i32
      %add3A_643 = arith.constant 16 : i32
      %add3A_644 = arith.addi %mul3A_642, %add3A_643 : i32
      %get3A_645 = arith.index_cast %add3A_644 : i32 to index
      %get3A_646 = tpu.vector_load %arg9[%get3A_645] {strides = array<i32>} : memref<512xf32, #tpu.memory_space<vmem>>, vector<16xf32>,
      %get3A_647 = vector.shape_cast %get3A_646 : vector<16xf32> to vector<16xf32>
      %mul3A_648 = arith.constant 64 : i32
      %mul3A_649 = arith.muli %scan3A_620, %mul3A_648 : i32
      %add3A_650 = arith.constant 5120 : i32
      %add3A_651 = arith.addi %add3A_650, %mul3A_649 : i32
      %add3A_652 = arith.constant 16 : i32
      %add3A_653 = arith.addi %add3A_651, %add3A_652 : i32
      %get3A_654 = arith.index_cast %add3A_653 : i32 to index
      %get3A_655 = tpu.vector_load %arg7[%get3A_654] {strides = array<i32>} : memref<13312xf32, #tpu.memory_space<vmem>>, vector<16xf32>,
      %get3A_656 = vector.shape_cast %get3A_655 : vector<16xf32> to vector<16xf32>
      %add3A_657 = arith.addf %get3A_647, %get3A_656 : vector<16xf32>
      %swap3A_658 = arith.index_cast %add3A_644 : i32 to index
      %swap3A_659 = tpu.vector_load %arg9[%swap3A_658] {strides = array<i32>} : memref<512xf32, #tpu.memory_space<vmem>>, vector<16xf32>,
      %swap3A_660 = vector.shape_cast %swap3A_659 : vector<16xf32> to vector<16xf32>
      %swap3A_661 = vector.shape_cast %add3A_657 : vector<16xf32> to vector<16xf32>
      tpu.vector_store %arg9[%swap3A_658], %swap3A_661 {strides = array<i32>} : memref<512xf32, #tpu.memory_space<vmem>>, vector<16xf32>,
      %mul3A_662 = arith.constant 64 : i32
      %mul3A_663 = arith.muli %scan3A_620, %mul3A_662 : i32
      %add3A_664 = arith.constant 32 : i32
      %add3A_665 = arith.addi %mul3A_663, %add3A_664 : i32
      %get3A_666 = arith.index_cast %add3A_665 : i32 to index
      %get3A_667 = tpu.vector_load %arg9[%get3A_666] {strides = array<i32>} : memref<512xf32, #tpu.memory_space<vmem>>, vector<16xf32>,
      %get3A_668 = vector.shape_cast %get3A_667 : vector<16xf32> to vector<16xf32>
      %mul3A_669 = arith.constant 64 : i32
      %mul3A_670 = arith.muli %scan3A_620, %mul3A_669 : i32
      %add3A_671 = arith.constant 5120 : i32
      %add3A_672 = arith.addi %add3A_671, %mul3A_670 : i32
      %add3A_673 = arith.constant 32 : i32
      %add3A_674 = arith.addi %add3A_672, %add3A_673 : i32
      %get3A_675 = arith.index_cast %add3A_674 : i32 to index
      %get3A_676 = tpu.vector_load %arg7[%get3A_675] {strides = array<i32>} : memref<13312xf32, #tpu.memory_space<vmem>>, vector<16xf32>,
      %get3A_677 = vector.shape_cast %get3A_676 : vector<16xf32> to vector<16xf32>
      %add3A_678 = arith.addf %get3A_668, %get3A_677 : vector<16xf32>
      %swap3A_679 = arith.index_cast %add3A_665 : i32 to index
      %swap3A_680 = tpu.vector_load %arg9[%swap3A_679] {strides = array<i32>} : memref<512xf32, #tpu.memory_space<vmem>>, vector<16xf32>,
      %swap3A_681 = vector.shape_cast %swap3A_680 : vector<16xf32> to vector<16xf32>
      %swap3A_682 = vector.shape_cast %add3A_678 : vector<16xf32> to vector<16xf32>
      tpu.vector_store %arg9[%swap3A_679], %swap3A_682 {strides = array<i32>} : memref<512xf32, #tpu.memory_space<vmem>>, vector<16xf32>,
      %mul3A_683 = arith.constant 64 : i32
      %mul3A_684 = arith.muli %scan3A_620, %mul3A_683 : i32
      %add3A_685 = arith.constant 48 : i32
      %add3A_686 = arith.addi %mul3A_684, %add3A_685 : i32
      %get3A_687 = arith.index_cast %add3A_686 : i32 to index
      %get3A_688 = tpu.vector_load %arg9[%get3A_687] {strides = array<i32>} : memref<512xf32, #tpu.memory_space<vmem>>, vector<16xf32>,
      %get3A_689 = vector.shape_cast %get3A_688 : vector<16xf32> to vector<16xf32>
      %mul3A_690 = arith.constant 64 : i32
      %mul3A_691 = arith.muli %scan3A_620, %mul3A_690 : i32
      %add3A_692 = arith.constant 5120 : i32
      %add3A_693 = arith.addi %add3A_692, %mul3A_691 : i32
      %add3A_694 = arith.constant 48 : i32
      %add3A_695 = arith.addi %add3A_693, %add3A_694 : i32
      %get3A_696 = arith.index_cast %add3A_695 : i32 to index
      %get3A_697 = tpu.vector_load %arg7[%get3A_696] {strides = array<i32>} : memref<13312xf32, #tpu.memory_space<vmem>>, vector<16xf32>,
      %get3A_698 = vector.shape_cast %get3A_697 : vector<16xf32> to vector<16xf32>
      %add3A_699 = arith.addf %get3A_689, %get3A_698 : vector<16xf32>
      %swap3A_700 = arith.index_cast %add3A_686 : i32 to index
      %swap3A_701 = tpu.vector_load %arg9[%swap3A_700] {strides = array<i32>} : memref<512xf32, #tpu.memory_space<vmem>>, vector<16xf32>,
      %swap3A_702 = vector.shape_cast %swap3A_701 : vector<16xf32> to vector<16xf32>
      %swap3A_703 = vector.shape_cast %add3A_699 : vector<16xf32> to vector<16xf32>
      tpu.vector_store %arg9[%swap3A_700], %swap3A_703 {strides = array<i32>} : memref<512xf32, #tpu.memory_space<vmem>>, vector<16xf32>,
    }
    %scan3A_407 = arith.constant 8 : i32
    %dma_wait3A_408 = arith.constant 5632 : i32
    %dma_wait3A_409 = tpu.memref_slice %arg7[%dma_wait3A_408] : memref<13312xf32, #tpu.memory_space<vmem>> -> memref<512xf32, #tpu.memory_space<vmem>>
    %dma_wait3A_410 = arith.constant 5632 : i32
    %dma_wait3A_411 = tpu.memref_slice %arg6[%dma_wait3A_410] : memref<13312xi32, #tpu.memory_space<vmem>> -> memref<512xi32, #tpu.memory_space<vmem>>
    %dma_wait3A_412 = arith.constant 1100000 : i32
    %dma_wait3A_413 = tpu.memref_slice %arg3[%dma_wait3A_412] : memref<2600000xf32, #tpu.memory_space<hbm>> -> memref<100000xf32, #tpu.memory_space<hbm>>
    %dma_wait3A_414 = arith.constant 0 : i32
    %dma_wait3A_415 = tpu.memref_slice %dma_wait3A_413[%dma_wait3A_414] : memref<100000xf32, #tpu.memory_space<hbm>> -> memref<100000xf32, #tpu.memory_space<hbm>>
    tpu.wait_indirect_dma semaphore(%arg24 : memref<!tpu.dma_semaphore, #tpu.memory_space<semaphore_mem>>) src(%dma_wait3A_415 : memref<100000xf32, #tpu.memory_space<hbm>>) dst(%dma_wait3A_409 : memref<512xf32, #tpu.memory_space<vmem>>)
    %scan3A_416 = arith.constant 0 : i32
    %scan3A_417 = arith.constant 0 : i32
    %scan3A_418 = arith.constant 8 : i32
    %scan3A_419 = arith.addi %scan3A_417, %scan3A_418 : i32
    %scan3A_420 = arith.constant 1 : i32
    scf.for %scan3A_620 = %scan3A_417 to %scan3A_419 step %scan3A_420  : i32 {
      %mul3A_621 = arith.constant 64 : i32
      %mul3A_622 = arith.muli %scan3A_620, %mul3A_621 : i32
      %add3A_623 = arith.constant 0 : i32
      %add3A_624 = arith.addi %mul3A_622, %add3A_623 : i32
      %get3A_625 = arith.index_cast %add3A_624 : i32 to index
      %get3A_626 = tpu.vector_load %arg9[%get3A_625] {strides = array<i32>} : memref<512xf32, #tpu.memory_space<vmem>>, vector<16xf32>,
      %get3A_627 = vector.shape_cast %get3A_626 : vector<16xf32> to vector<16xf32>
      %mul3A_628 = arith.constant 64 : i32
      %mul3A_629 = arith.muli %scan3A_620, %mul3A_628 : i32
      %add3A_630 = arith.constant 5632 : i32
      %add3A_631 = arith.addi %add3A_630, %mul3A_629 : i32
      %add3A_632 = arith.constant 0 : i32
      %add3A_633 = arith.addi %add3A_631, %add3A_632 : i32
      %get3A_634 = arith.index_cast %add3A_633 : i32 to index
      %get3A_635 = tpu.vector_load %arg7[%get3A_634] {strides = array<i32>} : memref<13312xf32, #tpu.memory_space<vmem>>, vector<16xf32>,
      %get3A_636 = vector.shape_cast %get3A_635 : vector<16xf32> to vector<16xf32>
      %add3A_637 = arith.addf %get3A_627, %get3A_636 : vector<16xf32>
      %swap3A = arith.index_cast %add3A_624 : i32 to index
      %swap3A_638 = tpu.vector_load %arg9[%swap3A] {strides = array<i32>} : memref<512xf32, #tpu.memory_space<vmem>>, vector<16xf32>,
      %swap3A_639 = vector.shape_cast %swap3A_638 : vector<16xf32> to vector<16xf32>
      %swap3A_640 = vector.shape_cast %add3A_637 : vector<16xf32> to vector<16xf32>
      tpu.vector_store %arg9[%swap3A], %swap3A_640 {strides = array<i32>} : memref<512xf32, #tpu.memory_space<vmem>>, vector<16xf32>,
      %mul3A_641 = arith.constant 64 : i32
      %mul3A_642 = arith.muli %scan3A_620, %mul3A_641 : i32
      %add3A_643 = arith.constant 16 : i32
      %add3A_644 = arith.addi %mul3A_642, %add3A_643 : i32
      %get3A_645 = arith.index_cast %add3A_644 : i32 to index
      %get3A_646 = tpu.vector_load %arg9[%get3A_645] {strides = array<i32>} : memref<512xf32, #tpu.memory_space<vmem>>, vector<16xf32>,
      %get3A_647 = vector.shape_cast %get3A_646 : vector<16xf32> to vector<16xf32>
      %mul3A_648 = arith.constant 64 : i32
      %mul3A_649 = arith.muli %scan3A_620, %mul3A_648 : i32
      %add3A_650 = arith.constant 5632 : i32
      %add3A_651 = arith.addi %add3A_650, %mul3A_649 : i32
      %add3A_652 = arith.constant 16 : i32
      %add3A_653 = arith.addi %add3A_651, %add3A_652 : i32
      %get3A_654 = arith.index_cast %add3A_653 : i32 to index
      %get3A_655 = tpu.vector_load %arg7[%get3A_654] {strides = array<i32>} : memref<13312xf32, #tpu.memory_space<vmem>>, vector<16xf32>,
      %get3A_656 = vector.shape_cast %get3A_655 : vector<16xf32> to vector<16xf32>
      %add3A_657 = arith.addf %get3A_647, %get3A_656 : vector<16xf32>
      %swap3A_658 = arith.index_cast %add3A_644 : i32 to index
      %swap3A_659 = tpu.vector_load %arg9[%swap3A_658] {strides = array<i32>} : memref<512xf32, #tpu.memory_space<vmem>>, vector<16xf32>,
      %swap3A_660 = vector.shape_cast %swap3A_659 : vector<16xf32> to vector<16xf32>
      %swap3A_661 = vector.shape_cast %add3A_657 : vector<16xf32> to vector<16xf32>
      tpu.vector_store %arg9[%swap3A_658], %swap3A_661 {strides = array<i32>} : memref<512xf32, #tpu.memory_space<vmem>>, vector<16xf32>,
      %mul3A_662 = arith.constant 64 : i32
      %mul3A_663 = arith.muli %scan3A_620, %mul3A_662 : i32
      %add3A_664 = arith.constant 32 : i32
      %add3A_665 = arith.addi %mul3A_663, %add3A_664 : i32
      %get3A_666 = arith.index_cast %add3A_665 : i32 to index
      %get3A_667 = tpu.vector_load %arg9[%get3A_666] {strides = array<i32>} : memref<512xf32, #tpu.memory_space<vmem>>, vector<16xf32>,
      %get3A_668 = vector.shape_cast %get3A_667 : vector<16xf32> to vector<16xf32>
      %mul3A_669 = arith.constant 64 : i32
      %mul3A_670 = arith.muli %scan3A_620, %mul3A_669 : i32
      %add3A_671 = arith.constant 5632 : i32
      %add3A_672 = arith.addi %add3A_671, %mul3A_670 : i32
      %add3A_673 = arith.constant 32 : i32
      %add3A_674 = arith.addi %add3A_672, %add3A_673 : i32
      %get3A_675 = arith.index_cast %add3A_674 : i32 to index
      %get3A_676 = tpu.vector_load %arg7[%get3A_675] {strides = array<i32>} : memref<13312xf32, #tpu.memory_space<vmem>>, vector<16xf32>,
      %get3A_677 = vector.shape_cast %get3A_676 : vector<16xf32> to vector<16xf32>
      %add3A_678 = arith.addf %get3A_668, %get3A_677 : vector<16xf32>
      %swap3A_679 = arith.index_cast %add3A_665 : i32 to index
      %swap3A_680 = tpu.vector_load %arg9[%swap3A_679] {strides = array<i32>} : memref<512xf32, #tpu.memory_space<vmem>>, vector<16xf32>,
      %swap3A_681 = vector.shape_cast %swap3A_680 : vector<16xf32> to vector<16xf32>
      %swap3A_682 = vector.shape_cast %add3A_678 : vector<16xf32> to vector<16xf32>
      tpu.vector_store %arg9[%swap3A_679], %swap3A_682 {strides = array<i32>} : memref<512xf32, #tpu.memory_space<vmem>>, vector<16xf32>,
      %mul3A_683 = arith.constant 64 : i32
      %mul3A_684 = arith.muli %scan3A_620, %mul3A_683 : i32
      %add3A_685 = arith.constant 48 : i32
      %add3A_686 = arith.addi %mul3A_684, %add3A_685 : i32
      %get3A_687 = arith.index_cast %add3A_686 : i32 to index
      %get3A_688 = tpu.vector_load %arg9[%get3A_687] {strides = array<i32>} : memref<512xf32, #tpu.memory_space<vmem>>, vector<16xf32>,
      %get3A_689 = vector.shape_cast %get3A_688 : vector<16xf32> to vector<16xf32>
      %mul3A_690 = arith.constant 64 : i32
      %mul3A_691 = arith.muli %scan3A_620, %mul3A_690 : i32
      %add3A_692 = arith.constant 5632 : i32
      %add3A_693 = arith.addi %add3A_692, %mul3A_691 : i32
      %add3A_694 = arith.constant 48 : i32
      %add3A_695 = arith.addi %add3A_693, %add3A_694 : i32
      %get3A_696 = arith.index_cast %add3A_695 : i32 to index
      %get3A_697 = tpu.vector_load %arg7[%get3A_696] {strides = array<i32>} : memref<13312xf32, #tpu.memory_space<vmem>>, vector<16xf32>,
      %get3A_698 = vector.shape_cast %get3A_697 : vector<16xf32> to vector<16xf32>
      %add3A_699 = arith.addf %get3A_689, %get3A_698 : vector<16xf32>
      %swap3A_700 = arith.index_cast %add3A_686 : i32 to index
      %swap3A_701 = tpu.vector_load %arg9[%swap3A_700] {strides = array<i32>} : memref<512xf32, #tpu.memory_space<vmem>>, vector<16xf32>,
      %swap3A_702 = vector.shape_cast %swap3A_701 : vector<16xf32> to vector<16xf32>
      %swap3A_703 = vector.shape_cast %add3A_699 : vector<16xf32> to vector<16xf32>
      tpu.vector_store %arg9[%swap3A_700], %swap3A_703 {strides = array<i32>} : memref<512xf32, #tpu.memory_space<vmem>>, vector<16xf32>,
    }
    %scan3A_421 = arith.constant 8 : i32
    %dma_wait3A_422 = arith.constant 6144 : i32
    %dma_wait3A_423 = tpu.memref_slice %arg7[%dma_wait3A_422] : memref<13312xf32, #tpu.memory_space<vmem>> -> memref<512xf32, #tpu.memory_space<vmem>>
    %dma_wait3A_424 = arith.constant 6144 : i32
    %dma_wait3A_425 = tpu.memref_slice %arg6[%dma_wait3A_424] : memref<13312xi32, #tpu.memory_space<vmem>> -> memref<512xi32, #tpu.memory_space<vmem>>
    %dma_wait3A_426 = arith.constant 1200000 : i32
    %dma_wait3A_427 = tpu.memref_slice %arg3[%dma_wait3A_426] : memref<2600000xf32, #tpu.memory_space<hbm>> -> memref<100000xf32, #tpu.memory_space<hbm>>
    %dma_wait3A_428 = arith.constant 0 : i32
    %dma_wait3A_429 = tpu.memref_slice %dma_wait3A_427[%dma_wait3A_428] : memref<100000xf32, #tpu.memory_space<hbm>> -> memref<100000xf32, #tpu.memory_space<hbm>>
    tpu.wait_indirect_dma semaphore(%arg25 : memref<!tpu.dma_semaphore, #tpu.memory_space<semaphore_mem>>) src(%dma_wait3A_429 : memref<100000xf32, #tpu.memory_space<hbm>>) dst(%dma_wait3A_423 : memref<512xf32, #tpu.memory_space<vmem>>)
    %scan3A_430 = arith.constant 0 : i32
    %scan3A_431 = arith.constant 0 : i32
    %scan3A_432 = arith.constant 8 : i32
    %scan3A_433 = arith.addi %scan3A_431, %scan3A_432 : i32
    %scan3A_434 = arith.constant 1 : i32
    scf.for %scan3A_620 = %scan3A_431 to %scan3A_433 step %scan3A_434  : i32 {
      %mul3A_621 = arith.constant 64 : i32
      %mul3A_622 = arith.muli %scan3A_620, %mul3A_621 : i32
      %add3A_623 = arith.constant 0 : i32
      %add3A_624 = arith.addi %mul3A_622, %add3A_623 : i32
      %get3A_625 = arith.index_cast %add3A_624 : i32 to index
      %get3A_626 = tpu.vector_load %arg9[%get3A_625] {strides = array<i32>} : memref<512xf32, #tpu.memory_space<vmem>>, vector<16xf32>,
      %get3A_627 = vector.shape_cast %get3A_626 : vector<16xf32> to vector<16xf32>
      %mul3A_628 = arith.constant 64 : i32
      %mul3A_629 = arith.muli %scan3A_620, %mul3A_628 : i32
      %add3A_630 = arith.constant 6144 : i32
      %add3A_631 = arith.addi %add3A_630, %mul3A_629 : i32
      %add3A_632 = arith.constant 0 : i32
      %add3A_633 = arith.addi %add3A_631, %add3A_632 : i32
      %get3A_634 = arith.index_cast %add3A_633 : i32 to index
      %get3A_635 = tpu.vector_load %arg7[%get3A_634] {strides = array<i32>} : memref<13312xf32, #tpu.memory_space<vmem>>, vector<16xf32>,
      %get3A_636 = vector.shape_cast %get3A_635 : vector<16xf32> to vector<16xf32>
      %add3A_637 = arith.addf %get3A_627, %get3A_636 : vector<16xf32>
      %swap3A = arith.index_cast %add3A_624 : i32 to index
      %swap3A_638 = tpu.vector_load %arg9[%swap3A] {strides = array<i32>} : memref<512xf32, #tpu.memory_space<vmem>>, vector<16xf32>,
      %swap3A_639 = vector.shape_cast %swap3A_638 : vector<16xf32> to vector<16xf32>
      %swap3A_640 = vector.shape_cast %add3A_637 : vector<16xf32> to vector<16xf32>
      tpu.vector_store %arg9[%swap3A], %swap3A_640 {strides = array<i32>} : memref<512xf32, #tpu.memory_space<vmem>>, vector<16xf32>,
      %mul3A_641 = arith.constant 64 : i32
      %mul3A_642 = arith.muli %scan3A_620, %mul3A_641 : i32
      %add3A_643 = arith.constant 16 : i32
      %add3A_644 = arith.addi %mul3A_642, %add3A_643 : i32
      %get3A_645 = arith.index_cast %add3A_644 : i32 to index
      %get3A_646 = tpu.vector_load %arg9[%get3A_645] {strides = array<i32>} : memref<512xf32, #tpu.memory_space<vmem>>, vector<16xf32>,
      %get3A_647 = vector.shape_cast %get3A_646 : vector<16xf32> to vector<16xf32>
      %mul3A_648 = arith.constant 64 : i32
      %mul3A_649 = arith.muli %scan3A_620, %mul3A_648 : i32
      %add3A_650 = arith.constant 6144 : i32
      %add3A_651 = arith.addi %add3A_650, %mul3A_649 : i32
      %add3A_652 = arith.constant 16 : i32
      %add3A_653 = arith.addi %add3A_651, %add3A_652 : i32
      %get3A_654 = arith.index_cast %add3A_653 : i32 to index
      %get3A_655 = tpu.vector_load %arg7[%get3A_654] {strides = array<i32>} : memref<13312xf32, #tpu.memory_space<vmem>>, vector<16xf32>,
      %get3A_656 = vector.shape_cast %get3A_655 : vector<16xf32> to vector<16xf32>
      %add3A_657 = arith.addf %get3A_647, %get3A_656 : vector<16xf32>
      %swap3A_658 = arith.index_cast %add3A_644 : i32 to index
      %swap3A_659 = tpu.vector_load %arg9[%swap3A_658] {strides = array<i32>} : memref<512xf32, #tpu.memory_space<vmem>>, vector<16xf32>,
      %swap3A_660 = vector.shape_cast %swap3A_659 : vector<16xf32> to vector<16xf32>
      %swap3A_661 = vector.shape_cast %add3A_657 : vector<16xf32> to vector<16xf32>
      tpu.vector_store %arg9[%swap3A_658], %swap3A_661 {strides = array<i32>} : memref<512xf32, #tpu.memory_space<vmem>>, vector<16xf32>,
      %mul3A_662 = arith.constant 64 : i32
      %mul3A_663 = arith.muli %scan3A_620, %mul3A_662 : i32
      %add3A_664 = arith.constant 32 : i32
      %add3A_665 = arith.addi %mul3A_663, %add3A_664 : i32
      %get3A_666 = arith.index_cast %add3A_665 : i32 to index
      %get3A_667 = tpu.vector_load %arg9[%get3A_666] {strides = array<i32>} : memref<512xf32, #tpu.memory_space<vmem>>, vector<16xf32>,
      %get3A_668 = vector.shape_cast %get3A_667 : vector<16xf32> to vector<16xf32>
      %mul3A_669 = arith.constant 64 : i32
      %mul3A_670 = arith.muli %scan3A_620, %mul3A_669 : i32
      %add3A_671 = arith.constant 6144 : i32
      %add3A_672 = arith.addi %add3A_671, %mul3A_670 : i32
      %add3A_673 = arith.constant 32 : i32
      %add3A_674 = arith.addi %add3A_672, %add3A_673 : i32
      %get3A_675 = arith.index_cast %add3A_674 : i32 to index
      %get3A_676 = tpu.vector_load %arg7[%get3A_675] {strides = array<i32>} : memref<13312xf32, #tpu.memory_space<vmem>>, vector<16xf32>,
      %get3A_677 = vector.shape_cast %get3A_676 : vector<16xf32> to vector<16xf32>
      %add3A_678 = arith.addf %get3A_668, %get3A_677 : vector<16xf32>
      %swap3A_679 = arith.index_cast %add3A_665 : i32 to index
      %swap3A_680 = tpu.vector_load %arg9[%swap3A_679] {strides = array<i32>} : memref<512xf32, #tpu.memory_space<vmem>>, vector<16xf32>,
      %swap3A_681 = vector.shape_cast %swap3A_680 : vector<16xf32> to vector<16xf32>
      %swap3A_682 = vector.shape_cast %add3A_678 : vector<16xf32> to vector<16xf32>
      tpu.vector_store %arg9[%swap3A_679], %swap3A_682 {strides = array<i32>} : memref<512xf32, #tpu.memory_space<vmem>>, vector<16xf32>,
      %mul3A_683 = arith.constant 64 : i32
      %mul3A_684 = arith.muli %scan3A_620, %mul3A_683 : i32
      %add3A_685 = arith.constant 48 : i32
      %add3A_686 = arith.addi %mul3A_684, %add3A_685 : i32
      %get3A_687 = arith.index_cast %add3A_686 : i32 to index
      %get3A_688 = tpu.vector_load %arg9[%get3A_687] {strides = array<i32>} : memref<512xf32, #tpu.memory_space<vmem>>, vector<16xf32>,
      %get3A_689 = vector.shape_cast %get3A_688 : vector<16xf32> to vector<16xf32>
      %mul3A_690 = arith.constant 64 : i32
      %mul3A_691 = arith.muli %scan3A_620, %mul3A_690 : i32
      %add3A_692 = arith.constant 6144 : i32
      %add3A_693 = arith.addi %add3A_692, %mul3A_691 : i32
      %add3A_694 = arith.constant 48 : i32
      %add3A_695 = arith.addi %add3A_693, %add3A_694 : i32
      %get3A_696 = arith.index_cast %add3A_695 : i32 to index
      %get3A_697 = tpu.vector_load %arg7[%get3A_696] {strides = array<i32>} : memref<13312xf32, #tpu.memory_space<vmem>>, vector<16xf32>,
      %get3A_698 = vector.shape_cast %get3A_697 : vector<16xf32> to vector<16xf32>
      %add3A_699 = arith.addf %get3A_689, %get3A_698 : vector<16xf32>
      %swap3A_700 = arith.index_cast %add3A_686 : i32 to index
      %swap3A_701 = tpu.vector_load %arg9[%swap3A_700] {strides = array<i32>} : memref<512xf32, #tpu.memory_space<vmem>>, vector<16xf32>,
      %swap3A_702 = vector.shape_cast %swap3A_701 : vector<16xf32> to vector<16xf32>
      %swap3A_703 = vector.shape_cast %add3A_699 : vector<16xf32> to vector<16xf32>
      tpu.vector_store %arg9[%swap3A_700], %swap3A_703 {strides = array<i32>} : memref<512xf32, #tpu.memory_space<vmem>>, vector<16xf32>,
    }
    %scan3A_435 = arith.constant 8 : i32
    %dma_wait3A_436 = arith.constant 6656 : i32
    %dma_wait3A_437 = tpu.memref_slice %arg7[%dma_wait3A_436] : memref<13312xf32, #tpu.memory_space<vmem>> -> memref<512xf32, #tpu.memory_space<vmem>>
    %dma_wait3A_438 = arith.constant 6656 : i32
    %dma_wait3A_439 = tpu.memref_slice %arg6[%dma_wait3A_438] : memref<13312xi32, #tpu.memory_space<vmem>> -> memref<512xi32, #tpu.memory_space<vmem>>
    %dma_wait3A_440 = arith.constant 1300000 : i32
    %dma_wait3A_441 = tpu.memref_slice %arg3[%dma_wait3A_440] : memref<2600000xf32, #tpu.memory_space<hbm>> -> memref<100000xf32, #tpu.memory_space<hbm>>
    %dma_wait3A_442 = arith.constant 0 : i32
    %dma_wait3A_443 = tpu.memref_slice %dma_wait3A_441[%dma_wait3A_442] : memref<100000xf32, #tpu.memory_space<hbm>> -> memref<100000xf32, #tpu.memory_space<hbm>>
    tpu.wait_indirect_dma semaphore(%arg26 : memref<!tpu.dma_semaphore, #tpu.memory_space<semaphore_mem>>) src(%dma_wait3A_443 : memref<100000xf32, #tpu.memory_space<hbm>>) dst(%dma_wait3A_437 : memref<512xf32, #tpu.memory_space<vmem>>)
    %scan3A_444 = arith.constant 0 : i32
    %scan3A_445 = arith.constant 0 : i32
    %scan3A_446 = arith.constant 8 : i32
    %scan3A_447 = arith.addi %scan3A_445, %scan3A_446 : i32
    %scan3A_448 = arith.constant 1 : i32
    scf.for %scan3A_620 = %scan3A_445 to %scan3A_447 step %scan3A_448  : i32 {
      %mul3A_621 = arith.constant 64 : i32
      %mul3A_622 = arith.muli %scan3A_620, %mul3A_621 : i32
      %add3A_623 = arith.constant 0 : i32
      %add3A_624 = arith.addi %mul3A_622, %add3A_623 : i32
      %get3A_625 = arith.index_cast %add3A_624 : i32 to index
      %get3A_626 = tpu.vector_load %arg9[%get3A_625] {strides = array<i32>} : memref<512xf32, #tpu.memory_space<vmem>>, vector<16xf32>,
      %get3A_627 = vector.shape_cast %get3A_626 : vector<16xf32> to vector<16xf32>
      %mul3A_628 = arith.constant 64 : i32
      %mul3A_629 = arith.muli %scan3A_620, %mul3A_628 : i32
      %add3A_630 = arith.constant 6656 : i32
      %add3A_631 = arith.addi %add3A_630, %mul3A_629 : i32
      %add3A_632 = arith.constant 0 : i32
      %add3A_633 = arith.addi %add3A_631, %add3A_632 : i32
      %get3A_634 = arith.index_cast %add3A_633 : i32 to index
      %get3A_635 = tpu.vector_load %arg7[%get3A_634] {strides = array<i32>} : memref<13312xf32, #tpu.memory_space<vmem>>, vector<16xf32>,
      %get3A_636 = vector.shape_cast %get3A_635 : vector<16xf32> to vector<16xf32>
      %add3A_637 = arith.addf %get3A_627, %get3A_636 : vector<16xf32>
      %swap3A = arith.index_cast %add3A_624 : i32 to index
      %swap3A_638 = tpu.vector_load %arg9[%swap3A] {strides = array<i32>} : memref<512xf32, #tpu.memory_space<vmem>>, vector<16xf32>,
      %swap3A_639 = vector.shape_cast %swap3A_638 : vector<16xf32> to vector<16xf32>
      %swap3A_640 = vector.shape_cast %add3A_637 : vector<16xf32> to vector<16xf32>
      tpu.vector_store %arg9[%swap3A], %swap3A_640 {strides = array<i32>} : memref<512xf32, #tpu.memory_space<vmem>>, vector<16xf32>,
      %mul3A_641 = arith.constant 64 : i32
      %mul3A_642 = arith.muli %scan3A_620, %mul3A_641 : i32
      %add3A_643 = arith.constant 16 : i32
      %add3A_644 = arith.addi %mul3A_642, %add3A_643 : i32
      %get3A_645 = arith.index_cast %add3A_644 : i32 to index
      %get3A_646 = tpu.vector_load %arg9[%get3A_645] {strides = array<i32>} : memref<512xf32, #tpu.memory_space<vmem>>, vector<16xf32>,
      %get3A_647 = vector.shape_cast %get3A_646 : vector<16xf32> to vector<16xf32>
      %mul3A_648 = arith.constant 64 : i32
      %mul3A_649 = arith.muli %scan3A_620, %mul3A_648 : i32
      %add3A_650 = arith.constant 6656 : i32
      %add3A_651 = arith.addi %add3A_650, %mul3A_649 : i32
      %add3A_652 = arith.constant 16 : i32
      %add3A_653 = arith.addi %add3A_651, %add3A_652 : i32
      %get3A_654 = arith.index_cast %add3A_653 : i32 to index
      %get3A_655 = tpu.vector_load %arg7[%get3A_654] {strides = array<i32>} : memref<13312xf32, #tpu.memory_space<vmem>>, vector<16xf32>,
      %get3A_656 = vector.shape_cast %get3A_655 : vector<16xf32> to vector<16xf32>
      %add3A_657 = arith.addf %get3A_647, %get3A_656 : vector<16xf32>
      %swap3A_658 = arith.index_cast %add3A_644 : i32 to index
      %swap3A_659 = tpu.vector_load %arg9[%swap3A_658] {strides = array<i32>} : memref<512xf32, #tpu.memory_space<vmem>>, vector<16xf32>,
      %swap3A_660 = vector.shape_cast %swap3A_659 : vector<16xf32> to vector<16xf32>
      %swap3A_661 = vector.shape_cast %add3A_657 : vector<16xf32> to vector<16xf32>
      tpu.vector_store %arg9[%swap3A_658], %swap3A_661 {strides = array<i32>} : memref<512xf32, #tpu.memory_space<vmem>>, vector<16xf32>,
      %mul3A_662 = arith.constant 64 : i32
      %mul3A_663 = arith.muli %scan3A_620, %mul3A_662 : i32
      %add3A_664 = arith.constant 32 : i32
      %add3A_665 = arith.addi %mul3A_663, %add3A_664 : i32
      %get3A_666 = arith.index_cast %add3A_665 : i32 to index
      %get3A_667 = tpu.vector_load %arg9[%get3A_666] {strides = array<i32>} : memref<512xf32, #tpu.memory_space<vmem>>, vector<16xf32>,
      %get3A_668 = vector.shape_cast %get3A_667 : vector<16xf32> to vector<16xf32>
      %mul3A_669 = arith.constant 64 : i32
      %mul3A_670 = arith.muli %scan3A_620, %mul3A_669 : i32
      %add3A_671 = arith.constant 6656 : i32
      %add3A_672 = arith.addi %add3A_671, %mul3A_670 : i32
      %add3A_673 = arith.constant 32 : i32
      %add3A_674 = arith.addi %add3A_672, %add3A_673 : i32
      %get3A_675 = arith.index_cast %add3A_674 : i32 to index
      %get3A_676 = tpu.vector_load %arg7[%get3A_675] {strides = array<i32>} : memref<13312xf32, #tpu.memory_space<vmem>>, vector<16xf32>,
      %get3A_677 = vector.shape_cast %get3A_676 : vector<16xf32> to vector<16xf32>
      %add3A_678 = arith.addf %get3A_668, %get3A_677 : vector<16xf32>
      %swap3A_679 = arith.index_cast %add3A_665 : i32 to index
      %swap3A_680 = tpu.vector_load %arg9[%swap3A_679] {strides = array<i32>} : memref<512xf32, #tpu.memory_space<vmem>>, vector<16xf32>,
      %swap3A_681 = vector.shape_cast %swap3A_680 : vector<16xf32> to vector<16xf32>
      %swap3A_682 = vector.shape_cast %add3A_678 : vector<16xf32> to vector<16xf32>
      tpu.vector_store %arg9[%swap3A_679], %swap3A_682 {strides = array<i32>} : memref<512xf32, #tpu.memory_space<vmem>>, vector<16xf32>,
      %mul3A_683 = arith.constant 64 : i32
      %mul3A_684 = arith.muli %scan3A_620, %mul3A_683 : i32
      %add3A_685 = arith.constant 48 : i32
      %add3A_686 = arith.addi %mul3A_684, %add3A_685 : i32
      %get3A_687 = arith.index_cast %add3A_686 : i32 to index
      %get3A_688 = tpu.vector_load %arg9[%get3A_687] {strides = array<i32>} : memref<512xf32, #tpu.memory_space<vmem>>, vector<16xf32>,
      %get3A_689 = vector.shape_cast %get3A_688 : vector<16xf32> to vector<16xf32>
      %mul3A_690 = arith.constant 64 : i32
      %mul3A_691 = arith.muli %scan3A_620, %mul3A_690 : i32
      %add3A_692 = arith.constant 6656 : i32
      %add3A_693 = arith.addi %add3A_692, %mul3A_691 : i32
      %add3A_694 = arith.constant 48 : i32
      %add3A_695 = arith.addi %add3A_693, %add3A_694 : i32
      %get3A_696 = arith.index_cast %add3A_695 : i32 to index
      %get3A_697 = tpu.vector_load %arg7[%get3A_696] {strides = array<i32>} : memref<13312xf32, #tpu.memory_space<vmem>>, vector<16xf32>,
      %get3A_698 = vector.shape_cast %get3A_697 : vector<16xf32> to vector<16xf32>
      %add3A_699 = arith.addf %get3A_689, %get3A_698 : vector<16xf32>
      %swap3A_700 = arith.index_cast %add3A_686 : i32 to index
      %swap3A_701 = tpu.vector_load %arg9[%swap3A_700] {strides = array<i32>} : memref<512xf32, #tpu.memory_space<vmem>>, vector<16xf32>,
      %swap3A_702 = vector.shape_cast %swap3A_701 : vector<16xf32> to vector<16xf32>
      %swap3A_703 = vector.shape_cast %add3A_699 : vector<16xf32> to vector<16xf32>
      tpu.vector_store %arg9[%swap3A_700], %swap3A_703 {strides = array<i32>} : memref<512xf32, #tpu.memory_space<vmem>>, vector<16xf32>,
    }
    %scan3A_449 = arith.constant 8 : i32
    %dma_wait3A_450 = arith.constant 7168 : i32
    %dma_wait3A_451 = tpu.memref_slice %arg7[%dma_wait3A_450] : memref<13312xf32, #tpu.memory_space<vmem>> -> memref<512xf32, #tpu.memory_space<vmem>>
    %dma_wait3A_452 = arith.constant 7168 : i32
    %dma_wait3A_453 = tpu.memref_slice %arg6[%dma_wait3A_452] : memref<13312xi32, #tpu.memory_space<vmem>> -> memref<512xi32, #tpu.memory_space<vmem>>
    %dma_wait3A_454 = arith.constant 1400000 : i32
    %dma_wait3A_455 = tpu.memref_slice %arg3[%dma_wait3A_454] : memref<2600000xf32, #tpu.memory_space<hbm>> -> memref<100000xf32, #tpu.memory_space<hbm>>
    %dma_wait3A_456 = arith.constant 0 : i32
    %dma_wait3A_457 = tpu.memref_slice %dma_wait3A_455[%dma_wait3A_456] : memref<100000xf32, #tpu.memory_space<hbm>> -> memref<100000xf32, #tpu.memory_space<hbm>>
    tpu.wait_indirect_dma semaphore(%arg27 : memref<!tpu.dma_semaphore, #tpu.memory_space<semaphore_mem>>) src(%dma_wait3A_457 : memref<100000xf32, #tpu.memory_space<hbm>>) dst(%dma_wait3A_451 : memref<512xf32, #tpu.memory_space<vmem>>)
    %scan3A_458 = arith.constant 0 : i32
    %scan3A_459 = arith.constant 0 : i32
    %scan3A_460 = arith.constant 8 : i32
    %scan3A_461 = arith.addi %scan3A_459, %scan3A_460 : i32
    %scan3A_462 = arith.constant 1 : i32
    scf.for %scan3A_620 = %scan3A_459 to %scan3A_461 step %scan3A_462  : i32 {
      %mul3A_621 = arith.constant 64 : i32
      %mul3A_622 = arith.muli %scan3A_620, %mul3A_621 : i32
      %add3A_623 = arith.constant 0 : i32
      %add3A_624 = arith.addi %mul3A_622, %add3A_623 : i32
      %get3A_625 = arith.index_cast %add3A_624 : i32 to index
      %get3A_626 = tpu.vector_load %arg9[%get3A_625] {strides = array<i32>} : memref<512xf32, #tpu.memory_space<vmem>>, vector<16xf32>,
      %get3A_627 = vector.shape_cast %get3A_626 : vector<16xf32> to vector<16xf32>
      %mul3A_628 = arith.constant 64 : i32
      %mul3A_629 = arith.muli %scan3A_620, %mul3A_628 : i32
      %add3A_630 = arith.constant 7168 : i32
      %add3A_631 = arith.addi %add3A_630, %mul3A_629 : i32
      %add3A_632 = arith.constant 0 : i32
      %add3A_633 = arith.addi %add3A_631, %add3A_632 : i32
      %get3A_634 = arith.index_cast %add3A_633 : i32 to index
      %get3A_635 = tpu.vector_load %arg7[%get3A_634] {strides = array<i32>} : memref<13312xf32, #tpu.memory_space<vmem>>, vector<16xf32>,
      %get3A_636 = vector.shape_cast %get3A_635 : vector<16xf32> to vector<16xf32>
      %add3A_637 = arith.addf %get3A_627, %get3A_636 : vector<16xf32>
      %swap3A = arith.index_cast %add3A_624 : i32 to index
      %swap3A_638 = tpu.vector_load %arg9[%swap3A] {strides = array<i32>} : memref<512xf32, #tpu.memory_space<vmem>>, vector<16xf32>,
      %swap3A_639 = vector.shape_cast %swap3A_638 : vector<16xf32> to vector<16xf32>
      %swap3A_640 = vector.shape_cast %add3A_637 : vector<16xf32> to vector<16xf32>
      tpu.vector_store %arg9[%swap3A], %swap3A_640 {strides = array<i32>} : memref<512xf32, #tpu.memory_space<vmem>>, vector<16xf32>,
      %mul3A_641 = arith.constant 64 : i32
      %mul3A_642 = arith.muli %scan3A_620, %mul3A_641 : i32
      %add3A_643 = arith.constant 16 : i32
      %add3A_644 = arith.addi %mul3A_642, %add3A_643 : i32
      %get3A_645 = arith.index_cast %add3A_644 : i32 to index
      %get3A_646 = tpu.vector_load %arg9[%get3A_645] {strides = array<i32>} : memref<512xf32, #tpu.memory_space<vmem>>, vector<16xf32>,
      %get3A_647 = vector.shape_cast %get3A_646 : vector<16xf32> to vector<16xf32>
      %mul3A_648 = arith.constant 64 : i32
      %mul3A_649 = arith.muli %scan3A_620, %mul3A_648 : i32
      %add3A_650 = arith.constant 7168 : i32
      %add3A_651 = arith.addi %add3A_650, %mul3A_649 : i32
      %add3A_652 = arith.constant 16 : i32
      %add3A_653 = arith.addi %add3A_651, %add3A_652 : i32
      %get3A_654 = arith.index_cast %add3A_653 : i32 to index
      %get3A_655 = tpu.vector_load %arg7[%get3A_654] {strides = array<i32>} : memref<13312xf32, #tpu.memory_space<vmem>>, vector<16xf32>,
      %get3A_656 = vector.shape_cast %get3A_655 : vector<16xf32> to vector<16xf32>
      %add3A_657 = arith.addf %get3A_647, %get3A_656 : vector<16xf32>
      %swap3A_658 = arith.index_cast %add3A_644 : i32 to index
      %swap3A_659 = tpu.vector_load %arg9[%swap3A_658] {strides = array<i32>} : memref<512xf32, #tpu.memory_space<vmem>>, vector<16xf32>,
      %swap3A_660 = vector.shape_cast %swap3A_659 : vector<16xf32> to vector<16xf32>
      %swap3A_661 = vector.shape_cast %add3A_657 : vector<16xf32> to vector<16xf32>
      tpu.vector_store %arg9[%swap3A_658], %swap3A_661 {strides = array<i32>} : memref<512xf32, #tpu.memory_space<vmem>>, vector<16xf32>,
      %mul3A_662 = arith.constant 64 : i32
      %mul3A_663 = arith.muli %scan3A_620, %mul3A_662 : i32
      %add3A_664 = arith.constant 32 : i32
      %add3A_665 = arith.addi %mul3A_663, %add3A_664 : i32
      %get3A_666 = arith.index_cast %add3A_665 : i32 to index
      %get3A_667 = tpu.vector_load %arg9[%get3A_666] {strides = array<i32>} : memref<512xf32, #tpu.memory_space<vmem>>, vector<16xf32>,
      %get3A_668 = vector.shape_cast %get3A_667 : vector<16xf32> to vector<16xf32>
      %mul3A_669 = arith.constant 64 : i32
      %mul3A_670 = arith.muli %scan3A_620, %mul3A_669 : i32
      %add3A_671 = arith.constant 7168 : i32
      %add3A_672 = arith.addi %add3A_671, %mul3A_670 : i32
      %add3A_673 = arith.constant 32 : i32
      %add3A_674 = arith.addi %add3A_672, %add3A_673 : i32
      %get3A_675 = arith.index_cast %add3A_674 : i32 to index
      %get3A_676 = tpu.vector_load %arg7[%get3A_675] {strides = array<i32>} : memref<13312xf32, #tpu.memory_space<vmem>>, vector<16xf32>,
      %get3A_677 = vector.shape_cast %get3A_676 : vector<16xf32> to vector<16xf32>
      %add3A_678 = arith.addf %get3A_668, %get3A_677 : vector<16xf32>
      %swap3A_679 = arith.index_cast %add3A_665 : i32 to index
      %swap3A_680 = tpu.vector_load %arg9[%swap3A_679] {strides = array<i32>} : memref<512xf32, #tpu.memory_space<vmem>>, vector<16xf32>,
      %swap3A_681 = vector.shape_cast %swap3A_680 : vector<16xf32> to vector<16xf32>
      %swap3A_682 = vector.shape_cast %add3A_678 : vector<16xf32> to vector<16xf32>
      tpu.vector_store %arg9[%swap3A_679], %swap3A_682 {strides = array<i32>} : memref<512xf32, #tpu.memory_space<vmem>>, vector<16xf32>,
      %mul3A_683 = arith.constant 64 : i32
      %mul3A_684 = arith.muli %scan3A_620, %mul3A_683 : i32
      %add3A_685 = arith.constant 48 : i32
      %add3A_686 = arith.addi %mul3A_684, %add3A_685 : i32
      %get3A_687 = arith.index_cast %add3A_686 : i32 to index
      %get3A_688 = tpu.vector_load %arg9[%get3A_687] {strides = array<i32>} : memref<512xf32, #tpu.memory_space<vmem>>, vector<16xf32>,
      %get3A_689 = vector.shape_cast %get3A_688 : vector<16xf32> to vector<16xf32>
      %mul3A_690 = arith.constant 64 : i32
      %mul3A_691 = arith.muli %scan3A_620, %mul3A_690 : i32
      %add3A_692 = arith.constant 7168 : i32
      %add3A_693 = arith.addi %add3A_692, %mul3A_691 : i32
      %add3A_694 = arith.constant 48 : i32
      %add3A_695 = arith.addi %add3A_693, %add3A_694 : i32
      %get3A_696 = arith.index_cast %add3A_695 : i32 to index
      %get3A_697 = tpu.vector_load %arg7[%get3A_696] {strides = array<i32>} : memref<13312xf32, #tpu.memory_space<vmem>>, vector<16xf32>,
      %get3A_698 = vector.shape_cast %get3A_697 : vector<16xf32> to vector<16xf32>
      %add3A_699 = arith.addf %get3A_689, %get3A_698 : vector<16xf32>
      %swap3A_700 = arith.index_cast %add3A_686 : i32 to index
      %swap3A_701 = tpu.vector_load %arg9[%swap3A_700] {strides = array<i32>} : memref<512xf32, #tpu.memory_space<vmem>>, vector<16xf32>,
      %swap3A_702 = vector.shape_cast %swap3A_701 : vector<16xf32> to vector<16xf32>
      %swap3A_703 = vector.shape_cast %add3A_699 : vector<16xf32> to vector<16xf32>
      tpu.vector_store %arg9[%swap3A_700], %swap3A_703 {strides = array<i32>} : memref<512xf32, #tpu.memory_space<vmem>>, vector<16xf32>,
    }
    %scan3A_463 = arith.constant 8 : i32
    %dma_wait3A_464 = arith.constant 7680 : i32
    %dma_wait3A_465 = tpu.memref_slice %arg7[%dma_wait3A_464] : memref<13312xf32, #tpu.memory_space<vmem>> -> memref<512xf32, #tpu.memory_space<vmem>>
    %dma_wait3A_466 = arith.constant 7680 : i32
    %dma_wait3A_467 = tpu.memref_slice %arg6[%dma_wait3A_466] : memref<13312xi32, #tpu.memory_space<vmem>> -> memref<512xi32, #tpu.memory_space<vmem>>
    %dma_wait3A_468 = arith.constant 1500000 : i32
    %dma_wait3A_469 = tpu.memref_slice %arg3[%dma_wait3A_468] : memref<2600000xf32, #tpu.memory_space<hbm>> -> memref<100000xf32, #tpu.memory_space<hbm>>
    %dma_wait3A_470 = arith.constant 0 : i32
    %dma_wait3A_471 = tpu.memref_slice %dma_wait3A_469[%dma_wait3A_470] : memref<100000xf32, #tpu.memory_space<hbm>> -> memref<100000xf32, #tpu.memory_space<hbm>>
    tpu.wait_indirect_dma semaphore(%arg28 : memref<!tpu.dma_semaphore, #tpu.memory_space<semaphore_mem>>) src(%dma_wait3A_471 : memref<100000xf32, #tpu.memory_space<hbm>>) dst(%dma_wait3A_465 : memref<512xf32, #tpu.memory_space<vmem>>)
    %scan3A_472 = arith.constant 0 : i32
    %scan3A_473 = arith.constant 0 : i32
    %scan3A_474 = arith.constant 8 : i32
    %scan3A_475 = arith.addi %scan3A_473, %scan3A_474 : i32
    %scan3A_476 = arith.constant 1 : i32
    scf.for %scan3A_620 = %scan3A_473 to %scan3A_475 step %scan3A_476  : i32 {
      %mul3A_621 = arith.constant 64 : i32
      %mul3A_622 = arith.muli %scan3A_620, %mul3A_621 : i32
      %add3A_623 = arith.constant 0 : i32
      %add3A_624 = arith.addi %mul3A_622, %add3A_623 : i32
      %get3A_625 = arith.index_cast %add3A_624 : i32 to index
      %get3A_626 = tpu.vector_load %arg9[%get3A_625] {strides = array<i32>} : memref<512xf32, #tpu.memory_space<vmem>>, vector<16xf32>,
      %get3A_627 = vector.shape_cast %get3A_626 : vector<16xf32> to vector<16xf32>
      %mul3A_628 = arith.constant 64 : i32
      %mul3A_629 = arith.muli %scan3A_620, %mul3A_628 : i32
      %add3A_630 = arith.constant 7680 : i32
      %add3A_631 = arith.addi %add3A_630, %mul3A_629 : i32
      %add3A_632 = arith.constant 0 : i32
      %add3A_633 = arith.addi %add3A_631, %add3A_632 : i32
      %get3A_634 = arith.index_cast %add3A_633 : i32 to index
      %get3A_635 = tpu.vector_load %arg7[%get3A_634] {strides = array<i32>} : memref<13312xf32, #tpu.memory_space<vmem>>, vector<16xf32>,
      %get3A_636 = vector.shape_cast %get3A_635 : vector<16xf32> to vector<16xf32>
      %add3A_637 = arith.addf %get3A_627, %get3A_636 : vector<16xf32>
      %swap3A = arith.index_cast %add3A_624 : i32 to index
      %swap3A_638 = tpu.vector_load %arg9[%swap3A] {strides = array<i32>} : memref<512xf32, #tpu.memory_space<vmem>>, vector<16xf32>,
      %swap3A_639 = vector.shape_cast %swap3A_638 : vector<16xf32> to vector<16xf32>
      %swap3A_640 = vector.shape_cast %add3A_637 : vector<16xf32> to vector<16xf32>
      tpu.vector_store %arg9[%swap3A], %swap3A_640 {strides = array<i32>} : memref<512xf32, #tpu.memory_space<vmem>>, vector<16xf32>,
      %mul3A_641 = arith.constant 64 : i32
      %mul3A_642 = arith.muli %scan3A_620, %mul3A_641 : i32
      %add3A_643 = arith.constant 16 : i32
      %add3A_644 = arith.addi %mul3A_642, %add3A_643 : i32
      %get3A_645 = arith.index_cast %add3A_644 : i32 to index
      %get3A_646 = tpu.vector_load %arg9[%get3A_645] {strides = array<i32>} : memref<512xf32, #tpu.memory_space<vmem>>, vector<16xf32>,
      %get3A_647 = vector.shape_cast %get3A_646 : vector<16xf32> to vector<16xf32>
      %mul3A_648 = arith.constant 64 : i32
      %mul3A_649 = arith.muli %scan3A_620, %mul3A_648 : i32
      %add3A_650 = arith.constant 7680 : i32
      %add3A_651 = arith.addi %add3A_650, %mul3A_649 : i32
      %add3A_652 = arith.constant 16 : i32
      %add3A_653 = arith.addi %add3A_651, %add3A_652 : i32
      %get3A_654 = arith.index_cast %add3A_653 : i32 to index
      %get3A_655 = tpu.vector_load %arg7[%get3A_654] {strides = array<i32>} : memref<13312xf32, #tpu.memory_space<vmem>>, vector<16xf32>,
      %get3A_656 = vector.shape_cast %get3A_655 : vector<16xf32> to vector<16xf32>
      %add3A_657 = arith.addf %get3A_647, %get3A_656 : vector<16xf32>
      %swap3A_658 = arith.index_cast %add3A_644 : i32 to index
      %swap3A_659 = tpu.vector_load %arg9[%swap3A_658] {strides = array<i32>} : memref<512xf32, #tpu.memory_space<vmem>>, vector<16xf32>,
      %swap3A_660 = vector.shape_cast %swap3A_659 : vector<16xf32> to vector<16xf32>
      %swap3A_661 = vector.shape_cast %add3A_657 : vector<16xf32> to vector<16xf32>
      tpu.vector_store %arg9[%swap3A_658], %swap3A_661 {strides = array<i32>} : memref<512xf32, #tpu.memory_space<vmem>>, vector<16xf32>,
      %mul3A_662 = arith.constant 64 : i32
      %mul3A_663 = arith.muli %scan3A_620, %mul3A_662 : i32
      %add3A_664 = arith.constant 32 : i32
      %add3A_665 = arith.addi %mul3A_663, %add3A_664 : i32
      %get3A_666 = arith.index_cast %add3A_665 : i32 to index
      %get3A_667 = tpu.vector_load %arg9[%get3A_666] {strides = array<i32>} : memref<512xf32, #tpu.memory_space<vmem>>, vector<16xf32>,
      %get3A_668 = vector.shape_cast %get3A_667 : vector<16xf32> to vector<16xf32>
      %mul3A_669 = arith.constant 64 : i32
      %mul3A_670 = arith.muli %scan3A_620, %mul3A_669 : i32
      %add3A_671 = arith.constant 7680 : i32
      %add3A_672 = arith.addi %add3A_671, %mul3A_670 : i32
      %add3A_673 = arith.constant 32 : i32
      %add3A_674 = arith.addi %add3A_672, %add3A_673 : i32
      %get3A_675 = arith.index_cast %add3A_674 : i32 to index
      %get3A_676 = tpu.vector_load %arg7[%get3A_675] {strides = array<i32>} : memref<13312xf32, #tpu.memory_space<vmem>>, vector<16xf32>,
      %get3A_677 = vector.shape_cast %get3A_676 : vector<16xf32> to vector<16xf32>
      %add3A_678 = arith.addf %get3A_668, %get3A_677 : vector<16xf32>
      %swap3A_679 = arith.index_cast %add3A_665 : i32 to index
      %swap3A_680 = tpu.vector_load %arg9[%swap3A_679] {strides = array<i32>} : memref<512xf32, #tpu.memory_space<vmem>>, vector<16xf32>,
      %swap3A_681 = vector.shape_cast %swap3A_680 : vector<16xf32> to vector<16xf32>
      %swap3A_682 = vector.shape_cast %add3A_678 : vector<16xf32> to vector<16xf32>
      tpu.vector_store %arg9[%swap3A_679], %swap3A_682 {strides = array<i32>} : memref<512xf32, #tpu.memory_space<vmem>>, vector<16xf32>,
      %mul3A_683 = arith.constant 64 : i32
      %mul3A_684 = arith.muli %scan3A_620, %mul3A_683 : i32
      %add3A_685 = arith.constant 48 : i32
      %add3A_686 = arith.addi %mul3A_684, %add3A_685 : i32
      %get3A_687 = arith.index_cast %add3A_686 : i32 to index
      %get3A_688 = tpu.vector_load %arg9[%get3A_687] {strides = array<i32>} : memref<512xf32, #tpu.memory_space<vmem>>, vector<16xf32>,
      %get3A_689 = vector.shape_cast %get3A_688 : vector<16xf32> to vector<16xf32>
      %mul3A_690 = arith.constant 64 : i32
      %mul3A_691 = arith.muli %scan3A_620, %mul3A_690 : i32
      %add3A_692 = arith.constant 7680 : i32
      %add3A_693 = arith.addi %add3A_692, %mul3A_691 : i32
      %add3A_694 = arith.constant 48 : i32
      %add3A_695 = arith.addi %add3A_693, %add3A_694 : i32
      %get3A_696 = arith.index_cast %add3A_695 : i32 to index
      %get3A_697 = tpu.vector_load %arg7[%get3A_696] {strides = array<i32>} : memref<13312xf32, #tpu.memory_space<vmem>>, vector<16xf32>,
      %get3A_698 = vector.shape_cast %get3A_697 : vector<16xf32> to vector<16xf32>
      %add3A_699 = arith.addf %get3A_689, %get3A_698 : vector<16xf32>
      %swap3A_700 = arith.index_cast %add3A_686 : i32 to index
      %swap3A_701 = tpu.vector_load %arg9[%swap3A_700] {strides = array<i32>} : memref<512xf32, #tpu.memory_space<vmem>>, vector<16xf32>,
      %swap3A_702 = vector.shape_cast %swap3A_701 : vector<16xf32> to vector<16xf32>
      %swap3A_703 = vector.shape_cast %add3A_699 : vector<16xf32> to vector<16xf32>
      tpu.vector_store %arg9[%swap3A_700], %swap3A_703 {strides = array<i32>} : memref<512xf32, #tpu.memory_space<vmem>>, vector<16xf32>,
    }
    %scan3A_477 = arith.constant 8 : i32
    %dma_wait3A_478 = arith.constant 8192 : i32
    %dma_wait3A_479 = tpu.memref_slice %arg7[%dma_wait3A_478] : memref<13312xf32, #tpu.memory_space<vmem>> -> memref<512xf32, #tpu.memory_space<vmem>>
    %dma_wait3A_480 = arith.constant 8192 : i32
    %dma_wait3A_481 = tpu.memref_slice %arg6[%dma_wait3A_480] : memref<13312xi32, #tpu.memory_space<vmem>> -> memref<512xi32, #tpu.memory_space<vmem>>
    %dma_wait3A_482 = arith.constant 1600000 : i32
    %dma_wait3A_483 = tpu.memref_slice %arg3[%dma_wait3A_482] : memref<2600000xf32, #tpu.memory_space<hbm>> -> memref<100000xf32, #tpu.memory_space<hbm>>
    %dma_wait3A_484 = arith.constant 0 : i32
    %dma_wait3A_485 = tpu.memref_slice %dma_wait3A_483[%dma_wait3A_484] : memref<100000xf32, #tpu.memory_space<hbm>> -> memref<100000xf32, #tpu.memory_space<hbm>>
    tpu.wait_indirect_dma semaphore(%arg29 : memref<!tpu.dma_semaphore, #tpu.memory_space<semaphore_mem>>) src(%dma_wait3A_485 : memref<100000xf32, #tpu.memory_space<hbm>>) dst(%dma_wait3A_479 : memref<512xf32, #tpu.memory_space<vmem>>)
    %scan3A_486 = arith.constant 0 : i32
    %scan3A_487 = arith.constant 0 : i32
    %scan3A_488 = arith.constant 8 : i32
    %scan3A_489 = arith.addi %scan3A_487, %scan3A_488 : i32
    %scan3A_490 = arith.constant 1 : i32
    scf.for %scan3A_620 = %scan3A_487 to %scan3A_489 step %scan3A_490  : i32 {
      %mul3A_621 = arith.constant 64 : i32
      %mul3A_622 = arith.muli %scan3A_620, %mul3A_621 : i32
      %add3A_623 = arith.constant 0 : i32
      %add3A_624 = arith.addi %mul3A_622, %add3A_623 : i32
      %get3A_625 = arith.index_cast %add3A_624 : i32 to index
      %get3A_626 = tpu.vector_load %arg9[%get3A_625] {strides = array<i32>} : memref<512xf32, #tpu.memory_space<vmem>>, vector<16xf32>,
      %get3A_627 = vector.shape_cast %get3A_626 : vector<16xf32> to vector<16xf32>
      %mul3A_628 = arith.constant 64 : i32
      %mul3A_629 = arith.muli %scan3A_620, %mul3A_628 : i32
      %add3A_630 = arith.constant 8192 : i32
      %add3A_631 = arith.addi %add3A_630, %mul3A_629 : i32
      %add3A_632 = arith.constant 0 : i32
      %add3A_633 = arith.addi %add3A_631, %add3A_632 : i32
      %get3A_634 = arith.index_cast %add3A_633 : i32 to index
      %get3A_635 = tpu.vector_load %arg7[%get3A_634] {strides = array<i32>} : memref<13312xf32, #tpu.memory_space<vmem>>, vector<16xf32>,
      %get3A_636 = vector.shape_cast %get3A_635 : vector<16xf32> to vector<16xf32>
      %add3A_637 = arith.addf %get3A_627, %get3A_636 : vector<16xf32>
      %swap3A = arith.index_cast %add3A_624 : i32 to index
      %swap3A_638 = tpu.vector_load %arg9[%swap3A] {strides = array<i32>} : memref<512xf32, #tpu.memory_space<vmem>>, vector<16xf32>,
      %swap3A_639 = vector.shape_cast %swap3A_638 : vector<16xf32> to vector<16xf32>
      %swap3A_640 = vector.shape_cast %add3A_637 : vector<16xf32> to vector<16xf32>
      tpu.vector_store %arg9[%swap3A], %swap3A_640 {strides = array<i32>} : memref<512xf32, #tpu.memory_space<vmem>>, vector<16xf32>,
      %mul3A_641 = arith.constant 64 : i32
      %mul3A_642 = arith.muli %scan3A_620, %mul3A_641 : i32
      %add3A_643 = arith.constant 16 : i32
      %add3A_644 = arith.addi %mul3A_642, %add3A_643 : i32
      %get3A_645 = arith.index_cast %add3A_644 : i32 to index
      %get3A_646 = tpu.vector_load %arg9[%get3A_645] {strides = array<i32>} : memref<512xf32, #tpu.memory_space<vmem>>, vector<16xf32>,
      %get3A_647 = vector.shape_cast %get3A_646 : vector<16xf32> to vector<16xf32>
      %mul3A_648 = arith.constant 64 : i32
      %mul3A_649 = arith.muli %scan3A_620, %mul3A_648 : i32
      %add3A_650 = arith.constant 8192 : i32
      %add3A_651 = arith.addi %add3A_650, %mul3A_649 : i32
      %add3A_652 = arith.constant 16 : i32
      %add3A_653 = arith.addi %add3A_651, %add3A_652 : i32
      %get3A_654 = arith.index_cast %add3A_653 : i32 to index
      %get3A_655 = tpu.vector_load %arg7[%get3A_654] {strides = array<i32>} : memref<13312xf32, #tpu.memory_space<vmem>>, vector<16xf32>,
      %get3A_656 = vector.shape_cast %get3A_655 : vector<16xf32> to vector<16xf32>
      %add3A_657 = arith.addf %get3A_647, %get3A_656 : vector<16xf32>
      %swap3A_658 = arith.index_cast %add3A_644 : i32 to index
      %swap3A_659 = tpu.vector_load %arg9[%swap3A_658] {strides = array<i32>} : memref<512xf32, #tpu.memory_space<vmem>>, vector<16xf32>,
      %swap3A_660 = vector.shape_cast %swap3A_659 : vector<16xf32> to vector<16xf32>
      %swap3A_661 = vector.shape_cast %add3A_657 : vector<16xf32> to vector<16xf32>
      tpu.vector_store %arg9[%swap3A_658], %swap3A_661 {strides = array<i32>} : memref<512xf32, #tpu.memory_space<vmem>>, vector<16xf32>,
      %mul3A_662 = arith.constant 64 : i32
      %mul3A_663 = arith.muli %scan3A_620, %mul3A_662 : i32
      %add3A_664 = arith.constant 32 : i32
      %add3A_665 = arith.addi %mul3A_663, %add3A_664 : i32
      %get3A_666 = arith.index_cast %add3A_665 : i32 to index
      %get3A_667 = tpu.vector_load %arg9[%get3A_666] {strides = array<i32>} : memref<512xf32, #tpu.memory_space<vmem>>, vector<16xf32>,
      %get3A_668 = vector.shape_cast %get3A_667 : vector<16xf32> to vector<16xf32>
      %mul3A_669 = arith.constant 64 : i32
      %mul3A_670 = arith.muli %scan3A_620, %mul3A_669 : i32
      %add3A_671 = arith.constant 8192 : i32
      %add3A_672 = arith.addi %add3A_671, %mul3A_670 : i32
      %add3A_673 = arith.constant 32 : i32
      %add3A_674 = arith.addi %add3A_672, %add3A_673 : i32
      %get3A_675 = arith.index_cast %add3A_674 : i32 to index
      %get3A_676 = tpu.vector_load %arg7[%get3A_675] {strides = array<i32>} : memref<13312xf32, #tpu.memory_space<vmem>>, vector<16xf32>,
      %get3A_677 = vector.shape_cast %get3A_676 : vector<16xf32> to vector<16xf32>
      %add3A_678 = arith.addf %get3A_668, %get3A_677 : vector<16xf32>
      %swap3A_679 = arith.index_cast %add3A_665 : i32 to index
      %swap3A_680 = tpu.vector_load %arg9[%swap3A_679] {strides = array<i32>} : memref<512xf32, #tpu.memory_space<vmem>>, vector<16xf32>,
      %swap3A_681 = vector.shape_cast %swap3A_680 : vector<16xf32> to vector<16xf32>
      %swap3A_682 = vector.shape_cast %add3A_678 : vector<16xf32> to vector<16xf32>
      tpu.vector_store %arg9[%swap3A_679], %swap3A_682 {strides = array<i32>} : memref<512xf32, #tpu.memory_space<vmem>>, vector<16xf32>,
      %mul3A_683 = arith.constant 64 : i32
      %mul3A_684 = arith.muli %scan3A_620, %mul3A_683 : i32
      %add3A_685 = arith.constant 48 : i32
      %add3A_686 = arith.addi %mul3A_684, %add3A_685 : i32
      %get3A_687 = arith.index_cast %add3A_686 : i32 to index
      %get3A_688 = tpu.vector_load %arg9[%get3A_687] {strides = array<i32>} : memref<512xf32, #tpu.memory_space<vmem>>, vector<16xf32>,
      %get3A_689 = vector.shape_cast %get3A_688 : vector<16xf32> to vector<16xf32>
      %mul3A_690 = arith.constant 64 : i32
      %mul3A_691 = arith.muli %scan3A_620, %mul3A_690 : i32
      %add3A_692 = arith.constant 8192 : i32
      %add3A_693 = arith.addi %add3A_692, %mul3A_691 : i32
      %add3A_694 = arith.constant 48 : i32
      %add3A_695 = arith.addi %add3A_693, %add3A_694 : i32
      %get3A_696 = arith.index_cast %add3A_695 : i32 to index
      %get3A_697 = tpu.vector_load %arg7[%get3A_696] {strides = array<i32>} : memref<13312xf32, #tpu.memory_space<vmem>>, vector<16xf32>,
      %get3A_698 = vector.shape_cast %get3A_697 : vector<16xf32> to vector<16xf32>
      %add3A_699 = arith.addf %get3A_689, %get3A_698 : vector<16xf32>
      %swap3A_700 = arith.index_cast %add3A_686 : i32 to index
      %swap3A_701 = tpu.vector_load %arg9[%swap3A_700] {strides = array<i32>} : memref<512xf32, #tpu.memory_space<vmem>>, vector<16xf32>,
      %swap3A_702 = vector.shape_cast %swap3A_701 : vector<16xf32> to vector<16xf32>
      %swap3A_703 = vector.shape_cast %add3A_699 : vector<16xf32> to vector<16xf32>
      tpu.vector_store %arg9[%swap3A_700], %swap3A_703 {strides = array<i32>} : memref<512xf32, #tpu.memory_space<vmem>>, vector<16xf32>,
    }
    %scan3A_491 = arith.constant 8 : i32
    %dma_wait3A_492 = arith.constant 8704 : i32
    %dma_wait3A_493 = tpu.memref_slice %arg7[%dma_wait3A_492] : memref<13312xf32, #tpu.memory_space<vmem>> -> memref<512xf32, #tpu.memory_space<vmem>>
    %dma_wait3A_494 = arith.constant 8704 : i32
    %dma_wait3A_495 = tpu.memref_slice %arg6[%dma_wait3A_494] : memref<13312xi32, #tpu.memory_space<vmem>> -> memref<512xi32, #tpu.memory_space<vmem>>
    %dma_wait3A_496 = arith.constant 1700000 : i32
    %dma_wait3A_497 = tpu.memref_slice %arg3[%dma_wait3A_496] : memref<2600000xf32, #tpu.memory_space<hbm>> -> memref<100000xf32, #tpu.memory_space<hbm>>
    %dma_wait3A_498 = arith.constant 0 : i32
    %dma_wait3A_499 = tpu.memref_slice %dma_wait3A_497[%dma_wait3A_498] : memref<100000xf32, #tpu.memory_space<hbm>> -> memref<100000xf32, #tpu.memory_space<hbm>>
    tpu.wait_indirect_dma semaphore(%arg30 : memref<!tpu.dma_semaphore, #tpu.memory_space<semaphore_mem>>) src(%dma_wait3A_499 : memref<100000xf32, #tpu.memory_space<hbm>>) dst(%dma_wait3A_493 : memref<512xf32, #tpu.memory_space<vmem>>)
    %scan3A_500 = arith.constant 0 : i32
    %scan3A_501 = arith.constant 0 : i32
    %scan3A_502 = arith.constant 8 : i32
    %scan3A_503 = arith.addi %scan3A_501, %scan3A_502 : i32
    %scan3A_504 = arith.constant 1 : i32
    scf.for %scan3A_620 = %scan3A_501 to %scan3A_503 step %scan3A_504  : i32 {
      %mul3A_621 = arith.constant 64 : i32
      %mul3A_622 = arith.muli %scan3A_620, %mul3A_621 : i32
      %add3A_623 = arith.constant 0 : i32
      %add3A_624 = arith.addi %mul3A_622, %add3A_623 : i32
      %get3A_625 = arith.index_cast %add3A_624 : i32 to index
      %get3A_626 = tpu.vector_load %arg9[%get3A_625] {strides = array<i32>} : memref<512xf32, #tpu.memory_space<vmem>>, vector<16xf32>,
      %get3A_627 = vector.shape_cast %get3A_626 : vector<16xf32> to vector<16xf32>
      %mul3A_628 = arith.constant 64 : i32
      %mul3A_629 = arith.muli %scan3A_620, %mul3A_628 : i32
      %add3A_630 = arith.constant 8704 : i32
      %add3A_631 = arith.addi %add3A_630, %mul3A_629 : i32
      %add3A_632 = arith.constant 0 : i32
      %add3A_633 = arith.addi %add3A_631, %add3A_632 : i32
      %get3A_634 = arith.index_cast %add3A_633 : i32 to index
      %get3A_635 = tpu.vector_load %arg7[%get3A_634] {strides = array<i32>} : memref<13312xf32, #tpu.memory_space<vmem>>, vector<16xf32>,
      %get3A_636 = vector.shape_cast %get3A_635 : vector<16xf32> to vector<16xf32>
      %add3A_637 = arith.addf %get3A_627, %get3A_636 : vector<16xf32>
      %swap3A = arith.index_cast %add3A_624 : i32 to index
      %swap3A_638 = tpu.vector_load %arg9[%swap3A] {strides = array<i32>} : memref<512xf32, #tpu.memory_space<vmem>>, vector<16xf32>,
      %swap3A_639 = vector.shape_cast %swap3A_638 : vector<16xf32> to vector<16xf32>
      %swap3A_640 = vector.shape_cast %add3A_637 : vector<16xf32> to vector<16xf32>
      tpu.vector_store %arg9[%swap3A], %swap3A_640 {strides = array<i32>} : memref<512xf32, #tpu.memory_space<vmem>>, vector<16xf32>,
      %mul3A_641 = arith.constant 64 : i32
      %mul3A_642 = arith.muli %scan3A_620, %mul3A_641 : i32
      %add3A_643 = arith.constant 16 : i32
      %add3A_644 = arith.addi %mul3A_642, %add3A_643 : i32
      %get3A_645 = arith.index_cast %add3A_644 : i32 to index
      %get3A_646 = tpu.vector_load %arg9[%get3A_645] {strides = array<i32>} : memref<512xf32, #tpu.memory_space<vmem>>, vector<16xf32>,
      %get3A_647 = vector.shape_cast %get3A_646 : vector<16xf32> to vector<16xf32>
      %mul3A_648 = arith.constant 64 : i32
      %mul3A_649 = arith.muli %scan3A_620, %mul3A_648 : i32
      %add3A_650 = arith.constant 8704 : i32
      %add3A_651 = arith.addi %add3A_650, %mul3A_649 : i32
      %add3A_652 = arith.constant 16 : i32
      %add3A_653 = arith.addi %add3A_651, %add3A_652 : i32
      %get3A_654 = arith.index_cast %add3A_653 : i32 to index
      %get3A_655 = tpu.vector_load %arg7[%get3A_654] {strides = array<i32>} : memref<13312xf32, #tpu.memory_space<vmem>>, vector<16xf32>,
      %get3A_656 = vector.shape_cast %get3A_655 : vector<16xf32> to vector<16xf32>
      %add3A_657 = arith.addf %get3A_647, %get3A_656 : vector<16xf32>
      %swap3A_658 = arith.index_cast %add3A_644 : i32 to index
      %swap3A_659 = tpu.vector_load %arg9[%swap3A_658] {strides = array<i32>} : memref<512xf32, #tpu.memory_space<vmem>>, vector<16xf32>,
      %swap3A_660 = vector.shape_cast %swap3A_659 : vector<16xf32> to vector<16xf32>
      %swap3A_661 = vector.shape_cast %add3A_657 : vector<16xf32> to vector<16xf32>
      tpu.vector_store %arg9[%swap3A_658], %swap3A_661 {strides = array<i32>} : memref<512xf32, #tpu.memory_space<vmem>>, vector<16xf32>,
      %mul3A_662 = arith.constant 64 : i32
      %mul3A_663 = arith.muli %scan3A_620, %mul3A_662 : i32
      %add3A_664 = arith.constant 32 : i32
      %add3A_665 = arith.addi %mul3A_663, %add3A_664 : i32
      %get3A_666 = arith.index_cast %add3A_665 : i32 to index
      %get3A_667 = tpu.vector_load %arg9[%get3A_666] {strides = array<i32>} : memref<512xf32, #tpu.memory_space<vmem>>, vector<16xf32>,
      %get3A_668 = vector.shape_cast %get3A_667 : vector<16xf32> to vector<16xf32>
      %mul3A_669 = arith.constant 64 : i32
      %mul3A_670 = arith.muli %scan3A_620, %mul3A_669 : i32
      %add3A_671 = arith.constant 8704 : i32
      %add3A_672 = arith.addi %add3A_671, %mul3A_670 : i32
      %add3A_673 = arith.constant 32 : i32
      %add3A_674 = arith.addi %add3A_672, %add3A_673 : i32
      %get3A_675 = arith.index_cast %add3A_674 : i32 to index
      %get3A_676 = tpu.vector_load %arg7[%get3A_675] {strides = array<i32>} : memref<13312xf32, #tpu.memory_space<vmem>>, vector<16xf32>,
      %get3A_677 = vector.shape_cast %get3A_676 : vector<16xf32> to vector<16xf32>
      %add3A_678 = arith.addf %get3A_668, %get3A_677 : vector<16xf32>
      %swap3A_679 = arith.index_cast %add3A_665 : i32 to index
      %swap3A_680 = tpu.vector_load %arg9[%swap3A_679] {strides = array<i32>} : memref<512xf32, #tpu.memory_space<vmem>>, vector<16xf32>,
      %swap3A_681 = vector.shape_cast %swap3A_680 : vector<16xf32> to vector<16xf32>
      %swap3A_682 = vector.shape_cast %add3A_678 : vector<16xf32> to vector<16xf32>
      tpu.vector_store %arg9[%swap3A_679], %swap3A_682 {strides = array<i32>} : memref<512xf32, #tpu.memory_space<vmem>>, vector<16xf32>,
      %mul3A_683 = arith.constant 64 : i32
      %mul3A_684 = arith.muli %scan3A_620, %mul3A_683 : i32
      %add3A_685 = arith.constant 48 : i32
      %add3A_686 = arith.addi %mul3A_684, %add3A_685 : i32
      %get3A_687 = arith.index_cast %add3A_686 : i32 to index
      %get3A_688 = tpu.vector_load %arg9[%get3A_687] {strides = array<i32>} : memref<512xf32, #tpu.memory_space<vmem>>, vector<16xf32>,
      %get3A_689 = vector.shape_cast %get3A_688 : vector<16xf32> to vector<16xf32>
      %mul3A_690 = arith.constant 64 : i32
      %mul3A_691 = arith.muli %scan3A_620, %mul3A_690 : i32
      %add3A_692 = arith.constant 8704 : i32
      %add3A_693 = arith.addi %add3A_692, %mul3A_691 : i32
      %add3A_694 = arith.constant 48 : i32
      %add3A_695 = arith.addi %add3A_693, %add3A_694 : i32
      %get3A_696 = arith.index_cast %add3A_695 : i32 to index
      %get3A_697 = tpu.vector_load %arg7[%get3A_696] {strides = array<i32>} : memref<13312xf32, #tpu.memory_space<vmem>>, vector<16xf32>,
      %get3A_698 = vector.shape_cast %get3A_697 : vector<16xf32> to vector<16xf32>
      %add3A_699 = arith.addf %get3A_689, %get3A_698 : vector<16xf32>
      %swap3A_700 = arith.index_cast %add3A_686 : i32 to index
      %swap3A_701 = tpu.vector_load %arg9[%swap3A_700] {strides = array<i32>} : memref<512xf32, #tpu.memory_space<vmem>>, vector<16xf32>,
      %swap3A_702 = vector.shape_cast %swap3A_701 : vector<16xf32> to vector<16xf32>
      %swap3A_703 = vector.shape_cast %add3A_699 : vector<16xf32> to vector<16xf32>
      tpu.vector_store %arg9[%swap3A_700], %swap3A_703 {strides = array<i32>} : memref<512xf32, #tpu.memory_space<vmem>>, vector<16xf32>,
    }
    %scan3A_505 = arith.constant 8 : i32
    %dma_wait3A_506 = arith.constant 9216 : i32
    %dma_wait3A_507 = tpu.memref_slice %arg7[%dma_wait3A_506] : memref<13312xf32, #tpu.memory_space<vmem>> -> memref<512xf32, #tpu.memory_space<vmem>>
    %dma_wait3A_508 = arith.constant 9216 : i32
    %dma_wait3A_509 = tpu.memref_slice %arg6[%dma_wait3A_508] : memref<13312xi32, #tpu.memory_space<vmem>> -> memref<512xi32, #tpu.memory_space<vmem>>
    %dma_wait3A_510 = arith.constant 1800000 : i32
    %dma_wait3A_511 = tpu.memref_slice %arg3[%dma_wait3A_510] : memref<2600000xf32, #tpu.memory_space<hbm>> -> memref<100000xf32, #tpu.memory_space<hbm>>
    %dma_wait3A_512 = arith.constant 0 : i32
    %dma_wait3A_513 = tpu.memref_slice %dma_wait3A_511[%dma_wait3A_512] : memref<100000xf32, #tpu.memory_space<hbm>> -> memref<100000xf32, #tpu.memory_space<hbm>>
    tpu.wait_indirect_dma semaphore(%arg31 : memref<!tpu.dma_semaphore, #tpu.memory_space<semaphore_mem>>) src(%dma_wait3A_513 : memref<100000xf32, #tpu.memory_space<hbm>>) dst(%dma_wait3A_507 : memref<512xf32, #tpu.memory_space<vmem>>)
    %scan3A_514 = arith.constant 0 : i32
    %scan3A_515 = arith.constant 0 : i32
    %scan3A_516 = arith.constant 8 : i32
    %scan3A_517 = arith.addi %scan3A_515, %scan3A_516 : i32
    %scan3A_518 = arith.constant 1 : i32
    scf.for %scan3A_620 = %scan3A_515 to %scan3A_517 step %scan3A_518  : i32 {
      %mul3A_621 = arith.constant 64 : i32
      %mul3A_622 = arith.muli %scan3A_620, %mul3A_621 : i32
      %add3A_623 = arith.constant 0 : i32
      %add3A_624 = arith.addi %mul3A_622, %add3A_623 : i32
      %get3A_625 = arith.index_cast %add3A_624 : i32 to index
      %get3A_626 = tpu.vector_load %arg9[%get3A_625] {strides = array<i32>} : memref<512xf32, #tpu.memory_space<vmem>>, vector<16xf32>,
      %get3A_627 = vector.shape_cast %get3A_626 : vector<16xf32> to vector<16xf32>
      %mul3A_628 = arith.constant 64 : i32
      %mul3A_629 = arith.muli %scan3A_620, %mul3A_628 : i32
      %add3A_630 = arith.constant 9216 : i32
      %add3A_631 = arith.addi %add3A_630, %mul3A_629 : i32
      %add3A_632 = arith.constant 0 : i32
      %add3A_633 = arith.addi %add3A_631, %add3A_632 : i32
      %get3A_634 = arith.index_cast %add3A_633 : i32 to index
      %get3A_635 = tpu.vector_load %arg7[%get3A_634] {strides = array<i32>} : memref<13312xf32, #tpu.memory_space<vmem>>, vector<16xf32>,
      %get3A_636 = vector.shape_cast %get3A_635 : vector<16xf32> to vector<16xf32>
      %add3A_637 = arith.addf %get3A_627, %get3A_636 : vector<16xf32>
      %swap3A = arith.index_cast %add3A_624 : i32 to index
      %swap3A_638 = tpu.vector_load %arg9[%swap3A] {strides = array<i32>} : memref<512xf32, #tpu.memory_space<vmem>>, vector<16xf32>,
      %swap3A_639 = vector.shape_cast %swap3A_638 : vector<16xf32> to vector<16xf32>
      %swap3A_640 = vector.shape_cast %add3A_637 : vector<16xf32> to vector<16xf32>
      tpu.vector_store %arg9[%swap3A], %swap3A_640 {strides = array<i32>} : memref<512xf32, #tpu.memory_space<vmem>>, vector<16xf32>,
      %mul3A_641 = arith.constant 64 : i32
      %mul3A_642 = arith.muli %scan3A_620, %mul3A_641 : i32
      %add3A_643 = arith.constant 16 : i32
      %add3A_644 = arith.addi %mul3A_642, %add3A_643 : i32
      %get3A_645 = arith.index_cast %add3A_644 : i32 to index
      %get3A_646 = tpu.vector_load %arg9[%get3A_645] {strides = array<i32>} : memref<512xf32, #tpu.memory_space<vmem>>, vector<16xf32>,
      %get3A_647 = vector.shape_cast %get3A_646 : vector<16xf32> to vector<16xf32>
      %mul3A_648 = arith.constant 64 : i32
      %mul3A_649 = arith.muli %scan3A_620, %mul3A_648 : i32
      %add3A_650 = arith.constant 9216 : i32
      %add3A_651 = arith.addi %add3A_650, %mul3A_649 : i32
      %add3A_652 = arith.constant 16 : i32
      %add3A_653 = arith.addi %add3A_651, %add3A_652 : i32
      %get3A_654 = arith.index_cast %add3A_653 : i32 to index
      %get3A_655 = tpu.vector_load %arg7[%get3A_654] {strides = array<i32>} : memref<13312xf32, #tpu.memory_space<vmem>>, vector<16xf32>,
      %get3A_656 = vector.shape_cast %get3A_655 : vector<16xf32> to vector<16xf32>
      %add3A_657 = arith.addf %get3A_647, %get3A_656 : vector<16xf32>
      %swap3A_658 = arith.index_cast %add3A_644 : i32 to index
      %swap3A_659 = tpu.vector_load %arg9[%swap3A_658] {strides = array<i32>} : memref<512xf32, #tpu.memory_space<vmem>>, vector<16xf32>,
      %swap3A_660 = vector.shape_cast %swap3A_659 : vector<16xf32> to vector<16xf32>
      %swap3A_661 = vector.shape_cast %add3A_657 : vector<16xf32> to vector<16xf32>
      tpu.vector_store %arg9[%swap3A_658], %swap3A_661 {strides = array<i32>} : memref<512xf32, #tpu.memory_space<vmem>>, vector<16xf32>,
      %mul3A_662 = arith.constant 64 : i32
      %mul3A_663 = arith.muli %scan3A_620, %mul3A_662 : i32
      %add3A_664 = arith.constant 32 : i32
      %add3A_665 = arith.addi %mul3A_663, %add3A_664 : i32
      %get3A_666 = arith.index_cast %add3A_665 : i32 to index
      %get3A_667 = tpu.vector_load %arg9[%get3A_666] {strides = array<i32>} : memref<512xf32, #tpu.memory_space<vmem>>, vector<16xf32>,
      %get3A_668 = vector.shape_cast %get3A_667 : vector<16xf32> to vector<16xf32>
      %mul3A_669 = arith.constant 64 : i32
      %mul3A_670 = arith.muli %scan3A_620, %mul3A_669 : i32
      %add3A_671 = arith.constant 9216 : i32
      %add3A_672 = arith.addi %add3A_671, %mul3A_670 : i32
      %add3A_673 = arith.constant 32 : i32
      %add3A_674 = arith.addi %add3A_672, %add3A_673 : i32
      %get3A_675 = arith.index_cast %add3A_674 : i32 to index
      %get3A_676 = tpu.vector_load %arg7[%get3A_675] {strides = array<i32>} : memref<13312xf32, #tpu.memory_space<vmem>>, vector<16xf32>,
      %get3A_677 = vector.shape_cast %get3A_676 : vector<16xf32> to vector<16xf32>
      %add3A_678 = arith.addf %get3A_668, %get3A_677 : vector<16xf32>
      %swap3A_679 = arith.index_cast %add3A_665 : i32 to index
      %swap3A_680 = tpu.vector_load %arg9[%swap3A_679] {strides = array<i32>} : memref<512xf32, #tpu.memory_space<vmem>>, vector<16xf32>,
      %swap3A_681 = vector.shape_cast %swap3A_680 : vector<16xf32> to vector<16xf32>
      %swap3A_682 = vector.shape_cast %add3A_678 : vector<16xf32> to vector<16xf32>
      tpu.vector_store %arg9[%swap3A_679], %swap3A_682 {strides = array<i32>} : memref<512xf32, #tpu.memory_space<vmem>>, vector<16xf32>,
      %mul3A_683 = arith.constant 64 : i32
      %mul3A_684 = arith.muli %scan3A_620, %mul3A_683 : i32
      %add3A_685 = arith.constant 48 : i32
      %add3A_686 = arith.addi %mul3A_684, %add3A_685 : i32
      %get3A_687 = arith.index_cast %add3A_686 : i32 to index
      %get3A_688 = tpu.vector_load %arg9[%get3A_687] {strides = array<i32>} : memref<512xf32, #tpu.memory_space<vmem>>, vector<16xf32>,
      %get3A_689 = vector.shape_cast %get3A_688 : vector<16xf32> to vector<16xf32>
      %mul3A_690 = arith.constant 64 : i32
      %mul3A_691 = arith.muli %scan3A_620, %mul3A_690 : i32
      %add3A_692 = arith.constant 9216 : i32
      %add3A_693 = arith.addi %add3A_692, %mul3A_691 : i32
      %add3A_694 = arith.constant 48 : i32
      %add3A_695 = arith.addi %add3A_693, %add3A_694 : i32
      %get3A_696 = arith.index_cast %add3A_695 : i32 to index
      %get3A_697 = tpu.vector_load %arg7[%get3A_696] {strides = array<i32>} : memref<13312xf32, #tpu.memory_space<vmem>>, vector<16xf32>,
      %get3A_698 = vector.shape_cast %get3A_697 : vector<16xf32> to vector<16xf32>
      %add3A_699 = arith.addf %get3A_689, %get3A_698 : vector<16xf32>
      %swap3A_700 = arith.index_cast %add3A_686 : i32 to index
      %swap3A_701 = tpu.vector_load %arg9[%swap3A_700] {strides = array<i32>} : memref<512xf32, #tpu.memory_space<vmem>>, vector<16xf32>,
      %swap3A_702 = vector.shape_cast %swap3A_701 : vector<16xf32> to vector<16xf32>
      %swap3A_703 = vector.shape_cast %add3A_699 : vector<16xf32> to vector<16xf32>
      tpu.vector_store %arg9[%swap3A_700], %swap3A_703 {strides = array<i32>} : memref<512xf32, #tpu.memory_space<vmem>>, vector<16xf32>,
    }
    %scan3A_519 = arith.constant 8 : i32
    %dma_wait3A_520 = arith.constant 9728 : i32
    %dma_wait3A_521 = tpu.memref_slice %arg7[%dma_wait3A_520] : memref<13312xf32, #tpu.memory_space<vmem>> -> memref<512xf32, #tpu.memory_space<vmem>>
    %dma_wait3A_522 = arith.constant 9728 : i32
    %dma_wait3A_523 = tpu.memref_slice %arg6[%dma_wait3A_522] : memref<13312xi32, #tpu.memory_space<vmem>> -> memref<512xi32, #tpu.memory_space<vmem>>
    %dma_wait3A_524 = arith.constant 1900000 : i32
    %dma_wait3A_525 = tpu.memref_slice %arg3[%dma_wait3A_524] : memref<2600000xf32, #tpu.memory_space<hbm>> -> memref<100000xf32, #tpu.memory_space<hbm>>
    %dma_wait3A_526 = arith.constant 0 : i32
    %dma_wait3A_527 = tpu.memref_slice %dma_wait3A_525[%dma_wait3A_526] : memref<100000xf32, #tpu.memory_space<hbm>> -> memref<100000xf32, #tpu.memory_space<hbm>>
    tpu.wait_indirect_dma semaphore(%arg32 : memref<!tpu.dma_semaphore, #tpu.memory_space<semaphore_mem>>) src(%dma_wait3A_527 : memref<100000xf32, #tpu.memory_space<hbm>>) dst(%dma_wait3A_521 : memref<512xf32, #tpu.memory_space<vmem>>)
    %scan3A_528 = arith.constant 0 : i32
    %scan3A_529 = arith.constant 0 : i32
    %scan3A_530 = arith.constant 8 : i32
    %scan3A_531 = arith.addi %scan3A_529, %scan3A_530 : i32
    %scan3A_532 = arith.constant 1 : i32
    scf.for %scan3A_620 = %scan3A_529 to %scan3A_531 step %scan3A_532  : i32 {
      %mul3A_621 = arith.constant 64 : i32
      %mul3A_622 = arith.muli %scan3A_620, %mul3A_621 : i32
      %add3A_623 = arith.constant 0 : i32
      %add3A_624 = arith.addi %mul3A_622, %add3A_623 : i32
      %get3A_625 = arith.index_cast %add3A_624 : i32 to index
      %get3A_626 = tpu.vector_load %arg9[%get3A_625] {strides = array<i32>} : memref<512xf32, #tpu.memory_space<vmem>>, vector<16xf32>,
      %get3A_627 = vector.shape_cast %get3A_626 : vector<16xf32> to vector<16xf32>
      %mul3A_628 = arith.constant 64 : i32
      %mul3A_629 = arith.muli %scan3A_620, %mul3A_628 : i32
      %add3A_630 = arith.constant 9728 : i32
      %add3A_631 = arith.addi %add3A_630, %mul3A_629 : i32
      %add3A_632 = arith.constant 0 : i32
      %add3A_633 = arith.addi %add3A_631, %add3A_632 : i32
      %get3A_634 = arith.index_cast %add3A_633 : i32 to index
      %get3A_635 = tpu.vector_load %arg7[%get3A_634] {strides = array<i32>} : memref<13312xf32, #tpu.memory_space<vmem>>, vector<16xf32>,
      %get3A_636 = vector.shape_cast %get3A_635 : vector<16xf32> to vector<16xf32>
      %add3A_637 = arith.addf %get3A_627, %get3A_636 : vector<16xf32>
      %swap3A = arith.index_cast %add3A_624 : i32 to index
      %swap3A_638 = tpu.vector_load %arg9[%swap3A] {strides = array<i32>} : memref<512xf32, #tpu.memory_space<vmem>>, vector<16xf32>,
      %swap3A_639 = vector.shape_cast %swap3A_638 : vector<16xf32> to vector<16xf32>
      %swap3A_640 = vector.shape_cast %add3A_637 : vector<16xf32> to vector<16xf32>
      tpu.vector_store %arg9[%swap3A], %swap3A_640 {strides = array<i32>} : memref<512xf32, #tpu.memory_space<vmem>>, vector<16xf32>,
      %mul3A_641 = arith.constant 64 : i32
      %mul3A_642 = arith.muli %scan3A_620, %mul3A_641 : i32
      %add3A_643 = arith.constant 16 : i32
      %add3A_644 = arith.addi %mul3A_642, %add3A_643 : i32
      %get3A_645 = arith.index_cast %add3A_644 : i32 to index
      %get3A_646 = tpu.vector_load %arg9[%get3A_645] {strides = array<i32>} : memref<512xf32, #tpu.memory_space<vmem>>, vector<16xf32>,
      %get3A_647 = vector.shape_cast %get3A_646 : vector<16xf32> to vector<16xf32>
      %mul3A_648 = arith.constant 64 : i32
      %mul3A_649 = arith.muli %scan3A_620, %mul3A_648 : i32
      %add3A_650 = arith.constant 9728 : i32
      %add3A_651 = arith.addi %add3A_650, %mul3A_649 : i32
      %add3A_652 = arith.constant 16 : i32
      %add3A_653 = arith.addi %add3A_651, %add3A_652 : i32
      %get3A_654 = arith.index_cast %add3A_653 : i32 to index
      %get3A_655 = tpu.vector_load %arg7[%get3A_654] {strides = array<i32>} : memref<13312xf32, #tpu.memory_space<vmem>>, vector<16xf32>,
      %get3A_656 = vector.shape_cast %get3A_655 : vector<16xf32> to vector<16xf32>
      %add3A_657 = arith.addf %get3A_647, %get3A_656 : vector<16xf32>
      %swap3A_658 = arith.index_cast %add3A_644 : i32 to index
      %swap3A_659 = tpu.vector_load %arg9[%swap3A_658] {strides = array<i32>} : memref<512xf32, #tpu.memory_space<vmem>>, vector<16xf32>,
      %swap3A_660 = vector.shape_cast %swap3A_659 : vector<16xf32> to vector<16xf32>
      %swap3A_661 = vector.shape_cast %add3A_657 : vector<16xf32> to vector<16xf32>
      tpu.vector_store %arg9[%swap3A_658], %swap3A_661 {strides = array<i32>} : memref<512xf32, #tpu.memory_space<vmem>>, vector<16xf32>,
      %mul3A_662 = arith.constant 64 : i32
      %mul3A_663 = arith.muli %scan3A_620, %mul3A_662 : i32
      %add3A_664 = arith.constant 32 : i32
      %add3A_665 = arith.addi %mul3A_663, %add3A_664 : i32
      %get3A_666 = arith.index_cast %add3A_665 : i32 to index
      %get3A_667 = tpu.vector_load %arg9[%get3A_666] {strides = array<i32>} : memref<512xf32, #tpu.memory_space<vmem>>, vector<16xf32>,
      %get3A_668 = vector.shape_cast %get3A_667 : vector<16xf32> to vector<16xf32>
      %mul3A_669 = arith.constant 64 : i32
      %mul3A_670 = arith.muli %scan3A_620, %mul3A_669 : i32
      %add3A_671 = arith.constant 9728 : i32
      %add3A_672 = arith.addi %add3A_671, %mul3A_670 : i32
      %add3A_673 = arith.constant 32 : i32
      %add3A_674 = arith.addi %add3A_672, %add3A_673 : i32
      %get3A_675 = arith.index_cast %add3A_674 : i32 to index
      %get3A_676 = tpu.vector_load %arg7[%get3A_675] {strides = array<i32>} : memref<13312xf32, #tpu.memory_space<vmem>>, vector<16xf32>,
      %get3A_677 = vector.shape_cast %get3A_676 : vector<16xf32> to vector<16xf32>
      %add3A_678 = arith.addf %get3A_668, %get3A_677 : vector<16xf32>
      %swap3A_679 = arith.index_cast %add3A_665 : i32 to index
      %swap3A_680 = tpu.vector_load %arg9[%swap3A_679] {strides = array<i32>} : memref<512xf32, #tpu.memory_space<vmem>>, vector<16xf32>,
      %swap3A_681 = vector.shape_cast %swap3A_680 : vector<16xf32> to vector<16xf32>
      %swap3A_682 = vector.shape_cast %add3A_678 : vector<16xf32> to vector<16xf32>
      tpu.vector_store %arg9[%swap3A_679], %swap3A_682 {strides = array<i32>} : memref<512xf32, #tpu.memory_space<vmem>>, vector<16xf32>,
      %mul3A_683 = arith.constant 64 : i32
      %mul3A_684 = arith.muli %scan3A_620, %mul3A_683 : i32
      %add3A_685 = arith.constant 48 : i32
      %add3A_686 = arith.addi %mul3A_684, %add3A_685 : i32
      %get3A_687 = arith.index_cast %add3A_686 : i32 to index
      %get3A_688 = tpu.vector_load %arg9[%get3A_687] {strides = array<i32>} : memref<512xf32, #tpu.memory_space<vmem>>, vector<16xf32>,
      %get3A_689 = vector.shape_cast %get3A_688 : vector<16xf32> to vector<16xf32>
      %mul3A_690 = arith.constant 64 : i32
      %mul3A_691 = arith.muli %scan3A_620, %mul3A_690 : i32
      %add3A_692 = arith.constant 9728 : i32
      %add3A_693 = arith.addi %add3A_692, %mul3A_691 : i32
      %add3A_694 = arith.constant 48 : i32
      %add3A_695 = arith.addi %add3A_693, %add3A_694 : i32
      %get3A_696 = arith.index_cast %add3A_695 : i32 to index
      %get3A_697 = tpu.vector_load %arg7[%get3A_696] {strides = array<i32>} : memref<13312xf32, #tpu.memory_space<vmem>>, vector<16xf32>,
      %get3A_698 = vector.shape_cast %get3A_697 : vector<16xf32> to vector<16xf32>
      %add3A_699 = arith.addf %get3A_689, %get3A_698 : vector<16xf32>
      %swap3A_700 = arith.index_cast %add3A_686 : i32 to index
      %swap3A_701 = tpu.vector_load %arg9[%swap3A_700] {strides = array<i32>} : memref<512xf32, #tpu.memory_space<vmem>>, vector<16xf32>,
      %swap3A_702 = vector.shape_cast %swap3A_701 : vector<16xf32> to vector<16xf32>
      %swap3A_703 = vector.shape_cast %add3A_699 : vector<16xf32> to vector<16xf32>
      tpu.vector_store %arg9[%swap3A_700], %swap3A_703 {strides = array<i32>} : memref<512xf32, #tpu.memory_space<vmem>>, vector<16xf32>,
    }
    %scan3A_533 = arith.constant 8 : i32
    %dma_wait3A_534 = arith.constant 10240 : i32
    %dma_wait3A_535 = tpu.memref_slice %arg7[%dma_wait3A_534] : memref<13312xf32, #tpu.memory_space<vmem>> -> memref<512xf32, #tpu.memory_space<vmem>>
    %dma_wait3A_536 = arith.constant 10240 : i32
    %dma_wait3A_537 = tpu.memref_slice %arg6[%dma_wait3A_536] : memref<13312xi32, #tpu.memory_space<vmem>> -> memref<512xi32, #tpu.memory_space<vmem>>
    %dma_wait3A_538 = arith.constant 2000000 : i32
    %dma_wait3A_539 = tpu.memref_slice %arg3[%dma_wait3A_538] : memref<2600000xf32, #tpu.memory_space<hbm>> -> memref<100000xf32, #tpu.memory_space<hbm>>
    %dma_wait3A_540 = arith.constant 0 : i32
    %dma_wait3A_541 = tpu.memref_slice %dma_wait3A_539[%dma_wait3A_540] : memref<100000xf32, #tpu.memory_space<hbm>> -> memref<100000xf32, #tpu.memory_space<hbm>>
    tpu.wait_indirect_dma semaphore(%arg33 : memref<!tpu.dma_semaphore, #tpu.memory_space<semaphore_mem>>) src(%dma_wait3A_541 : memref<100000xf32, #tpu.memory_space<hbm>>) dst(%dma_wait3A_535 : memref<512xf32, #tpu.memory_space<vmem>>)
    %scan3A_542 = arith.constant 0 : i32
    %scan3A_543 = arith.constant 0 : i32
    %scan3A_544 = arith.constant 8 : i32
    %scan3A_545 = arith.addi %scan3A_543, %scan3A_544 : i32
    %scan3A_546 = arith.constant 1 : i32
    scf.for %scan3A_620 = %scan3A_543 to %scan3A_545 step %scan3A_546  : i32 {
      %mul3A_621 = arith.constant 64 : i32
      %mul3A_622 = arith.muli %scan3A_620, %mul3A_621 : i32
      %add3A_623 = arith.constant 0 : i32
      %add3A_624 = arith.addi %mul3A_622, %add3A_623 : i32
      %get3A_625 = arith.index_cast %add3A_624 : i32 to index
      %get3A_626 = tpu.vector_load %arg9[%get3A_625] {strides = array<i32>} : memref<512xf32, #tpu.memory_space<vmem>>, vector<16xf32>,
      %get3A_627 = vector.shape_cast %get3A_626 : vector<16xf32> to vector<16xf32>
      %mul3A_628 = arith.constant 64 : i32
      %mul3A_629 = arith.muli %scan3A_620, %mul3A_628 : i32
      %add3A_630 = arith.constant 10240 : i32
      %add3A_631 = arith.addi %add3A_630, %mul3A_629 : i32
      %add3A_632 = arith.constant 0 : i32
      %add3A_633 = arith.addi %add3A_631, %add3A_632 : i32
      %get3A_634 = arith.index_cast %add3A_633 : i32 to index
      %get3A_635 = tpu.vector_load %arg7[%get3A_634] {strides = array<i32>} : memref<13312xf32, #tpu.memory_space<vmem>>, vector<16xf32>,
      %get3A_636 = vector.shape_cast %get3A_635 : vector<16xf32> to vector<16xf32>
      %add3A_637 = arith.addf %get3A_627, %get3A_636 : vector<16xf32>
      %swap3A = arith.index_cast %add3A_624 : i32 to index
      %swap3A_638 = tpu.vector_load %arg9[%swap3A] {strides = array<i32>} : memref<512xf32, #tpu.memory_space<vmem>>, vector<16xf32>,
      %swap3A_639 = vector.shape_cast %swap3A_638 : vector<16xf32> to vector<16xf32>
      %swap3A_640 = vector.shape_cast %add3A_637 : vector<16xf32> to vector<16xf32>
      tpu.vector_store %arg9[%swap3A], %swap3A_640 {strides = array<i32>} : memref<512xf32, #tpu.memory_space<vmem>>, vector<16xf32>,
      %mul3A_641 = arith.constant 64 : i32
      %mul3A_642 = arith.muli %scan3A_620, %mul3A_641 : i32
      %add3A_643 = arith.constant 16 : i32
      %add3A_644 = arith.addi %mul3A_642, %add3A_643 : i32
      %get3A_645 = arith.index_cast %add3A_644 : i32 to index
      %get3A_646 = tpu.vector_load %arg9[%get3A_645] {strides = array<i32>} : memref<512xf32, #tpu.memory_space<vmem>>, vector<16xf32>,
      %get3A_647 = vector.shape_cast %get3A_646 : vector<16xf32> to vector<16xf32>
      %mul3A_648 = arith.constant 64 : i32
      %mul3A_649 = arith.muli %scan3A_620, %mul3A_648 : i32
      %add3A_650 = arith.constant 10240 : i32
      %add3A_651 = arith.addi %add3A_650, %mul3A_649 : i32
      %add3A_652 = arith.constant 16 : i32
      %add3A_653 = arith.addi %add3A_651, %add3A_652 : i32
      %get3A_654 = arith.index_cast %add3A_653 : i32 to index
      %get3A_655 = tpu.vector_load %arg7[%get3A_654] {strides = array<i32>} : memref<13312xf32, #tpu.memory_space<vmem>>, vector<16xf32>,
      %get3A_656 = vector.shape_cast %get3A_655 : vector<16xf32> to vector<16xf32>
      %add3A_657 = arith.addf %get3A_647, %get3A_656 : vector<16xf32>
      %swap3A_658 = arith.index_cast %add3A_644 : i32 to index
      %swap3A_659 = tpu.vector_load %arg9[%swap3A_658] {strides = array<i32>} : memref<512xf32, #tpu.memory_space<vmem>>, vector<16xf32>,
      %swap3A_660 = vector.shape_cast %swap3A_659 : vector<16xf32> to vector<16xf32>
      %swap3A_661 = vector.shape_cast %add3A_657 : vector<16xf32> to vector<16xf32>
      tpu.vector_store %arg9[%swap3A_658], %swap3A_661 {strides = array<i32>} : memref<512xf32, #tpu.memory_space<vmem>>, vector<16xf32>,
      %mul3A_662 = arith.constant 64 : i32
      %mul3A_663 = arith.muli %scan3A_620, %mul3A_662 : i32
      %add3A_664 = arith.constant 32 : i32
      %add3A_665 = arith.addi %mul3A_663, %add3A_664 : i32
      %get3A_666 = arith.index_cast %add3A_665 : i32 to index
      %get3A_667 = tpu.vector_load %arg9[%get3A_666] {strides = array<i32>} : memref<512xf32, #tpu.memory_space<vmem>>, vector<16xf32>,
      %get3A_668 = vector.shape_cast %get3A_667 : vector<16xf32> to vector<16xf32>
      %mul3A_669 = arith.constant 64 : i32
      %mul3A_670 = arith.muli %scan3A_620, %mul3A_669 : i32
      %add3A_671 = arith.constant 10240 : i32
      %add3A_672 = arith.addi %add3A_671, %mul3A_670 : i32
      %add3A_673 = arith.constant 32 : i32
      %add3A_674 = arith.addi %add3A_672, %add3A_673 : i32
      %get3A_675 = arith.index_cast %add3A_674 : i32 to index
      %get3A_676 = tpu.vector_load %arg7[%get3A_675] {strides = array<i32>} : memref<13312xf32, #tpu.memory_space<vmem>>, vector<16xf32>,
      %get3A_677 = vector.shape_cast %get3A_676 : vector<16xf32> to vector<16xf32>
      %add3A_678 = arith.addf %get3A_668, %get3A_677 : vector<16xf32>
      %swap3A_679 = arith.index_cast %add3A_665 : i32 to index
      %swap3A_680 = tpu.vector_load %arg9[%swap3A_679] {strides = array<i32>} : memref<512xf32, #tpu.memory_space<vmem>>, vector<16xf32>,
      %swap3A_681 = vector.shape_cast %swap3A_680 : vector<16xf32> to vector<16xf32>
      %swap3A_682 = vector.shape_cast %add3A_678 : vector<16xf32> to vector<16xf32>
      tpu.vector_store %arg9[%swap3A_679], %swap3A_682 {strides = array<i32>} : memref<512xf32, #tpu.memory_space<vmem>>, vector<16xf32>,
      %mul3A_683 = arith.constant 64 : i32
      %mul3A_684 = arith.muli %scan3A_620, %mul3A_683 : i32
      %add3A_685 = arith.constant 48 : i32
      %add3A_686 = arith.addi %mul3A_684, %add3A_685 : i32
      %get3A_687 = arith.index_cast %add3A_686 : i32 to index
      %get3A_688 = tpu.vector_load %arg9[%get3A_687] {strides = array<i32>} : memref<512xf32, #tpu.memory_space<vmem>>, vector<16xf32>,
      %get3A_689 = vector.shape_cast %get3A_688 : vector<16xf32> to vector<16xf32>
      %mul3A_690 = arith.constant 64 : i32
      %mul3A_691 = arith.muli %scan3A_620, %mul3A_690 : i32
      %add3A_692 = arith.constant 10240 : i32
      %add3A_693 = arith.addi %add3A_692, %mul3A_691 : i32
      %add3A_694 = arith.constant 48 : i32
      %add3A_695 = arith.addi %add3A_693, %add3A_694 : i32
      %get3A_696 = arith.index_cast %add3A_695 : i32 to index
      %get3A_697 = tpu.vector_load %arg7[%get3A_696] {strides = array<i32>} : memref<13312xf32, #tpu.memory_space<vmem>>, vector<16xf32>,
      %get3A_698 = vector.shape_cast %get3A_697 : vector<16xf32> to vector<16xf32>
      %add3A_699 = arith.addf %get3A_689, %get3A_698 : vector<16xf32>
      %swap3A_700 = arith.index_cast %add3A_686 : i32 to index
      %swap3A_701 = tpu.vector_load %arg9[%swap3A_700] {strides = array<i32>} : memref<512xf32, #tpu.memory_space<vmem>>, vector<16xf32>,
      %swap3A_702 = vector.shape_cast %swap3A_701 : vector<16xf32> to vector<16xf32>
      %swap3A_703 = vector.shape_cast %add3A_699 : vector<16xf32> to vector<16xf32>
      tpu.vector_store %arg9[%swap3A_700], %swap3A_703 {strides = array<i32>} : memref<512xf32, #tpu.memory_space<vmem>>, vector<16xf32>,
    }
    %scan3A_547 = arith.constant 8 : i32
    %dma_wait3A_548 = arith.constant 10752 : i32
    %dma_wait3A_549 = tpu.memref_slice %arg7[%dma_wait3A_548] : memref<13312xf32, #tpu.memory_space<vmem>> -> memref<512xf32, #tpu.memory_space<vmem>>
    %dma_wait3A_550 = arith.constant 10752 : i32
    %dma_wait3A_551 = tpu.memref_slice %arg6[%dma_wait3A_550] : memref<13312xi32, #tpu.memory_space<vmem>> -> memref<512xi32, #tpu.memory_space<vmem>>
    %dma_wait3A_552 = arith.constant 2100000 : i32
    %dma_wait3A_553 = tpu.memref_slice %arg3[%dma_wait3A_552] : memref<2600000xf32, #tpu.memory_space<hbm>> -> memref<100000xf32, #tpu.memory_space<hbm>>
    %dma_wait3A_554 = arith.constant 0 : i32
    %dma_wait3A_555 = tpu.memref_slice %dma_wait3A_553[%dma_wait3A_554] : memref<100000xf32, #tpu.memory_space<hbm>> -> memref<100000xf32, #tpu.memory_space<hbm>>
    tpu.wait_indirect_dma semaphore(%arg34 : memref<!tpu.dma_semaphore, #tpu.memory_space<semaphore_mem>>) src(%dma_wait3A_555 : memref<100000xf32, #tpu.memory_space<hbm>>) dst(%dma_wait3A_549 : memref<512xf32, #tpu.memory_space<vmem>>)
    %scan3A_556 = arith.constant 0 : i32
    %scan3A_557 = arith.constant 0 : i32
    %scan3A_558 = arith.constant 8 : i32
    %scan3A_559 = arith.addi %scan3A_557, %scan3A_558 : i32
    %scan3A_560 = arith.constant 1 : i32
    scf.for %scan3A_620 = %scan3A_557 to %scan3A_559 step %scan3A_560  : i32 {
      %mul3A_621 = arith.constant 64 : i32
      %mul3A_622 = arith.muli %scan3A_620, %mul3A_621 : i32
      %add3A_623 = arith.constant 0 : i32
      %add3A_624 = arith.addi %mul3A_622, %add3A_623 : i32
      %get3A_625 = arith.index_cast %add3A_624 : i32 to index
      %get3A_626 = tpu.vector_load %arg9[%get3A_625] {strides = array<i32>} : memref<512xf32, #tpu.memory_space<vmem>>, vector<16xf32>,
      %get3A_627 = vector.shape_cast %get3A_626 : vector<16xf32> to vector<16xf32>
      %mul3A_628 = arith.constant 64 : i32
      %mul3A_629 = arith.muli %scan3A_620, %mul3A_628 : i32
      %add3A_630 = arith.constant 10752 : i32
      %add3A_631 = arith.addi %add3A_630, %mul3A_629 : i32
      %add3A_632 = arith.constant 0 : i32
      %add3A_633 = arith.addi %add3A_631, %add3A_632 : i32
      %get3A_634 = arith.index_cast %add3A_633 : i32 to index
      %get3A_635 = tpu.vector_load %arg7[%get3A_634] {strides = array<i32>} : memref<13312xf32, #tpu.memory_space<vmem>>, vector<16xf32>,
      %get3A_636 = vector.shape_cast %get3A_635 : vector<16xf32> to vector<16xf32>
      %add3A_637 = arith.addf %get3A_627, %get3A_636 : vector<16xf32>
      %swap3A = arith.index_cast %add3A_624 : i32 to index
      %swap3A_638 = tpu.vector_load %arg9[%swap3A] {strides = array<i32>} : memref<512xf32, #tpu.memory_space<vmem>>, vector<16xf32>,
      %swap3A_639 = vector.shape_cast %swap3A_638 : vector<16xf32> to vector<16xf32>
      %swap3A_640 = vector.shape_cast %add3A_637 : vector<16xf32> to vector<16xf32>
      tpu.vector_store %arg9[%swap3A], %swap3A_640 {strides = array<i32>} : memref<512xf32, #tpu.memory_space<vmem>>, vector<16xf32>,
      %mul3A_641 = arith.constant 64 : i32
      %mul3A_642 = arith.muli %scan3A_620, %mul3A_641 : i32
      %add3A_643 = arith.constant 16 : i32
      %add3A_644 = arith.addi %mul3A_642, %add3A_643 : i32
      %get3A_645 = arith.index_cast %add3A_644 : i32 to index
      %get3A_646 = tpu.vector_load %arg9[%get3A_645] {strides = array<i32>} : memref<512xf32, #tpu.memory_space<vmem>>, vector<16xf32>,
      %get3A_647 = vector.shape_cast %get3A_646 : vector<16xf32> to vector<16xf32>
      %mul3A_648 = arith.constant 64 : i32
      %mul3A_649 = arith.muli %scan3A_620, %mul3A_648 : i32
      %add3A_650 = arith.constant 10752 : i32
      %add3A_651 = arith.addi %add3A_650, %mul3A_649 : i32
      %add3A_652 = arith.constant 16 : i32
      %add3A_653 = arith.addi %add3A_651, %add3A_652 : i32
      %get3A_654 = arith.index_cast %add3A_653 : i32 to index
      %get3A_655 = tpu.vector_load %arg7[%get3A_654] {strides = array<i32>} : memref<13312xf32, #tpu.memory_space<vmem>>, vector<16xf32>,
      %get3A_656 = vector.shape_cast %get3A_655 : vector<16xf32> to vector<16xf32>
      %add3A_657 = arith.addf %get3A_647, %get3A_656 : vector<16xf32>
      %swap3A_658 = arith.index_cast %add3A_644 : i32 to index
      %swap3A_659 = tpu.vector_load %arg9[%swap3A_658] {strides = array<i32>} : memref<512xf32, #tpu.memory_space<vmem>>, vector<16xf32>,
      %swap3A_660 = vector.shape_cast %swap3A_659 : vector<16xf32> to vector<16xf32>
      %swap3A_661 = vector.shape_cast %add3A_657 : vector<16xf32> to vector<16xf32>
      tpu.vector_store %arg9[%swap3A_658], %swap3A_661 {strides = array<i32>} : memref<512xf32, #tpu.memory_space<vmem>>, vector<16xf32>,
      %mul3A_662 = arith.constant 64 : i32
      %mul3A_663 = arith.muli %scan3A_620, %mul3A_662 : i32
      %add3A_664 = arith.constant 32 : i32
      %add3A_665 = arith.addi %mul3A_663, %add3A_664 : i32
      %get3A_666 = arith.index_cast %add3A_665 : i32 to index
      %get3A_667 = tpu.vector_load %arg9[%get3A_666] {strides = array<i32>} : memref<512xf32, #tpu.memory_space<vmem>>, vector<16xf32>,
      %get3A_668 = vector.shape_cast %get3A_667 : vector<16xf32> to vector<16xf32>
      %mul3A_669 = arith.constant 64 : i32
      %mul3A_670 = arith.muli %scan3A_620, %mul3A_669 : i32
      %add3A_671 = arith.constant 10752 : i32
      %add3A_672 = arith.addi %add3A_671, %mul3A_670 : i32
      %add3A_673 = arith.constant 32 : i32
      %add3A_674 = arith.addi %add3A_672, %add3A_673 : i32
      %get3A_675 = arith.index_cast %add3A_674 : i32 to index
      %get3A_676 = tpu.vector_load %arg7[%get3A_675] {strides = array<i32>} : memref<13312xf32, #tpu.memory_space<vmem>>, vector<16xf32>,
      %get3A_677 = vector.shape_cast %get3A_676 : vector<16xf32> to vector<16xf32>
      %add3A_678 = arith.addf %get3A_668, %get3A_677 : vector<16xf32>
      %swap3A_679 = arith.index_cast %add3A_665 : i32 to index
      %swap3A_680 = tpu.vector_load %arg9[%swap3A_679] {strides = array<i32>} : memref<512xf32, #tpu.memory_space<vmem>>, vector<16xf32>,
      %swap3A_681 = vector.shape_cast %swap3A_680 : vector<16xf32> to vector<16xf32>
      %swap3A_682 = vector.shape_cast %add3A_678 : vector<16xf32> to vector<16xf32>
      tpu.vector_store %arg9[%swap3A_679], %swap3A_682 {strides = array<i32>} : memref<512xf32, #tpu.memory_space<vmem>>, vector<16xf32>,
      %mul3A_683 = arith.constant 64 : i32
      %mul3A_684 = arith.muli %scan3A_620, %mul3A_683 : i32
      %add3A_685 = arith.constant 48 : i32
      %add3A_686 = arith.addi %mul3A_684, %add3A_685 : i32
      %get3A_687 = arith.index_cast %add3A_686 : i32 to index
      %get3A_688 = tpu.vector_load %arg9[%get3A_687] {strides = array<i32>} : memref<512xf32, #tpu.memory_space<vmem>>, vector<16xf32>,
      %get3A_689 = vector.shape_cast %get3A_688 : vector<16xf32> to vector<16xf32>
      %mul3A_690 = arith.constant 64 : i32
      %mul3A_691 = arith.muli %scan3A_620, %mul3A_690 : i32
      %add3A_692 = arith.constant 10752 : i32
      %add3A_693 = arith.addi %add3A_692, %mul3A_691 : i32
      %add3A_694 = arith.constant 48 : i32
      %add3A_695 = arith.addi %add3A_693, %add3A_694 : i32
      %get3A_696 = arith.index_cast %add3A_695 : i32 to index
      %get3A_697 = tpu.vector_load %arg7[%get3A_696] {strides = array<i32>} : memref<13312xf32, #tpu.memory_space<vmem>>, vector<16xf32>,
      %get3A_698 = vector.shape_cast %get3A_697 : vector<16xf32> to vector<16xf32>
      %add3A_699 = arith.addf %get3A_689, %get3A_698 : vector<16xf32>
      %swap3A_700 = arith.index_cast %add3A_686 : i32 to index
      %swap3A_701 = tpu.vector_load %arg9[%swap3A_700] {strides = array<i32>} : memref<512xf32, #tpu.memory_space<vmem>>, vector<16xf32>,
      %swap3A_702 = vector.shape_cast %swap3A_701 : vector<16xf32> to vector<16xf32>
      %swap3A_703 = vector.shape_cast %add3A_699 : vector<16xf32> to vector<16xf32>
      tpu.vector_store %arg9[%swap3A_700], %swap3A_703 {strides = array<i32>} : memref<512xf32, #tpu.memory_space<vmem>>, vector<16xf32>,
    }
    %scan3A_561 = arith.constant 8 : i32
    %dma_wait3A_562 = arith.constant 11264 : i32
    %dma_wait3A_563 = tpu.memref_slice %arg7[%dma_wait3A_562] : memref<13312xf32, #tpu.memory_space<vmem>> -> memref<512xf32, #tpu.memory_space<vmem>>
    %dma_wait3A_564 = arith.constant 11264 : i32
    %dma_wait3A_565 = tpu.memref_slice %arg6[%dma_wait3A_564] : memref<13312xi32, #tpu.memory_space<vmem>> -> memref<512xi32, #tpu.memory_space<vmem>>
    %dma_wait3A_566 = arith.constant 2200000 : i32
    %dma_wait3A_567 = tpu.memref_slice %arg3[%dma_wait3A_566] : memref<2600000xf32, #tpu.memory_space<hbm>> -> memref<100000xf32, #tpu.memory_space<hbm>>
    %dma_wait3A_568 = arith.constant 0 : i32
    %dma_wait3A_569 = tpu.memref_slice %dma_wait3A_567[%dma_wait3A_568] : memref<100000xf32, #tpu.memory_space<hbm>> -> memref<100000xf32, #tpu.memory_space<hbm>>
    tpu.wait_indirect_dma semaphore(%arg35 : memref<!tpu.dma_semaphore, #tpu.memory_space<semaphore_mem>>) src(%dma_wait3A_569 : memref<100000xf32, #tpu.memory_space<hbm>>) dst(%dma_wait3A_563 : memref<512xf32, #tpu.memory_space<vmem>>)
    %scan3A_570 = arith.constant 0 : i32
    %scan3A_571 = arith.constant 0 : i32
    %scan3A_572 = arith.constant 8 : i32
    %scan3A_573 = arith.addi %scan3A_571, %scan3A_572 : i32
    %scan3A_574 = arith.constant 1 : i32
    scf.for %scan3A_620 = %scan3A_571 to %scan3A_573 step %scan3A_574  : i32 {
      %mul3A_621 = arith.constant 64 : i32
      %mul3A_622 = arith.muli %scan3A_620, %mul3A_621 : i32
      %add3A_623 = arith.constant 0 : i32
      %add3A_624 = arith.addi %mul3A_622, %add3A_623 : i32
      %get3A_625 = arith.index_cast %add3A_624 : i32 to index
      %get3A_626 = tpu.vector_load %arg9[%get3A_625] {strides = array<i32>} : memref<512xf32, #tpu.memory_space<vmem>>, vector<16xf32>,
      %get3A_627 = vector.shape_cast %get3A_626 : vector<16xf32> to vector<16xf32>
      %mul3A_628 = arith.constant 64 : i32
      %mul3A_629 = arith.muli %scan3A_620, %mul3A_628 : i32
      %add3A_630 = arith.constant 11264 : i32
      %add3A_631 = arith.addi %add3A_630, %mul3A_629 : i32
      %add3A_632 = arith.constant 0 : i32
      %add3A_633 = arith.addi %add3A_631, %add3A_632 : i32
      %get3A_634 = arith.index_cast %add3A_633 : i32 to index
      %get3A_635 = tpu.vector_load %arg7[%get3A_634] {strides = array<i32>} : memref<13312xf32, #tpu.memory_space<vmem>>, vector<16xf32>,
      %get3A_636 = vector.shape_cast %get3A_635 : vector<16xf32> to vector<16xf32>
      %add3A_637 = arith.addf %get3A_627, %get3A_636 : vector<16xf32>
      %swap3A = arith.index_cast %add3A_624 : i32 to index
      %swap3A_638 = tpu.vector_load %arg9[%swap3A] {strides = array<i32>} : memref<512xf32, #tpu.memory_space<vmem>>, vector<16xf32>,
      %swap3A_639 = vector.shape_cast %swap3A_638 : vector<16xf32> to vector<16xf32>
      %swap3A_640 = vector.shape_cast %add3A_637 : vector<16xf32> to vector<16xf32>
      tpu.vector_store %arg9[%swap3A], %swap3A_640 {strides = array<i32>} : memref<512xf32, #tpu.memory_space<vmem>>, vector<16xf32>,
      %mul3A_641 = arith.constant 64 : i32
      %mul3A_642 = arith.muli %scan3A_620, %mul3A_641 : i32
      %add3A_643 = arith.constant 16 : i32
      %add3A_644 = arith.addi %mul3A_642, %add3A_643 : i32
      %get3A_645 = arith.index_cast %add3A_644 : i32 to index
      %get3A_646 = tpu.vector_load %arg9[%get3A_645] {strides = array<i32>} : memref<512xf32, #tpu.memory_space<vmem>>, vector<16xf32>,
      %get3A_647 = vector.shape_cast %get3A_646 : vector<16xf32> to vector<16xf32>
      %mul3A_648 = arith.constant 64 : i32
      %mul3A_649 = arith.muli %scan3A_620, %mul3A_648 : i32
      %add3A_650 = arith.constant 11264 : i32
      %add3A_651 = arith.addi %add3A_650, %mul3A_649 : i32
      %add3A_652 = arith.constant 16 : i32
      %add3A_653 = arith.addi %add3A_651, %add3A_652 : i32
      %get3A_654 = arith.index_cast %add3A_653 : i32 to index
      %get3A_655 = tpu.vector_load %arg7[%get3A_654] {strides = array<i32>} : memref<13312xf32, #tpu.memory_space<vmem>>, vector<16xf32>,
      %get3A_656 = vector.shape_cast %get3A_655 : vector<16xf32> to vector<16xf32>
      %add3A_657 = arith.addf %get3A_647, %get3A_656 : vector<16xf32>
      %swap3A_658 = arith.index_cast %add3A_644 : i32 to index
      %swap3A_659 = tpu.vector_load %arg9[%swap3A_658] {strides = array<i32>} : memref<512xf32, #tpu.memory_space<vmem>>, vector<16xf32>,
      %swap3A_660 = vector.shape_cast %swap3A_659 : vector<16xf32> to vector<16xf32>
      %swap3A_661 = vector.shape_cast %add3A_657 : vector<16xf32> to vector<16xf32>
      tpu.vector_store %arg9[%swap3A_658], %swap3A_661 {strides = array<i32>} : memref<512xf32, #tpu.memory_space<vmem>>, vector<16xf32>,
      %mul3A_662 = arith.constant 64 : i32
      %mul3A_663 = arith.muli %scan3A_620, %mul3A_662 : i32
      %add3A_664 = arith.constant 32 : i32
      %add3A_665 = arith.addi %mul3A_663, %add3A_664 : i32
      %get3A_666 = arith.index_cast %add3A_665 : i32 to index
      %get3A_667 = tpu.vector_load %arg9[%get3A_666] {strides = array<i32>} : memref<512xf32, #tpu.memory_space<vmem>>, vector<16xf32>,
      %get3A_668 = vector.shape_cast %get3A_667 : vector<16xf32> to vector<16xf32>
      %mul3A_669 = arith.constant 64 : i32
      %mul3A_670 = arith.muli %scan3A_620, %mul3A_669 : i32
      %add3A_671 = arith.constant 11264 : i32
      %add3A_672 = arith.addi %add3A_671, %mul3A_670 : i32
      %add3A_673 = arith.constant 32 : i32
      %add3A_674 = arith.addi %add3A_672, %add3A_673 : i32
      %get3A_675 = arith.index_cast %add3A_674 : i32 to index
      %get3A_676 = tpu.vector_load %arg7[%get3A_675] {strides = array<i32>} : memref<13312xf32, #tpu.memory_space<vmem>>, vector<16xf32>,
      %get3A_677 = vector.shape_cast %get3A_676 : vector<16xf32> to vector<16xf32>
      %add3A_678 = arith.addf %get3A_668, %get3A_677 : vector<16xf32>
      %swap3A_679 = arith.index_cast %add3A_665 : i32 to index
      %swap3A_680 = tpu.vector_load %arg9[%swap3A_679] {strides = array<i32>} : memref<512xf32, #tpu.memory_space<vmem>>, vector<16xf32>,
      %swap3A_681 = vector.shape_cast %swap3A_680 : vector<16xf32> to vector<16xf32>
      %swap3A_682 = vector.shape_cast %add3A_678 : vector<16xf32> to vector<16xf32>
      tpu.vector_store %arg9[%swap3A_679], %swap3A_682 {strides = array<i32>} : memref<512xf32, #tpu.memory_space<vmem>>, vector<16xf32>,
      %mul3A_683 = arith.constant 64 : i32
      %mul3A_684 = arith.muli %scan3A_620, %mul3A_683 : i32
      %add3A_685 = arith.constant 48 : i32
      %add3A_686 = arith.addi %mul3A_684, %add3A_685 : i32
      %get3A_687 = arith.index_cast %add3A_686 : i32 to index
      %get3A_688 = tpu.vector_load %arg9[%get3A_687] {strides = array<i32>} : memref<512xf32, #tpu.memory_space<vmem>>, vector<16xf32>,
      %get3A_689 = vector.shape_cast %get3A_688 : vector<16xf32> to vector<16xf32>
      %mul3A_690 = arith.constant 64 : i32
      %mul3A_691 = arith.muli %scan3A_620, %mul3A_690 : i32
      %add3A_692 = arith.constant 11264 : i32
      %add3A_693 = arith.addi %add3A_692, %mul3A_691 : i32
      %add3A_694 = arith.constant 48 : i32
      %add3A_695 = arith.addi %add3A_693, %add3A_694 : i32
      %get3A_696 = arith.index_cast %add3A_695 : i32 to index
      %get3A_697 = tpu.vector_load %arg7[%get3A_696] {strides = array<i32>} : memref<13312xf32, #tpu.memory_space<vmem>>, vector<16xf32>,
      %get3A_698 = vector.shape_cast %get3A_697 : vector<16xf32> to vector<16xf32>
      %add3A_699 = arith.addf %get3A_689, %get3A_698 : vector<16xf32>
      %swap3A_700 = arith.index_cast %add3A_686 : i32 to index
      %swap3A_701 = tpu.vector_load %arg9[%swap3A_700] {strides = array<i32>} : memref<512xf32, #tpu.memory_space<vmem>>, vector<16xf32>,
      %swap3A_702 = vector.shape_cast %swap3A_701 : vector<16xf32> to vector<16xf32>
      %swap3A_703 = vector.shape_cast %add3A_699 : vector<16xf32> to vector<16xf32>
      tpu.vector_store %arg9[%swap3A_700], %swap3A_703 {strides = array<i32>} : memref<512xf32, #tpu.memory_space<vmem>>, vector<16xf32>,
    }
    %scan3A_575 = arith.constant 8 : i32
    %dma_wait3A_576 = arith.constant 11776 : i32
    %dma_wait3A_577 = tpu.memref_slice %arg7[%dma_wait3A_576] : memref<13312xf32, #tpu.memory_space<vmem>> -> memref<512xf32, #tpu.memory_space<vmem>>
    %dma_wait3A_578 = arith.constant 11776 : i32
    %dma_wait3A_579 = tpu.memref_slice %arg6[%dma_wait3A_578] : memref<13312xi32, #tpu.memory_space<vmem>> -> memref<512xi32, #tpu.memory_space<vmem>>
    %dma_wait3A_580 = arith.constant 2300000 : i32
    %dma_wait3A_581 = tpu.memref_slice %arg3[%dma_wait3A_580] : memref<2600000xf32, #tpu.memory_space<hbm>> -> memref<100000xf32, #tpu.memory_space<hbm>>
    %dma_wait3A_582 = arith.constant 0 : i32
    %dma_wait3A_583 = tpu.memref_slice %dma_wait3A_581[%dma_wait3A_582] : memref<100000xf32, #tpu.memory_space<hbm>> -> memref<100000xf32, #tpu.memory_space<hbm>>
    tpu.wait_indirect_dma semaphore(%arg36 : memref<!tpu.dma_semaphore, #tpu.memory_space<semaphore_mem>>) src(%dma_wait3A_583 : memref<100000xf32, #tpu.memory_space<hbm>>) dst(%dma_wait3A_577 : memref<512xf32, #tpu.memory_space<vmem>>)
    %scan3A_584 = arith.constant 0 : i32
    %scan3A_585 = arith.constant 0 : i32
    %scan3A_586 = arith.constant 8 : i32
    %scan3A_587 = arith.addi %scan3A_585, %scan3A_586 : i32
    %scan3A_588 = arith.constant 1 : i32
    scf.for %scan3A_620 = %scan3A_585 to %scan3A_587 step %scan3A_588  : i32 {
      %mul3A_621 = arith.constant 64 : i32
      %mul3A_622 = arith.muli %scan3A_620, %mul3A_621 : i32
      %add3A_623 = arith.constant 0 : i32
      %add3A_624 = arith.addi %mul3A_622, %add3A_623 : i32
      %get3A_625 = arith.index_cast %add3A_624 : i32 to index
      %get3A_626 = tpu.vector_load %arg9[%get3A_625] {strides = array<i32>} : memref<512xf32, #tpu.memory_space<vmem>>, vector<16xf32>,
      %get3A_627 = vector.shape_cast %get3A_626 : vector<16xf32> to vector<16xf32>
      %mul3A_628 = arith.constant 64 : i32
      %mul3A_629 = arith.muli %scan3A_620, %mul3A_628 : i32
      %add3A_630 = arith.constant 11776 : i32
      %add3A_631 = arith.addi %add3A_630, %mul3A_629 : i32
      %add3A_632 = arith.constant 0 : i32
      %add3A_633 = arith.addi %add3A_631, %add3A_632 : i32
      %get3A_634 = arith.index_cast %add3A_633 : i32 to index
      %get3A_635 = tpu.vector_load %arg7[%get3A_634] {strides = array<i32>} : memref<13312xf32, #tpu.memory_space<vmem>>, vector<16xf32>,
      %get3A_636 = vector.shape_cast %get3A_635 : vector<16xf32> to vector<16xf32>
      %add3A_637 = arith.addf %get3A_627, %get3A_636 : vector<16xf32>
      %swap3A = arith.index_cast %add3A_624 : i32 to index
      %swap3A_638 = tpu.vector_load %arg9[%swap3A] {strides = array<i32>} : memref<512xf32, #tpu.memory_space<vmem>>, vector<16xf32>,
      %swap3A_639 = vector.shape_cast %swap3A_638 : vector<16xf32> to vector<16xf32>
      %swap3A_640 = vector.shape_cast %add3A_637 : vector<16xf32> to vector<16xf32>
      tpu.vector_store %arg9[%swap3A], %swap3A_640 {strides = array<i32>} : memref<512xf32, #tpu.memory_space<vmem>>, vector<16xf32>,
      %mul3A_641 = arith.constant 64 : i32
      %mul3A_642 = arith.muli %scan3A_620, %mul3A_641 : i32
      %add3A_643 = arith.constant 16 : i32
      %add3A_644 = arith.addi %mul3A_642, %add3A_643 : i32
      %get3A_645 = arith.index_cast %add3A_644 : i32 to index
      %get3A_646 = tpu.vector_load %arg9[%get3A_645] {strides = array<i32>} : memref<512xf32, #tpu.memory_space<vmem>>, vector<16xf32>,
      %get3A_647 = vector.shape_cast %get3A_646 : vector<16xf32> to vector<16xf32>
      %mul3A_648 = arith.constant 64 : i32
      %mul3A_649 = arith.muli %scan3A_620, %mul3A_648 : i32
      %add3A_650 = arith.constant 11776 : i32
      %add3A_651 = arith.addi %add3A_650, %mul3A_649 : i32
      %add3A_652 = arith.constant 16 : i32
      %add3A_653 = arith.addi %add3A_651, %add3A_652 : i32
      %get3A_654 = arith.index_cast %add3A_653 : i32 to index
      %get3A_655 = tpu.vector_load %arg7[%get3A_654] {strides = array<i32>} : memref<13312xf32, #tpu.memory_space<vmem>>, vector<16xf32>,
      %get3A_656 = vector.shape_cast %get3A_655 : vector<16xf32> to vector<16xf32>
      %add3A_657 = arith.addf %get3A_647, %get3A_656 : vector<16xf32>
      %swap3A_658 = arith.index_cast %add3A_644 : i32 to index
      %swap3A_659 = tpu.vector_load %arg9[%swap3A_658] {strides = array<i32>} : memref<512xf32, #tpu.memory_space<vmem>>, vector<16xf32>,
      %swap3A_660 = vector.shape_cast %swap3A_659 : vector<16xf32> to vector<16xf32>
      %swap3A_661 = vector.shape_cast %add3A_657 : vector<16xf32> to vector<16xf32>
      tpu.vector_store %arg9[%swap3A_658], %swap3A_661 {strides = array<i32>} : memref<512xf32, #tpu.memory_space<vmem>>, vector<16xf32>,
      %mul3A_662 = arith.constant 64 : i32
      %mul3A_663 = arith.muli %scan3A_620, %mul3A_662 : i32
      %add3A_664 = arith.constant 32 : i32
      %add3A_665 = arith.addi %mul3A_663, %add3A_664 : i32
      %get3A_666 = arith.index_cast %add3A_665 : i32 to index
      %get3A_667 = tpu.vector_load %arg9[%get3A_666] {strides = array<i32>} : memref<512xf32, #tpu.memory_space<vmem>>, vector<16xf32>,
      %get3A_668 = vector.shape_cast %get3A_667 : vector<16xf32> to vector<16xf32>
      %mul3A_669 = arith.constant 64 : i32
      %mul3A_670 = arith.muli %scan3A_620, %mul3A_669 : i32
      %add3A_671 = arith.constant 11776 : i32
      %add3A_672 = arith.addi %add3A_671, %mul3A_670 : i32
      %add3A_673 = arith.constant 32 : i32
      %add3A_674 = arith.addi %add3A_672, %add3A_673 : i32
      %get3A_675 = arith.index_cast %add3A_674 : i32 to index
      %get3A_676 = tpu.vector_load %arg7[%get3A_675] {strides = array<i32>} : memref<13312xf32, #tpu.memory_space<vmem>>, vector<16xf32>,
      %get3A_677 = vector.shape_cast %get3A_676 : vector<16xf32> to vector<16xf32>
      %add3A_678 = arith.addf %get3A_668, %get3A_677 : vector<16xf32>
      %swap3A_679 = arith.index_cast %add3A_665 : i32 to index
      %swap3A_680 = tpu.vector_load %arg9[%swap3A_679] {strides = array<i32>} : memref<512xf32, #tpu.memory_space<vmem>>, vector<16xf32>,
      %swap3A_681 = vector.shape_cast %swap3A_680 : vector<16xf32> to vector<16xf32>
      %swap3A_682 = vector.shape_cast %add3A_678 : vector<16xf32> to vector<16xf32>
      tpu.vector_store %arg9[%swap3A_679], %swap3A_682 {strides = array<i32>} : memref<512xf32, #tpu.memory_space<vmem>>, vector<16xf32>,
      %mul3A_683 = arith.constant 64 : i32
      %mul3A_684 = arith.muli %scan3A_620, %mul3A_683 : i32
      %add3A_685 = arith.constant 48 : i32
      %add3A_686 = arith.addi %mul3A_684, %add3A_685 : i32
      %get3A_687 = arith.index_cast %add3A_686 : i32 to index
      %get3A_688 = tpu.vector_load %arg9[%get3A_687] {strides = array<i32>} : memref<512xf32, #tpu.memory_space<vmem>>, vector<16xf32>,
      %get3A_689 = vector.shape_cast %get3A_688 : vector<16xf32> to vector<16xf32>
      %mul3A_690 = arith.constant 64 : i32
      %mul3A_691 = arith.muli %scan3A_620, %mul3A_690 : i32
      %add3A_692 = arith.constant 11776 : i32
      %add3A_693 = arith.addi %add3A_692, %mul3A_691 : i32
      %add3A_694 = arith.constant 48 : i32
      %add3A_695 = arith.addi %add3A_693, %add3A_694 : i32
      %get3A_696 = arith.index_cast %add3A_695 : i32 to index
      %get3A_697 = tpu.vector_load %arg7[%get3A_696] {strides = array<i32>} : memref<13312xf32, #tpu.memory_space<vmem>>, vector<16xf32>,
      %get3A_698 = vector.shape_cast %get3A_697 : vector<16xf32> to vector<16xf32>
      %add3A_699 = arith.addf %get3A_689, %get3A_698 : vector<16xf32>
      %swap3A_700 = arith.index_cast %add3A_686 : i32 to index
      %swap3A_701 = tpu.vector_load %arg9[%swap3A_700] {strides = array<i32>} : memref<512xf32, #tpu.memory_space<vmem>>, vector<16xf32>,
      %swap3A_702 = vector.shape_cast %swap3A_701 : vector<16xf32> to vector<16xf32>
      %swap3A_703 = vector.shape_cast %add3A_699 : vector<16xf32> to vector<16xf32>
      tpu.vector_store %arg9[%swap3A_700], %swap3A_703 {strides = array<i32>} : memref<512xf32, #tpu.memory_space<vmem>>, vector<16xf32>,
    }
    %scan3A_589 = arith.constant 8 : i32
    %dma_wait3A_590 = arith.constant 12288 : i32
    %dma_wait3A_591 = tpu.memref_slice %arg7[%dma_wait3A_590] : memref<13312xf32, #tpu.memory_space<vmem>> -> memref<512xf32, #tpu.memory_space<vmem>>
    %dma_wait3A_592 = arith.constant 12288 : i32
    %dma_wait3A_593 = tpu.memref_slice %arg6[%dma_wait3A_592] : memref<13312xi32, #tpu.memory_space<vmem>> -> memref<512xi32, #tpu.memory_space<vmem>>
    %dma_wait3A_594 = arith.constant 2400000 : i32
    %dma_wait3A_595 = tpu.memref_slice %arg3[%dma_wait3A_594] : memref<2600000xf32, #tpu.memory_space<hbm>> -> memref<100000xf32, #tpu.memory_space<hbm>>
    %dma_wait3A_596 = arith.constant 0 : i32
    %dma_wait3A_597 = tpu.memref_slice %dma_wait3A_595[%dma_wait3A_596] : memref<100000xf32, #tpu.memory_space<hbm>> -> memref<100000xf32, #tpu.memory_space<hbm>>
    tpu.wait_indirect_dma semaphore(%arg37 : memref<!tpu.dma_semaphore, #tpu.memory_space<semaphore_mem>>) src(%dma_wait3A_597 : memref<100000xf32, #tpu.memory_space<hbm>>) dst(%dma_wait3A_591 : memref<512xf32, #tpu.memory_space<vmem>>)
    %scan3A_598 = arith.constant 0 : i32
    %scan3A_599 = arith.constant 0 : i32
    %scan3A_600 = arith.constant 8 : i32
    %scan3A_601 = arith.addi %scan3A_599, %scan3A_600 : i32
    %scan3A_602 = arith.constant 1 : i32
    scf.for %scan3A_620 = %scan3A_599 to %scan3A_601 step %scan3A_602  : i32 {
      %mul3A_621 = arith.constant 64 : i32
      %mul3A_622 = arith.muli %scan3A_620, %mul3A_621 : i32
      %add3A_623 = arith.constant 0 : i32
      %add3A_624 = arith.addi %mul3A_622, %add3A_623 : i32
      %get3A_625 = arith.index_cast %add3A_624 : i32 to index
      %get3A_626 = tpu.vector_load %arg9[%get3A_625] {strides = array<i32>} : memref<512xf32, #tpu.memory_space<vmem>>, vector<16xf32>,
      %get3A_627 = vector.shape_cast %get3A_626 : vector<16xf32> to vector<16xf32>
      %mul3A_628 = arith.constant 64 : i32
      %mul3A_629 = arith.muli %scan3A_620, %mul3A_628 : i32
      %add3A_630 = arith.constant 12288 : i32
      %add3A_631 = arith.addi %add3A_630, %mul3A_629 : i32
      %add3A_632 = arith.constant 0 : i32
      %add3A_633 = arith.addi %add3A_631, %add3A_632 : i32
      %get3A_634 = arith.index_cast %add3A_633 : i32 to index
      %get3A_635 = tpu.vector_load %arg7[%get3A_634] {strides = array<i32>} : memref<13312xf32, #tpu.memory_space<vmem>>, vector<16xf32>,
      %get3A_636 = vector.shape_cast %get3A_635 : vector<16xf32> to vector<16xf32>
      %add3A_637 = arith.addf %get3A_627, %get3A_636 : vector<16xf32>
      %swap3A = arith.index_cast %add3A_624 : i32 to index
      %swap3A_638 = tpu.vector_load %arg9[%swap3A] {strides = array<i32>} : memref<512xf32, #tpu.memory_space<vmem>>, vector<16xf32>,
      %swap3A_639 = vector.shape_cast %swap3A_638 : vector<16xf32> to vector<16xf32>
      %swap3A_640 = vector.shape_cast %add3A_637 : vector<16xf32> to vector<16xf32>
      tpu.vector_store %arg9[%swap3A], %swap3A_640 {strides = array<i32>} : memref<512xf32, #tpu.memory_space<vmem>>, vector<16xf32>,
      %mul3A_641 = arith.constant 64 : i32
      %mul3A_642 = arith.muli %scan3A_620, %mul3A_641 : i32
      %add3A_643 = arith.constant 16 : i32
      %add3A_644 = arith.addi %mul3A_642, %add3A_643 : i32
      %get3A_645 = arith.index_cast %add3A_644 : i32 to index
      %get3A_646 = tpu.vector_load %arg9[%get3A_645] {strides = array<i32>} : memref<512xf32, #tpu.memory_space<vmem>>, vector<16xf32>,
      %get3A_647 = vector.shape_cast %get3A_646 : vector<16xf32> to vector<16xf32>
      %mul3A_648 = arith.constant 64 : i32
      %mul3A_649 = arith.muli %scan3A_620, %mul3A_648 : i32
      %add3A_650 = arith.constant 12288 : i32
      %add3A_651 = arith.addi %add3A_650, %mul3A_649 : i32
      %add3A_652 = arith.constant 16 : i32
      %add3A_653 = arith.addi %add3A_651, %add3A_652 : i32
      %get3A_654 = arith.index_cast %add3A_653 : i32 to index
      %get3A_655 = tpu.vector_load %arg7[%get3A_654] {strides = array<i32>} : memref<13312xf32, #tpu.memory_space<vmem>>, vector<16xf32>,
      %get3A_656 = vector.shape_cast %get3A_655 : vector<16xf32> to vector<16xf32>
      %add3A_657 = arith.addf %get3A_647, %get3A_656 : vector<16xf32>
      %swap3A_658 = arith.index_cast %add3A_644 : i32 to index
      %swap3A_659 = tpu.vector_load %arg9[%swap3A_658] {strides = array<i32>} : memref<512xf32, #tpu.memory_space<vmem>>, vector<16xf32>,
      %swap3A_660 = vector.shape_cast %swap3A_659 : vector<16xf32> to vector<16xf32>
      %swap3A_661 = vector.shape_cast %add3A_657 : vector<16xf32> to vector<16xf32>
      tpu.vector_store %arg9[%swap3A_658], %swap3A_661 {strides = array<i32>} : memref<512xf32, #tpu.memory_space<vmem>>, vector<16xf32>,
      %mul3A_662 = arith.constant 64 : i32
      %mul3A_663 = arith.muli %scan3A_620, %mul3A_662 : i32
      %add3A_664 = arith.constant 32 : i32
      %add3A_665 = arith.addi %mul3A_663, %add3A_664 : i32
      %get3A_666 = arith.index_cast %add3A_665 : i32 to index
      %get3A_667 = tpu.vector_load %arg9[%get3A_666] {strides = array<i32>} : memref<512xf32, #tpu.memory_space<vmem>>, vector<16xf32>,
      %get3A_668 = vector.shape_cast %get3A_667 : vector<16xf32> to vector<16xf32>
      %mul3A_669 = arith.constant 64 : i32
      %mul3A_670 = arith.muli %scan3A_620, %mul3A_669 : i32
      %add3A_671 = arith.constant 12288 : i32
      %add3A_672 = arith.addi %add3A_671, %mul3A_670 : i32
      %add3A_673 = arith.constant 32 : i32
      %add3A_674 = arith.addi %add3A_672, %add3A_673 : i32
      %get3A_675 = arith.index_cast %add3A_674 : i32 to index
      %get3A_676 = tpu.vector_load %arg7[%get3A_675] {strides = array<i32>} : memref<13312xf32, #tpu.memory_space<vmem>>, vector<16xf32>,
      %get3A_677 = vector.shape_cast %get3A_676 : vector<16xf32> to vector<16xf32>
      %add3A_678 = arith.addf %get3A_668, %get3A_677 : vector<16xf32>
      %swap3A_679 = arith.index_cast %add3A_665 : i32 to index
      %swap3A_680 = tpu.vector_load %arg9[%swap3A_679] {strides = array<i32>} : memref<512xf32, #tpu.memory_space<vmem>>, vector<16xf32>,
      %swap3A_681 = vector.shape_cast %swap3A_680 : vector<16xf32> to vector<16xf32>
      %swap3A_682 = vector.shape_cast %add3A_678 : vector<16xf32> to vector<16xf32>
      tpu.vector_store %arg9[%swap3A_679], %swap3A_682 {strides = array<i32>} : memref<512xf32, #tpu.memory_space<vmem>>, vector<16xf32>,
      %mul3A_683 = arith.constant 64 : i32
      %mul3A_684 = arith.muli %scan3A_620, %mul3A_683 : i32
      %add3A_685 = arith.constant 48 : i32
      %add3A_686 = arith.addi %mul3A_684, %add3A_685 : i32
      %get3A_687 = arith.index_cast %add3A_686 : i32 to index
      %get3A_688 = tpu.vector_load %arg9[%get3A_687] {strides = array<i32>} : memref<512xf32, #tpu.memory_space<vmem>>, vector<16xf32>,
      %get3A_689 = vector.shape_cast %get3A_688 : vector<16xf32> to vector<16xf32>
      %mul3A_690 = arith.constant 64 : i32
      %mul3A_691 = arith.muli %scan3A_620, %mul3A_690 : i32
      %add3A_692 = arith.constant 12288 : i32
      %add3A_693 = arith.addi %add3A_692, %mul3A_691 : i32
      %add3A_694 = arith.constant 48 : i32
      %add3A_695 = arith.addi %add3A_693, %add3A_694 : i32
      %get3A_696 = arith.index_cast %add3A_695 : i32 to index
      %get3A_697 = tpu.vector_load %arg7[%get3A_696] {strides = array<i32>} : memref<13312xf32, #tpu.memory_space<vmem>>, vector<16xf32>,
      %get3A_698 = vector.shape_cast %get3A_697 : vector<16xf32> to vector<16xf32>
      %add3A_699 = arith.addf %get3A_689, %get3A_698 : vector<16xf32>
      %swap3A_700 = arith.index_cast %add3A_686 : i32 to index
      %swap3A_701 = tpu.vector_load %arg9[%swap3A_700] {strides = array<i32>} : memref<512xf32, #tpu.memory_space<vmem>>, vector<16xf32>,
      %swap3A_702 = vector.shape_cast %swap3A_701 : vector<16xf32> to vector<16xf32>
      %swap3A_703 = vector.shape_cast %add3A_699 : vector<16xf32> to vector<16xf32>
      tpu.vector_store %arg9[%swap3A_700], %swap3A_703 {strides = array<i32>} : memref<512xf32, #tpu.memory_space<vmem>>, vector<16xf32>,
    }
    %scan3A_603 = arith.constant 8 : i32
    %dma_wait3A_604 = arith.constant 12800 : i32
    %dma_wait3A_605 = tpu.memref_slice %arg7[%dma_wait3A_604] : memref<13312xf32, #tpu.memory_space<vmem>> -> memref<512xf32, #tpu.memory_space<vmem>>
    %dma_wait3A_606 = arith.constant 12800 : i32
    %dma_wait3A_607 = tpu.memref_slice %arg6[%dma_wait3A_606] : memref<13312xi32, #tpu.memory_space<vmem>> -> memref<512xi32, #tpu.memory_space<vmem>>
    %dma_wait3A_608 = arith.constant 2500000 : i32
    %dma_wait3A_609 = tpu.memref_slice %arg3[%dma_wait3A_608] : memref<2600000xf32, #tpu.memory_space<hbm>> -> memref<100000xf32, #tpu.memory_space<hbm>>
    %dma_wait3A_610 = arith.constant 0 : i32
    %dma_wait3A_611 = tpu.memref_slice %dma_wait3A_609[%dma_wait3A_610] : memref<100000xf32, #tpu.memory_space<hbm>> -> memref<100000xf32, #tpu.memory_space<hbm>>
    tpu.wait_indirect_dma semaphore(%arg38 : memref<!tpu.dma_semaphore, #tpu.memory_space<semaphore_mem>>) src(%dma_wait3A_611 : memref<100000xf32, #tpu.memory_space<hbm>>) dst(%dma_wait3A_605 : memref<512xf32, #tpu.memory_space<vmem>>)
    %scan3A_612 = arith.constant 0 : i32
    %scan3A_613 = arith.constant 0 : i32
    %scan3A_614 = arith.constant 8 : i32
    %scan3A_615 = arith.addi %scan3A_613, %scan3A_614 : i32
    %scan3A_616 = arith.constant 1 : i32
    scf.for %scan3A_620 = %scan3A_613 to %scan3A_615 step %scan3A_616  : i32 {
      %mul3A_621 = arith.constant 64 : i32
      %mul3A_622 = arith.muli %scan3A_620, %mul3A_621 : i32
      %add3A_623 = arith.constant 0 : i32
      %add3A_624 = arith.addi %mul3A_622, %add3A_623 : i32
      %get3A_625 = arith.index_cast %add3A_624 : i32 to index
      %get3A_626 = tpu.vector_load %arg9[%get3A_625] {strides = array<i32>} : memref<512xf32, #tpu.memory_space<vmem>>, vector<16xf32>,
      %get3A_627 = vector.shape_cast %get3A_626 : vector<16xf32> to vector<16xf32>
      %mul3A_628 = arith.constant 64 : i32
      %mul3A_629 = arith.muli %scan3A_620, %mul3A_628 : i32
      %add3A_630 = arith.constant 12800 : i32
      %add3A_631 = arith.addi %add3A_630, %mul3A_629 : i32
      %add3A_632 = arith.constant 0 : i32
      %add3A_633 = arith.addi %add3A_631, %add3A_632 : i32
      %get3A_634 = arith.index_cast %add3A_633 : i32 to index
      %get3A_635 = tpu.vector_load %arg7[%get3A_634] {strides = array<i32>} : memref<13312xf32, #tpu.memory_space<vmem>>, vector<16xf32>,
      %get3A_636 = vector.shape_cast %get3A_635 : vector<16xf32> to vector<16xf32>
      %add3A_637 = arith.addf %get3A_627, %get3A_636 : vector<16xf32>
      %swap3A = arith.index_cast %add3A_624 : i32 to index
      %swap3A_638 = tpu.vector_load %arg9[%swap3A] {strides = array<i32>} : memref<512xf32, #tpu.memory_space<vmem>>, vector<16xf32>,
      %swap3A_639 = vector.shape_cast %swap3A_638 : vector<16xf32> to vector<16xf32>
      %swap3A_640 = vector.shape_cast %add3A_637 : vector<16xf32> to vector<16xf32>
      tpu.vector_store %arg9[%swap3A], %swap3A_640 {strides = array<i32>} : memref<512xf32, #tpu.memory_space<vmem>>, vector<16xf32>,
      %mul3A_641 = arith.constant 64 : i32
      %mul3A_642 = arith.muli %scan3A_620, %mul3A_641 : i32
      %add3A_643 = arith.constant 16 : i32
      %add3A_644 = arith.addi %mul3A_642, %add3A_643 : i32
      %get3A_645 = arith.index_cast %add3A_644 : i32 to index
      %get3A_646 = tpu.vector_load %arg9[%get3A_645] {strides = array<i32>} : memref<512xf32, #tpu.memory_space<vmem>>, vector<16xf32>,
      %get3A_647 = vector.shape_cast %get3A_646 : vector<16xf32> to vector<16xf32>
      %mul3A_648 = arith.constant 64 : i32
      %mul3A_649 = arith.muli %scan3A_620, %mul3A_648 : i32
      %add3A_650 = arith.constant 12800 : i32
      %add3A_651 = arith.addi %add3A_650, %mul3A_649 : i32
      %add3A_652 = arith.constant 16 : i32
      %add3A_653 = arith.addi %add3A_651, %add3A_652 : i32
      %get3A_654 = arith.index_cast %add3A_653 : i32 to index
      %get3A_655 = tpu.vector_load %arg7[%get3A_654] {strides = array<i32>} : memref<13312xf32, #tpu.memory_space<vmem>>, vector<16xf32>,
      %get3A_656 = vector.shape_cast %get3A_655 : vector<16xf32> to vector<16xf32>
      %add3A_657 = arith.addf %get3A_647, %get3A_656 : vector<16xf32>
      %swap3A_658 = arith.index_cast %add3A_644 : i32 to index
      %swap3A_659 = tpu.vector_load %arg9[%swap3A_658] {strides = array<i32>} : memref<512xf32, #tpu.memory_space<vmem>>, vector<16xf32>,
      %swap3A_660 = vector.shape_cast %swap3A_659 : vector<16xf32> to vector<16xf32>
      %swap3A_661 = vector.shape_cast %add3A_657 : vector<16xf32> to vector<16xf32>
      tpu.vector_store %arg9[%swap3A_658], %swap3A_661 {strides = array<i32>} : memref<512xf32, #tpu.memory_space<vmem>>, vector<16xf32>,
      %mul3A_662 = arith.constant 64 : i32
      %mul3A_663 = arith.muli %scan3A_620, %mul3A_662 : i32
      %add3A_664 = arith.constant 32 : i32
      %add3A_665 = arith.addi %mul3A_663, %add3A_664 : i32
      %get3A_666 = arith.index_cast %add3A_665 : i32 to index
      %get3A_667 = tpu.vector_load %arg9[%get3A_666] {strides = array<i32>} : memref<512xf32, #tpu.memory_space<vmem>>, vector<16xf32>,
      %get3A_668 = vector.shape_cast %get3A_667 : vector<16xf32> to vector<16xf32>
      %mul3A_669 = arith.constant 64 : i32
      %mul3A_670 = arith.muli %scan3A_620, %mul3A_669 : i32
      %add3A_671 = arith.constant 12800 : i32
      %add3A_672 = arith.addi %add3A_671, %mul3A_670 : i32
      %add3A_673 = arith.constant 32 : i32
      %add3A_674 = arith.addi %add3A_672, %add3A_673 : i32
      %get3A_675 = arith.index_cast %add3A_674 : i32 to index
      %get3A_676 = tpu.vector_load %arg7[%get3A_675] {strides = array<i32>} : memref<13312xf32, #tpu.memory_space<vmem>>, vector<16xf32>,
      %get3A_677 = vector.shape_cast %get3A_676 : vector<16xf32> to vector<16xf32>
      %add3A_678 = arith.addf %get3A_668, %get3A_677 : vector<16xf32>
      %swap3A_679 = arith.index_cast %add3A_665 : i32 to index
      %swap3A_680 = tpu.vector_load %arg9[%swap3A_679] {strides = array<i32>} : memref<512xf32, #tpu.memory_space<vmem>>, vector<16xf32>,
      %swap3A_681 = vector.shape_cast %swap3A_680 : vector<16xf32> to vector<16xf32>
      %swap3A_682 = vector.shape_cast %add3A_678 : vector<16xf32> to vector<16xf32>
      tpu.vector_store %arg9[%swap3A_679], %swap3A_682 {strides = array<i32>} : memref<512xf32, #tpu.memory_space<vmem>>, vector<16xf32>,
      %mul3A_683 = arith.constant 64 : i32
      %mul3A_684 = arith.muli %scan3A_620, %mul3A_683 : i32
      %add3A_685 = arith.constant 48 : i32
      %add3A_686 = arith.addi %mul3A_684, %add3A_685 : i32
      %get3A_687 = arith.index_cast %add3A_686 : i32 to index
      %get3A_688 = tpu.vector_load %arg9[%get3A_687] {strides = array<i32>} : memref<512xf32, #tpu.memory_space<vmem>>, vector<16xf32>,
      %get3A_689 = vector.shape_cast %get3A_688 : vector<16xf32> to vector<16xf32>
      %mul3A_690 = arith.constant 64 : i32
      %mul3A_691 = arith.muli %scan3A_620, %mul3A_690 : i32
      %add3A_692 = arith.constant 12800 : i32
      %add3A_693 = arith.addi %add3A_692, %mul3A_691 : i32
      %add3A_694 = arith.constant 48 : i32
      %add3A_695 = arith.addi %add3A_693, %add3A_694 : i32
      %get3A_696 = arith.index_cast %add3A_695 : i32 to index
      %get3A_697 = tpu.vector_load %arg7[%get3A_696] {strides = array<i32>} : memref<13312xf32, #tpu.memory_space<vmem>>, vector<16xf32>,
      %get3A_698 = vector.shape_cast %get3A_697 : vector<16xf32> to vector<16xf32>
      %add3A_699 = arith.addf %get3A_689, %get3A_698 : vector<16xf32>
      %swap3A_700 = arith.index_cast %add3A_686 : i32 to index
      %swap3A_701 = tpu.vector_load %arg9[%swap3A_700] {strides = array<i32>} : memref<512xf32, #tpu.memory_space<vmem>>, vector<16xf32>,
      %swap3A_702 = vector.shape_cast %swap3A_701 : vector<16xf32> to vector<16xf32>
      %swap3A_703 = vector.shape_cast %add3A_699 : vector<16xf32> to vector<16xf32>
      tpu.vector_store %arg9[%swap3A_700], %swap3A_703 {strides = array<i32>} : memref<512xf32, #tpu.memory_space<vmem>>, vector<16xf32>,
    }
    %scan3A_617 = arith.constant 8 : i32
    %mul3A_618 = arith.constant 512 : i32
    %mul3A_619 = arith.muli %add3A, %mul3A_618 : i32
    "tpu.region"() ({
      %run_scoped3A = tpu.sem_alloc : memref<!tpu.dma_semaphore, #tpu.memory_space<semaphore_mem>>
      %dma_start3A_620 = tpu.memref_slice %arg5[%mul3A_619] : memref<16384xf32, #tpu.memory_space<hbm>> -> memref<512xf32, #tpu.memory_space<hbm>>
      %dma_start3A_621 = tpu.memref_slice %arg5[%mul3A_619] : memref<16384xf32, #tpu.memory_space<hbm>> -> memref<512xf32, #tpu.memory_space<hbm>>
      tpu.enqueue_dma source(%arg9 : memref<512xf32, #tpu.memory_space<vmem>>) target(%dma_start3A_621 : memref<512xf32, #tpu.memory_space<hbm>>) target_semaphore(%run_scoped3A : memref<!tpu.dma_semaphore, #tpu.memory_space<semaphore_mem>>)
      %dma_wait3A_622 = tpu.memref_slice %arg5[%mul3A_619] : memref<16384xf32, #tpu.memory_space<hbm>> -> memref<512xf32, #tpu.memory_space<hbm>>
      %dma_wait3A_623 = tpu.memref_slice %arg5[%mul3A_619] : memref<16384xf32, #tpu.memory_space<hbm>> -> memref<512xf32, #tpu.memory_space<hbm>>
      tpu.wait_dma2 semaphore(%run_scoped3A : memref<!tpu.dma_semaphore, #tpu.memory_space<semaphore_mem>>) src(%arg9 : memref<512xf32, #tpu.memory_space<vmem>>) dst(%dma_wait3A_623 : memref<512xf32, #tpu.memory_space<hbm>>)
      tpu.yield
    }) : () -> ()
    return
  }
}

</mosaic_0001>

<sc_bundles>
// kernel: kernel.3.cloned.1.call-start
scs
__scs_entry_jumppad:
0x0: {  	(pc) =	sbr.rel $0x88, $3  }
0x1: {  	(tag) =	ssettag $0x0;
	lr =	simm.s32 $0x1  }
0x2: {  	[smem:$0x3F9E] =	sst lr;
	_ =	strace $0xD0000000  }
0x3: {  	_ = 	snop  }
0x4: {  	_ = 	snop  }
0x5: {  	_ = 	snop  }
0x6: {  	_ = 	snop  }
0x7: {  	_ = 	snop  }
__scs_overlays_trampoline_lowered:
0x8: {  	[smem:$0x3FAD] =	sst s0  }
0x9: {  	[smem:$0x3FAE] =	sst s1  }
0xa: {  	[smem:$0x3FAF] =	sst s2  }
0xb: {  	[smem:$0x3FB0] =	sst s3  }
0xc: {  	[smem:$0x3FB1] =	sst s4  }
0xd: {  	[smem:$0x3FB2] =	sst s5  }
0xe: {  	[smem:$0x3FB3] =	sst s6  }
0xf: {  	[smem:$0x3FB4] =	sst s7  }
0x10: {  	[smem:$0x3FB5] =	sst s8  }
0x11: {  	[smem:$0x3FB6] =	sst s9;
	s0 =	simm.s32 @!p0 $0x0  }
0x12: {  	s1 =	sld [smem:$0x3F9C];
	s0 =	simm.s32 @p0 $0x1  }
0x13: {  	[smem:$0x3FB7] =	sst s0;
	s0 =	simm.s32 @!p1 $0x0  }
0x14: {  	s2 =	sld [smem:$0x3F9B];
	s0 =	simm.s32 @p1 $0x1  }
0x15: {  	[smem:$0x3FB8] =	sst s0;
	s0 =	simm.s32 @!p2 $0x0  }
0x16: {  	s3 =	sld [smem:$0x3FDB];
	s0 =	simm.s32 @p2 $0x1  }
0x17: {  	s4 =	simm.s32 $0x1BF5;
	[smem:$0x3FBA] =	sst s0  }
0x18: {  	s0 =	sld [smem:$0x3F9D];
	_ =	swait.ge [sflag:s4], $0x0  }
0x19: {  	s7 =	sld [smem:$0x3F9E]  }
0x1a: {  	s8 =	sadd.s32 $0xFFFFE003, lr  }
0x1b: {  	s9 =	sadd.s32 $0xFFFFFEF7, lr;
	s5 =	simm.s32 $0xFFFFFFFF;
	p2 =	slt.u32 s8, $0xFFFFF086  }
0x1c: {  	p1 =	slt.u32 s9, $0xF7A;
	s5 =	simm.s32 @!p2 $0x0  }
0x1d: {  	s5 =	simm.s32 @p1 $0x1;
	p0 =	seq.s32 s7, s2  }
0x1e: {  	s7 =	smul.u32 @!p0 $0xF7A, s2;
	p2 =	seq.s32 @!p0 s5, $0x0  }
0x1f: {  	s9 =	smul.u32 $0xF7A, s1;
	s8 =	simm.s32 @!p0 $0x1BF5;
	p2 =	por !p2, p0  }
0x20: {  	[sflag:s8] =	ssyncset.s32 @!p0 $0xFFFFF086;
	s6 =	sadd.s32 @!p0 s3, s7;
	s7 =	simm.s32 @!p0 $0x108  }
0x21: {  	s3 =	sadd.s32 s3, s9;
	s6 =	sadd.s32 @!p0 $0x88, s6;
	s7 =	simm.s32 @p2 $0x1082  }
0x22: {  	[simem:s7], [sflag:s8] =	dma.local @!p0 [hbm:s6], $0xF7A  }
0x23: {  	s9 =	sor.u32 $0xD0000000, s2;
	s6 =	simm.s32 $0x108;
	_ =	swait.ge @!p0 [sflag:s8], $0x0  }
0x24: {  	s3 =	sadd.s32 $0x88, s3;
	s6 =	simm.s32 @!p1 $0x1082;
	[sflag:s4] =	ssyncset.s32 $0xFFFFF086  }
0x25: {  	[simem:s6], [sflag:s4] =	dma.local [hbm:s3], $0xF7A  }
0x26: {  	[smem:$0x3F9E] =	sst s1;
	(tag) =	ssettag s2;
	_ =	strace s9  }
0x27: {  	s1 =	sld [smem:$0x3FAE]  }
0x28: {  	s2 =	sld [smem:$0x3FAF]  }
0x29: {  	s4 =	sld [smem:$0x3FB1]  }
0x2a: {  	p0 =	seq.s32 s5, $0x0;
	s5 =	sld [smem:$0x3FB2]  }
0x2b: {  	s6 =	sld [smem:$0x3FB3]  }
0x2c: {  	s7 =	sld [smem:$0x3FB4]  }
0x2d: {  	s3 =	simm.s32 $0x108;
	s8 =	sld [smem:$0x3FB5]  }
0x2e: {  	s3 =	simm.s32 @!p0 $0x1082;
	s9 =	sld [smem:$0x3FB6]  }
0x2f: {  	lr =	sadd.s32 s0, s3;
	s0 =	sld [smem:$0x3FAD]  }
0x30: {  	s3 =	sld [smem:$0x3FB0]  }
0x31: {  	[smem:$0x3FB9] =	sst s10  }
0x32: {  	s10 =	sld [smem:$0x3FB7];
	_ =	sdelay $0x3  }
0x33: {  	p0 =	seq.s32 s10, $0x1;
	s10 =	sld [smem:$0x3FB9];
	_ =	sdelay $0x3  }
0x34: {  	[smem:$0x3FB9] =	sst s10  }
0x35: {  	s10 =	sld [smem:$0x3FB8];
	_ =	sdelay $0x3  }
0x36: {  	p1 =	seq.s32 s10, $0x1;
	s10 =	sld [smem:$0x3FB9];
	_ =	sdelay $0x3  }
0x37: {  	[smem:$0x3FB9] =	sst s10  }
0x38: {  	s10 =	sld [smem:$0x3FBA]  }
0x39: {  	_ = 	snop;
	(pc) =	sbr.ind lr, $3  }
0x3a: {  	_ = 	snop  }
0x3b: {  	_ = 	snop  }
0x3c: {  	p2 =	seq.s32 s10, $0x1;
	s10 =	sld [smem:$0x3FB9]  }
0x3d: {  	_ =	shalt  }
0x3e: {  	_ =	shalt  }
0x3f: {  	_ =	shalt  }
0x40: {  	_ =	shalt  }
0x41: {  	_ =	shalt  }
0x42: {  	_ =	shalt  }
0x43: {  	_ =	shalt  }
0x44: {  	_ =	shalt  }
0x45: {  	_ =	shalt  }
0x46: {  	_ =	shalt  }
0x47: {  	_ =	shalt  }
0x48: {  	_ =	shalt  }
0x49: {  	_ =	shalt  }
0x4a: {  	_ =	shalt  }
0x4b: {  	_ =	shalt  }
0x4c: {  	_ =	shalt  }
0x4d: {  	_ =	shalt  }
0x4e: {  	_ =	shalt  }
0x4f: {  	_ =	shalt  }
0x50: {  	_ =	shalt  }
0x51: {  	_ =	shalt  }
0x52: {  	_ =	shalt  }
0x53: {  	_ =	shalt  }
0x54: {  	_ =	shalt  }
0x55: {  	_ =	shalt  }
0x56: {  	_ =	shalt  }
0x57: {  	_ =	shalt  }
0x58: {  	_ =	shalt  }
0x59: {  	_ =	shalt  }
0x5a: {  	_ =	shalt  }
0x5b: {  	_ =	shalt  }
0x5c: {  	_ =	shalt  }
0x5d: {  	_ =	shalt  }
0x5e: {  	_ =	shalt  }
0x5f: {  	_ =	shalt  }
0x60: {  	_ =	shalt  }
0x61: {  	_ =	shalt  }
0x62: {  	_ =	shalt  }
0x63: {  	_ =	shalt  }
0x64: {  	_ =	shalt  }
0x65: {  	_ =	shalt  }
0x66: {  	_ =	shalt  }
0x67: {  	_ =	shalt  }
0x68: {  	_ =	shalt  }
0x69: {  	_ =	shalt  }
0x6a: {  	_ =	shalt  }
0x6b: {  	_ =	shalt  }
0x6c: {  	_ =	shalt  }
0x6d: {  	_ =	shalt  }
0x6e: {  	_ =	shalt  }
0x6f: {  	_ =	shalt  }
0x70: {  	_ =	shalt  }
0x71: {  	_ =	shalt  }
0x72: {  	_ =	shalt  }
0x73: {  	_ =	shalt  }
0x74: {  	_ =	shalt  }
0x75: {  	_ =	shalt  }
0x76: {  	_ =	shalt  }
0x77: {  	_ =	shalt  }
0x78: {  	_ =	shalt  }
0x79: {  	_ =	shalt  }
0x7a: {  	_ =	shalt  }
0x7b: {  	_ =	shalt  }
0x7c: {  	_ =	shalt  }
0x7d: {  	_ =	shalt  }
0x7e: {  	_ =	shalt  }
0x7f: {  	_ =	shalt  }
0x80: {  	_ =	shalt  }
0x81: {  	_ =	shalt  }
0x82: {  	_ =	shalt  }
0x83: {  	_ =	shalt  }
0x84: {  	_ =	shalt  }
0x85: {  	_ =	shalt  }
0x86: {  	_ =	shalt  }
0x87: {  	_ =	shalt  }
.Lfunc_end0:
.L_simem_size_0:
called_computation_lowered:
.L_overlay_start_0:
0x88: {  	s2 =	sld [smem:$0x3FD9]  }
0x89: {  	s3 =	sld [smem:$0x3FFE];
	_ =	sdelay $0x1  }
0x8a: {  	s1 =	srdreg.scid  }
0x8b: {  	s0 =	sand.u32 $0x1, s1  }
0x8c: {  	s17 =	sshll.u32 s0, $0xA;
	s2 =	sadd.s32 s3, s2  }
0x8d: {  	s2 =	sadd.s32 s2, s17  }
0x8e: {  	[smem:$0x3FC5] =	sst s2  }
0x8f: {  	_ = 	snop  }
0x90: {  	s2 =	sld [smem:$0x3FD0];
	(tm) =	ssettm $0x1  }
0x91: {  	s18 =	sld [smem:$0x3FFB];
	_ =	sdelay $0x3  }
0x92: {  	_ =	strace s18  }
0x93: {  	s3 =	sld [smem:$0x3FFC];
	_ =	sdelay $0x3  }
0x94: {  	_ =	strace s3  }
0x95: {  	s3 =	sld [smem:$0x3FFD];
	_ =	sdelay $0x3  }
0x96: {  	_ =	strace s3  }
0x97: {  	_ =	strace $0x8FFFFFFF  }
0x98: {  	s19 =	sld [smem:$0x3FDB];
	_ =	sdelay $0x1  }
0x99: {  	s4 =	simm.s32 $_scs_section_size  }
0x9a: {  	s5 =	simm.s32 $_size__tile_overlayer_lowered;
	s6 =	simm.s32 $_tile_overlayer_lowered  }
0x9b: {  	s22 =	simm.s32 $0x1BFF;
	s21 =	sshll.u32 s6, $0x1;
	s3 =	sadd.s32 s4, s19  }
0x9c: {  	s7 =	simm.s32 $0x0;
	s20 =	sshll.u32 s5, $0x1;
	s5 =	sadd.s32 s21, s3  }
0x9d: {  	[timem:s7], [sflag:s22] =	dma.local [hbm:s5], s20  }
0x9e: {  	_ =	swait.ge [sflag:s22], s20  }
0x9f: {  	s4 =	ssub.s32 $0x0, s20;
	[sflag:s22] =	ssyncset.done $0x0  }
0xa0: {  	[sflag:s22] =	ssyncadd.s32 s4;
	_ =	sdelay $0x1  }
0xa1: {  	s23 =	simm.s32 $0x1B8B  }
0xa2: {  	_ =	swait.ge [sflag:s23], $0x1  }
0xa3: {  	[sflag:s23] =	ssyncset.done $0x0  }
0xa4: {  	s25 =	simm.s32 $0x1B8E;
	s24 =	sld [smem:$0x3FFE];
	[sflag:s23] =	ssyncadd.s32 $0xFFFFFFFF  }
0xa5: {  	s26 =	simm.s32 $execute0_lowered;
	[smem:$0x3FD2] =	sst s25  }
0xa6: {  	s5 =	sshll.u32 s26, $0x1;
	_ =	strace $0x80000046;
	[dreg:$0x1] =	wrdreg $0xFFFFFFFF  }
0xa7: {  	s28 =	simm.s32 $_size_execute0_lowered;
	s3 =	sadd.s32 s3, s5;
	[dreg:$0x0] =	wrdreg $0x0  }
0xa8: {  	s5 =	sshll.u32 s28, $0x1;
	[dreg:$0x2] =	wrdreg s3  }
0xa9: {  	[dreg:$0x3] =	wrdreg s5  }
0xaa: {  	[dreg:$0x4] =	wrdreg $0xC0  }
0xab: {  	_ =	task [dreg:s7], $0x5FFFF  }
0xac: {  	[dreg:$0x1] =	wrdreg $0xFFFFFFFF  }
0xad: {  	[dreg:$0x0] =	wrdreg $0x60  }
0xae: {  	[dreg:$0x2] =	wrdreg s24  }
0xaf: {  	[dreg:$0x3] =	wrdreg s2  }
0xb0: {  	[dreg:$0x4] =	wrdreg $0x9  }
0xb1: {  	_ =	task.clear_ibuf [dreg:s7], $0x5FFFF;
	_ =	strace $0x90000046  }
0xb2: {  	s29 =	simm.s32 $0x9;
	_ =	strace $0x80000048  }
0xb3: {  	_ =	swait.ge [sflag:s29], $0x1  }
0xb4: {  	[sflag:s29] =	ssyncadd.s32 $0xFFFFFFFF  }
0xb5: {  	_ =	strace $0x90000048  }
0xb6: {  	_ =	sfence  }
0xb7: {  	s30 =	sld [smem:$0x0];
	_ =	sdelay $0x2  }
0xb8: {  	s31 =	sshll.u32 s1, $0xD;
	s1 =	sshrl.u32 s1, $0x2  }
0xb9: {  	s3 =	sand.u32 $0x4000, s31;
	s1 =	sadd.s32 s1, s30  }
0xba: {  	s0 =	sor.u32 s3, s0;
	s1 =	sshll.u32 s1, $0x11  }
0xbb: {  	s0 =	sor.u32 s1, s0  }
0xbc: {  	s0 =	sadd.s32 $0x8F2B, s0  }
0xbd: {  	[sflag:s0] =	ssyncadd.remote.s32 $0x1  }
0xbe: {  	_ =	sfence.sel $0xFFFF  }
0xbf: {  	[dreg:$0x0] =	wrdreg $0xFFFFFFFF;
	(pc) =	sbr.abs _section_cstart, $3  }
0xc0: {  	[dreg:$0x1] =	wrdreg $0xFFFFFFFF  }
0xc1: {  	_ =	task.clear_ibuf [dreg:s7], $0x2FFFF;
	_ =	strace $0x9FFFFFFF  }
0xc2: {  	(tm) =	ssettm $0x7FFFFFFF  }
0xc3: {  	_ =	shalt  }
tec
execute0_lowered:
.L_overlay_start_1:
0x0: {  	(tag) =	ssettag $0x1  }
0x1: {  	s3 =	rddreg [dreg:$0x0]  }
0x2: {  	s1 =	rddreg [dreg:$0x1];
	s2 =	simm.s32 $0x0  }
0x3: {  	[smem:$0x7FF] =	sst s2;
	s7 =	sadd.s32 $0xD200, s3  }
0x4: {  	s18 =	sadd.s32 $0x5C800, s3;
	_ =	strace $0x80000047;
	[dreg:$0x3] =	wrdreg s7  }
0x5: {  	s21 =	sadd.s32 $0x102D4, s3;
	[dreg:$0x4] =	wrdreg s18  }
0x6: {  	s22 =	sadd.s32 $0x133A8, s3;
	[dreg:$0x7] =	wrdreg s21  }
0x7: {  	s23 =	sadd.s32 $0x1647C, s3;
	[dreg:$0x8] =	wrdreg s22  }
0x8: {  	s24 =	sadd.s32 $0x19550, s3;
	[dreg:$0x9] =	wrdreg s23  }
0x9: {  	s25 =	sadd.s32 $0x1C624, s3;
	[dreg:$0xa] =	wrdreg s24  }
0xa: {  	s26 =	sadd.s32 $0x1F6F8, s3;
	[dreg:$0xb] =	wrdreg s25  }
0xb: {  	s9 =	sadd.s32 $0x2BA48, s3;
	[dreg:$0xc] =	wrdreg s26  }
0xc: {  	s10 =	sadd.s32 $0x2EB1C, s3;
	[dreg:$0x10] =	wrdreg s9  }
0xd: {  	s11 =	sadd.s32 $0x31BF0, s3;
	[dreg:$0x11] =	wrdreg s10  }
0xe: {  	s12 =	sadd.s32 $0x34CC4, s3;
	[dreg:$0x12] =	wrdreg s11  }
0xf: {  	s13 =	sadd.s32 $0x37D98, s3;
	[dreg:$0x13] =	wrdreg s12  }
0x10: {  	s14 =	sadd.s32 $0x3AE6C, s3;
	[dreg:$0x14] =	wrdreg s13  }
0x11: {  	s15 =	sadd.s32 $0x3DF40, s3;
	[dreg:$0x15] =	wrdreg s14  }
0x12: {  	s16 =	sadd.s32 $0x41014, s3;
	[dreg:$0x16] =	wrdreg s15  }
0x13: {  	s17 =	sadd.s32 $0x440E8, s3;
	[dreg:$0x17] =	wrdreg s16  }
0x14: {  	s7 =	sadd.s32 $0x258A0, s3;
	[dreg:$0x18] =	wrdreg s17  }
0x15: {  	s18 =	sadd.s32 $0x471BC, s3;
	[dreg:$0xe] =	wrdreg s7  }
0x16: {  	s21 =	sadd.s32 $0x50438, s3;
	[dreg:$0x19] =	wrdreg s18  }
0x17: {  	s22 =	sadd.s32 $0x5350C, s3;
	[dreg:$0x1c] =	wrdreg s21  }
0x18: {  	s23 =	sadd.s32 $0x565E0, s3;
	[dreg:$0x1d] =	wrdreg s22  }
0x19: {  	s24 =	simm.s32 $0x6800;
	[dreg:$0x1e] =	wrdreg s23  }
0x1a: {  	s25 =	simm.s32 $0x3400;
	[smem:$0x7CC] =	sst s24  }
0x1b: {  	s26 =	simm.s32 $0x3600;
	[smem:$0x7CD] =	sst s25  }
0x1c: {  	s9 =	simm.s32 $0x3E00;
	[smem:$0x7CE] =	sst s26  }
0x1d: {  	s10 =	simm.s32 $0xC00;
	[smem:$0x7D5] =	sst s9  }
0x1e: {  	s11 =	simm.s32 $0x4000;
	[smem:$0x7D6] =	sst s10  }
0x1f: {  	s12 =	simm.s32 $0xE00;
	[smem:$0x7D7] =	sst s11  }
0x20: {  	s13 =	simm.s32 $0x4200;
	[smem:$0x7D8] =	sst s12  }
0x21: {  	s14 =	simm.s32 $0x1000;
	[smem:$0x7D9] =	sst s13  }
0x22: {  	s15 =	simm.s32 $0x4400;
	[smem:$0x7DA] =	sst s14  }
0x23: {  	s16 =	simm.s32 $0x1200;
	[smem:$0x7DB] =	sst s15  }
0x24: {  	s17 =	simm.s32 $0x4600;
	[smem:$0x7DC] =	sst s16  }
0x25: {  	s7 =	simm.s32 $0x3C00;
	[smem:$0x7DD] =	sst s17  }
0x26: {  	s18 =	simm.s32 $0x1400;
	[smem:$0x7D3] =	sst s7  }
0x27: {  	s21 =	simm.s32 $0x4A00;
	[smem:$0x7DE] =	sst s18  }
0x28: {  	s22 =	simm.s32 $0x1800;
	[smem:$0x7E1] =	sst s21  }
0x29: {  	s23 =	simm.s32 $0x4C00;
	[smem:$0x7E2] =	sst s22  }
0x2a: {  	s24 =	simm.s32 $0x4E00;
	[smem:$0x7E3] =	sst s23  }
0x2b: {  	s25 =	simm.s32 $0x1C00;
	[smem:$0x7E4] =	sst s24  }
0x2c: {  	s26 =	simm.s32 $0x5000;
	[smem:$0x7E5] =	sst s25  }
0x2d: {  	s9 =	simm.s32 $0x2400;
	[smem:$0x7E6] =	sst s26  }
0x2e: {  	s0 =	srdreg.scid;
	s10 =	simm.s32 $0x5800;
	[smem:$0x7ED] =	sst s9  }
0x2f: {  	s5 =	stileid.u32;
	s11 =	simm.s32 $0x2600;
	[smem:$0x7EE] =	sst s10  }
0x30: {  	s0 =	sand.u32 $0x1, s0;
	s12 =	simm.s32 $0x5A00;
	[smem:$0x7EF] =	sst s11  }
0x31: {  	s4 =	sshll.u32 s5, $0x1;
	s13 =	simm.s32 $0x2800;
	[smem:$0x7F0] =	sst s12  }
0x32: {  	s4 =	sor.u32 s0, s4;
	s14 =	simm.s32 $0x5C00;
	[smem:$0x7F1] =	sst s13  }
0x33: {  	s6 =	sshll.u32 s4, $0x7;
	s15 =	simm.s32 $0x2A00;
	[smem:$0x7F2] =	sst s14  }
0x34: {  	s4 =	sshll.u32 s4, $0x6;
	s17 =	simm.s32 $0x5E00;
	[smem:$0x7F3] =	sst s15  }
0x35: {  	s28 =	simm.s32 $0x13;
	s1 =	sadd.s32 s1, s4;
	[smem:$0x7F4] =	sst s17  }
0x36: {  	s29 =	simm.s32 $0x14;
	s4 =	simm.s32 $0x600;
	[smem:$0x7CB] =	sst s1  }
0x37: {  	s30 =	simm.s32 $0x15;
	s7 =	simm.s32 $0x2200;
	[smem:$0x7D0] =	sst s4  }
0x38: {  	s31 =	simm.s32 $0x16;
	s18 =	simm.s32 $0x2C00;
	[smem:$0x7EB] =	sst s7  }
0x39: {  	s5 =	sshrl.u32 s5, $0x2;
	s21 =	simm.s32 $0x6200;
	[smem:$0x7F5] =	sst s18  }
0x3a: {  	s8 =	sadd.s32 $0x200, s3;
	s22 =	simm.s32 $0x3000;
	[smem:$0x7F8] =	sst s21  }
0x3b: {  	s5 =	smul.u32 $0x1A000, s5;
	s23 =	simm.s32 $0x6400;
	[smem:$0x7F9] =	sst s22  }
0x3c: {  	s0 =	ssub.s32 $0x2, s0;
	s24 =	simm.s32 $0x3200;
	[smem:$0x7FA] =	sst s23  }
0x3d: {  	s16 =	sshrl.u32 s0, $0x1;
	s25 =	simm.s32 $0x6600;
	[smem:$0x7FB] =	sst s24  }
0x3e: {  	s6 =	sand.u32 $0x380, s6;
	s26 =	simm.s32 $0x6880;
	[smem:$0x7FC] =	sst s25  }
0x3f: {  	s5 =	sor.u32 s5, s6;
	s6 =	sadd.s32 $0x227CC, s3;
	[smem:$0x7FD] =	sst s26  }
0x40: {  	s0 =	ssub.s32 s0, s16;
	s4 =	simm.s32 $0x5200;
	[dreg:$0xd] =	wrdreg s6  }
0x41: {  	s19 =	sshrl.u32 s5, $0x3;
	s6 =	simm.s32 $0x800;
	[smem:$0x7E8] =	sst s4  }
0x42: {  	s9 =	simm.s32 $0x200;
	s20 =	sadd.s32 s8, s19;
	[smem:$0x7D2] =	sst s6  }
0x43: {  	s5 =	sadd.s32 $0xD000, s5;
	s19 =	sadd.s32 $0x4A290, s3;
	[dreg:$0x5] =	wrdreg s20  }
0x44: {  	s5 =	sshrl.u32 s5, $0x3;
	s6 =	simm.s32 $0x5400;
	[dreg:$0x1a] =	wrdreg s19  }
0x45: {  	s17 =	simm.s32 $0x9;
	s5 =	sadd.s32 s8, s5;
	[smem:$0x7EA] =	sst s6  }
0x46: {  	s16 =	simm.s32 $0x1A00;
	s8 =	sadd.s32 $0x28974, s3;
	[dreg:$0x6] =	wrdreg s5  }
0x47: {  	s7 =	simm.s32 $0x1D;
	s20 =	sadd.s32 $0x4D364, s3;
	[dreg:$0xf] =	wrdreg s8  }
0x48: {  	s18 =	simm.s32 $0xA;
	s3 =	sadd.s32 $0x596B4, s3;
	[dreg:$0x1b] =	wrdreg s20  }
0x49: {  	s21 =	simm.s32 $0xD;
	s19 =	simm.s32 $0x4800;
	[dreg:$0x1f] =	wrdreg s3  }
0x4a: {  	s22 =	simm.s32 $0xE;
	s3 =	simm.s32 $0x3800;
	[smem:$0x7DF] =	sst s19  }
0x4b: {  	s23 =	simm.s32 $0xF;
	s5 =	simm.s32 $0x3A00;
	[smem:$0x7CF] =	sst s3  }
0x4c: {  	s24 =	simm.s32 $0x10;
	s8 =	simm.s32 $0xA00;
	[smem:$0x7D1] =	sst s5  }
0x4d: {  	s25 =	simm.s32 $0x11;
	s20 =	simm.s32 $0x1600;
	[smem:$0x7D4] =	sst s8  }
0x4e: {  	s26 =	simm.s32 $0x12;
	s19 =	simm.s32 $0x6000;
	[smem:$0x7E0] =	sst s20  }
0x4f: {  	s1 =	simm.s32 $0x18;
	s3 =	simm.s32 $0x1E00;
	[smem:$0x7F6] =	sst s19  }
0x50: {  	s4 =	simm.s32 $0x19;
	s5 =	simm.s32 $0x2000;
	[smem:$0x7E7] =	sst s3  }
0x51: {  	s6 =	simm.s32 $0x1A;
	s8 =	simm.s32 $0x5600;
	[smem:$0x7E9] =	sst s5  }
0x52: {  	s20 =	simm.s32 $0x2E00;
	s19 =	simm.s32 $0xB;
	[smem:$0x7EC] =	sst s8  }
0x53: {  	s3 =	smax.u32 s0, $0x1;
	[smem:$0x7F7] =	sst s20;
	s20 =	simm.s32 $0xC  }
0x54: {  	s0 =	simm.s32 $0x17;
	s5 =	simm.s32 $0x1B;
	s8 =	simm.s32 $0x1C  }
.LBB2_1:
0x55: {  	s10 =	rddreg [dreg:$0x5]  }
0x56: {  	s13 =	simm.s32 $0x80;
	s14 =	simm.s32 $0x400;
	s15 =	rddreg [dreg:$0x6]  }
0x57: {  	[tilespmem:s2], [sflag:$0x1] =	stream.strided.gather [hbm4b:s10+s13], $0x1A00, s14, s13, $0x38;
	[tilespmem:$0x6A80] =	vst v63  }
0x58: {  	s12 =	sld [smem:$0x7CC]  }
0x59: {  	[tilespmem:s16], [sflag:$0x2] =	stream.strided.gather [hbm4b:s15+s13], $0x1A00, s14, s13, $0x38;
	[tilespmem:$0x6A80] =	vst v63  }
0x5a: {  	s11 =	rddreg [dreg:$0x4]  }
0x5b: {  	[tilespmem:s12], [sflag:$0x1D] =	stream.linear.gather [hbm4b:s11+s2], $0x80, $0x38;
	[tilespmem:$0x6A80] =	vst v63  }
0x5c: {  	_ =	swait.ge [sflag:s7], $0x80  }
0x5d: {  	[sflag:s7] =	ssyncset.done $0x0  }
0x5e: {  	[sflag:s7] =	ssyncadd.s32 $0xFFFFFF80  }
0x5f: {  	v0 =	vld [tilespmem:$0x6800];
	_ =	sdelay $0x4  }
0x60: {  	[tilespmem:$0x6880] =	vst v0  }
0x61: {  	[tilespmem:$0x6890] =	vst v0  }
0x62: {  	[tilespmem:$0x68A0] =	vst v0  }
0x63: {  	[tilespmem:$0x68B0] =	vst v0  }
0x64: {  	[tilespmem:$0x68C0] =	vst v0  }
0x65: {  	[tilespmem:$0x68D0] =	vst v0  }
0x66: {  	[tilespmem:$0x68E0] =	vst v0  }
0x67: {  	[tilespmem:$0x68F0] =	vst v0  }
0x68: {  	[tilespmem:$0x6900] =	vst v0  }
0x69: {  	[tilespmem:$0x6910] =	vst v0  }
0x6a: {  	[tilespmem:$0x6920] =	vst v0  }
0x6b: {  	[tilespmem:$0x6930] =	vst v0  }
0x6c: {  	[tilespmem:$0x6940] =	vst v0  }
0x6d: {  	[tilespmem:$0x6950] =	vst v0  }
0x6e: {  	[tilespmem:$0x6960] =	vst v0  }
0x6f: {  	[tilespmem:$0x6970] =	vst v0  }
0x70: {  	[tilespmem:$0x6980] =	vst v0  }
0x71: {  	[tilespmem:$0x6990] =	vst v0  }
0x72: {  	[tilespmem:$0x69A0] =	vst v0  }
0x73: {  	[tilespmem:$0x69B0] =	vst v0  }
0x74: {  	[tilespmem:$0x69C0] =	vst v0  }
0x75: {  	[tilespmem:$0x69D0] =	vst v0  }
0x76: {  	[tilespmem:$0x69E0] =	vst v0  }
0x77: {  	[tilespmem:$0x69F0] =	vst v0  }
0x78: {  	[tilespmem:$0x6A00] =	vst v0  }
0x79: {  	[tilespmem:$0x6A10] =	vst v0  }
0x7a: {  	[tilespmem:$0x6A20] =	vst v0  }
0x7b: {  	[tilespmem:$0x6A30] =	vst v0  }
0x7c: {  	[tilespmem:$0x6A40] =	vst v0  }
0x7d: {  	[tilespmem:$0x6A50] =	vst v0  }
0x7e: {  	[tilespmem:$0x6A60] =	vst v0  }
0x7f: {  	s11 =	simm.s32 $0x1;
	[tilespmem:$0x6A70] =	vst v0  }
0x80: {  	_ =	swait.ge [sflag:s11], $0x1A00  }
0x81: {  	s13 =	rddreg [dreg:$0x3]  }
0x82: {  	s15 =	sld [smem:$0x7CD]  }
0x83: {  	s12 =	sld [smem:$0x7CE]  }
0x84: {  	[sflag:s11] =	ssyncset.done $0x0;
	s10 =	rddreg [dreg:$0x9]  }
0x85: {  	[sflag:s11] =	ssyncadd.s32 $0xFFFFE600;
	s11 =	rddreg [dreg:$0x7]  }
0x86: {  	[tilespmem:s15], [sflag:$0x3] =	stream.indirect.gather [hbm4b:s13+s9], $0x1, s2, s9, $0xb8;
	[tilespmem:$0x6A80] =	vst v63  }
0x87: {  	s13 =	rddreg [dreg:$0x8]  }
0x88: {  	s15 =	sld [smem:$0x7CF]  }
0x89: {  	[tilespmem:s12], [sflag:$0x4] =	stream.indirect.gather [hbm4b:s11+s9], $0x1, s9, s9, $0xb8;
	[tilespmem:$0x6A80] =	vst v63  }
0x8a: {  	s11 =	sld [smem:$0x7D0]  }
0x8b: {  	s12 =	sld [smem:$0x7D1]  }
0x8c: {  	[tilespmem:s15], [sflag:$0x5] =	stream.indirect.gather [hbm4b:s13+s9], $0x1, s14, s9, $0xb8;
	[tilespmem:$0x6A80] =	vst v63  }
0x8d: {  	s13 =	rddreg [dreg:$0xa]  }
0x8e: {  	s14 =	sld [smem:$0x7D2]  }
0x8f: {  	s15 =	sld [smem:$0x7D3]  }
0x90: {  	[tilespmem:s12], [sflag:$0x6] =	stream.indirect.gather [hbm4b:s10+s9], $0x1, s11, s9, $0xb8;
	[tilespmem:$0x6A80] =	vst v63  }
0x91: {  	s10 =	rddreg [dreg:$0xb]  }
0x92: {  	s11 =	sld [smem:$0x7D4]  }
0x93: {  	s12 =	sld [smem:$0x7D5]  }
0x94: {  	[tilespmem:s15], [sflag:$0x7] =	stream.indirect.gather [hbm4b:s13+s9], $0x1, s14, s9, $0xb8;
	[tilespmem:$0x6A80] =	vst v63  }
0x95: {  	s13 =	rddreg [dreg:$0xc]  }
0x96: {  	s14 =	sld [smem:$0x7D6]  }
0x97: {  	s15 =	sld [smem:$0x7D7]  }
0x98: {  	[tilespmem:s12], [sflag:$0x8] =	stream.indirect.gather [hbm4b:s10+s9], $0x1, s11, s9, $0xb8;
	[tilespmem:$0x6A80] =	vst v63  }
0x99: {  	s10 =	rddreg [dreg:$0xd]  }
0x9a: {  	s11 =	sld [smem:$0x7D8]  }
0x9b: {  	s12 =	sld [smem:$0x7D9]  }
0x9c: {  	[tilespmem:s15], [sflag:$0x9] =	stream.indirect.gather [hbm4b:s13+s9], $0x1, s14, s9, $0xb8;
	[tilespmem:$0x6A80] =	vst v63  }
0x9d: {  	s13 =	rddreg [dreg:$0xe]  }
0x9e: {  	s14 =	sld [smem:$0x7DA]  }
0x9f: {  	s15 =	sld [smem:$0x7DB]  }
0xa0: {  	[tilespmem:s12], [sflag:$0xA] =	stream.indirect.gather [hbm4b:s10+s9], $0x1, s11, s9, $0xb8;
	[tilespmem:$0x6A80] =	vst v63  }
0xa1: {  	s10 =	rddreg [dreg:$0xf]  }
0xa2: {  	s11 =	sld [smem:$0x7DC]  }
0xa3: {  	s12 =	sld [smem:$0x7DD]  }
0xa4: {  	[tilespmem:s15], [sflag:$0xB] =	stream.indirect.gather [hbm4b:s13+s9], $0x1, s14, s9, $0xb8;
	[tilespmem:$0x6A80] =	vst v63  }
0xa5: {  	s13 =	rddreg [dreg:$0x10]  }
0xa6: {  	s14 =	sld [smem:$0x7DE]  }
0xa7: {  	s15 =	sld [smem:$0x7DF]  }
0xa8: {  	[tilespmem:s12], [sflag:$0xC] =	stream.indirect.gather [hbm4b:s10+s9], $0x1, s11, s9, $0xb8;
	[tilespmem:$0x6A80] =	vst v63  }
0xa9: {  	s10 =	rddreg [dreg:$0x11]  }
0xaa: {  	s11 =	sld [smem:$0x7E0]  }
0xab: {  	s12 =	sld [smem:$0x7E1]  }
0xac: {  	[tilespmem:s15], [sflag:$0xD] =	stream.indirect.gather [hbm4b:s13+s9], $0x1, s14, s9, $0xb8;
	[tilespmem:$0x6A80] =	vst v63  }
0xad: {  	s14 =	sld [smem:$0x7E2]  }
0xae: {  	s15 =	sld [smem:$0x7E3]  }
0xaf: {  	[tilespmem:s12], [sflag:$0xE] =	stream.indirect.gather [hbm4b:s10+s9], $0x1, s11, s9, $0xb8;
	[tilespmem:$0x6A80] =	vst v63  }
0xb0: {  	s13 =	rddreg [dreg:$0x12]  }
0xb1: {  	[tilespmem:s15], [sflag:$0xF] =	stream.indirect.gather [hbm4b:s13+s9], $0x1, s14, s9, $0xb8;
	[tilespmem:$0x6A80] =	vst v63  }
0xb2: {  	s13 =	simm.s32 $0x2  }
0xb3: {  	_ =	swait.ge [sflag:s13], $0x1A00  }
0xb4: {  	s14 =	rddreg [dreg:$0x13]  }
0xb5: {  	s15 =	sld [smem:$0x7E4]  }
0xb6: {  	s10 =	rddreg [dreg:$0x14]  }
0xb7: {  	s11 =	sld [smem:$0x7E5]  }
0xb8: {  	[sflag:s13] =	ssyncset.done $0x0;
	s12 =	sld [smem:$0x7E6]  }
0xb9: {  	[sflag:s13] =	ssyncadd.s32 $0xFFFFE600;
	s13 =	rddreg [dreg:$0x15]  }
0xba: {  	[tilespmem:s15], [sflag:$0x10] =	stream.indirect.gather [hbm4b:s14+s9], $0x1, s16, s9, $0xb8;
	[tilespmem:$0x6A80] =	vst v63  }
0xbb: {  	s14 =	sld [smem:$0x7E7]  }
0xbc: {  	s15 =	sld [smem:$0x7E8]  }
0xbd: {  	[tilespmem:s12], [sflag:$0x11] =	stream.indirect.gather [hbm4b:s10+s9], $0x1, s11, s9, $0xb8;
	[tilespmem:$0x6A80] =	vst v63  }
0xbe: {  	s10 =	rddreg [dreg:$0x16]  }
0xbf: {  	s11 =	sld [smem:$0x7E9]  }
0xc0: {  	s12 =	sld [smem:$0x7EA]  }
0xc1: {  	[tilespmem:s15], [sflag:$0x12] =	stream.indirect.gather [hbm4b:s13+s9], $0x1, s14, s9, $0xb8;
	[tilespmem:$0x6A80] =	vst v63  }
0xc2: {  	s13 =	rddreg [dreg:$0x17]  }
0xc3: {  	s14 =	sld [smem:$0x7EB]  }
0xc4: {  	s15 =	sld [smem:$0x7EC]  }
0xc5: {  	[tilespmem:s12], [sflag:$0x13] =	stream.indirect.gather [hbm4b:s10+s9], $0x1, s11, s9, $0xb8;
	[tilespmem:$0x6A80] =	vst v63  }
0xc6: {  	s10 =	rddreg [dreg:$0x18]  }
0xc7: {  	s11 =	sld [smem:$0x7ED]  }
0xc8: {  	s12 =	sld [smem:$0x7EE]  }
0xc9: {  	[tilespmem:s15], [sflag:$0x14] =	stream.indirect.gather [hbm4b:s13+s9], $0x1, s14, s9, $0xb8;
	[tilespmem:$0x6A80] =	vst v63  }
0xca: {  	s13 =	rddreg [dreg:$0x19]  }
0xcb: {  	s14 =	sld [smem:$0x7EF]  }
0xcc: {  	s15 =	sld [smem:$0x7F0]  }
0xcd: {  	[tilespmem:s12], [sflag:$0x15] =	stream.indirect.gather [hbm4b:s10+s9], $0x1, s11, s9, $0xb8;
	[tilespmem:$0x6A80] =	vst v63  }
0xce: {  	s10 =	rddreg [dreg:$0x1a]  }
0xcf: {  	s11 =	sld [smem:$0x7F1]  }
0xd0: {  	s12 =	sld [smem:$0x7F2]  }
0xd1: {  	[tilespmem:s15], [sflag:$0x16] =	stream.indirect.gather [hbm4b:s13+s9], $0x1, s14, s9, $0xb8;
	[tilespmem:$0x6A80] =	vst v63  }
0xd2: {  	s13 =	rddreg [dreg:$0x1b]  }
0xd3: {  	s14 =	sld [smem:$0x7F3]  }
0xd4: {  	s15 =	sld [smem:$0x7F4]  }
0xd5: {  	[tilespmem:s12], [sflag:$0x17] =	stream.indirect.gather [hbm4b:s10+s9], $0x1, s11, s9, $0xb8;
	[tilespmem:$0x6A80] =	vst v63  }
0xd6: {  	s10 =	rddreg [dreg:$0x1c]  }
0xd7: {  	s11 =	sld [smem:$0x7F5]  }
0xd8: {  	s12 =	sld [smem:$0x7F6]  }
0xd9: {  	[tilespmem:s15], [sflag:$0x18] =	stream.indirect.gather [hbm4b:s13+s9], $0x1, s14, s9, $0xb8;
	[tilespmem:$0x6A80] =	vst v63  }
0xda: {  	s13 =	rddreg [dreg:$0x1d]  }
0xdb: {  	s14 =	sld [smem:$0x7F7]  }
0xdc: {  	s15 =	sld [smem:$0x7F8]  }
0xdd: {  	[tilespmem:s12], [sflag:$0x19] =	stream.indirect.gather [hbm4b:s10+s9], $0x1, s11, s9, $0xb8;
	[tilespmem:$0x6A80] =	vst v63  }
0xde: {  	s10 =	rddreg [dreg:$0x1e]  }
0xdf: {  	s11 =	sld [smem:$0x7F9]  }
0xe0: {  	s12 =	sld [smem:$0x7FA]  }
0xe1: {  	[tilespmem:s15], [sflag:$0x1A] =	stream.indirect.gather [hbm4b:s13+s9], $0x1, s14, s9, $0xb8;
	[tilespmem:$0x6A80] =	vst v63  }
0xe2: {  	s14 =	sld [smem:$0x7FB]  }
0xe3: {  	s15 =	sld [smem:$0x7FC]  }
0xe4: {  	[tilespmem:s12], [sflag:$0x1B] =	stream.indirect.gather [hbm4b:s10+s9], $0x1, s11, s9, $0xb8;
	[tilespmem:$0x6A80] =	vst v63  }
0xe5: {  	s13 =	rddreg [dreg:$0x1f]  }
0xe6: {  	[tilespmem:s15], [sflag:$0x1C] =	stream.indirect.gather [hbm4b:s13+s9], $0x1, s14, s9, $0xb8;
	[tilespmem:$0x6A80] =	vst v63  }
0xe7: {  	s13 =	simm.s32 $0x3  }
0xe8: {  	_ =	swait.ge [sflag:s13], $0x200  }
0xe9: {  	[sflag:s13] =	ssyncset.done $0x0  }
0xea: {  	[sflag:s13] =	ssyncadd.s32 $0xFFFFFE00  }
0xeb: {  	v63 =	vld [tilespmem:$0x6880]  }
0xec: {  	v1 =	vld [tilespmem:$0x3400]  }
0xed: {  	v2 =	vld [tilespmem:$0x6890]  }
0xee: {  	v3 =	vld [tilespmem:$0x3410]  }
0xef: {  	v4 =	vld [tilespmem:$0x68A0]  }
0xf0: {  	v5 =	vld [tilespmem:$0x3420]  }
0xf1: {  	v6 =	vld [tilespmem:$0x68B0]  }
0xf2: {  	v7 =	vld [tilespmem:$0x3430]  }
0xf3: {  	v8 =	vld [tilespmem:$0x68C0]  }
0xf4: {  	v9 =	vld [tilespmem:$0x3440]  }
0xf5: {  	v10 =	vld [tilespmem:$0x68D0]  }
0xf6: {  	v11 =	vld [tilespmem:$0x3450]  }
0xf7: {  	v12 =	vld [tilespmem:$0x68E0]  }
0xf8: {  	v13 =	vld [tilespmem:$0x3460]  }
0xf9: {  	v14 =	vld [tilespmem:$0x68F0]  }
0xfa: {  	v15 =	vld [tilespmem:$0x3470]  }
0xfb: {  	v16 =	vld [tilespmem:$0x6900]  }
0xfc: {  	v17 =	vld [tilespmem:$0x3480]  }
0xfd: {  	v18 =	vld [tilespmem:$0x6910]  }
0xfe: {  	v19 =	vld [tilespmem:$0x3490]  }
0xff: {  	v20 =	vld [tilespmem:$0x6920]  }
0x100: {  	v21 =	vld [tilespmem:$0x34A0]  }
0x101: {  	v23 =	vld [tilespmem:$0x6930];
	v0 =	vadd.f32 v1, v63  }
0x102: {  	v24 =	vld [tilespmem:$0x34B0];
	v2 =	vadd.f32 v3, v2  }
0x103: {  	v26 =	vld [tilespmem:$0x6940];
	v25 =	vadd.f32 v5, v4;
	[tilespmem:$0x6880] =	vst v0  }
0x104: {  	v28 =	vld [tilespmem:$0x34C0];
	v27 =	vadd.f32 v7, v6;
	[tilespmem:$0x6890] =	vst v2  }
0x105: {  	v30 =	vld [tilespmem:$0x6950];
	v29 =	vadd.f32 v9, v8;
	[tilespmem:$0x68A0] =	vst v25  }
0x106: {  	v32 =	vld [tilespmem:$0x34D0];
	v31 =	vadd.f32 v11, v10;
	[tilespmem:$0x68B0] =	vst v27  }
0x107: {  	v34 =	vld [tilespmem:$0x6960];
	v33 =	vadd.f32 v13, v12;
	[tilespmem:$0x68C0] =	vst v29  }
0x108: {  	v36 =	vld [tilespmem:$0x34E0];
	v35 =	vadd.f32 v15, v14;
	[tilespmem:$0x68D0] =	vst v31  }
0x109: {  	v38 =	vld [tilespmem:$0x6970];
	v37 =	vadd.f32 v17, v16;
	[tilespmem:$0x68E0] =	vst v33  }
0x10a: {  	v40 =	vld [tilespmem:$0x34F0];
	v39 =	vadd.f32 v19, v18;
	[tilespmem:$0x68F0] =	vst v35  }
0x10b: {  	v42 =	vld [tilespmem:$0x6980];
	v41 =	vadd.f32 v21, v20;
	[tilespmem:$0x6900] =	vst v37  }
0x10c: {  	v43 =	vld [tilespmem:$0x3500];
	v1 =	vadd.f32 v24, v23;
	[tilespmem:$0x6910] =	vst v39  }
0x10d: {  	v44 =	vadd.f32 v28, v26;
	[tilespmem:$0x6920] =	vst v41  }
0x10e: {  	v45 =	vadd.f32 v32, v30;
	[tilespmem:$0x6930] =	vst v1  }
0x10f: {  	v46 =	vadd.f32 v36, v34;
	[tilespmem:$0x6940] =	vst v44  }
0x110: {  	v47 =	vadd.f32 v40, v38;
	[tilespmem:$0x6950] =	vst v45  }
0x111: {  	v48 =	vadd.f32 v43, v42;
	[tilespmem:$0x6960] =	vst v46  }
0x112: {  	[tilespmem:$0x6970] =	vst v47  }
0x113: {  	[tilespmem:$0x6980] =	vst v48  }
0x114: {  	v0 =	vld [tilespmem:$0x6990]  }
0x115: {  	v49 =	vld [tilespmem:$0x3510]  }
0x116: {  	v50 =	vld [tilespmem:$0x69A0]  }
0x117: {  	v51 =	vld [tilespmem:$0x3520]  }
0x118: {  	v52 =	vld [tilespmem:$0x69B0]  }
0x119: {  	v53 =	vld [tilespmem:$0x3530]  }
0x11a: {  	v54 =	vld [tilespmem:$0x69C0]  }
0x11b: {  	v55 =	vld [tilespmem:$0x3540]  }
0x11c: {  	v56 =	vld [tilespmem:$0x69D0]  }
0x11d: {  	v57 =	vld [tilespmem:$0x3550]  }
0x11e: {  	v58 =	vld [tilespmem:$0x69E0]  }
0x11f: {  	v59 =	vld [tilespmem:$0x3560]  }
0x120: {  	v60 =	vld [tilespmem:$0x69F0]  }
0x121: {  	v61 =	vld [tilespmem:$0x3570]  }
0x122: {  	v62 =	vld [tilespmem:$0x6A00]  }
0x123: {  	v63 =	vld [tilespmem:$0x3580]  }
0x124: {  	v21 =	vld [tilespmem:$0x6A10]  }
0x125: {  	v22 =	vld [tilespmem:$0x3590]  }
0x126: {  	v23 =	vld [tilespmem:$0x6A20]  }
0x127: {  	v24 =	vld [tilespmem:$0x35A0]  }
0x128: {  	v25 =	vld [tilespmem:$0x6A30];
	v0 =	vadd.f32 v49, v0  }
0x129: {  	v26 =	vld [tilespmem:$0x35B0];
	v2 =	vadd.f32 v51, v50  }
0x12a: {  	v28 =	vld [tilespmem:$0x6A40];
	v27 =	vadd.f32 v53, v52;
	[tilespmem:$0x6990] =	vst v0  }
0x12b: {  	v30 =	vld [tilespmem:$0x35C0];
	v29 =	vadd.f32 v55, v54;
	[tilespmem:$0x69A0] =	vst v2  }
0x12c: {  	v32 =	vld [tilespmem:$0x6A50];
	v31 =	vadd.f32 v57, v56;
	[tilespmem:$0x69B0] =	vst v27  }
0x12d: {  	v34 =	vld [tilespmem:$0x35D0];
	v33 =	vadd.f32 v59, v58;
	[tilespmem:$0x69C0] =	vst v29  }
0x12e: {  	v36 =	vld [tilespmem:$0x6A60];
	v35 =	vadd.f32 v61, v60;
	[tilespmem:$0x69D0] =	vst v31  }
0x12f: {  	v38 =	vld [tilespmem:$0x35E0];
	v37 =	vadd.f32 v63, v62;
	[tilespmem:$0x69E0] =	vst v33  }
0x130: {  	v40 =	vld [tilespmem:$0x6A70];
	v39 =	vadd.f32 v22, v21;
	[tilespmem:$0x69F0] =	vst v35  }
0x131: {  	v42 =	vld [tilespmem:$0x35F0];
	v41 =	vadd.f32 v24, v23;
	[tilespmem:$0x6A00] =	vst v37  }
0x132: {  	v43 =	vadd.f32 v26, v25;
	[tilespmem:$0x6A10] =	vst v39  }
0x133: {  	v44 =	vadd.f32 v30, v28;
	[tilespmem:$0x6A20] =	vst v41  }
0x134: {  	v45 =	vadd.f32 v34, v32;
	[tilespmem:$0x6A30] =	vst v43  }
0x135: {  	v46 =	vadd.f32 v38, v36;
	[tilespmem:$0x6A40] =	vst v44  }
0x136: {  	v47 =	vadd.f32 v42, v40;
	[tilespmem:$0x6A50] =	vst v45  }
0x137: {  	[tilespmem:$0x6A60] =	vst v46  }
0x138: {  	s14 =	simm.s32 $0x4;
	[tilespmem:$0x6A70] =	vst v47  }
0x139: {  	_ =	swait.ge [sflag:s14], $0x200  }
0x13a: {  	[sflag:s14] =	ssyncset.done $0x0  }
0x13b: {  	[sflag:s14] =	ssyncadd.s32 $0xFFFFFE00  }
0x13c: {  	v48 =	vld [tilespmem:$0x6880]  }
0x13d: {  	v49 =	vld [tilespmem:$0x3600]  }
0x13e: {  	v50 =	vld [tilespmem:$0x6890]  }
0x13f: {  	v51 =	vld [tilespmem:$0x3610]  }
0x140: {  	v52 =	vld [tilespmem:$0x68A0]  }
0x141: {  	v53 =	vld [tilespmem:$0x3620]  }
0x142: {  	v54 =	vld [tilespmem:$0x68B0]  }
0x143: {  	v55 =	vld [tilespmem:$0x3630]  }
0x144: {  	v56 =	vld [tilespmem:$0x68C0]  }
0x145: {  	v57 =	vld [tilespmem:$0x3640]  }
0x146: {  	v58 =	vld [tilespmem:$0x68D0]  }
0x147: {  	v59 =	vld [tilespmem:$0x3650]  }
0x148: {  	v60 =	vld [tilespmem:$0x68E0]  }
0x149: {  	v61 =	vld [tilespmem:$0x3660]  }
0x14a: {  	v62 =	vld [tilespmem:$0x68F0]  }
0x14b: {  	v63 =	vld [tilespmem:$0x3670]  }
0x14c: {  	v40 =	vld [tilespmem:$0x6900]  }
0x14d: {  	v41 =	vld [tilespmem:$0x3680]  }
0x14e: {  	v42 =	vld [tilespmem:$0x6910]  }
0x14f: {  	v43 =	vld [tilespmem:$0x3690]  }
0x150: {  	v44 =	vld [tilespmem:$0x6920]  }
0x151: {  	v45 =	vld [tilespmem:$0x36A0]  }
0x152: {  	v22 =	vld [tilespmem:$0x6930]  }
0x153: {  	v23 =	vld [tilespmem:$0x36B0]  }
0x154: {  	v24 =	vld [tilespmem:$0x6940]  }
0x155: {  	v25 =	vld [tilespmem:$0x36C0]  }
0x156: {  	v26 =	vld [tilespmem:$0x6950]  }
0x157: {  	v27 =	vld [tilespmem:$0x36D0]  }
0x158: {  	v28 =	vld [tilespmem:$0x6960]  }
0x159: {  	v29 =	vld [tilespmem:$0x36E0]  }
0x15a: {  	v30 =	vld [tilespmem:$0x6970]  }
0x15b: {  	v31 =	vld [tilespmem:$0x36F0]  }
0x15c: {  	v32 =	vld [tilespmem:$0x6980]  }
0x15d: {  	v33 =	vld [tilespmem:$0x3700]  }
0x15e: {  	v34 =	vld [tilespmem:$0x6990]  }
0x15f: {  	v35 =	vld [tilespmem:$0x3710]  }
0x160: {  	v36 =	vld [tilespmem:$0x69A0]  }
0x161: {  	v46 =	vld [tilespmem:$0x3720];
	v0 =	vadd.f32 v49, v48  }
0x162: {  	v47 =	vld [tilespmem:$0x69B0];
	v2 =	vadd.f32 v51, v50  }
0x163: {  	v21 =	vld [tilespmem:$0x3770];
	v48 =	vadd.f32 v53, v52;
	[tilespmem:$0x6880] =	vst v0  }
0x164: {  	v38 =	vld [tilespmem:$0x37A0];
	v50 =	vadd.f32 v55, v54;
	[tilespmem:$0x6890] =	vst v2  }
0x165: {  	v49 =	vld [tilespmem:$0x3730];
	v52 =	vadd.f32 v57, v56;
	[tilespmem:$0x68A0] =	vst v48  }
0x166: {  	v51 =	vld [tilespmem:$0x69C0];
	v54 =	vadd.f32 v59, v58;
	[tilespmem:$0x68B0] =	vst v50  }
0x167: {  	v53 =	vld [tilespmem:$0x3740];
	v56 =	vadd.f32 v61, v60;
	[tilespmem:$0x68C0] =	vst v52  }
0x168: {  	v55 =	vld [tilespmem:$0x69D0];
	v58 =	vadd.f32 v63, v62;
	[tilespmem:$0x68D0] =	vst v54  }
0x169: {  	v57 =	vld [tilespmem:$0x3750];
	v60 =	vadd.f32 v41, v40;
	[tilespmem:$0x68E0] =	vst v56  }
0x16a: {  	v59 =	vld [tilespmem:$0x69E0];
	v62 =	vadd.f32 v43, v42;
	[tilespmem:$0x68F0] =	vst v58  }
0x16b: {  	v61 =	vld [tilespmem:$0x3760];
	v20 =	vadd.f32 v45, v44;
	[tilespmem:$0x6900] =	vst v60  }
0x16c: {  	v63 =	vld [tilespmem:$0x69F0];
	v22 =	vadd.f32 v23, v22;
	[tilespmem:$0x6910] =	vst v62  }
0x16d: {  	v23 =	vld [tilespmem:$0x6A00];
	v24 =	vadd.f32 v25, v24;
	[tilespmem:$0x6920] =	vst v20  }
0x16e: {  	v25 =	vld [tilespmem:$0x3780];
	v26 =	vadd.f32 v27, v26;
	[tilespmem:$0x6930] =	vst v22  }
0x16f: {  	v27 =	vld [tilespmem:$0x6A10];
	v28 =	vadd.f32 v29, v28;
	[tilespmem:$0x6940] =	vst v24  }
0x170: {  	v29 =	vld [tilespmem:$0x3790];
	v30 =	vadd.f32 v31, v30;
	[tilespmem:$0x6950] =	vst v26  }
0x171: {  	v31 =	vld [tilespmem:$0x6A20];
	v37 =	vadd.f32 v33, v32;
	[tilespmem:$0x6960] =	vst v28  }
0x172: {  	v39 =	vadd.f32 v35, v34;
	v40 =	vld [tilespmem:$0x6A30];
	[tilespmem:$0x6970] =	vst v30  }
0x173: {  	v41 =	vadd.f32 v46, v36;
	v42 =	vld [tilespmem:$0x37B0];
	[tilespmem:$0x6980] =	vst v37  }
0x174: {  	v44 =	vld [tilespmem:$0x6A40];
	[tilespmem:$0x6990] =	vst v39;
	v43 =	vadd.f32 v49, v47  }
0x175: {  	v46 =	vld [tilespmem:$0x37C0];
	[tilespmem:$0x69A0] =	vst v41;
	v45 =	vadd.f32 v53, v51  }
0x176: {  	v48 =	vld [tilespmem:$0x6A50];
	v47 =	vadd.f32 v57, v55;
	[tilespmem:$0x69B0] =	vst v43  }
0x177: {  	v50 =	vld [tilespmem:$0x37D0];
	v49 =	vadd.f32 v61, v59;
	[tilespmem:$0x69C0] =	vst v45  }
0x178: {  	v52 =	vld [tilespmem:$0x6A60];
	v51 =	vadd.f32 v21, v63;
	[tilespmem:$0x69D0] =	vst v47  }
0x179: {  	v54 =	vld [tilespmem:$0x37E0];
	v53 =	vadd.f32 v25, v23;
	[tilespmem:$0x69E0] =	vst v49  }
0x17a: {  	v56 =	vld [tilespmem:$0x6A70];
	v55 =	vadd.f32 v29, v27;
	[tilespmem:$0x69F0] =	vst v51  }
0x17b: {  	v58 =	vld [tilespmem:$0x37F0];
	v57 =	vadd.f32 v38, v31;
	[tilespmem:$0x6A00] =	vst v53  }
0x17c: {  	v1 =	vadd.f32 v42, v40;
	[tilespmem:$0x6A10] =	vst v55  }
0x17d: {  	v59 =	vadd.f32 v46, v44;
	[tilespmem:$0x6A20] =	vst v57  }
0x17e: {  	[tilespmem:$0x6A30] =	vst v1;
	v60 =	vadd.f32 v50, v48  }
0x17f: {  	[tilespmem:$0x6A40] =	vst v59;
	v61 =	vadd.f32 v54, v52  }
0x180: {  	v62 =	vadd.f32 v58, v56;
	[tilespmem:$0x6A50] =	vst v60  }
0x181: {  	[tilespmem:$0x6A60] =	vst v61  }
0x182: {  	s15 =	simm.s32 $0x5;
	[tilespmem:$0x6A70] =	vst v62  }
0x183: {  	_ =	swait.ge [sflag:s15], $0x200  }
0x184: {  	[sflag:s15] =	ssyncset.done $0x0  }
0x185: {  	[sflag:s15] =	ssyncadd.s32 $0xFFFFFE00  }
0x186: {  	v0 =	vld [tilespmem:$0x6880]  }
0x187: {  	v1 =	vld [tilespmem:$0x3800]  }
0x188: {  	v2 =	vld [tilespmem:$0x6890]  }
0x189: {  	v3 =	vld [tilespmem:$0x3810]  }
0x18a: {  	v4 =	vld [tilespmem:$0x68A0]  }
0x18b: {  	v63 =	vld [tilespmem:$0x3820]  }
0x18c: {  	v6 =	vld [tilespmem:$0x68B0]  }
0x18d: {  	v7 =	vld [tilespmem:$0x3830]  }
0x18e: {  	v8 =	vld [tilespmem:$0x68C0]  }
0x18f: {  	v40 =	vld [tilespmem:$0x3840]  }
0x190: {  	v41 =	vld [tilespmem:$0x68D0]  }
0x191: {  	v42 =	vld [tilespmem:$0x3850]  }
0x192: {  	v43 =	vld [tilespmem:$0x68E0]  }
0x193: {  	v44 =	vld [tilespmem:$0x3860]  }
0x194: {  	v45 =	vld [tilespmem:$0x68F0]  }
0x195: {  	v46 =	vld [tilespmem:$0x3870]  }
0x196: {  	v47 =	vld [tilespmem:$0x6900]  }
0x197: {  	v48 =	vld [tilespmem:$0x3880]  }
0x198: {  	v49 =	vld [tilespmem:$0x6910]  }
0x199: {  	v50 =	vld [tilespmem:$0x3890]  }
0x19a: {  	v51 =	vld [tilespmem:$0x6920]  }
0x19b: {  	v52 =	vld [tilespmem:$0x38A0]  }
0x19c: {  	v53 =	vld [tilespmem:$0x6930]  }
0x19d: {  	v54 =	vld [tilespmem:$0x38B0]  }
0x19e: {  	v55 =	vld [tilespmem:$0x6940]  }
0x19f: {  	v56 =	vld [tilespmem:$0x38C0]  }
0x1a0: {  	v57 =	vld [tilespmem:$0x6950]  }
0x1a1: {  	v58 =	vld [tilespmem:$0x38D0]  }
0x1a2: {  	v59 =	vld [tilespmem:$0x6960]  }
0x1a3: {  	v60 =	vld [tilespmem:$0x38E0]  }
0x1a4: {  	v61 =	vld [tilespmem:$0x6970]  }
0x1a5: {  	v62 =	vld [tilespmem:$0x38F0]  }
0x1a6: {  	v32 =	vld [tilespmem:$0x6980]  }
0x1a7: {  	v33 =	vld [tilespmem:$0x3900]  }
0x1a8: {  	v34 =	vld [tilespmem:$0x6990]  }
0x1a9: {  	v35 =	vld [tilespmem:$0x3910]  }
0x1aa: {  	v36 =	vld [tilespmem:$0x69A0]  }
0x1ab: {  	v38 =	vld [tilespmem:$0x69C0];
	v0 =	vadd.f32 v1, v0  }
0x1ac: {  	v21 =	vld [tilespmem:$0x39A0];
	v2 =	vadd.f32 v3, v2  }
0x1ad: {  	v23 =	vld [tilespmem:$0x6A30];
	v63 =	vadd.f32 v63, v4;
	[tilespmem:$0x6880] =	vst v0  }
0x1ae: {  	v25 =	vld [tilespmem:$0x39B0];
	v37 =	vadd.f32 v7, v6;
	[tilespmem:$0x6890] =	vst v2  }
0x1af: {  	v27 =	vld [tilespmem:$0x6A40];
	v39 =	vadd.f32 v40, v8;
	[tilespmem:$0x68A0] =	vst v63  }
0x1b0: {  	v29 =	vld [tilespmem:$0x39C0];
	v41 =	vadd.f32 v42, v41;
	[tilespmem:$0x68B0] =	vst v37  }
0x1b1: {  	v31 =	vld [tilespmem:$0x6A50];
	v43 =	vadd.f32 v44, v43;
	[tilespmem:$0x68C0] =	vst v39  }
0x1b2: {  	v1 =	vld [tilespmem:$0x3920];
	v45 =	vadd.f32 v46, v45;
	[tilespmem:$0x68D0] =	vst v41  }
0x1b3: {  	v3 =	vld [tilespmem:$0x69B0];
	v47 =	vadd.f32 v48, v47;
	[tilespmem:$0x68E0] =	vst v43  }
0x1b4: {  	v4 =	vld [tilespmem:$0x3930];
	v49 =	vadd.f32 v50, v49;
	[tilespmem:$0x68F0] =	vst v45  }
0x1b5: {  	v40 =	vld [tilespmem:$0x3940];
	v51 =	vadd.f32 v52, v51;
	[tilespmem:$0x6900] =	vst v47  }
0x1b6: {  	v42 =	vld [tilespmem:$0x69D0];
	v53 =	vadd.f32 v54, v53;
	[tilespmem:$0x6910] =	vst v49  }
0x1b7: {  	v44 =	vld [tilespmem:$0x3950];
	v55 =	vadd.f32 v56, v55;
	[tilespmem:$0x6920] =	vst v51  }
0x1b8: {  	v46 =	vld [tilespmem:$0x69E0];
	v57 =	vadd.f32 v58, v57;
	[tilespmem:$0x6930] =	vst v53  }
0x1b9: {  	v48 =	vld [tilespmem:$0x3960];
	v59 =	vadd.f32 v60, v59;
	[tilespmem:$0x6940] =	vst v55  }
0x1ba: {  	v50 =	vld [tilespmem:$0x69F0];
	v61 =	vadd.f32 v62, v61;
	[tilespmem:$0x6950] =	vst v57  }
0x1bb: {  	v52 =	vld [tilespmem:$0x3970];
	v22 =	vadd.f32 v35, v34;
	[tilespmem:$0x6960] =	vst v59  }
0x1bc: {  	v54 =	vld [tilespmem:$0x6A00];
	v63 =	vadd.f32 v33, v32;
	[tilespmem:$0x6970] =	vst v61  }
0x1bd: {  	v56 =	vld [tilespmem:$0x3980];
	[tilespmem:$0x6990] =	vst v22;
	v24 =	vadd.f32 v1, v36  }
0x1be: {  	v58 =	vld [tilespmem:$0x6A10];
	[tilespmem:$0x6980] =	vst v63;
	v26 =	vadd.f32 v4, v3  }
0x1bf: {  	v60 =	vld [tilespmem:$0x3990];
	v28 =	vadd.f32 v40, v38;
	[tilespmem:$0x69A0] =	vst v24  }
0x1c0: {  	v62 =	vld [tilespmem:$0x6A20];
	v30 =	vadd.f32 v44, v42;
	[tilespmem:$0x69B0] =	vst v26  }
0x1c1: {  	v35 =	vld [tilespmem:$0x6A60];
	v32 =	vadd.f32 v48, v46;
	[tilespmem:$0x69C0] =	vst v28  }
0x1c2: {  	v33 =	vld [tilespmem:$0x39D0];
	v34 =	vadd.f32 v52, v50;
	[tilespmem:$0x69D0] =	vst v30  }
0x1c3: {  	v37 =	vld [tilespmem:$0x39E0];
	v36 =	vadd.f32 v56, v54;
	[tilespmem:$0x69E0] =	vst v32  }
0x1c4: {  	v39 =	vld [tilespmem:$0x6A70];
	v38 =	vadd.f32 v60, v58;
	[tilespmem:$0x69F0] =	vst v34  }
0x1c5: {  	v41 =	vld [tilespmem:$0x39F0];
	v40 =	vadd.f32 v21, v62;
	[tilespmem:$0x6A00] =	vst v36  }
0x1c6: {  	v1 =	vadd.f32 v25, v23;
	[tilespmem:$0x6A10] =	vst v38  }
0x1c7: {  	v42 =	vadd.f32 v29, v27;
	[tilespmem:$0x6A20] =	vst v40  }
0x1c8: {  	[tilespmem:$0x6A30] =	vst v1;
	v43 =	vadd.f32 v33, v31  }
0x1c9: {  	[tilespmem:$0x6A40] =	vst v42;
	v44 =	vadd.f32 v37, v35  }
0x1ca: {  	v45 =	vadd.f32 v41, v39;
	[tilespmem:$0x6A50] =	vst v43  }
0x1cb: {  	[tilespmem:$0x6A60] =	vst v44  }
0x1cc: {  	s11 =	simm.s32 $0x6;
	[tilespmem:$0x6A70] =	vst v45  }
0x1cd: {  	_ =	swait.ge [sflag:s11], $0x200  }
0x1ce: {  	[sflag:s11] =	ssyncset.done $0x0  }
0x1cf: {  	[sflag:s11] =	ssyncadd.s32 $0xFFFFFE00  }
0x1d0: {  	v0 =	vld [tilespmem:$0x6880]  }
0x1d1: {  	v46 =	vld [tilespmem:$0x3A00]  }
0x1d2: {  	v2 =	vld [tilespmem:$0x6890]  }
0x1d3: {  	v47 =	vld [tilespmem:$0x3A10]  }
0x1d4: {  	v48 =	vld [tilespmem:$0x68A0]  }
0x1d5: {  	v49 =	vld [tilespmem:$0x3A20]  }
0x1d6: {  	v50 =	vld [tilespmem:$0x68B0]  }
0x1d7: {  	v51 =	vld [tilespmem:$0x3A30]  }
0x1d8: {  	v52 =	vld [tilespmem:$0x68C0]  }
0x1d9: {  	v53 =	vld [tilespmem:$0x3A40]  }
0x1da: {  	v54 =	vld [tilespmem:$0x68D0]  }
0x1db: {  	v55 =	vld [tilespmem:$0x3A50]  }
0x1dc: {  	v56 =	vld [tilespmem:$0x68E0]  }
0x1dd: {  	v57 =	vld [tilespmem:$0x3A60]  }
0x1de: {  	v58 =	vld [tilespmem:$0x68F0]  }
0x1df: {  	v59 =	vld [tilespmem:$0x3A70]  }
0x1e0: {  	v60 =	vld [tilespmem:$0x6900]  }
0x1e1: {  	v61 =	vld [tilespmem:$0x3A80]  }
0x1e2: {  	v62 =	vld [tilespmem:$0x6910]  }
0x1e3: {  	v63 =	vld [tilespmem:$0x3A90]  }
0x1e4: {  	v20 =	vld [tilespmem:$0x6920]  }
0x1e5: {  	v21 =	vld [tilespmem:$0x3AA0]  }
0x1e6: {  	v22 =	vld [tilespmem:$0x6930]  }
0x1e7: {  	v23 =	vld [tilespmem:$0x3AB0]  }
0x1e8: {  	v24 =	vld [tilespmem:$0x6940]  }
0x1e9: {  	v25 =	vld [tilespmem:$0x3AC0]  }
0x1ea: {  	v26 =	vld [tilespmem:$0x6950]  }
0x1eb: {  	v27 =	vld [tilespmem:$0x3AD0]  }
0x1ec: {  	v28 =	vld [tilespmem:$0x6960]  }
0x1ed: {  	v29 =	vld [tilespmem:$0x3AE0]  }
0x1ee: {  	v30 =	vld [tilespmem:$0x6970]  }
0x1ef: {  	v40 =	vld [tilespmem:$0x3AF0]  }
0x1f0: {  	v41 =	vld [tilespmem:$0x6980]  }
0x1f1: {  	v42 =	vld [tilespmem:$0x3B00]  }
0x1f2: {  	v43 =	vld [tilespmem:$0x6990]  }
0x1f3: {  	v44 =	vld [tilespmem:$0x3B10]  }
0x1f4: {  	v45 =	vld [tilespmem:$0x69A0]  }
0x1f5: {  	v31 =	vld [tilespmem:$0x6A20];
	v0 =	vadd.f32 v46, v0  }
0x1f6: {  	v33 =	vld [tilespmem:$0x3BA0];
	v2 =	vadd.f32 v47, v2  }
0x1f7: {  	v37 =	vld [tilespmem:$0x6A30];
	v48 =	vadd.f32 v49, v48;
	[tilespmem:$0x6880] =	vst v0  }
0x1f8: {  	v39 =	vld [tilespmem:$0x3BB0];
	v50 =	vadd.f32 v51, v50;
	[tilespmem:$0x6890] =	vst v2  }
0x1f9: {  	v46 =	vld [tilespmem:$0x3B20];
	v52 =	vadd.f32 v53, v52;
	[tilespmem:$0x68A0] =	vst v48  }
0x1fa: {  	v47 =	vld [tilespmem:$0x69B0];
	v54 =	vadd.f32 v55, v54;
	[tilespmem:$0x68B0] =	vst v50  }
0x1fb: {  	v49 =	vld [tilespmem:$0x3B30];
	v56 =	vadd.f32 v57, v56;
	[tilespmem:$0x68C0] =	vst v52  }
0x1fc: {  	v51 =	vld [tilespmem:$0x69C0];
	v58 =	vadd.f32 v59, v58;
	[tilespmem:$0x68D0] =	vst v54  }
0x1fd: {  	v53 =	vld [tilespmem:$0x3B40];
	v60 =	vadd.f32 v61, v60;
	[tilespmem:$0x68E0] =	vst v56  }
0x1fe: {  	v55 =	vld [tilespmem:$0x69D0];
	v62 =	vadd.f32 v63, v62;
	[tilespmem:$0x68F0] =	vst v58  }
0x1ff: {  	v57 =	vld [tilespmem:$0x3B50];
	v20 =	vadd.f32 v21, v20;
	[tilespmem:$0x6900] =	vst v60  }
0x200: {  	v59 =	vld [tilespmem:$0x69E0];
	v22 =	vadd.f32 v23, v22;
	[tilespmem:$0x6910] =	vst v62  }
0x201: {  	v61 =	vld [tilespmem:$0x3B60];
	v24 =	vadd.f32 v25, v24;
	[tilespmem:$0x6920] =	vst v20  }
0x202: {  	v63 =	vld [tilespmem:$0x69F0];
	v26 =	vadd.f32 v27, v26;
	[tilespmem:$0x6930] =	vst v22  }
0x203: {  	v21 =	vld [tilespmem:$0x3B70];
	v28 =	vadd.f32 v29, v28;
	[tilespmem:$0x6940] =	vst v24  }
0x204: {  	v23 =	vld [tilespmem:$0x6A00];
	v30 =	vadd.f32 v40, v30;
	[tilespmem:$0x6950] =	vst v26  }
0x205: {  	v25 =	vld [tilespmem:$0x3B80];
	v32 =	vadd.f32 v42, v41;
	[tilespmem:$0x6960] =	vst v28  }
0x206: {  	v27 =	vld [tilespmem:$0x6A10];
	v35 =	vadd.f32 v44, v43;
	[tilespmem:$0x6970] =	vst v30  }
0x207: {  	v29 =	vld [tilespmem:$0x3B90];
	v1 =	vadd.f32 v39, v37;
	[tilespmem:$0x6980] =	vst v32  }
0x208: {  	v41 =	vld [tilespmem:$0x6A40];
	[tilespmem:$0x6990] =	vst v35;
	v54 =	vadd.f32 v33, v31  }
0x209: {  	v43 =	vld [tilespmem:$0x3BC0];
	[tilespmem:$0x6A30] =	vst v1;
	v38 =	vadd.f32 v46, v45  }
0x20a: {  	[tilespmem:$0x6A20] =	vst v54;
	v40 =	vadd.f32 v49, v47;
	v45 =	vld [tilespmem:$0x6A50]  }
0x20b: {  	v42 =	vadd.f32 v53, v51;
	v47 =	vld [tilespmem:$0x3BD0];
	[tilespmem:$0x69A0] =	vst v38  }
0x20c: {  	v44 =	vadd.f32 v57, v55;
	v49 =	vld [tilespmem:$0x6A60];
	[tilespmem:$0x69B0] =	vst v40  }
0x20d: {  	v46 =	vadd.f32 v61, v59;
	v51 =	vld [tilespmem:$0x3BE0];
	[tilespmem:$0x69C0] =	vst v42  }
0x20e: {  	v48 =	vadd.f32 v21, v63;
	v53 =	vld [tilespmem:$0x6A70];
	[tilespmem:$0x69D0] =	vst v44  }
0x20f: {  	v50 =	vadd.f32 v25, v23;
	v55 =	vld [tilespmem:$0x3BF0];
	[tilespmem:$0x69E0] =	vst v46  }
0x210: {  	v52 =	vadd.f32 v29, v27;
	[tilespmem:$0x69F0] =	vst v48  }
0x211: {  	v56 =	vadd.f32 v43, v41;
	[tilespmem:$0x6A00] =	vst v50  }
0x212: {  	[tilespmem:$0x6A10] =	vst v52;
	v57 =	vadd.f32 v47, v45  }
0x213: {  	[tilespmem:$0x6A40] =	vst v56;
	v58 =	vadd.f32 v51, v49  }
0x214: {  	v59 =	vadd.f32 v55, v53;
	[tilespmem:$0x6A50] =	vst v57  }
0x215: {  	[tilespmem:$0x6A60] =	vst v58  }
0x216: {  	s12 =	simm.s32 $0x7;
	[tilespmem:$0x6A70] =	vst v59  }
0x217: {  	_ =	swait.ge [sflag:s12], $0x200  }
0x218: {  	[sflag:s12] =	ssyncset.done $0x0  }
0x219: {  	[sflag:s12] =	ssyncadd.s32 $0xFFFFFE00  }
0x21a: {  	v0 =	vld [tilespmem:$0x6880]  }
0x21b: {  	v1 =	vld [tilespmem:$0x3C00]  }
0x21c: {  	v2 =	vld [tilespmem:$0x6890]  }
0x21d: {  	v3 =	vld [tilespmem:$0x3C10]  }
0x21e: {  	v4 =	vld [tilespmem:$0x68A0]  }
0x21f: {  	v60 =	vld [tilespmem:$0x3C20]  }
0x220: {  	v6 =	vld [tilespmem:$0x68B0]  }
0x221: {  	v61 =	vld [tilespmem:$0x3C30]  }
0x222: {  	v8 =	vld [tilespmem:$0x68C0]  }
0x223: {  	v62 =	vld [tilespmem:$0x3C40]  }
0x224: {  	v10 =	vld [tilespmem:$0x68D0]  }
0x225: {  	v63 =	vld [tilespmem:$0x3C50]  }
0x226: {  	v12 =	vld [tilespmem:$0x68E0]  }
0x227: {  	v13 =	vld [tilespmem:$0x3C60]  }
0x228: {  	v14 =	vld [tilespmem:$0x68F0]  }
0x229: {  	v15 =	vld [tilespmem:$0x3C70]  }
0x22a: {  	v40 =	vld [tilespmem:$0x6900]  }
0x22b: {  	v41 =	vld [tilespmem:$0x3C80]  }
0x22c: {  	v42 =	vld [tilespmem:$0x6910]  }
0x22d: {  	v43 =	vld [tilespmem:$0x3C90]  }
0x22e: {  	v44 =	vld [tilespmem:$0x6920]  }
0x22f: {  	v45 =	vld [tilespmem:$0x3CA0]  }
0x230: {  	v46 =	vld [tilespmem:$0x6930]  }
0x231: {  	v47 =	vld [tilespmem:$0x3CB0]  }
0x232: {  	v48 =	vld [tilespmem:$0x6940]  }
0x233: {  	v49 =	vld [tilespmem:$0x3CC0]  }
0x234: {  	v50 =	vld [tilespmem:$0x6950]  }
0x235: {  	v51 =	vld [tilespmem:$0x3CD0]  }
0x236: {  	v52 =	vld [tilespmem:$0x6960]  }
0x237: {  	v53 =	vld [tilespmem:$0x3CE0]  }
0x238: {  	v54 =	vld [tilespmem:$0x6970]  }
0x239: {  	v55 =	vld [tilespmem:$0x3CF0]  }
0x23a: {  	v56 =	vld [tilespmem:$0x6980]  }
0x23b: {  	v57 =	vld [tilespmem:$0x3D00]  }
0x23c: {  	v58 =	vld [tilespmem:$0x6990]  }
0x23d: {  	v59 =	vld [tilespmem:$0x3D10]  }
0x23e: {  	v36 =	vld [tilespmem:$0x69A0]  }
0x23f: {  	v5 =	vld [tilespmem:$0x69C0];
	v0 =	vadd.f32 v1, v0  }
0x240: {  	v7 =	vld [tilespmem:$0x69D0];
	v2 =	vadd.f32 v3, v2  }
0x241: {  	v37 =	vld [tilespmem:$0x3D50];
	v60 =	vadd.f32 v60, v4;
	[tilespmem:$0x6880] =	vst v0  }
0x242: {  	v39 =	vld [tilespmem:$0x69E0];
	v61 =	vadd.f32 v61, v6;
	[tilespmem:$0x6890] =	vst v2  }
0x243: {  	v21 =	vld [tilespmem:$0x3DC0];
	v62 =	vadd.f32 v62, v8;
	[tilespmem:$0x68A0] =	vst v60  }
0x244: {  	v23 =	vld [tilespmem:$0x6A50];
	v63 =	vadd.f32 v63, v10;
	[tilespmem:$0x68B0] =	vst v61  }
0x245: {  	v25 =	vld [tilespmem:$0x3DD0];
	v13 =	vadd.f32 v13, v12;
	[tilespmem:$0x68C0] =	vst v62  }
0x246: {  	v27 =	vld [tilespmem:$0x6A60];
	v38 =	vadd.f32 v15, v14;
	[tilespmem:$0x68D0] =	vst v63  }
0x247: {  	v29 =	vld [tilespmem:$0x3DE0];
	v40 =	vadd.f32 v41, v40;
	[tilespmem:$0x68E0] =	vst v13  }
0x248: {  	v31 =	vld [tilespmem:$0x6A70];
	v42 =	vadd.f32 v43, v42;
	[tilespmem:$0x68F0] =	vst v38  }
0x249: {  	v33 =	vld [tilespmem:$0x3DF0];
	v44 =	vadd.f32 v45, v44;
	[tilespmem:$0x6900] =	vst v40  }
0x24a: {  	v1 =	vld [tilespmem:$0x3D20];
	v46 =	vadd.f32 v47, v46;
	[tilespmem:$0x6910] =	vst v42  }
0x24b: {  	v3 =	vld [tilespmem:$0x69B0];
	v48 =	vadd.f32 v49, v48;
	[tilespmem:$0x6920] =	vst v44  }
0x24c: {  	v4 =	vld [tilespmem:$0x3D30];
	v50 =	vadd.f32 v51, v50;
	[tilespmem:$0x6930] =	vst v46  }
0x24d: {  	v6 =	vld [tilespmem:$0x3D40];
	v52 =	vadd.f32 v53, v52;
	[tilespmem:$0x6940] =	vst v48  }
0x24e: {  	v41 =	vld [tilespmem:$0x3D60];
	v54 =	vadd.f32 v55, v54;
	[tilespmem:$0x6950] =	vst v50  }
0x24f: {  	v43 =	vld [tilespmem:$0x69F0];
	v56 =	vadd.f32 v57, v56;
	[tilespmem:$0x6960] =	vst v52  }
0x250: {  	v45 =	vld [tilespmem:$0x3D70];
	v58 =	vadd.f32 v59, v58;
	[tilespmem:$0x6970] =	vst v54  }
0x251: {  	v47 =	vld [tilespmem:$0x6A00];
	v22 =	vadd.f32 v37, v7;
	[tilespmem:$0x6980] =	vst v56  }
0x252: {  	v49 =	vld [tilespmem:$0x3D80];
	v35 =	vadd.f32 v25, v23;
	[tilespmem:$0x6990] =	vst v58  }
0x253: {  	v51 =	vld [tilespmem:$0x6A10];
	v37 =	vadd.f32 v33, v31;
	[tilespmem:$0x69D0] =	vst v22  }
0x254: {  	v53 =	vld [tilespmem:$0x3D90];
	[tilespmem:$0x6A50] =	vst v35;
	v60 =	vadd.f32 v1, v36  }
0x255: {  	v55 =	vld [tilespmem:$0x6A20];
	[tilespmem:$0x6A70] =	vst v37;
	v62 =	vadd.f32 v4, v3  }
0x256: {  	v57 =	vld [tilespmem:$0x3DA0];
	v20 =	vadd.f32 v6, v5;
	[tilespmem:$0x69A0] =	vst v60  }
0x257: {  	v59 =	vld [tilespmem:$0x6A30];
	v24 =	vadd.f32 v41, v39;
	[tilespmem:$0x69B0] =	vst v62  }
0x258: {  	v61 =	vld [tilespmem:$0x3DB0];
	v26 =	vadd.f32 v45, v43;
	[tilespmem:$0x69C0] =	vst v20  }
0x259: {  	v63 =	vld [tilespmem:$0x6A40];
	v28 =	vadd.f32 v49, v47;
	[tilespmem:$0x69E0] =	vst v24  }
0x25a: {  	v30 =	vadd.f32 v53, v51;
	[tilespmem:$0x69F0] =	vst v26  }
0x25b: {  	v32 =	vadd.f32 v57, v55;
	[tilespmem:$0x6A00] =	vst v28  }
0x25c: {  	v36 =	vadd.f32 v29, v27;
	[tilespmem:$0x6A10] =	vst v30  }
0x25d: {  	v1 =	vadd.f32 v61, v59;
	[tilespmem:$0x6A20] =	vst v32  }
0x25e: {  	v34 =	vadd.f32 v21, v63;
	[tilespmem:$0x6A60] =	vst v36  }
0x25f: {  	[tilespmem:$0x6A30] =	vst v1  }
0x260: {  	s13 =	simm.s32 $0x8;
	[tilespmem:$0x6A40] =	vst v34  }
0x261: {  	_ =	swait.ge [sflag:s13], $0x200  }
0x262: {  	[sflag:s13] =	ssyncset.done $0x0  }
0x263: {  	[sflag:s13] =	ssyncadd.s32 $0xFFFFFE00  }
0x264: {  	v38 =	vld [tilespmem:$0x6880]  }
0x265: {  	v39 =	vld [tilespmem:$0x3E00]  }
0x266: {  	v40 =	vld [tilespmem:$0x6890]  }
0x267: {  	v41 =	vld [tilespmem:$0x3E10]  }
0x268: {  	v42 =	vld [tilespmem:$0x68A0]  }
0x269: {  	v43 =	vld [tilespmem:$0x3E20]  }
0x26a: {  	v44 =	vld [tilespmem:$0x68B0]  }
0x26b: {  	v45 =	vld [tilespmem:$0x3E30]  }
0x26c: {  	v46 =	vld [tilespmem:$0x68C0]  }
0x26d: {  	v47 =	vld [tilespmem:$0x3E40]  }
0x26e: {  	v48 =	vld [tilespmem:$0x68D0]  }
0x26f: {  	v49 =	vld [tilespmem:$0x3E50]  }
0x270: {  	v50 =	vld [tilespmem:$0x68E0]  }
0x271: {  	v51 =	vld [tilespmem:$0x3E60]  }
0x272: {  	v52 =	vld [tilespmem:$0x68F0]  }
0x273: {  	v53 =	vld [tilespmem:$0x3E70]  }
0x274: {  	v54 =	vld [tilespmem:$0x6900]  }
0x275: {  	v55 =	vld [tilespmem:$0x3E80]  }
0x276: {  	v56 =	vld [tilespmem:$0x6910]  }
0x277: {  	v57 =	vld [tilespmem:$0x3E90]  }
0x278: {  	v58 =	vld [tilespmem:$0x6920]  }
0x279: {  	v59 =	vld [tilespmem:$0x3EA0]  }
0x27a: {  	v60 =	vld [tilespmem:$0x6930]  }
0x27b: {  	v61 =	vld [tilespmem:$0x3EB0]  }
0x27c: {  	v62 =	vld [tilespmem:$0x6940]  }
0x27d: {  	v63 =	vld [tilespmem:$0x3EC0];
	v0 =	vadd.f32 v39, v38  }
0x27e: {  	v25 =	vld [tilespmem:$0x6950];
	v2 =	vadd.f32 v41, v40  }
0x27f: {  	v27 =	vld [tilespmem:$0x3ED0];
	v26 =	vadd.f32 v43, v42;
	[tilespmem:$0x6880] =	vst v0  }
0x280: {  	v29 =	vld [tilespmem:$0x6960];
	v28 =	vadd.f32 v45, v44;
	[tilespmem:$0x6890] =	vst v2  }
0x281: {  	v31 =	vld [tilespmem:$0x3EE0];
	v30 =	vadd.f32 v47, v46;
	[tilespmem:$0x68A0] =	vst v26  }
0x282: {  	v33 =	vld [tilespmem:$0x6970];
	v32 =	vadd.f32 v49, v48;
	[tilespmem:$0x68B0] =	vst v28  }
0x283: {  	v35 =	vld [tilespmem:$0x3EF0];
	v34 =	vadd.f32 v51, v50;
	[tilespmem:$0x68C0] =	vst v30  }
0x284: {  	v37 =	vld [tilespmem:$0x6980];
	v36 =	vadd.f32 v53, v52;
	[tilespmem:$0x68D0] =	vst v32  }
0x285: {  	v38 =	vadd.f32 v55, v54;
	v39 =	vld [tilespmem:$0x3F00];
	[tilespmem:$0x68E0] =	vst v34  }
0x286: {  	v40 =	vadd.f32 v57, v56;
	v41 =	vld [tilespmem:$0x6990];
	[tilespmem:$0x68F0] =	vst v36  }
0x287: {  	v42 =	vadd.f32 v59, v58;
	v43 =	vld [tilespmem:$0x3F10];
	[tilespmem:$0x6900] =	vst v38  }
0x288: {  	v44 =	vadd.f32 v61, v60;
	v45 =	vld [tilespmem:$0x69A0];
	[tilespmem:$0x6910] =	vst v40  }
0x289: {  	v46 =	vadd.f32 v63, v62;
	v47 =	vld [tilespmem:$0x3F20];
	[tilespmem:$0x6920] =	vst v42  }
0x28a: {  	v48 =	vadd.f32 v27, v25;
	v49 =	vld [tilespmem:$0x69B0];
	[tilespmem:$0x6930] =	vst v44  }
0x28b: {  	v50 =	vadd.f32 v31, v29;
	v51 =	vld [tilespmem:$0x3F30];
	[tilespmem:$0x6940] =	vst v46  }
0x28c: {  	v52 =	vadd.f32 v35, v33;
	[tilespmem:$0x6950] =	vst v48  }
0x28d: {  	[tilespmem:$0x6960] =	vst v50;
	v53 =	vadd.f32 v39, v37  }
0x28e: {  	[tilespmem:$0x6970] =	vst v52;
	v54 =	vadd.f32 v43, v41  }
0x28f: {  	v55 =	vadd.f32 v47, v45;
	[tilespmem:$0x6980] =	vst v53  }
0x290: {  	v56 =	vadd.f32 v51, v49;
	[tilespmem:$0x6990] =	vst v54  }
0x291: {  	[tilespmem:$0x69A0] =	vst v55  }
0x292: {  	v57 =	vld [tilespmem:$0x69C0];
	[tilespmem:$0x69B0] =	vst v56  }
0x293: {  	v1 =	vld [tilespmem:$0x3F40]  }
0x294: {  	v58 =	vld [tilespmem:$0x69D0]  }
0x295: {  	v59 =	vld [tilespmem:$0x3F50]  }
0x296: {  	v60 =	vld [tilespmem:$0x69E0]  }
0x297: {  	v61 =	vld [tilespmem:$0x3F60]  }
0x298: {  	v62 =	vld [tilespmem:$0x69F0]  }
0x299: {  	v63 =	vld [tilespmem:$0x3F70]  }
0x29a: {  	v20 =	vld [tilespmem:$0x6A00]  }
0x29b: {  	v21 =	vld [tilespmem:$0x3F80]  }
0x29c: {  	v22 =	vld [tilespmem:$0x6A10]  }
0x29d: {  	v23 =	vld [tilespmem:$0x3F90]  }
0x29e: {  	v24 =	vld [tilespmem:$0x6A20]  }
0x29f: {  	v25 =	vld [tilespmem:$0x3FA0]  }
0x2a0: {  	v26 =	vld [tilespmem:$0x6A30]  }
0x2a1: {  	v27 =	vld [tilespmem:$0x3FB0]  }
0x2a2: {  	v28 =	vld [tilespmem:$0x6A40]  }
0x2a3: {  	v29 =	vld [tilespmem:$0x3FC0];
	v0 =	vadd.f32 v1, v57  }
0x2a4: {  	v30 =	vld [tilespmem:$0x6A50];
	v2 =	vadd.f32 v59, v58  }
0x2a5: {  	v32 =	vld [tilespmem:$0x3FD0];
	v31 =	vadd.f32 v61, v60;
	[tilespmem:$0x69C0] =	vst v0  }
0x2a6: {  	v34 =	vld [tilespmem:$0x6A60];
	v33 =	vadd.f32 v63, v62;
	[tilespmem:$0x69D0] =	vst v2  }
0x2a7: {  	v36 =	vld [tilespmem:$0x3FE0];
	v35 =	vadd.f32 v21, v20;
	[tilespmem:$0x69E0] =	vst v31  }
0x2a8: {  	v38 =	vld [tilespmem:$0x6A70];
	v37 =	vadd.f32 v23, v22;
	[tilespmem:$0x69F0] =	vst v33  }
0x2a9: {  	v40 =	vld [tilespmem:$0x3FF0];
	v39 =	vadd.f32 v25, v24;
	[tilespmem:$0x6A00] =	vst v35  }
0x2aa: {  	v41 =	vadd.f32 v27, v26;
	[tilespmem:$0x6A10] =	vst v37  }
0x2ab: {  	v42 =	vadd.f32 v29, v28;
	[tilespmem:$0x6A20] =	vst v39  }
0x2ac: {  	v43 =	vadd.f32 v32, v30;
	[tilespmem:$0x6A30] =	vst v41  }
0x2ad: {  	v44 =	vadd.f32 v36, v34;
	[tilespmem:$0x6A40] =	vst v42  }
0x2ae: {  	v45 =	vadd.f32 v40, v38;
	[tilespmem:$0x6A50] =	vst v43  }
0x2af: {  	[tilespmem:$0x6A60] =	vst v44  }
0x2b0: {  	[tilespmem:$0x6A70] =	vst v45  }
0x2b1: {  	_ =	swait.ge [sflag:s17], $0x200  }
0x2b2: {  	[sflag:s17] =	ssyncset.done $0x0  }
0x2b3: {  	[sflag:s17] =	ssyncadd.s32 $0xFFFFFE00  }
0x2b4: {  	v0 =	vld [tilespmem:$0x6880]  }
0x2b5: {  	v46 =	vld [tilespmem:$0x4000]  }
0x2b6: {  	v2 =	vld [tilespmem:$0x6890]  }
0x2b7: {  	v47 =	vld [tilespmem:$0x4010]  }
0x2b8: {  	v48 =	vld [tilespmem:$0x68A0]  }
0x2b9: {  	v49 =	vld [tilespmem:$0x4020]  }
0x2ba: {  	v50 =	vld [tilespmem:$0x68B0]  }
0x2bb: {  	v51 =	vld [tilespmem:$0x4030]  }
0x2bc: {  	v52 =	vld [tilespmem:$0x68C0]  }
0x2bd: {  	v53 =	vld [tilespmem:$0x4040]  }
0x2be: {  	v54 =	vld [tilespmem:$0x68D0]  }
0x2bf: {  	v55 =	vld [tilespmem:$0x4050]  }
0x2c0: {  	v56 =	vld [tilespmem:$0x68E0]  }
0x2c1: {  	v57 =	vld [tilespmem:$0x4060]  }
0x2c2: {  	v58 =	vld [tilespmem:$0x68F0]  }
0x2c3: {  	v59 =	vld [tilespmem:$0x4070]  }
0x2c4: {  	v60 =	vld [tilespmem:$0x6900]  }
0x2c5: {  	v61 =	vld [tilespmem:$0x4080]  }
0x2c6: {  	v62 =	vld [tilespmem:$0x6910]  }
0x2c7: {  	v63 =	vld [tilespmem:$0x4090]  }
0x2c8: {  	v20 =	vld [tilespmem:$0x6920]  }
0x2c9: {  	v21 =	vld [tilespmem:$0x40A0]  }
0x2ca: {  	v22 =	vld [tilespmem:$0x6930]  }
0x2cb: {  	v23 =	vld [tilespmem:$0x40B0]  }
0x2cc: {  	v24 =	vld [tilespmem:$0x6940]  }
0x2cd: {  	v25 =	vld [tilespmem:$0x40C0]  }
0x2ce: {  	v26 =	vld [tilespmem:$0x6950]  }
0x2cf: {  	v27 =	vld [tilespmem:$0x40D0]  }
0x2d0: {  	v28 =	vld [tilespmem:$0x6960]  }
0x2d1: {  	v29 =	vld [tilespmem:$0x40E0]  }
0x2d2: {  	v30 =	vld [tilespmem:$0x6970]  }
0x2d3: {  	v40 =	vld [tilespmem:$0x40F0]  }
0x2d4: {  	v41 =	vld [tilespmem:$0x6980]  }
0x2d5: {  	v42 =	vld [tilespmem:$0x4100]  }
0x2d6: {  	v43 =	vld [tilespmem:$0x6990]  }
0x2d7: {  	v44 =	vld [tilespmem:$0x4110]  }
0x2d8: {  	v45 =	vld [tilespmem:$0x69A0]  }
0x2d9: {  	v31 =	vld [tilespmem:$0x6A20];
	v0 =	vadd.f32 v46, v0  }
0x2da: {  	v38 =	vld [tilespmem:$0x41A0];
	v2 =	vadd.f32 v47, v2  }
0x2db: {  	v46 =	vld [tilespmem:$0x4120];
	v48 =	vadd.f32 v49, v48;
	[tilespmem:$0x6880] =	vst v0  }
0x2dc: {  	v47 =	vld [tilespmem:$0x69B0];
	v50 =	vadd.f32 v51, v50;
	[tilespmem:$0x6890] =	vst v2  }
0x2dd: {  	v49 =	vld [tilespmem:$0x4130];
	v52 =	vadd.f32 v53, v52;
	[tilespmem:$0x68A0] =	vst v48  }
0x2de: {  	v51 =	vld [tilespmem:$0x69C0];
	v54 =	vadd.f32 v55, v54;
	[tilespmem:$0x68B0] =	vst v50  }
0x2df: {  	v53 =	vld [tilespmem:$0x4140];
	v56 =	vadd.f32 v57, v56;
	[tilespmem:$0x68C0] =	vst v52  }
0x2e0: {  	v55 =	vld [tilespmem:$0x69D0];
	v58 =	vadd.f32 v59, v58;
	[tilespmem:$0x68D0] =	vst v54  }
0x2e1: {  	v57 =	vld [tilespmem:$0x4150];
	v60 =	vadd.f32 v61, v60;
	[tilespmem:$0x68E0] =	vst v56  }
0x2e2: {  	v59 =	vld [tilespmem:$0x69E0];
	v62 =	vadd.f32 v63, v62;
	[tilespmem:$0x68F0] =	vst v58  }
0x2e3: {  	v61 =	vld [tilespmem:$0x4160];
	v20 =	vadd.f32 v21, v20;
	[tilespmem:$0x6900] =	vst v60  }
0x2e4: {  	v63 =	vld [tilespmem:$0x69F0];
	v22 =	vadd.f32 v23, v22;
	[tilespmem:$0x6910] =	vst v62  }
0x2e5: {  	v21 =	vld [tilespmem:$0x4170];
	v24 =	vadd.f32 v25, v24;
	[tilespmem:$0x6920] =	vst v20  }
0x2e6: {  	v23 =	vld [tilespmem:$0x6A00];
	v26 =	vadd.f32 v27, v26;
	[tilespmem:$0x6930] =	vst v22  }
0x2e7: {  	v25 =	vld [tilespmem:$0x4180];
	v28 =	vadd.f32 v29, v28;
	[tilespmem:$0x6940] =	vst v24  }
0x2e8: {  	v27 =	vld [tilespmem:$0x6A10];
	v30 =	vadd.f32 v40, v30;
	[tilespmem:$0x6950] =	vst v26  }
0x2e9: {  	v29 =	vld [tilespmem:$0x4190];
	v37 =	vadd.f32 v42, v41;
	[tilespmem:$0x6960] =	vst v28  }
0x2ea: {  	v39 =	vadd.f32 v44, v43;
	v40 =	vld [tilespmem:$0x6A30];
	[tilespmem:$0x6970] =	vst v30  }
0x2eb: {  	v42 =	vld [tilespmem:$0x41B0];
	[tilespmem:$0x6980] =	vst v37;
	v41 =	vadd.f32 v46, v45  }
0x2ec: {  	v44 =	vld [tilespmem:$0x6A40];
	[tilespmem:$0x6990] =	vst v39;
	v43 =	vadd.f32 v49, v47  }
0x2ed: {  	v48 =	vld [tilespmem:$0x6A50];
	v45 =	vadd.f32 v53, v51;
	[tilespmem:$0x69A0] =	vst v41  }
0x2ee: {  	v50 =	vld [tilespmem:$0x41D0];
	v47 =	vadd.f32 v57, v55;
	[tilespmem:$0x69B0] =	vst v43  }
0x2ef: {  	v52 =	vld [tilespmem:$0x6A60];
	v49 =	vadd.f32 v61, v59;
	[tilespmem:$0x69C0] =	vst v45  }
0x2f0: {  	v54 =	vld [tilespmem:$0x41E0];
	v51 =	vadd.f32 v21, v63;
	[tilespmem:$0x69D0] =	vst v47  }
0x2f1: {  	v56 =	vld [tilespmem:$0x6A70];
	v53 =	vadd.f32 v25, v23;
	[tilespmem:$0x69E0] =	vst v49  }
0x2f2: {  	v58 =	vld [tilespmem:$0x41F0];
	v55 =	vadd.f32 v29, v27;
	[tilespmem:$0x69F0] =	vst v51  }
0x2f3: {  	v46 =	vld [tilespmem:$0x41C0];
	v57 =	vadd.f32 v38, v31;
	[tilespmem:$0x6A00] =	vst v53  }
0x2f4: {  	v1 =	vadd.f32 v42, v40;
	[tilespmem:$0x6A10] =	vst v55  }
0x2f5: {  	[tilespmem:$0x6A20] =	vst v57;
	v60 =	vadd.f32 v50, v48  }
0x2f6: {  	[tilespmem:$0x6A30] =	vst v1;
	v61 =	vadd.f32 v54, v52  }
0x2f7: {  	v62 =	vadd.f32 v58, v56;
	[tilespmem:$0x6A50] =	vst v60  }
0x2f8: {  	[tilespmem:$0x6A60] =	vst v61;
	v59 =	vadd.f32 v46, v44  }
0x2f9: {  	[tilespmem:$0x6A70] =	vst v62  }
0x2fa: {  	[tilespmem:$0x6A40] =	vst v59  }
0x2fb: {  	_ =	swait.ge [sflag:s18], $0x200  }
0x2fc: {  	[sflag:s18] =	ssyncset.done $0x0  }
0x2fd: {  	[sflag:s18] =	ssyncadd.s32 $0xFFFFFE00  }
0x2fe: {  	v0 =	vld [tilespmem:$0x6880]  }
0x2ff: {  	v1 =	vld [tilespmem:$0x4200]  }
0x300: {  	v2 =	vld [tilespmem:$0x6890]  }
0x301: {  	v3 =	vld [tilespmem:$0x4210]  }
0x302: {  	v4 =	vld [tilespmem:$0x68A0]  }
0x303: {  	v63 =	vld [tilespmem:$0x4220]  }
0x304: {  	v6 =	vld [tilespmem:$0x68B0]  }
0x305: {  	v7 =	vld [tilespmem:$0x4230]  }
0x306: {  	v8 =	vld [tilespmem:$0x68C0]  }
0x307: {  	v40 =	vld [tilespmem:$0x4240]  }
0x308: {  	v41 =	vld [tilespmem:$0x68D0]  }
0x309: {  	v42 =	vld [tilespmem:$0x4250]  }
0x30a: {  	v43 =	vld [tilespmem:$0x68E0]  }
0x30b: {  	v44 =	vld [tilespmem:$0x4260]  }
0x30c: {  	v45 =	vld [tilespmem:$0x68F0]  }
0x30d: {  	v46 =	vld [tilespmem:$0x4270]  }
0x30e: {  	v47 =	vld [tilespmem:$0x6900]  }
0x30f: {  	v48 =	vld [tilespmem:$0x4280]  }
0x310: {  	v49 =	vld [tilespmem:$0x6910]  }
0x311: {  	v50 =	vld [tilespmem:$0x4290]  }
0x312: {  	v51 =	vld [tilespmem:$0x6920]  }
0x313: {  	v52 =	vld [tilespmem:$0x42A0]  }
0x314: {  	v53 =	vld [tilespmem:$0x6930]  }
0x315: {  	v54 =	vld [tilespmem:$0x42B0]  }
0x316: {  	v55 =	vld [tilespmem:$0x6940]  }
0x317: {  	v56 =	vld [tilespmem:$0x42C0]  }
0x318: {  	v57 =	vld [tilespmem:$0x6950]  }
0x319: {  	v58 =	vld [tilespmem:$0x42D0]  }
0x31a: {  	v59 =	vld [tilespmem:$0x6960]  }
0x31b: {  	v60 =	vld [tilespmem:$0x42E0]  }
0x31c: {  	v61 =	vld [tilespmem:$0x6970]  }
0x31d: {  	v62 =	vld [tilespmem:$0x42F0]  }
0x31e: {  	v32 =	vld [tilespmem:$0x6980]  }
0x31f: {  	v33 =	vld [tilespmem:$0x4300]  }
0x320: {  	v34 =	vld [tilespmem:$0x6990]  }
0x321: {  	v35 =	vld [tilespmem:$0x4310]  }
0x322: {  	v36 =	vld [tilespmem:$0x69A0]  }
0x323: {  	v38 =	vld [tilespmem:$0x69C0];
	v0 =	vadd.f32 v1, v0  }
0x324: {  	v21 =	vld [tilespmem:$0x43A0];
	v2 =	vadd.f32 v3, v2  }
0x325: {  	v23 =	vld [tilespmem:$0x6A30];
	v63 =	vadd.f32 v63, v4;
	[tilespmem:$0x6880] =	vst v0  }
0x326: {  	v25 =	vld [tilespmem:$0x43B0];
	v37 =	vadd.f32 v7, v6;
	[tilespmem:$0x6890] =	vst v2  }
0x327: {  	v27 =	vld [tilespmem:$0x6A40];
	v39 =	vadd.f32 v40, v8;
	[tilespmem:$0x68A0] =	vst v63  }
0x328: {  	v29 =	vld [tilespmem:$0x43C0];
	v41 =	vadd.f32 v42, v41;
	[tilespmem:$0x68B0] =	vst v37  }
0x329: {  	v31 =	vld [tilespmem:$0x6A50];
	v43 =	vadd.f32 v44, v43;
	[tilespmem:$0x68C0] =	vst v39  }
0x32a: {  	v1 =	vld [tilespmem:$0x4320];
	v45 =	vadd.f32 v46, v45;
	[tilespmem:$0x68D0] =	vst v41  }
0x32b: {  	v3 =	vld [tilespmem:$0x69B0];
	v47 =	vadd.f32 v48, v47;
	[tilespmem:$0x68E0] =	vst v43  }
0x32c: {  	v4 =	vld [tilespmem:$0x4330];
	v49 =	vadd.f32 v50, v49;
	[tilespmem:$0x68F0] =	vst v45  }
0x32d: {  	v40 =	vld [tilespmem:$0x4340];
	v51 =	vadd.f32 v52, v51;
	[tilespmem:$0x6900] =	vst v47  }
0x32e: {  	v42 =	vld [tilespmem:$0x69D0];
	v53 =	vadd.f32 v54, v53;
	[tilespmem:$0x6910] =	vst v49  }
0x32f: {  	v44 =	vld [tilespmem:$0x4350];
	v55 =	vadd.f32 v56, v55;
	[tilespmem:$0x6920] =	vst v51  }
0x330: {  	v46 =	vld [tilespmem:$0x69E0];
	v57 =	vadd.f32 v58, v57;
	[tilespmem:$0x6930] =	vst v53  }
0x331: {  	v48 =	vld [tilespmem:$0x4360];
	v59 =	vadd.f32 v60, v59;
	[tilespmem:$0x6940] =	vst v55  }
0x332: {  	v50 =	vld [tilespmem:$0x69F0];
	v61 =	vadd.f32 v62, v61;
	[tilespmem:$0x6950] =	vst v57  }
0x333: {  	v52 =	vld [tilespmem:$0x4370];
	v22 =	vadd.f32 v35, v34;
	[tilespmem:$0x6960] =	vst v59  }
0x334: {  	v54 =	vld [tilespmem:$0x6A00];
	v63 =	vadd.f32 v33, v32;
	[tilespmem:$0x6970] =	vst v61  }
0x335: {  	v56 =	vld [tilespmem:$0x4380];
	[tilespmem:$0x6990] =	vst v22;
	v24 =	vadd.f32 v1, v36  }
0x336: {  	v58 =	vld [tilespmem:$0x6A10];
	[tilespmem:$0x6980] =	vst v63;
	v26 =	vadd.f32 v4, v3  }
0x337: {  	v60 =	vld [tilespmem:$0x4390];
	v28 =	vadd.f32 v40, v38;
	[tilespmem:$0x69A0] =	vst v24  }
0x338: {  	v62 =	vld [tilespmem:$0x6A20];
	v30 =	vadd.f32 v44, v42;
	[tilespmem:$0x69B0] =	vst v26  }
0x339: {  	v35 =	vld [tilespmem:$0x6A60];
	v32 =	vadd.f32 v48, v46;
	[tilespmem:$0x69C0] =	vst v28  }
0x33a: {  	v33 =	vld [tilespmem:$0x43D0];
	v34 =	vadd.f32 v52, v50;
	[tilespmem:$0x69D0] =	vst v30  }
0x33b: {  	v37 =	vld [tilespmem:$0x43E0];
	v36 =	vadd.f32 v56, v54;
	[tilespmem:$0x69E0] =	vst v32  }
0x33c: {  	v39 =	vld [tilespmem:$0x6A70];
	v38 =	vadd.f32 v60, v58;
	[tilespmem:$0x69F0] =	vst v34  }
0x33d: {  	v41 =	vld [tilespmem:$0x43F0];
	v40 =	vadd.f32 v21, v62;
	[tilespmem:$0x6A00] =	vst v36  }
0x33e: {  	v1 =	vadd.f32 v25, v23;
	[tilespmem:$0x6A10] =	vst v38  }
0x33f: {  	v42 =	vadd.f32 v29, v27;
	[tilespmem:$0x6A20] =	vst v40  }
0x340: {  	[tilespmem:$0x6A30] =	vst v1;
	v43 =	vadd.f32 v33, v31  }
0x341: {  	[tilespmem:$0x6A40] =	vst v42;
	v44 =	vadd.f32 v37, v35  }
0x342: {  	v45 =	vadd.f32 v41, v39;
	[tilespmem:$0x6A50] =	vst v43  }
0x343: {  	[tilespmem:$0x6A60] =	vst v44  }
0x344: {  	[tilespmem:$0x6A70] =	vst v45  }
0x345: {  	_ =	swait.ge [sflag:s19], $0x200  }
0x346: {  	[sflag:s19] =	ssyncset.done $0x0  }
0x347: {  	[sflag:s19] =	ssyncadd.s32 $0xFFFFFE00  }
0x348: {  	v0 =	vld [tilespmem:$0x6880]  }
0x349: {  	v46 =	vld [tilespmem:$0x4400]  }
0x34a: {  	v2 =	vld [tilespmem:$0x6890]  }
0x34b: {  	v47 =	vld [tilespmem:$0x4410]  }
0x34c: {  	v48 =	vld [tilespmem:$0x68A0]  }
0x34d: {  	v49 =	vld [tilespmem:$0x4420]  }
0x34e: {  	v50 =	vld [tilespmem:$0x68B0]  }
0x34f: {  	v51 =	vld [tilespmem:$0x4430]  }
0x350: {  	v52 =	vld [tilespmem:$0x68C0]  }
0x351: {  	v53 =	vld [tilespmem:$0x4440]  }
0x352: {  	v54 =	vld [tilespmem:$0x68D0]  }
0x353: {  	v55 =	vld [tilespmem:$0x4450]  }
0x354: {  	v56 =	vld [tilespmem:$0x68E0]  }
0x355: {  	v57 =	vld [tilespmem:$0x4460]  }
0x356: {  	v58 =	vld [tilespmem:$0x68F0]  }
0x357: {  	v59 =	vld [tilespmem:$0x4470]  }
0x358: {  	v60 =	vld [tilespmem:$0x6900]  }
0x359: {  	v61 =	vld [tilespmem:$0x4480]  }
0x35a: {  	v62 =	vld [tilespmem:$0x6910]  }
0x35b: {  	v63 =	vld [tilespmem:$0x4490]  }
0x35c: {  	v20 =	vld [tilespmem:$0x6920]  }
0x35d: {  	v21 =	vld [tilespmem:$0x44A0]  }
0x35e: {  	v22 =	vld [tilespmem:$0x6930]  }
0x35f: {  	v23 =	vld [tilespmem:$0x44B0]  }
0x360: {  	v24 =	vld [tilespmem:$0x6940]  }
0x361: {  	v25 =	vld [tilespmem:$0x44C0]  }
0x362: {  	v26 =	vld [tilespmem:$0x6950]  }
0x363: {  	v27 =	vld [tilespmem:$0x44D0]  }
0x364: {  	v28 =	vld [tilespmem:$0x6960]  }
0x365: {  	v29 =	vld [tilespmem:$0x44E0]  }
0x366: {  	v30 =	vld [tilespmem:$0x6970]  }
0x367: {  	v40 =	vld [tilespmem:$0x44F0]  }
0x368: {  	v41 =	vld [tilespmem:$0x6980]  }
0x369: {  	v42 =	vld [tilespmem:$0x4500]  }
0x36a: {  	v43 =	vld [tilespmem:$0x6990]  }
0x36b: {  	v44 =	vld [tilespmem:$0x4510]  }
0x36c: {  	v45 =	vld [tilespmem:$0x69A0]  }
0x36d: {  	v31 =	vld [tilespmem:$0x6A20];
	v0 =	vadd.f32 v46, v0  }
0x36e: {  	v33 =	vld [tilespmem:$0x45A0];
	v2 =	vadd.f32 v47, v2  }
0x36f: {  	v35 =	vld [tilespmem:$0x6A30];
	v48 =	vadd.f32 v49, v48;
	[tilespmem:$0x6880] =	vst v0  }
0x370: {  	v37 =	vld [tilespmem:$0x45B0];
	v50 =	vadd.f32 v51, v50;
	[tilespmem:$0x6890] =	vst v2  }
0x371: {  	v39 =	vld [tilespmem:$0x6A40];
	v52 =	vadd.f32 v53, v52;
	[tilespmem:$0x68A0] =	vst v48  }
0x372: {  	v46 =	vld [tilespmem:$0x4520];
	v54 =	vadd.f32 v55, v54;
	[tilespmem:$0x68B0] =	vst v50  }
0x373: {  	v47 =	vld [tilespmem:$0x69B0];
	v56 =	vadd.f32 v57, v56;
	[tilespmem:$0x68C0] =	vst v52  }
0x374: {  	v49 =	vld [tilespmem:$0x4530];
	v58 =	vadd.f32 v59, v58;
	[tilespmem:$0x68D0] =	vst v54  }
0x375: {  	v51 =	vld [tilespmem:$0x69C0];
	v60 =	vadd.f32 v61, v60;
	[tilespmem:$0x68E0] =	vst v56  }
0x376: {  	v53 =	vld [tilespmem:$0x4540];
	v62 =	vadd.f32 v63, v62;
	[tilespmem:$0x68F0] =	vst v58  }
0x377: {  	v55 =	vld [tilespmem:$0x69D0];
	v20 =	vadd.f32 v21, v20;
	[tilespmem:$0x6900] =	vst v60  }
0x378: {  	v57 =	vld [tilespmem:$0x4550];
	v22 =	vadd.f32 v23, v22;
	[tilespmem:$0x6910] =	vst v62  }
0x379: {  	v59 =	vld [tilespmem:$0x69E0];
	v24 =	vadd.f32 v25, v24;
	[tilespmem:$0x6920] =	vst v20  }
0x37a: {  	v61 =	vld [tilespmem:$0x4560];
	v26 =	vadd.f32 v27, v26;
	[tilespmem:$0x6930] =	vst v22  }
0x37b: {  	v63 =	vld [tilespmem:$0x69F0];
	v28 =	vadd.f32 v29, v28;
	[tilespmem:$0x6940] =	vst v24  }
0x37c: {  	v21 =	vld [tilespmem:$0x4570];
	v30 =	vadd.f32 v40, v30;
	[tilespmem:$0x6950] =	vst v26  }
0x37d: {  	v23 =	vld [tilespmem:$0x6A00];
	v32 =	vadd.f32 v42, v41;
	[tilespmem:$0x6960] =	vst v28  }
0x37e: {  	v25 =	vld [tilespmem:$0x4580];
	v34 =	vadd.f32 v44, v43;
	[tilespmem:$0x6970] =	vst v30  }
0x37f: {  	v27 =	vld [tilespmem:$0x6A10];
	v1 =	vadd.f32 v37, v35;
	[tilespmem:$0x6980] =	vst v32  }
0x380: {  	v29 =	vld [tilespmem:$0x4590];
	[tilespmem:$0x6990] =	vst v34;
	v52 =	vadd.f32 v33, v31  }
0x381: {  	v41 =	vld [tilespmem:$0x45C0];
	[tilespmem:$0x6A30] =	vst v1;
	v36 =	vadd.f32 v46, v45  }
0x382: {  	v43 =	vld [tilespmem:$0x6A50];
	[tilespmem:$0x6A20] =	vst v52;
	v38 =	vadd.f32 v49, v47  }
0x383: {  	v40 =	vadd.f32 v53, v51;
	v45 =	vld [tilespmem:$0x45D0];
	[tilespmem:$0x69A0] =	vst v36  }
0x384: {  	v42 =	vadd.f32 v57, v55;
	v47 =	vld [tilespmem:$0x6A60];
	[tilespmem:$0x69B0] =	vst v38  }
0x385: {  	v44 =	vadd.f32 v61, v59;
	v49 =	vld [tilespmem:$0x45E0];
	[tilespmem:$0x69C0] =	vst v40  }
0x386: {  	v46 =	vadd.f32 v21, v63;
	v51 =	vld [tilespmem:$0x6A70];
	[tilespmem:$0x69D0] =	vst v42  }
0x387: {  	v48 =	vadd.f32 v25, v23;
	v53 =	vld [tilespmem:$0x45F0];
	[tilespmem:$0x69E0] =	vst v44  }
0x388: {  	v50 =	vadd.f32 v29, v27;
	[tilespmem:$0x69F0] =	vst v46  }
0x389: {  	v54 =	vadd.f32 v41, v39;
	[tilespmem:$0x6A00] =	vst v48  }
0x38a: {  	[tilespmem:$0x6A10] =	vst v50;
	v55 =	vadd.f32 v45, v43  }
0x38b: {  	[tilespmem:$0x6A40] =	vst v54;
	v56 =	vadd.f32 v49, v47  }
0x38c: {  	v57 =	vadd.f32 v53, v51;
	[tilespmem:$0x6A50] =	vst v55  }
0x38d: {  	[tilespmem:$0x6A60] =	vst v56  }
0x38e: {  	[tilespmem:$0x6A70] =	vst v57  }
0x38f: {  	_ =	swait.ge [sflag:s20], $0x200  }
0x390: {  	[sflag:s20] =	ssyncset.done $0x0  }
0x391: {  	[sflag:s20] =	ssyncadd.s32 $0xFFFFFE00  }
0x392: {  	v0 =	vld [tilespmem:$0x6880]  }
0x393: {  	v58 =	vld [tilespmem:$0x4600]  }
0x394: {  	v2 =	vld [tilespmem:$0x6890]  }
0x395: {  	v3 =	vld [tilespmem:$0x4610]  }
0x396: {  	v4 =	vld [tilespmem:$0x68A0]  }
0x397: {  	v59 =	vld [tilespmem:$0x4620]  }
0x398: {  	v6 =	vld [tilespmem:$0x68B0]  }
0x399: {  	v60 =	vld [tilespmem:$0x4630]  }
0x39a: {  	v61 =	vld [tilespmem:$0x68C0]  }
0x39b: {  	v62 =	vld [tilespmem:$0x4640]  }
0x39c: {  	v10 =	vld [tilespmem:$0x68D0]  }
0x39d: {  	v63 =	vld [tilespmem:$0x4650]  }
0x39e: {  	v12 =	vld [tilespmem:$0x68E0]  }
0x39f: {  	v13 =	vld [tilespmem:$0x4660]  }
0x3a0: {  	v14 =	vld [tilespmem:$0x68F0]  }
0x3a1: {  	v15 =	vld [tilespmem:$0x4670]  }
0x3a2: {  	v16 =	vld [tilespmem:$0x6900]  }
0x3a3: {  	v17 =	vld [tilespmem:$0x4680]  }
0x3a4: {  	v40 =	vld [tilespmem:$0x6910]  }
0x3a5: {  	v41 =	vld [tilespmem:$0x4690]  }
0x3a6: {  	v42 =	vld [tilespmem:$0x6920]  }
0x3a7: {  	v43 =	vld [tilespmem:$0x46A0]  }
0x3a8: {  	v44 =	vld [tilespmem:$0x6930]  }
0x3a9: {  	v45 =	vld [tilespmem:$0x46B0]  }
0x3aa: {  	v46 =	vld [tilespmem:$0x6940]  }
0x3ab: {  	v47 =	vld [tilespmem:$0x46C0]  }
0x3ac: {  	v48 =	vld [tilespmem:$0x6950]  }
0x3ad: {  	v49 =	vld [tilespmem:$0x46D0]  }
0x3ae: {  	v50 =	vld [tilespmem:$0x6960]  }
0x3af: {  	v51 =	vld [tilespmem:$0x46E0]  }
0x3b0: {  	v52 =	vld [tilespmem:$0x6970]  }
0x3b1: {  	v53 =	vld [tilespmem:$0x46F0]  }
0x3b2: {  	v54 =	vld [tilespmem:$0x6980]  }
0x3b3: {  	v55 =	vld [tilespmem:$0x4700]  }
0x3b4: {  	v56 =	vld [tilespmem:$0x6990]  }
0x3b5: {  	v57 =	vld [tilespmem:$0x4710]  }
0x3b6: {  	v36 =	vld [tilespmem:$0x69A0]  }
0x3b7: {  	v5 =	vld [tilespmem:$0x69C0];
	v0 =	vadd.f32 v58, v0  }
0x3b8: {  	v7 =	vld [tilespmem:$0x69D0];
	v2 =	vadd.f32 v3, v2  }
0x3b9: {  	v8 =	vld [tilespmem:$0x4750];
	v59 =	vadd.f32 v59, v4;
	[tilespmem:$0x6880] =	vst v0  }
0x3ba: {  	v37 =	vld [tilespmem:$0x69E0];
	v60 =	vadd.f32 v60, v6;
	[tilespmem:$0x6890] =	vst v2  }
0x3bb: {  	v39 =	vld [tilespmem:$0x4760];
	v61 =	vadd.f32 v62, v61;
	[tilespmem:$0x68A0] =	vst v59  }
0x3bc: {  	v21 =	vld [tilespmem:$0x6A50];
	v63 =	vadd.f32 v63, v10;
	[tilespmem:$0x68B0] =	vst v60  }
0x3bd: {  	v23 =	vld [tilespmem:$0x47D0];
	v13 =	vadd.f32 v13, v12;
	[tilespmem:$0x68C0] =	vst v61  }
0x3be: {  	v25 =	vld [tilespmem:$0x6A60];
	v15 =	vadd.f32 v15, v14;
	[tilespmem:$0x68D0] =	vst v63  }
0x3bf: {  	v27 =	vld [tilespmem:$0x47E0];
	v38 =	vadd.f32 v17, v16;
	[tilespmem:$0x68E0] =	vst v13  }
0x3c0: {  	v29 =	vld [tilespmem:$0x6A70];
	v40 =	vadd.f32 v41, v40;
	[tilespmem:$0x68F0] =	vst v15  }
0x3c1: {  	v31 =	vld [tilespmem:$0x47F0];
	v42 =	vadd.f32 v43, v42;
	[tilespmem:$0x6900] =	vst v38  }
0x3c2: {  	v58 =	vld [tilespmem:$0x4720];
	v44 =	vadd.f32 v45, v44;
	[tilespmem:$0x6910] =	vst v40  }
0x3c3: {  	v3 =	vld [tilespmem:$0x69B0];
	v46 =	vadd.f32 v47, v46;
	[tilespmem:$0x6920] =	vst v42  }
0x3c4: {  	v4 =	vld [tilespmem:$0x4730];
	v48 =	vadd.f32 v49, v48;
	[tilespmem:$0x6930] =	vst v44  }
0x3c5: {  	v62 =	vld [tilespmem:$0x4740];
	v50 =	vadd.f32 v51, v50;
	[tilespmem:$0x6940] =	vst v46  }
0x3c6: {  	v41 =	vld [tilespmem:$0x69F0];
	v52 =	vadd.f32 v53, v52;
	[tilespmem:$0x6950] =	vst v48  }
0x3c7: {  	v43 =	vld [tilespmem:$0x4770];
	v54 =	vadd.f32 v55, v54;
	[tilespmem:$0x6960] =	vst v50  }
0x3c8: {  	v45 =	vld [tilespmem:$0x6A00];
	v56 =	vadd.f32 v57, v56;
	[tilespmem:$0x6970] =	vst v52  }
0x3c9: {  	v47 =	vld [tilespmem:$0x4780];
	v20 =	vadd.f32 v8, v7;
	[tilespmem:$0x6980] =	vst v54  }
0x3ca: {  	v49 =	vld [tilespmem:$0x6A10];
	v22 =	vadd.f32 v39, v37;
	[tilespmem:$0x6990] =	vst v56  }
0x3cb: {  	v51 =	vld [tilespmem:$0x4790];
	v33 =	vadd.f32 v23, v21;
	[tilespmem:$0x69D0] =	vst v20  }
0x3cc: {  	v53 =	vld [tilespmem:$0x6A20];
	v34 =	vadd.f32 v27, v25;
	[tilespmem:$0x69E0] =	vst v22  }
0x3cd: {  	v55 =	vld [tilespmem:$0x47A0];
	v35 =	vadd.f32 v31, v29;
	[tilespmem:$0x6A50] =	vst v33  }
0x3ce: {  	v57 =	vld [tilespmem:$0x6A30];
	[tilespmem:$0x6A60] =	vst v34;
	v58 =	vadd.f32 v58, v36  }
0x3cf: {  	v59 =	vld [tilespmem:$0x47B0];
	[tilespmem:$0x6A70] =	vst v35;
	v60 =	vadd.f32 v4, v3  }
0x3d0: {  	v61 =	vld [tilespmem:$0x6A40];
	v62 =	vadd.f32 v62, v5;
	[tilespmem:$0x69A0] =	vst v58  }
0x3d1: {  	v63 =	vld [tilespmem:$0x47C0];
	v24 =	vadd.f32 v43, v41;
	[tilespmem:$0x69B0] =	vst v60  }
0x3d2: {  	v26 =	vadd.f32 v47, v45;
	[tilespmem:$0x69C0] =	vst v62  }
0x3d3: {  	v28 =	vadd.f32 v51, v49;
	[tilespmem:$0x69F0] =	vst v24  }
0x3d4: {  	v30 =	vadd.f32 v55, v53;
	[tilespmem:$0x6A00] =	vst v26  }
0x3d5: {  	[tilespmem:$0x6A10] =	vst v28;
	v1 =	vadd.f32 v59, v57  }
0x3d6: {  	[tilespmem:$0x6A20] =	vst v30;
	v32 =	vadd.f32 v63, v61  }
0x3d7: {  	[tilespmem:$0x6A30] =	vst v1  }
0x3d8: {  	[tilespmem:$0x6A40] =	vst v32  }
0x3d9: {  	_ =	swait.ge [sflag:s21], $0x200  }
0x3da: {  	[sflag:s21] =	ssyncset.done $0x0  }
0x3db: {  	[sflag:s21] =	ssyncadd.s32 $0xFFFFFE00  }
0x3dc: {  	v36 =	vld [tilespmem:$0x6880]  }
0x3dd: {  	v37 =	vld [tilespmem:$0x4800]  }
0x3de: {  	v38 =	vld [tilespmem:$0x6890]  }
0x3df: {  	v39 =	vld [tilespmem:$0x4810]  }
0x3e0: {  	v40 =	vld [tilespmem:$0x68A0]  }
0x3e1: {  	v41 =	vld [tilespmem:$0x4820]  }
0x3e2: {  	v42 =	vld [tilespmem:$0x68B0]  }
0x3e3: {  	v43 =	vld [tilespmem:$0x4830]  }
0x3e4: {  	v44 =	vld [tilespmem:$0x68C0]  }
0x3e5: {  	v45 =	vld [tilespmem:$0x4840]  }
0x3e6: {  	v46 =	vld [tilespmem:$0x68D0]  }
0x3e7: {  	v47 =	vld [tilespmem:$0x4850]  }
0x3e8: {  	v48 =	vld [tilespmem:$0x68E0]  }
0x3e9: {  	v49 =	vld [tilespmem:$0x4860]  }
0x3ea: {  	v50 =	vld [tilespmem:$0x68F0]  }
0x3eb: {  	v51 =	vld [tilespmem:$0x4870]  }
0x3ec: {  	v52 =	vld [tilespmem:$0x6900]  }
0x3ed: {  	v53 =	vld [tilespmem:$0x4880]  }
0x3ee: {  	v54 =	vld [tilespmem:$0x6910]  }
0x3ef: {  	v55 =	vld [tilespmem:$0x4890]  }
0x3f0: {  	v56 =	vld [tilespmem:$0x6920]  }
0x3f1: {  	v57 =	vld [tilespmem:$0x48A0]  }
0x3f2: {  	v58 =	vld [tilespmem:$0x6930]  }
0x3f3: {  	v59 =	vld [tilespmem:$0x48B0]  }
0x3f4: {  	v60 =	vld [tilespmem:$0x6940]  }
0x3f5: {  	v61 =	vld [tilespmem:$0x48C0]  }
0x3f6: {  	v62 =	vld [tilespmem:$0x6950]  }
0x3f7: {  	v63 =	vld [tilespmem:$0x48D0]  }
0x3f8: {  	v32 =	vld [tilespmem:$0x6960]  }
0x3f9: {  	v33 =	vld [tilespmem:$0x48E0];
	v0 =	vadd.f32 v37, v36  }
0x3fa: {  	v34 =	vld [tilespmem:$0x6970];
	v2 =	vadd.f32 v39, v38  }
0x3fb: {  	v16 =	vld [tilespmem:$0x4960];
	v35 =	vadd.f32 v41, v40;
	[tilespmem:$0x6880] =	vst v0  }
0x3fc: {  	v18 =	vld [tilespmem:$0x69F0];
	v37 =	vadd.f32 v43, v42;
	[tilespmem:$0x6890] =	vst v2  }
0x3fd: {  	v36 =	vld [tilespmem:$0x48F0];
	v39 =	vadd.f32 v45, v44;
	[tilespmem:$0x68A0] =	vst v35  }
0x3fe: {  	v38 =	vld [tilespmem:$0x6980];
	v41 =	vadd.f32 v47, v46;
	[tilespmem:$0x68B0] =	vst v37  }
0x3ff: {  	v40 =	vld [tilespmem:$0x4900];
	v43 =	vadd.f32 v49, v48;
	[tilespmem:$0x68C0] =	vst v39  }
0x400: {  	v42 =	vld [tilespmem:$0x6990];
	v45 =	vadd.f32 v51, v50;
	[tilespmem:$0x68D0] =	vst v41  }
0x401: {  	v44 =	vld [tilespmem:$0x4910];
	v47 =	vadd.f32 v53, v52;
	[tilespmem:$0x68E0] =	vst v43  }
0x402: {  	v46 =	vld [tilespmem:$0x69A0];
	v49 =	vadd.f32 v55, v54;
	[tilespmem:$0x68F0] =	vst v45  }
0x403: {  	v48 =	vld [tilespmem:$0x4920];
	v51 =	vadd.f32 v57, v56;
	[tilespmem:$0x6900] =	vst v47  }
0x404: {  	v50 =	vld [tilespmem:$0x69B0];
	v53 =	vadd.f32 v59, v58;
	[tilespmem:$0x6910] =	vst v49  }
0x405: {  	v52 =	vld [tilespmem:$0x4930];
	v55 =	vadd.f32 v61, v60;
	[tilespmem:$0x6920] =	vst v51  }
0x406: {  	v54 =	vld [tilespmem:$0x69C0];
	v57 =	vadd.f32 v63, v62;
	[tilespmem:$0x6930] =	vst v53  }
0x407: {  	v56 =	vld [tilespmem:$0x4940];
	v59 =	vadd.f32 v33, v32;
	[tilespmem:$0x6940] =	vst v55  }
0x408: {  	v58 =	vld [tilespmem:$0x69D0];
	[tilespmem:$0x6950] =	vst v57;
	v61 =	vadd.f32 v36, v34  }
0x409: {  	v60 =	vld [tilespmem:$0x4950];
	[tilespmem:$0x6960] =	vst v59;
	v63 =	vadd.f32 v40, v38  }
0x40a: {  	v62 =	vld [tilespmem:$0x69E0];
	v17 =	vadd.f32 v44, v42;
	[tilespmem:$0x6970] =	vst v61  }
0x40b: {  	v20 =	vld [tilespmem:$0x4970];
	v19 =	vadd.f32 v48, v46;
	[tilespmem:$0x6980] =	vst v63  }
0x40c: {  	v21 =	vadd.f32 v52, v50;
	[tilespmem:$0x6990] =	vst v17  }
0x40d: {  	v22 =	vadd.f32 v56, v54;
	[tilespmem:$0x69A0] =	vst v19  }
0x40e: {  	v1 =	vadd.f32 v60, v58;
	[tilespmem:$0x69B0] =	vst v21  }
0x40f: {  	v23 =	vadd.f32 v16, v62;
	[tilespmem:$0x69C0] =	vst v22  }
0x410: {  	v24 =	vadd.f32 v20, v18;
	[tilespmem:$0x69D0] =	vst v1  }
0x411: {  	[tilespmem:$0x69E0] =	vst v23  }
0x412: {  	[tilespmem:$0x69F0] =	vst v24  }
0x413: {  	v25 =	vld [tilespmem:$0x6A00]  }
0x414: {  	v1 =	vld [tilespmem:$0x4980]  }
0x415: {  	v26 =	vld [tilespmem:$0x6A10]  }
0x416: {  	v27 =	vld [tilespmem:$0x4990]  }
0x417: {  	v28 =	vld [tilespmem:$0x6A20]  }
0x418: {  	v29 =	vld [tilespmem:$0x49A0]  }
0x419: {  	v30 =	vld [tilespmem:$0x6A30]  }
0x41a: {  	v31 =	vld [tilespmem:$0x49B0]  }
0x41b: {  	v32 =	vld [tilespmem:$0x6A40]  }
0x41c: {  	v33 =	vld [tilespmem:$0x49C0]  }
0x41d: {  	v34 =	vld [tilespmem:$0x6A50]  }
0x41e: {  	v35 =	vld [tilespmem:$0x49D0]  }
0x41f: {  	v36 =	vld [tilespmem:$0x6A60]  }
0x420: {  	v37 =	vld [tilespmem:$0x49E0];
	v0 =	vadd.f32 v1, v25  }
0x421: {  	v38 =	vld [tilespmem:$0x6A70];
	v2 =	vadd.f32 v27, v26  }
0x422: {  	v40 =	vld [tilespmem:$0x49F0];
	v39 =	vadd.f32 v29, v28;
	[tilespmem:$0x6A00] =	vst v0  }
0x423: {  	v41 =	vadd.f32 v31, v30;
	[tilespmem:$0x6A10] =	vst v2  }
0x424: {  	v42 =	vadd.f32 v33, v32;
	[tilespmem:$0x6A20] =	vst v39  }
0x425: {  	v43 =	vadd.f32 v35, v34;
	[tilespmem:$0x6A30] =	vst v41  }
0x426: {  	v44 =	vadd.f32 v37, v36;
	[tilespmem:$0x6A40] =	vst v42  }
0x427: {  	v45 =	vadd.f32 v40, v38;
	[tilespmem:$0x6A50] =	vst v43  }
0x428: {  	[tilespmem:$0x6A60] =	vst v44  }
0x429: {  	[tilespmem:$0x6A70] =	vst v45  }
0x42a: {  	_ =	swait.ge [sflag:s22], $0x200  }
0x42b: {  	[sflag:s22] =	ssyncset.done $0x0  }
0x42c: {  	[sflag:s22] =	ssyncadd.s32 $0xFFFFFE00  }
0x42d: {  	v0 =	vld [tilespmem:$0x6880]  }
0x42e: {  	v46 =	vld [tilespmem:$0x4A00]  }
0x42f: {  	v2 =	vld [tilespmem:$0x6890]  }
0x430: {  	v47 =	vld [tilespmem:$0x4A10]  }
0x431: {  	v48 =	vld [tilespmem:$0x68A0]  }
0x432: {  	v49 =	vld [tilespmem:$0x4A20]  }
0x433: {  	v50 =	vld [tilespmem:$0x68B0]  }
0x434: {  	v51 =	vld [tilespmem:$0x4A30]  }
0x435: {  	v52 =	vld [tilespmem:$0x68C0]  }
0x436: {  	v53 =	vld [tilespmem:$0x4A40]  }
0x437: {  	v54 =	vld [tilespmem:$0x68D0]  }
0x438: {  	v55 =	vld [tilespmem:$0x4A50]  }
0x439: {  	v56 =	vld [tilespmem:$0x68E0]  }
0x43a: {  	v57 =	vld [tilespmem:$0x4A60]  }
0x43b: {  	v58 =	vld [tilespmem:$0x68F0]  }
0x43c: {  	v59 =	vld [tilespmem:$0x4A70]  }
0x43d: {  	v60 =	vld [tilespmem:$0x6900]  }
0x43e: {  	v61 =	vld [tilespmem:$0x4A80]  }
0x43f: {  	v62 =	vld [tilespmem:$0x6910]  }
0x440: {  	v63 =	vld [tilespmem:$0x4A90]  }
0x441: {  	v20 =	vld [tilespmem:$0x6920]  }
0x442: {  	v21 =	vld [tilespmem:$0x4AA0]  }
0x443: {  	v22 =	vld [tilespmem:$0x6930]  }
0x444: {  	v23 =	vld [tilespmem:$0x4AB0]  }
0x445: {  	v24 =	vld [tilespmem:$0x6940]  }
0x446: {  	v25 =	vld [tilespmem:$0x4AC0]  }
0x447: {  	v26 =	vld [tilespmem:$0x6950]  }
0x448: {  	v27 =	vld [tilespmem:$0x4AD0]  }
0x449: {  	v28 =	vld [tilespmem:$0x6960]  }
0x44a: {  	v29 =	vld [tilespmem:$0x4AE0]  }
0x44b: {  	v30 =	vld [tilespmem:$0x6970]  }
0x44c: {  	v40 =	vld [tilespmem:$0x4AF0]  }
0x44d: {  	v41 =	vld [tilespmem:$0x6980]  }
0x44e: {  	v42 =	vld [tilespmem:$0x4B00]  }
0x44f: {  	v43 =	vld [tilespmem:$0x6990]  }
0x450: {  	v44 =	vld [tilespmem:$0x4B10]  }
0x451: {  	v45 =	vld [tilespmem:$0x69A0]  }
0x452: {  	v31 =	vld [tilespmem:$0x6A20];
	v0 =	vadd.f32 v46, v0  }
0x453: {  	v37 =	vld [tilespmem:$0x4BA0];
	v2 =	vadd.f32 v47, v2  }
0x454: {  	v39 =	vld [tilespmem:$0x6A30];
	v48 =	vadd.f32 v49, v48;
	[tilespmem:$0x6880] =	vst v0  }
0x455: {  	v46 =	vld [tilespmem:$0x4B20];
	v50 =	vadd.f32 v51, v50;
	[tilespmem:$0x6890] =	vst v2  }
0x456: {  	v47 =	vld [tilespmem:$0x69B0];
	v52 =	vadd.f32 v53, v52;
	[tilespmem:$0x68A0] =	vst v48  }
0x457: {  	v49 =	vld [tilespmem:$0x4B30];
	v54 =	vadd.f32 v55, v54;
	[tilespmem:$0x68B0] =	vst v50  }
0x458: {  	v51 =	vld [tilespmem:$0x69C0];
	v56 =	vadd.f32 v57, v56;
	[tilespmem:$0x68C0] =	vst v52  }
0x459: {  	v53 =	vld [tilespmem:$0x4B40];
	v58 =	vadd.f32 v59, v58;
	[tilespmem:$0x68D0] =	vst v54  }
0x45a: {  	v55 =	vld [tilespmem:$0x69D0];
	v60 =	vadd.f32 v61, v60;
	[tilespmem:$0x68E0] =	vst v56  }
0x45b: {  	v57 =	vld [tilespmem:$0x4B50];
	v62 =	vadd.f32 v63, v62;
	[tilespmem:$0x68F0] =	vst v58  }
0x45c: {  	v59 =	vld [tilespmem:$0x69E0];
	v20 =	vadd.f32 v21, v20;
	[tilespmem:$0x6900] =	vst v60  }
0x45d: {  	v61 =	vld [tilespmem:$0x4B60];
	v22 =	vadd.f32 v23, v22;
	[tilespmem:$0x6910] =	vst v62  }
0x45e: {  	v63 =	vld [tilespmem:$0x69F0];
	v24 =	vadd.f32 v25, v24;
	[tilespmem:$0x6920] =	vst v20  }
0x45f: {  	v21 =	vld [tilespmem:$0x4B70];
	v26 =	vadd.f32 v27, v26;
	[tilespmem:$0x6930] =	vst v22  }
0x460: {  	v23 =	vld [tilespmem:$0x6A00];
	v28 =	vadd.f32 v29, v28;
	[tilespmem:$0x6940] =	vst v24  }
0x461: {  	v25 =	vld [tilespmem:$0x4B80];
	v30 =	vadd.f32 v40, v30;
	[tilespmem:$0x6950] =	vst v26  }
0x462: {  	v27 =	vld [tilespmem:$0x6A10];
	v33 =	vadd.f32 v42, v41;
	[tilespmem:$0x6960] =	vst v28  }
0x463: {  	v29 =	vld [tilespmem:$0x4B90];
	v38 =	vadd.f32 v44, v43;
	[tilespmem:$0x6970] =	vst v30  }
0x464: {  	v41 =	vld [tilespmem:$0x4BB0];
	[tilespmem:$0x6980] =	vst v33;
	v56 =	vadd.f32 v37, v31  }
0x465: {  	v43 =	vld [tilespmem:$0x6A40];
	[tilespmem:$0x6990] =	vst v38;
	v40 =	vadd.f32 v46, v45  }
0x466: {  	[tilespmem:$0x6A20] =	vst v56;
	v42 =	vadd.f32 v49, v47;
	v45 =	vld [tilespmem:$0x4BC0]  }
0x467: {  	v44 =	vadd.f32 v53, v51;
	v47 =	vld [tilespmem:$0x6A50];
	[tilespmem:$0x69A0] =	vst v40  }
0x468: {  	v46 =	vadd.f32 v57, v55;
	v49 =	vld [tilespmem:$0x4BD0];
	[tilespmem:$0x69B0] =	vst v42  }
0x469: {  	v48 =	vadd.f32 v61, v59;
	v51 =	vld [tilespmem:$0x6A60];
	[tilespmem:$0x69C0] =	vst v44  }
0x46a: {  	v50 =	vadd.f32 v21, v63;
	v53 =	vld [tilespmem:$0x4BE0];
	[tilespmem:$0x69D0] =	vst v46  }
0x46b: {  	v52 =	vadd.f32 v25, v23;
	v55 =	vld [tilespmem:$0x6A70];
	[tilespmem:$0x69E0] =	vst v48  }
0x46c: {  	v54 =	vadd.f32 v29, v27;
	v57 =	vld [tilespmem:$0x4BF0];
	[tilespmem:$0x69F0] =	vst v50  }
0x46d: {  	v1 =	vadd.f32 v41, v39;
	[tilespmem:$0x6A00] =	vst v52  }
0x46e: {  	[tilespmem:$0x6A10] =	vst v54;
	v58 =	vadd.f32 v45, v43  }
0x46f: {  	[tilespmem:$0x6A30] =	vst v1;
	v59 =	vadd.f32 v49, v47  }
0x470: {  	v60 =	vadd.f32 v53, v51;
	[tilespmem:$0x6A40] =	vst v58  }
0x471: {  	v61 =	vadd.f32 v57, v55;
	[tilespmem:$0x6A50] =	vst v59  }
0x472: {  	[tilespmem:$0x6A60] =	vst v60  }
0x473: {  	[tilespmem:$0x6A70] =	vst v61  }
0x474: {  	_ =	swait.ge [sflag:s23], $0x200  }
0x475: {  	[sflag:s23] =	ssyncset.done $0x0  }
0x476: {  	[sflag:s23] =	ssyncadd.s32 $0xFFFFFE00  }
0x477: {  	v0 =	vld [tilespmem:$0x6880]  }
0x478: {  	v1 =	vld [tilespmem:$0x4C00]  }
0x479: {  	v2 =	vld [tilespmem:$0x6890]  }
0x47a: {  	v3 =	vld [tilespmem:$0x4C10]  }
0x47b: {  	v4 =	vld [tilespmem:$0x68A0]  }
0x47c: {  	v62 =	vld [tilespmem:$0x4C20]  }
0x47d: {  	v6 =	vld [tilespmem:$0x68B0]  }
0x47e: {  	v63 =	vld [tilespmem:$0x4C30]  }
0x47f: {  	v8 =	vld [tilespmem:$0x68C0]  }
0x480: {  	v9 =	vld [tilespmem:$0x4C40]  }
0x481: {  	v10 =	vld [tilespmem:$0x68D0]  }
0x482: {  	v40 =	vld [tilespmem:$0x4C50]  }
0x483: {  	v41 =	vld [tilespmem:$0x68E0]  }
0x484: {  	v42 =	vld [tilespmem:$0x4C60]  }
0x485: {  	v43 =	vld [tilespmem:$0x68F0]  }
0x486: {  	v44 =	vld [tilespmem:$0x4C70]  }
0x487: {  	v45 =	vld [tilespmem:$0x6900]  }
0x488: {  	v46 =	vld [tilespmem:$0x4C80]  }
0x489: {  	v47 =	vld [tilespmem:$0x6910]  }
0x48a: {  	v48 =	vld [tilespmem:$0x4C90]  }
0x48b: {  	v49 =	vld [tilespmem:$0x6920]  }
0x48c: {  	v50 =	vld [tilespmem:$0x4CA0]  }
0x48d: {  	v51 =	vld [tilespmem:$0x6930]  }
0x48e: {  	v52 =	vld [tilespmem:$0x4CB0]  }
0x48f: {  	v53 =	vld [tilespmem:$0x6940]  }
0x490: {  	v54 =	vld [tilespmem:$0x4CC0]  }
0x491: {  	v55 =	vld [tilespmem:$0x6950]  }
0x492: {  	v56 =	vld [tilespmem:$0x4CD0]  }
0x493: {  	v57 =	vld [tilespmem:$0x6960]  }
0x494: {  	v58 =	vld [tilespmem:$0x4CE0]  }
0x495: {  	v59 =	vld [tilespmem:$0x6970]  }
0x496: {  	v60 =	vld [tilespmem:$0x4CF0]  }
0x497: {  	v32 =	vld [tilespmem:$0x6980]  }
0x498: {  	v61 =	vld [tilespmem:$0x4D00]  }
0x499: {  	v34 =	vld [tilespmem:$0x6990]  }
0x49a: {  	v35 =	vld [tilespmem:$0x4D10]  }
0x49b: {  	v36 =	vld [tilespmem:$0x69A0]  }
0x49c: {  	v5 =	vld [tilespmem:$0x69C0];
	v0 =	vadd.f32 v1, v0  }
0x49d: {  	v38 =	vld [tilespmem:$0x4D40];
	v2 =	vadd.f32 v3, v2  }
0x49e: {  	v21 =	vld [tilespmem:$0x6A30];
	v62 =	vadd.f32 v62, v4;
	[tilespmem:$0x6880] =	vst v0  }
0x49f: {  	v23 =	vld [tilespmem:$0x4DB0];
	v63 =	vadd.f32 v63, v6;
	[tilespmem:$0x6890] =	vst v2  }
0x4a0: {  	v25 =	vld [tilespmem:$0x6A40];
	v37 =	vadd.f32 v9, v8;
	[tilespmem:$0x68A0] =	vst v62  }
0x4a1: {  	v27 =	vld [tilespmem:$0x4DC0];
	v39 =	vadd.f32 v40, v10;
	[tilespmem:$0x68B0] =	vst v63  }
0x4a2: {  	v29 =	vld [tilespmem:$0x6A50];
	v41 =	vadd.f32 v42, v41;
	[tilespmem:$0x68C0] =	vst v37  }
0x4a3: {  	v31 =	vld [tilespmem:$0x4DD0];
	v43 =	vadd.f32 v44, v43;
	[tilespmem:$0x68D0] =	vst v39  }
0x4a4: {  	v33 =	vld [tilespmem:$0x6A60];
	v45 =	vadd.f32 v46, v45;
	[tilespmem:$0x68E0] =	vst v41  }
0x4a5: {  	v1 =	vld [tilespmem:$0x4D20];
	v47 =	vadd.f32 v48, v47;
	[tilespmem:$0x68F0] =	vst v43  }
0x4a6: {  	v3 =	vld [tilespmem:$0x69B0];
	v49 =	vadd.f32 v50, v49;
	[tilespmem:$0x6900] =	vst v45  }
0x4a7: {  	v4 =	vld [tilespmem:$0x4D30];
	v51 =	vadd.f32 v52, v51;
	[tilespmem:$0x6910] =	vst v47  }
0x4a8: {  	v40 =	vld [tilespmem:$0x69D0];
	v53 =	vadd.f32 v54, v53;
	[tilespmem:$0x6920] =	vst v49  }
0x4a9: {  	v42 =	vld [tilespmem:$0x4D50];
	v55 =	vadd.f32 v56, v55;
	[tilespmem:$0x6930] =	vst v51  }
0x4aa: {  	v44 =	vld [tilespmem:$0x69E0];
	v57 =	vadd.f32 v58, v57;
	[tilespmem:$0x6940] =	vst v53  }
0x4ab: {  	v46 =	vld [tilespmem:$0x4D60];
	v59 =	vadd.f32 v60, v59;
	[tilespmem:$0x6950] =	vst v55  }
0x4ac: {  	v48 =	vld [tilespmem:$0x69F0];
	v61 =	vadd.f32 v61, v32;
	[tilespmem:$0x6960] =	vst v57  }
0x4ad: {  	v50 =	vld [tilespmem:$0x4D70];
	v26 =	vadd.f32 v38, v5;
	[tilespmem:$0x6970] =	vst v59  }
0x4ae: {  	v52 =	vld [tilespmem:$0x6A00];
	v63 =	vadd.f32 v35, v34;
	[tilespmem:$0x6980] =	vst v61  }
0x4af: {  	v54 =	vld [tilespmem:$0x4D80];
	[tilespmem:$0x69C0] =	vst v26;
	v41 =	vadd.f32 v31, v29  }
0x4b0: {  	v56 =	vld [tilespmem:$0x6A10];
	[tilespmem:$0x6990] =	vst v63;
	v22 =	vadd.f32 v1, v36  }
0x4b1: {  	v58 =	vld [tilespmem:$0x4D90];
	[tilespmem:$0x6A50] =	vst v41;
	v24 =	vadd.f32 v4, v3  }
0x4b2: {  	v60 =	vld [tilespmem:$0x6A20];
	v28 =	vadd.f32 v42, v40;
	[tilespmem:$0x69A0] =	vst v22  }
0x4b3: {  	v62 =	vld [tilespmem:$0x4DA0];
	v30 =	vadd.f32 v46, v44;
	[tilespmem:$0x69B0] =	vst v24  }
0x4b4: {  	v35 =	vld [tilespmem:$0x4DE0];
	v32 =	vadd.f32 v50, v48;
	[tilespmem:$0x69D0] =	vst v28  }
0x4b5: {  	v37 =	vld [tilespmem:$0x6A70];
	v34 =	vadd.f32 v54, v52;
	[tilespmem:$0x69E0] =	vst v30  }
0x4b6: {  	v39 =	vld [tilespmem:$0x4DF0];
	v36 =	vadd.f32 v58, v56;
	[tilespmem:$0x69F0] =	vst v32  }
0x4b7: {  	v1 =	vadd.f32 v23, v21;
	[tilespmem:$0x6A00] =	vst v34  }
0x4b8: {  	v40 =	vadd.f32 v27, v25;
	[tilespmem:$0x6A10] =	vst v36  }
0x4b9: {  	v38 =	vadd.f32 v62, v60;
	[tilespmem:$0x6A30] =	vst v1  }
0x4ba: {  	[tilespmem:$0x6A40] =	vst v40;
	v42 =	vadd.f32 v35, v33  }
0x4bb: {  	v43 =	vadd.f32 v39, v37;
	[tilespmem:$0x6A20] =	vst v38  }
0x4bc: {  	[tilespmem:$0x6A60] =	vst v42  }
0x4bd: {  	[tilespmem:$0x6A70] =	vst v43  }
0x4be: {  	_ =	swait.ge [sflag:s24], $0x200  }
0x4bf: {  	[sflag:s24] =	ssyncset.done $0x0  }
0x4c0: {  	[sflag:s24] =	ssyncadd.s32 $0xFFFFFE00  }
0x4c1: {  	v0 =	vld [tilespmem:$0x6880]  }
0x4c2: {  	v44 =	vld [tilespmem:$0x4E00]  }
0x4c3: {  	v2 =	vld [tilespmem:$0x6890]  }
0x4c4: {  	v45 =	vld [tilespmem:$0x4E10]  }
0x4c5: {  	v46 =	vld [tilespmem:$0x68A0]  }
0x4c6: {  	v47 =	vld [tilespmem:$0x4E20]  }
0x4c7: {  	v48 =	vld [tilespmem:$0x68B0]  }
0x4c8: {  	v49 =	vld [tilespmem:$0x4E30]  }
0x4c9: {  	v50 =	vld [tilespmem:$0x68C0]  }
0x4ca: {  	v51 =	vld [tilespmem:$0x4E40]  }
0x4cb: {  	v52 =	vld [tilespmem:$0x68D0]  }
0x4cc: {  	v53 =	vld [tilespmem:$0x4E50]  }
0x4cd: {  	v54 =	vld [tilespmem:$0x68E0]  }
0x4ce: {  	v55 =	vld [tilespmem:$0x4E60]  }
0x4cf: {  	v56 =	vld [tilespmem:$0x68F0]  }
0x4d0: {  	v57 =	vld [tilespmem:$0x4E70]  }
0x4d1: {  	v58 =	vld [tilespmem:$0x6900]  }
0x4d2: {  	v59 =	vld [tilespmem:$0x4E80]  }
0x4d3: {  	v60 =	vld [tilespmem:$0x6910]  }
0x4d4: {  	v61 =	vld [tilespmem:$0x4E90]  }
0x4d5: {  	v62 =	vld [tilespmem:$0x6920]  }
0x4d6: {  	v63 =	vld [tilespmem:$0x4EA0]  }
0x4d7: {  	v22 =	vld [tilespmem:$0x6930]  }
0x4d8: {  	v23 =	vld [tilespmem:$0x4EB0]  }
0x4d9: {  	v24 =	vld [tilespmem:$0x6940]  }
0x4da: {  	v25 =	vld [tilespmem:$0x4EC0]  }
0x4db: {  	v26 =	vld [tilespmem:$0x6950]  }
0x4dc: {  	v27 =	vld [tilespmem:$0x4ED0]  }
0x4dd: {  	v28 =	vld [tilespmem:$0x6960]  }
0x4de: {  	v29 =	vld [tilespmem:$0x4EE0]  }
0x4df: {  	v30 =	vld [tilespmem:$0x6970]  }
0x4e0: {  	v31 =	vld [tilespmem:$0x4EF0]  }
0x4e1: {  	v32 =	vld [tilespmem:$0x6980]  }
0x4e2: {  	v40 =	vld [tilespmem:$0x4F00]  }
0x4e3: {  	v41 =	vld [tilespmem:$0x6990]  }
0x4e4: {  	v42 =	vld [tilespmem:$0x4F10]  }
0x4e5: {  	v43 =	vld [tilespmem:$0x69A0]  }
0x4e6: {  	v21 =	vld [tilespmem:$0x6A00];
	v0 =	vadd.f32 v44, v0  }
0x4e7: {  	v33 =	vld [tilespmem:$0x6A30];
	v2 =	vadd.f32 v45, v2  }
0x4e8: {  	v35 =	vld [tilespmem:$0x4FB0];
	v46 =	vadd.f32 v47, v46;
	[tilespmem:$0x6880] =	vst v0  }
0x4e9: {  	v37 =	vld [tilespmem:$0x6A40];
	v48 =	vadd.f32 v49, v48;
	[tilespmem:$0x6890] =	vst v2  }
0x4ea: {  	v39 =	vld [tilespmem:$0x4FC0];
	v50 =	vadd.f32 v51, v50;
	[tilespmem:$0x68A0] =	vst v46  }
0x4eb: {  	v44 =	vld [tilespmem:$0x4F20];
	v52 =	vadd.f32 v53, v52;
	[tilespmem:$0x68B0] =	vst v48  }
0x4ec: {  	v45 =	vld [tilespmem:$0x69B0];
	v54 =	vadd.f32 v55, v54;
	[tilespmem:$0x68C0] =	vst v50  }
0x4ed: {  	v47 =	vld [tilespmem:$0x4F30];
	v56 =	vadd.f32 v57, v56;
	[tilespmem:$0x68D0] =	vst v52  }
0x4ee: {  	v49 =	vld [tilespmem:$0x69C0];
	v58 =	vadd.f32 v59, v58;
	[tilespmem:$0x68E0] =	vst v54  }
0x4ef: {  	v51 =	vld [tilespmem:$0x4F40];
	v60 =	vadd.f32 v61, v60;
	[tilespmem:$0x68F0] =	vst v56  }
0x4f0: {  	v53 =	vld [tilespmem:$0x69D0];
	v62 =	vadd.f32 v63, v62;
	[tilespmem:$0x6900] =	vst v58  }
0x4f1: {  	v55 =	vld [tilespmem:$0x4F50];
	v20 =	vadd.f32 v23, v22;
	[tilespmem:$0x6910] =	vst v60  }
0x4f2: {  	v57 =	vld [tilespmem:$0x69E0];
	v22 =	vadd.f32 v25, v24;
	[tilespmem:$0x6920] =	vst v62  }
0x4f3: {  	v59 =	vld [tilespmem:$0x4F60];
	v24 =	vadd.f32 v27, v26;
	[tilespmem:$0x6930] =	vst v20  }
0x4f4: {  	v61 =	vld [tilespmem:$0x69F0];
	v26 =	vadd.f32 v29, v28;
	[tilespmem:$0x6940] =	vst v22  }
0x4f5: {  	v63 =	vld [tilespmem:$0x4F70];
	v28 =	vadd.f32 v31, v30;
	[tilespmem:$0x6950] =	vst v24  }
0x4f6: {  	v23 =	vld [tilespmem:$0x4F80];
	v30 =	vadd.f32 v40, v32;
	[tilespmem:$0x6960] =	vst v26  }
0x4f7: {  	v25 =	vld [tilespmem:$0x6A10];
	v32 =	vadd.f32 v42, v41;
	[tilespmem:$0x6970] =	vst v28  }
0x4f8: {  	v27 =	vld [tilespmem:$0x4F90];
	v1 =	vadd.f32 v35, v33;
	[tilespmem:$0x6980] =	vst v30  }
0x4f9: {  	v29 =	vld [tilespmem:$0x6A20];
	[tilespmem:$0x6990] =	vst v32;
	v52 =	vadd.f32 v39, v37  }
0x4fa: {  	v31 =	vld [tilespmem:$0x4FA0];
	[tilespmem:$0x6A30] =	vst v1;
	v34 =	vadd.f32 v44, v43  }
0x4fb: {  	v41 =	vld [tilespmem:$0x6A50];
	[tilespmem:$0x6A40] =	vst v52;
	v36 =	vadd.f32 v47, v45  }
0x4fc: {  	v38 =	vadd.f32 v51, v49;
	v43 =	vld [tilespmem:$0x4FD0];
	[tilespmem:$0x69A0] =	vst v34  }
0x4fd: {  	v40 =	vadd.f32 v55, v53;
	v45 =	vld [tilespmem:$0x6A60];
	[tilespmem:$0x69B0] =	vst v36  }
0x4fe: {  	v42 =	vadd.f32 v59, v57;
	v47 =	vld [tilespmem:$0x4FE0];
	[tilespmem:$0x69C0] =	vst v38  }
0x4ff: {  	v44 =	vadd.f32 v63, v61;
	v49 =	vld [tilespmem:$0x6A70];
	[tilespmem:$0x69D0] =	vst v40  }
0x500: {  	v46 =	vadd.f32 v23, v21;
	v51 =	vld [tilespmem:$0x4FF0];
	[tilespmem:$0x69E0] =	vst v42  }
0x501: {  	v48 =	vadd.f32 v27, v25;
	[tilespmem:$0x69F0] =	vst v44  }
0x502: {  	v50 =	vadd.f32 v31, v29;
	[tilespmem:$0x6A00] =	vst v46  }
0x503: {  	[tilespmem:$0x6A10] =	vst v48;
	v53 =	vadd.f32 v43, v41  }
0x504: {  	[tilespmem:$0x6A20] =	vst v50;
	v54 =	vadd.f32 v47, v45  }
0x505: {  	v55 =	vadd.f32 v51, v49;
	[tilespmem:$0x6A50] =	vst v53  }
0x506: {  	[tilespmem:$0x6A60] =	vst v54  }
0x507: {  	[tilespmem:$0x6A70] =	vst v55  }
0x508: {  	_ =	swait.ge [sflag:s25], $0x200  }
0x509: {  	[sflag:s25] =	ssyncset.done $0x0  }
0x50a: {  	[sflag:s25] =	ssyncadd.s32 $0xFFFFFE00  }
0x50b: {  	v0 =	vld [tilespmem:$0x6880]  }
0x50c: {  	v56 =	vld [tilespmem:$0x5000]  }
0x50d: {  	v2 =	vld [tilespmem:$0x6890]  }
0x50e: {  	v3 =	vld [tilespmem:$0x5010]  }
0x50f: {  	v4 =	vld [tilespmem:$0x68A0]  }
0x510: {  	v57 =	vld [tilespmem:$0x5020]  }
0x511: {  	v6 =	vld [tilespmem:$0x68B0]  }
0x512: {  	v58 =	vld [tilespmem:$0x5030]  }
0x513: {  	v59 =	vld [tilespmem:$0x68C0]  }
0x514: {  	v60 =	vld [tilespmem:$0x5040]  }
0x515: {  	v10 =	vld [tilespmem:$0x68D0]  }
0x516: {  	v61 =	vld [tilespmem:$0x5050]  }
0x517: {  	v62 =	vld [tilespmem:$0x68E0]  }
0x518: {  	v63 =	vld [tilespmem:$0x5060]  }
0x519: {  	v14 =	vld [tilespmem:$0x68F0]  }
0x51a: {  	v15 =	vld [tilespmem:$0x5070]  }
0x51b: {  	v16 =	vld [tilespmem:$0x6900]  }
0x51c: {  	v17 =	vld [tilespmem:$0x5080]  }
0x51d: {  	v18 =	vld [tilespmem:$0x6910]  }
0x51e: {  	v19 =	vld [tilespmem:$0x5090]  }
0x51f: {  	v40 =	vld [tilespmem:$0x6920]  }
0x520: {  	v41 =	vld [tilespmem:$0x50A0]  }
0x521: {  	v42 =	vld [tilespmem:$0x6930]  }
0x522: {  	v43 =	vld [tilespmem:$0x50B0]  }
0x523: {  	v44 =	vld [tilespmem:$0x6940]  }
0x524: {  	v45 =	vld [tilespmem:$0x50C0]  }
0x525: {  	v46 =	vld [tilespmem:$0x6950]  }
0x526: {  	v47 =	vld [tilespmem:$0x50D0]  }
0x527: {  	v48 =	vld [tilespmem:$0x6960]  }
0x528: {  	v49 =	vld [tilespmem:$0x50E0]  }
0x529: {  	v50 =	vld [tilespmem:$0x6970]  }
0x52a: {  	v51 =	vld [tilespmem:$0x50F0]  }
0x52b: {  	v52 =	vld [tilespmem:$0x6980]  }
0x52c: {  	v53 =	vld [tilespmem:$0x5100]  }
0x52d: {  	v54 =	vld [tilespmem:$0x6990]  }
0x52e: {  	v55 =	vld [tilespmem:$0x5110]  }
0x52f: {  	v36 =	vld [tilespmem:$0x69A0]  }
0x530: {  	v5 =	vld [tilespmem:$0x69C0];
	v0 =	vadd.f32 v56, v0  }
0x531: {  	v7 =	vld [tilespmem:$0x69D0];
	v2 =	vadd.f32 v3, v2  }
0x532: {  	v9 =	vld [tilespmem:$0x69E0];
	v57 =	vadd.f32 v57, v4;
	[tilespmem:$0x6880] =	vst v0  }
0x533: {  	v37 =	vld [tilespmem:$0x5160];
	v58 =	vadd.f32 v58, v6;
	[tilespmem:$0x6890] =	vst v2  }
0x534: {  	v39 =	vld [tilespmem:$0x69F0];
	v59 =	vadd.f32 v60, v59;
	[tilespmem:$0x68A0] =	vst v57  }
0x535: {  	v20 =	vld [tilespmem:$0x51D0];
	v61 =	vadd.f32 v61, v10;
	[tilespmem:$0x68B0] =	vst v58  }
0x536: {  	v22 =	vld [tilespmem:$0x6A60];
	v62 =	vadd.f32 v63, v62;
	[tilespmem:$0x68C0] =	vst v59  }
0x537: {  	v24 =	vld [tilespmem:$0x51E0];
	v15 =	vadd.f32 v15, v14;
	[tilespmem:$0x68D0] =	vst v61  }
0x538: {  	v26 =	vld [tilespmem:$0x6A70];
	v17 =	vadd.f32 v17, v16;
	[tilespmem:$0x68E0] =	vst v62  }
0x539: {  	v28 =	vld [tilespmem:$0x51F0];
	v38 =	vadd.f32 v19, v18;
	[tilespmem:$0x68F0] =	vst v15  }
0x53a: {  	v56 =	vld [tilespmem:$0x5120];
	v40 =	vadd.f32 v41, v40;
	[tilespmem:$0x6900] =	vst v17  }
0x53b: {  	v3 =	vld [tilespmem:$0x69B0];
	v42 =	vadd.f32 v43, v42;
	[tilespmem:$0x6910] =	vst v38  }
0x53c: {  	v4 =	vld [tilespmem:$0x5130];
	v44 =	vadd.f32 v45, v44;
	[tilespmem:$0x6920] =	vst v40  }
0x53d: {  	v60 =	vld [tilespmem:$0x5140];
	v46 =	vadd.f32 v47, v46;
	[tilespmem:$0x6930] =	vst v42  }
0x53e: {  	v63 =	vld [tilespmem:$0x5150];
	v48 =	vadd.f32 v49, v48;
	[tilespmem:$0x6940] =	vst v44  }
0x53f: {  	v41 =	vld [tilespmem:$0x5170];
	v50 =	vadd.f32 v51, v50;
	[tilespmem:$0x6950] =	vst v46  }
0x540: {  	v43 =	vld [tilespmem:$0x6A00];
	v52 =	vadd.f32 v53, v52;
	[tilespmem:$0x6960] =	vst v48  }
0x541: {  	v45 =	vld [tilespmem:$0x5180];
	v54 =	vadd.f32 v55, v54;
	[tilespmem:$0x6970] =	vst v50  }
0x542: {  	v47 =	vld [tilespmem:$0x6A10];
	v10 =	vadd.f32 v37, v9;
	[tilespmem:$0x6980] =	vst v52  }
0x543: {  	v49 =	vld [tilespmem:$0x5190];
	v31 =	vadd.f32 v24, v22;
	[tilespmem:$0x6990] =	vst v54  }
0x544: {  	v51 =	vld [tilespmem:$0x6A20];
	v32 =	vadd.f32 v28, v26;
	[tilespmem:$0x69E0] =	vst v10  }
0x545: {  	v53 =	vld [tilespmem:$0x51A0];
	[tilespmem:$0x6A60] =	vst v31;
	v56 =	vadd.f32 v56, v36  }
0x546: {  	v55 =	vld [tilespmem:$0x6A30];
	[tilespmem:$0x6A70] =	vst v32;
	v58 =	vadd.f32 v4, v3  }
0x547: {  	v57 =	vld [tilespmem:$0x51B0];
	v60 =	vadd.f32 v60, v5;
	[tilespmem:$0x69A0] =	vst v56  }
0x548: {  	v59 =	vld [tilespmem:$0x6A40];
	v62 =	vadd.f32 v63, v7;
	[tilespmem:$0x69B0] =	vst v58  }
0x549: {  	v61 =	vld [tilespmem:$0x51C0];
	v21 =	vadd.f32 v41, v39;
	[tilespmem:$0x69C0] =	vst v60  }
0x54a: {  	v63 =	vld [tilespmem:$0x6A50];
	v23 =	vadd.f32 v45, v43;
	[tilespmem:$0x69D0] =	vst v62  }
0x54b: {  	v25 =	vadd.f32 v49, v47;
	[tilespmem:$0x69F0] =	vst v21  }
0x54c: {  	v27 =	vadd.f32 v53, v51;
	[tilespmem:$0x6A00] =	vst v23  }
0x54d: {  	[tilespmem:$0x6A10] =	vst v25;
	v1 =	vadd.f32 v57, v55  }
0x54e: {  	[tilespmem:$0x6A20] =	vst v27;
	v29 =	vadd.f32 v61, v59  }
0x54f: {  	[tilespmem:$0x6A30] =	vst v1;
	v30 =	vadd.f32 v20, v63  }
0x550: {  	[tilespmem:$0x6A40] =	vst v29  }
0x551: {  	[tilespmem:$0x6A50] =	vst v30  }
0x552: {  	_ =	swait.ge [sflag:s26], $0x200  }
0x553: {  	[sflag:s26] =	ssyncset.done $0x0  }
0x554: {  	[sflag:s26] =	ssyncadd.s32 $0xFFFFFE00  }
0x555: {  	v0 =	vld [tilespmem:$0x6880]  }
0x556: {  	v33 =	vld [tilespmem:$0x5200]  }
0x557: {  	v34 =	vld [tilespmem:$0x6890]  }
0x558: {  	v35 =	vld [tilespmem:$0x5210]  }
0x559: {  	v36 =	vld [tilespmem:$0x68A0]  }
0x55a: {  	v37 =	vld [tilespmem:$0x5220]  }
0x55b: {  	v38 =	vld [tilespmem:$0x68B0]  }
0x55c: {  	v39 =	vld [tilespmem:$0x5230]  }
0x55d: {  	v40 =	vld [tilespmem:$0x68C0]  }
0x55e: {  	v41 =	vld [tilespmem:$0x5240]  }
0x55f: {  	v42 =	vld [tilespmem:$0x68D0]  }
0x560: {  	v43 =	vld [tilespmem:$0x5250]  }
0x561: {  	v44 =	vld [tilespmem:$0x68E0]  }
0x562: {  	v45 =	vld [tilespmem:$0x5260]  }
0x563: {  	v46 =	vld [tilespmem:$0x68F0]  }
0x564: {  	v47 =	vld [tilespmem:$0x5270]  }
0x565: {  	v48 =	vld [tilespmem:$0x6900]  }
0x566: {  	v49 =	vld [tilespmem:$0x5280]  }
0x567: {  	v50 =	vld [tilespmem:$0x6910]  }
0x568: {  	v51 =	vld [tilespmem:$0x5290]  }
0x569: {  	v52 =	vld [tilespmem:$0x6920]  }
0x56a: {  	v53 =	vld [tilespmem:$0x52A0]  }
0x56b: {  	v54 =	vld [tilespmem:$0x6930]  }
0x56c: {  	v55 =	vld [tilespmem:$0x52B0]  }
0x56d: {  	v56 =	vld [tilespmem:$0x6940]  }
0x56e: {  	v57 =	vld [tilespmem:$0x52C0]  }
0x56f: {  	v58 =	vld [tilespmem:$0x6950]  }
0x570: {  	v59 =	vld [tilespmem:$0x52D0]  }
0x571: {  	v60 =	vld [tilespmem:$0x6960]  }
0x572: {  	v61 =	vld [tilespmem:$0x52E0]  }
0x573: {  	v62 =	vld [tilespmem:$0x6970]  }
0x574: {  	v63 =	vld [tilespmem:$0x52F0]  }
0x575: {  	v32 =	vld [tilespmem:$0x6980];
	v0 =	vadd.f32 v33, v0  }
0x576: {  	v19 =	vld [tilespmem:$0x5380];
	v2 =	vadd.f32 v35, v34  }
0x577: {  	v21 =	vld [tilespmem:$0x6A10];
	v34 =	vadd.f32 v37, v36;
	[tilespmem:$0x6880] =	vst v0  }
0x578: {  	v23 =	vld [tilespmem:$0x5390];
	v36 =	vadd.f32 v39, v38;
	[tilespmem:$0x6890] =	vst v2  }
0x579: {  	v25 =	vld [tilespmem:$0x6A20];
	v38 =	vadd.f32 v41, v40;
	[tilespmem:$0x68A0] =	vst v34  }
0x57a: {  	v33 =	vld [tilespmem:$0x5300];
	v40 =	vadd.f32 v43, v42;
	[tilespmem:$0x68B0] =	vst v36  }
0x57b: {  	v35 =	vld [tilespmem:$0x6990];
	v42 =	vadd.f32 v45, v44;
	[tilespmem:$0x68C0] =	vst v38  }
0x57c: {  	v37 =	vld [tilespmem:$0x5310];
	v44 =	vadd.f32 v47, v46;
	[tilespmem:$0x68D0] =	vst v40  }
0x57d: {  	v39 =	vld [tilespmem:$0x69A0];
	v46 =	vadd.f32 v49, v48;
	[tilespmem:$0x68E0] =	vst v42  }
0x57e: {  	v41 =	vld [tilespmem:$0x5320];
	v48 =	vadd.f32 v51, v50;
	[tilespmem:$0x68F0] =	vst v44  }
0x57f: {  	v43 =	vld [tilespmem:$0x69B0];
	v50 =	vadd.f32 v53, v52;
	[tilespmem:$0x6900] =	vst v46  }
0x580: {  	v45 =	vld [tilespmem:$0x5330];
	v52 =	vadd.f32 v55, v54;
	[tilespmem:$0x6910] =	vst v48  }
0x581: {  	v47 =	vld [tilespmem:$0x69C0];
	v54 =	vadd.f32 v57, v56;
	[tilespmem:$0x6920] =	vst v50  }
0x582: {  	v49 =	vld [tilespmem:$0x5340];
	v56 =	vadd.f32 v59, v58;
	[tilespmem:$0x6930] =	vst v52  }
0x583: {  	v51 =	vld [tilespmem:$0x69D0];
	v58 =	vadd.f32 v61, v60;
	[tilespmem:$0x6940] =	vst v54  }
0x584: {  	v53 =	vld [tilespmem:$0x5350];
	v60 =	vadd.f32 v63, v62;
	[tilespmem:$0x6950] =	vst v56  }
0x585: {  	v55 =	vld [tilespmem:$0x69E0];
	v31 =	vadd.f32 v23, v21;
	[tilespmem:$0x6960] =	vst v58  }
0x586: {  	v57 =	vld [tilespmem:$0x5360];
	[tilespmem:$0x6970] =	vst v60;
	v62 =	vadd.f32 v33, v32  }
0x587: {  	v59 =	vld [tilespmem:$0x69F0];
	[tilespmem:$0x6A10] =	vst v31;
	v18 =	vadd.f32 v37, v35  }
0x588: {  	v61 =	vld [tilespmem:$0x5370];
	v20 =	vadd.f32 v41, v39;
	[tilespmem:$0x6980] =	vst v62  }
0x589: {  	v63 =	vld [tilespmem:$0x6A00];
	v22 =	vadd.f32 v45, v43;
	[tilespmem:$0x6990] =	vst v18  }
0x58a: {  	v27 =	vld [tilespmem:$0x53A0];
	v24 =	vadd.f32 v49, v47;
	[tilespmem:$0x69A0] =	vst v20  }
0x58b: {  	v26 =	vadd.f32 v53, v51;
	[tilespmem:$0x69B0] =	vst v22  }
0x58c: {  	v28 =	vadd.f32 v57, v55;
	[tilespmem:$0x69C0] =	vst v24  }
0x58d: {  	v29 =	vadd.f32 v61, v59;
	[tilespmem:$0x69D0] =	vst v26  }
0x58e: {  	v30 =	vadd.f32 v19, v63;
	[tilespmem:$0x69E0] =	vst v28  }
0x58f: {  	v32 =	vadd.f32 v27, v25;
	[tilespmem:$0x69F0] =	vst v29  }
0x590: {  	[tilespmem:$0x6A00] =	vst v30  }
0x591: {  	[tilespmem:$0x6A20] =	vst v32  }
0x592: {  	v0 =	vld [tilespmem:$0x6A30]  }
0x593: {  	v33 =	vld [tilespmem:$0x53B0]  }
0x594: {  	v34 =	vld [tilespmem:$0x6A40]  }
0x595: {  	v35 =	vld [tilespmem:$0x53C0]  }
0x596: {  	v36 =	vld [tilespmem:$0x6A50]  }
0x597: {  	v37 =	vld [tilespmem:$0x53D0]  }
0x598: {  	v38 =	vld [tilespmem:$0x6A60]  }
0x599: {  	v39 =	vld [tilespmem:$0x53E0]  }
0x59a: {  	v40 =	vld [tilespmem:$0x6A70]  }
0x59b: {  	v41 =	vld [tilespmem:$0x53F0]  }
0x59c: {  	v0 =	vadd.f32 v33, v0  }
0x59d: {  	v42 =	vadd.f32 v35, v34  }
0x59e: {  	v43 =	vadd.f32 v37, v36;
	[tilespmem:$0x6A30] =	vst v0  }
0x59f: {  	v44 =	vadd.f32 v39, v38;
	[tilespmem:$0x6A40] =	vst v42  }
0x5a0: {  	v45 =	vadd.f32 v41, v40;
	[tilespmem:$0x6A50] =	vst v43  }
0x5a1: {  	[tilespmem:$0x6A60] =	vst v44  }
0x5a2: {  	[tilespmem:$0x6A70] =	vst v45  }
0x5a3: {  	_ =	swait.ge [sflag:s28], $0x200  }
0x5a4: {  	[sflag:s28] =	ssyncset.done $0x0  }
0x5a5: {  	[sflag:s28] =	ssyncadd.s32 $0xFFFFFE00  }
0x5a6: {  	v0 =	vld [tilespmem:$0x6880]  }
0x5a7: {  	v46 =	vld [tilespmem:$0x5400]  }
0x5a8: {  	v2 =	vld [tilespmem:$0x6890]  }
0x5a9: {  	v47 =	vld [tilespmem:$0x5410]  }
0x5aa: {  	v48 =	vld [tilespmem:$0x68A0]  }
0x5ab: {  	v49 =	vld [tilespmem:$0x5420]  }
0x5ac: {  	v50 =	vld [tilespmem:$0x68B0]  }
0x5ad: {  	v51 =	vld [tilespmem:$0x5430]  }
0x5ae: {  	v52 =	vld [tilespmem:$0x68C0]  }
0x5af: {  	v53 =	vld [tilespmem:$0x5440]  }
0x5b0: {  	v54 =	vld [tilespmem:$0x68D0]  }
0x5b1: {  	v55 =	vld [tilespmem:$0x5450]  }
0x5b2: {  	v56 =	vld [tilespmem:$0x68E0]  }
0x5b3: {  	v57 =	vld [tilespmem:$0x5460]  }
0x5b4: {  	v58 =	vld [tilespmem:$0x68F0]  }
0x5b5: {  	v59 =	vld [tilespmem:$0x5470]  }
0x5b6: {  	v60 =	vld [tilespmem:$0x6900]  }
0x5b7: {  	v61 =	vld [tilespmem:$0x5480]  }
0x5b8: {  	v62 =	vld [tilespmem:$0x6910]  }
0x5b9: {  	v63 =	vld [tilespmem:$0x5490]  }
0x5ba: {  	v20 =	vld [tilespmem:$0x6920]  }
0x5bb: {  	v21 =	vld [tilespmem:$0x54A0]  }
0x5bc: {  	v22 =	vld [tilespmem:$0x6930]  }
0x5bd: {  	v23 =	vld [tilespmem:$0x54B0]  }
0x5be: {  	v24 =	vld [tilespmem:$0x6940]  }
0x5bf: {  	v25 =	vld [tilespmem:$0x54C0]  }
0x5c0: {  	v26 =	vld [tilespmem:$0x6950]  }
0x5c1: {  	v27 =	vld [tilespmem:$0x54D0]  }
0x5c2: {  	v28 =	vld [tilespmem:$0x6960]  }
0x5c3: {  	v29 =	vld [tilespmem:$0x54E0]  }
0x5c4: {  	v30 =	vld [tilespmem:$0x6970]  }
0x5c5: {  	v40 =	vld [tilespmem:$0x54F0]  }
0x5c6: {  	v41 =	vld [tilespmem:$0x6980]  }
0x5c7: {  	v42 =	vld [tilespmem:$0x5500]  }
0x5c8: {  	v43 =	vld [tilespmem:$0x6990]  }
0x5c9: {  	v44 =	vld [tilespmem:$0x5510]  }
0x5ca: {  	v45 =	vld [tilespmem:$0x69A0]  }
0x5cb: {  	v31 =	vld [tilespmem:$0x6A20];
	v0 =	vadd.f32 v46, v0  }
0x5cc: {  	v38 =	vld [tilespmem:$0x55A0];
	v2 =	vadd.f32 v47, v2  }
0x5cd: {  	v46 =	vld [tilespmem:$0x5520];
	v48 =	vadd.f32 v49, v48;
	[tilespmem:$0x6880] =	vst v0  }
0x5ce: {  	v47 =	vld [tilespmem:$0x69B0];
	v50 =	vadd.f32 v51, v50;
	[tilespmem:$0x6890] =	vst v2  }
0x5cf: {  	v49 =	vld [tilespmem:$0x5530];
	v52 =	vadd.f32 v53, v52;
	[tilespmem:$0x68A0] =	vst v48  }
0x5d0: {  	v51 =	vld [tilespmem:$0x69C0];
	v54 =	vadd.f32 v55, v54;
	[tilespmem:$0x68B0] =	vst v50  }
0x5d1: {  	v53 =	vld [tilespmem:$0x5540];
	v56 =	vadd.f32 v57, v56;
	[tilespmem:$0x68C0] =	vst v52  }
0x5d2: {  	v55 =	vld [tilespmem:$0x69D0];
	v58 =	vadd.f32 v59, v58;
	[tilespmem:$0x68D0] =	vst v54  }
0x5d3: {  	v57 =	vld [tilespmem:$0x5550];
	v60 =	vadd.f32 v61, v60;
	[tilespmem:$0x68E0] =	vst v56  }
0x5d4: {  	v59 =	vld [tilespmem:$0x69E0];
	v62 =	vadd.f32 v63, v62;
	[tilespmem:$0x68F0] =	vst v58  }
0x5d5: {  	v61 =	vld [tilespmem:$0x5560];
	v20 =	vadd.f32 v21, v20;
	[tilespmem:$0x6900] =	vst v60  }
0x5d6: {  	v63 =	vld [tilespmem:$0x69F0];
	v22 =	vadd.f32 v23, v22;
	[tilespmem:$0x6910] =	vst v62  }
0x5d7: {  	v21 =	vld [tilespmem:$0x5570];
	v24 =	vadd.f32 v25, v24;
	[tilespmem:$0x6920] =	vst v20  }
0x5d8: {  	v23 =	vld [tilespmem:$0x6A00];
	v26 =	vadd.f32 v27, v26;
	[tilespmem:$0x6930] =	vst v22  }
0x5d9: {  	v25 =	vld [tilespmem:$0x5580];
	v28 =	vadd.f32 v29, v28;
	[tilespmem:$0x6940] =	vst v24  }
0x5da: {  	v27 =	vld [tilespmem:$0x6A10];
	v30 =	vadd.f32 v40, v30;
	[tilespmem:$0x6950] =	vst v26  }
0x5db: {  	v29 =	vld [tilespmem:$0x5590];
	v37 =	vadd.f32 v42, v41;
	[tilespmem:$0x6960] =	vst v28  }
0x5dc: {  	v39 =	vadd.f32 v44, v43;
	v40 =	vld [tilespmem:$0x6A30];
	[tilespmem:$0x6970] =	vst v30  }
0x5dd: {  	v42 =	vld [tilespmem:$0x55B0];
	[tilespmem:$0x6980] =	vst v37;
	v41 =	vadd.f32 v46, v45  }
0x5de: {  	v44 =	vld [tilespmem:$0x6A40];
	[tilespmem:$0x6990] =	vst v39;
	v43 =	vadd.f32 v49, v47  }
0x5df: {  	v48 =	vld [tilespmem:$0x6A50];
	v45 =	vadd.f32 v53, v51;
	[tilespmem:$0x69A0] =	vst v41  }
0x5e0: {  	v50 =	vld [tilespmem:$0x55D0];
	v47 =	vadd.f32 v57, v55;
	[tilespmem:$0x69B0] =	vst v43  }
0x5e1: {  	v52 =	vld [tilespmem:$0x6A60];
	v49 =	vadd.f32 v61, v59;
	[tilespmem:$0x69C0] =	vst v45  }
0x5e2: {  	v54 =	vld [tilespmem:$0x55E0];
	v51 =	vadd.f32 v21, v63;
	[tilespmem:$0x69D0] =	vst v47  }
0x5e3: {  	v56 =	vld [tilespmem:$0x6A70];
	v53 =	vadd.f32 v25, v23;
	[tilespmem:$0x69E0] =	vst v49  }
0x5e4: {  	v58 =	vld [tilespmem:$0x55F0];
	v55 =	vadd.f32 v29, v27;
	[tilespmem:$0x69F0] =	vst v51  }
0x5e5: {  	v46 =	vld [tilespmem:$0x55C0];
	v57 =	vadd.f32 v38, v31;
	[tilespmem:$0x6A00] =	vst v53  }
0x5e6: {  	v1 =	vadd.f32 v42, v40;
	[tilespmem:$0x6A10] =	vst v55  }
0x5e7: {  	[tilespmem:$0x6A20] =	vst v57;
	v60 =	vadd.f32 v50, v48  }
0x5e8: {  	[tilespmem:$0x6A30] =	vst v1;
	v61 =	vadd.f32 v54, v52  }
0x5e9: {  	v62 =	vadd.f32 v58, v56;
	[tilespmem:$0x6A50] =	vst v60  }
0x5ea: {  	[tilespmem:$0x6A60] =	vst v61;
	v59 =	vadd.f32 v46, v44  }
0x5eb: {  	[tilespmem:$0x6A70] =	vst v62  }
0x5ec: {  	[tilespmem:$0x6A40] =	vst v59  }
0x5ed: {  	_ =	swait.ge [sflag:s29], $0x200  }
0x5ee: {  	[sflag:s29] =	ssyncset.done $0x0  }
0x5ef: {  	[sflag:s29] =	ssyncadd.s32 $0xFFFFFE00  }
0x5f0: {  	v0 =	vld [tilespmem:$0x6880]  }
0x5f1: {  	v1 =	vld [tilespmem:$0x5600]  }
0x5f2: {  	v2 =	vld [tilespmem:$0x6890]  }
0x5f3: {  	v3 =	vld [tilespmem:$0x5610]  }
0x5f4: {  	v4 =	vld [tilespmem:$0x68A0]  }
0x5f5: {  	v63 =	vld [tilespmem:$0x5620]  }
0x5f6: {  	v6 =	vld [tilespmem:$0x68B0]  }
0x5f7: {  	v7 =	vld [tilespmem:$0x5630]  }
0x5f8: {  	v8 =	vld [tilespmem:$0x68C0]  }
0x5f9: {  	v40 =	vld [tilespmem:$0x5640]  }
0x5fa: {  	v41 =	vld [tilespmem:$0x68D0]  }
0x5fb: {  	v42 =	vld [tilespmem:$0x5650]  }
0x5fc: {  	v43 =	vld [tilespmem:$0x68E0]  }
0x5fd: {  	v44 =	vld [tilespmem:$0x5660]  }
0x5fe: {  	v45 =	vld [tilespmem:$0x68F0]  }
0x5ff: {  	v46 =	vld [tilespmem:$0x5670]  }
0x600: {  	v47 =	vld [tilespmem:$0x6900]  }
0x601: {  	v48 =	vld [tilespmem:$0x5680]  }
0x602: {  	v49 =	vld [tilespmem:$0x6910]  }
0x603: {  	v50 =	vld [tilespmem:$0x5690]  }
0x604: {  	v51 =	vld [tilespmem:$0x6920]  }
0x605: {  	v52 =	vld [tilespmem:$0x56A0]  }
0x606: {  	v53 =	vld [tilespmem:$0x6930]  }
0x607: {  	v54 =	vld [tilespmem:$0x56B0]  }
0x608: {  	v55 =	vld [tilespmem:$0x6940]  }
0x609: {  	v56 =	vld [tilespmem:$0x56C0]  }
0x60a: {  	v57 =	vld [tilespmem:$0x6950]  }
0x60b: {  	v58 =	vld [tilespmem:$0x56D0]  }
0x60c: {  	v59 =	vld [tilespmem:$0x6960]  }
0x60d: {  	v60 =	vld [tilespmem:$0x56E0]  }
0x60e: {  	v61 =	vld [tilespmem:$0x6970]  }
0x60f: {  	v62 =	vld [tilespmem:$0x56F0]  }
0x610: {  	v32 =	vld [tilespmem:$0x6980]  }
0x611: {  	v33 =	vld [tilespmem:$0x5700]  }
0x612: {  	v34 =	vld [tilespmem:$0x6990]  }
0x613: {  	v35 =	vld [tilespmem:$0x5710]  }
0x614: {  	v36 =	vld [tilespmem:$0x69A0]  }
0x615: {  	v38 =	vld [tilespmem:$0x69C0];
	v0 =	vadd.f32 v1, v0  }
0x616: {  	v21 =	vld [tilespmem:$0x57A0];
	v2 =	vadd.f32 v3, v2  }
0x617: {  	v23 =	vld [tilespmem:$0x6A30];
	v63 =	vadd.f32 v63, v4;
	[tilespmem:$0x6880] =	vst v0  }
0x618: {  	v25 =	vld [tilespmem:$0x57B0];
	v37 =	vadd.f32 v7, v6;
	[tilespmem:$0x6890] =	vst v2  }
0x619: {  	v27 =	vld [tilespmem:$0x6A40];
	v39 =	vadd.f32 v40, v8;
	[tilespmem:$0x68A0] =	vst v63  }
0x61a: {  	v29 =	vld [tilespmem:$0x57C0];
	v41 =	vadd.f32 v42, v41;
	[tilespmem:$0x68B0] =	vst v37  }
0x61b: {  	v31 =	vld [tilespmem:$0x6A50];
	v43 =	vadd.f32 v44, v43;
	[tilespmem:$0x68C0] =	vst v39  }
0x61c: {  	v1 =	vld [tilespmem:$0x5720];
	v45 =	vadd.f32 v46, v45;
	[tilespmem:$0x68D0] =	vst v41  }
0x61d: {  	v3 =	vld [tilespmem:$0x69B0];
	v47 =	vadd.f32 v48, v47;
	[tilespmem:$0x68E0] =	vst v43  }
0x61e: {  	v4 =	vld [tilespmem:$0x5730];
	v49 =	vadd.f32 v50, v49;
	[tilespmem:$0x68F0] =	vst v45  }
0x61f: {  	v40 =	vld [tilespmem:$0x5740];
	v51 =	vadd.f32 v52, v51;
	[tilespmem:$0x6900] =	vst v47  }
0x620: {  	v42 =	vld [tilespmem:$0x69D0];
	v53 =	vadd.f32 v54, v53;
	[tilespmem:$0x6910] =	vst v49  }
0x621: {  	v44 =	vld [tilespmem:$0x5750];
	v55 =	vadd.f32 v56, v55;
	[tilespmem:$0x6920] =	vst v51  }
0x622: {  	v46 =	vld [tilespmem:$0x69E0];
	v57 =	vadd.f32 v58, v57;
	[tilespmem:$0x6930] =	vst v53  }
0x623: {  	v48 =	vld [tilespmem:$0x5760];
	v59 =	vadd.f32 v60, v59;
	[tilespmem:$0x6940] =	vst v55  }
0x624: {  	v50 =	vld [tilespmem:$0x69F0];
	v61 =	vadd.f32 v62, v61;
	[tilespmem:$0x6950] =	vst v57  }
0x625: {  	v52 =	vld [tilespmem:$0x5770];
	v22 =	vadd.f32 v35, v34;
	[tilespmem:$0x6960] =	vst v59  }
0x626: {  	v54 =	vld [tilespmem:$0x6A00];
	v63 =	vadd.f32 v33, v32;
	[tilespmem:$0x6970] =	vst v61  }
0x627: {  	v56 =	vld [tilespmem:$0x5780];
	[tilespmem:$0x6990] =	vst v22;
	v24 =	vadd.f32 v1, v36  }
0x628: {  	v58 =	vld [tilespmem:$0x6A10];
	[tilespmem:$0x6980] =	vst v63;
	v26 =	vadd.f32 v4, v3  }
0x629: {  	v60 =	vld [tilespmem:$0x5790];
	v28 =	vadd.f32 v40, v38;
	[tilespmem:$0x69A0] =	vst v24  }
0x62a: {  	v62 =	vld [tilespmem:$0x6A20];
	v30 =	vadd.f32 v44, v42;
	[tilespmem:$0x69B0] =	vst v26  }
0x62b: {  	v35 =	vld [tilespmem:$0x6A60];
	v32 =	vadd.f32 v48, v46;
	[tilespmem:$0x69C0] =	vst v28  }
0x62c: {  	v33 =	vld [tilespmem:$0x57D0];
	v34 =	vadd.f32 v52, v50;
	[tilespmem:$0x69D0] =	vst v30  }
0x62d: {  	v37 =	vld [tilespmem:$0x57E0];
	v36 =	vadd.f32 v56, v54;
	[tilespmem:$0x69E0] =	vst v32  }
0x62e: {  	v39 =	vld [tilespmem:$0x6A70];
	v38 =	vadd.f32 v60, v58;
	[tilespmem:$0x69F0] =	vst v34  }
0x62f: {  	v41 =	vld [tilespmem:$0x57F0];
	v40 =	vadd.f32 v21, v62;
	[tilespmem:$0x6A00] =	vst v36  }
0x630: {  	v1 =	vadd.f32 v25, v23;
	[tilespmem:$0x6A10] =	vst v38  }
0x631: {  	v42 =	vadd.f32 v29, v27;
	[tilespmem:$0x6A20] =	vst v40  }
0x632: {  	[tilespmem:$0x6A30] =	vst v1;
	v43 =	vadd.f32 v33, v31  }
0x633: {  	[tilespmem:$0x6A40] =	vst v42;
	v44 =	vadd.f32 v37, v35  }
0x634: {  	v45 =	vadd.f32 v41, v39;
	[tilespmem:$0x6A50] =	vst v43  }
0x635: {  	[tilespmem:$0x6A60] =	vst v44  }
0x636: {  	[tilespmem:$0x6A70] =	vst v45  }
0x637: {  	_ =	swait.ge [sflag:s30], $0x200  }
0x638: {  	[sflag:s30] =	ssyncset.done $0x0  }
0x639: {  	[sflag:s30] =	ssyncadd.s32 $0xFFFFFE00  }
0x63a: {  	v0 =	vld [tilespmem:$0x6880]  }
0x63b: {  	v46 =	vld [tilespmem:$0x5800]  }
0x63c: {  	v2 =	vld [tilespmem:$0x6890]  }
0x63d: {  	v47 =	vld [tilespmem:$0x5810]  }
0x63e: {  	v48 =	vld [tilespmem:$0x68A0]  }
0x63f: {  	v49 =	vld [tilespmem:$0x5820]  }
0x640: {  	v50 =	vld [tilespmem:$0x68B0]  }
0x641: {  	v51 =	vld [tilespmem:$0x5830]  }
0x642: {  	v52 =	vld [tilespmem:$0x68C0]  }
0x643: {  	v53 =	vld [tilespmem:$0x5840]  }
0x644: {  	v54 =	vld [tilespmem:$0x68D0]  }
0x645: {  	v55 =	vld [tilespmem:$0x5850]  }
0x646: {  	v56 =	vld [tilespmem:$0x68E0]  }
0x647: {  	v57 =	vld [tilespmem:$0x5860]  }
0x648: {  	v58 =	vld [tilespmem:$0x68F0]  }
0x649: {  	v59 =	vld [tilespmem:$0x5870]  }
0x64a: {  	v60 =	vld [tilespmem:$0x6900]  }
0x64b: {  	v61 =	vld [tilespmem:$0x5880]  }
0x64c: {  	v62 =	vld [tilespmem:$0x6910]  }
0x64d: {  	v63 =	vld [tilespmem:$0x5890]  }
0x64e: {  	v20 =	vld [tilespmem:$0x6920]  }
0x64f: {  	v21 =	vld [tilespmem:$0x58A0]  }
0x650: {  	v22 =	vld [tilespmem:$0x6930]  }
0x651: {  	v23 =	vld [tilespmem:$0x58B0]  }
0x652: {  	v24 =	vld [tilespmem:$0x6940]  }
0x653: {  	v25 =	vld [tilespmem:$0x58C0]  }
0x654: {  	v26 =	vld [tilespmem:$0x6950]  }
0x655: {  	v27 =	vld [tilespmem:$0x58D0]  }
0x656: {  	v28 =	vld [tilespmem:$0x6960]  }
0x657: {  	v29 =	vld [tilespmem:$0x58E0]  }
0x658: {  	v30 =	vld [tilespmem:$0x6970]  }
0x659: {  	v40 =	vld [tilespmem:$0x58F0]  }
0x65a: {  	v41 =	vld [tilespmem:$0x6980]  }
0x65b: {  	v42 =	vld [tilespmem:$0x5900]  }
0x65c: {  	v43 =	vld [tilespmem:$0x6990]  }
0x65d: {  	v44 =	vld [tilespmem:$0x5910]  }
0x65e: {  	v45 =	vld [tilespmem:$0x69A0]  }
0x65f: {  	v31 =	vld [tilespmem:$0x6A20];
	v0 =	vadd.f32 v46, v0  }
0x660: {  	v33 =	vld [tilespmem:$0x59A0];
	v2 =	vadd.f32 v47, v2  }
0x661: {  	v35 =	vld [tilespmem:$0x6A30];
	v48 =	vadd.f32 v49, v48;
	[tilespmem:$0x6880] =	vst v0  }
0x662: {  	v37 =	vld [tilespmem:$0x59B0];
	v50 =	vadd.f32 v51, v50;
	[tilespmem:$0x6890] =	vst v2  }
0x663: {  	v39 =	vld [tilespmem:$0x6A40];
	v52 =	vadd.f32 v53, v52;
	[tilespmem:$0x68A0] =	vst v48  }
0x664: {  	v46 =	vld [tilespmem:$0x5920];
	v54 =	vadd.f32 v55, v54;
	[tilespmem:$0x68B0] =	vst v50  }
0x665: {  	v47 =	vld [tilespmem:$0x69B0];
	v56 =	vadd.f32 v57, v56;
	[tilespmem:$0x68C0] =	vst v52  }
0x666: {  	v49 =	vld [tilespmem:$0x5930];
	v58 =	vadd.f32 v59, v58;
	[tilespmem:$0x68D0] =	vst v54  }
0x667: {  	v51 =	vld [tilespmem:$0x69C0];
	v60 =	vadd.f32 v61, v60;
	[tilespmem:$0x68E0] =	vst v56  }
0x668: {  	v53 =	vld [tilespmem:$0x5940];
	v62 =	vadd.f32 v63, v62;
	[tilespmem:$0x68F0] =	vst v58  }
0x669: {  	v55 =	vld [tilespmem:$0x69D0];
	v20 =	vadd.f32 v21, v20;
	[tilespmem:$0x6900] =	vst v60  }
0x66a: {  	v57 =	vld [tilespmem:$0x5950];
	v22 =	vadd.f32 v23, v22;
	[tilespmem:$0x6910] =	vst v62  }
0x66b: {  	v59 =	vld [tilespmem:$0x69E0];
	v24 =	vadd.f32 v25, v24;
	[tilespmem:$0x6920] =	vst v20  }
0x66c: {  	v61 =	vld [tilespmem:$0x5960];
	v26 =	vadd.f32 v27, v26;
	[tilespmem:$0x6930] =	vst v22  }
0x66d: {  	v63 =	vld [tilespmem:$0x69F0];
	v28 =	vadd.f32 v29, v28;
	[tilespmem:$0x6940] =	vst v24  }
0x66e: {  	v21 =	vld [tilespmem:$0x5970];
	v30 =	vadd.f32 v40, v30;
	[tilespmem:$0x6950] =	vst v26  }
0x66f: {  	v23 =	vld [tilespmem:$0x6A00];
	v32 =	vadd.f32 v42, v41;
	[tilespmem:$0x6960] =	vst v28  }
0x670: {  	v25 =	vld [tilespmem:$0x5980];
	v34 =	vadd.f32 v44, v43;
	[tilespmem:$0x6970] =	vst v30  }
0x671: {  	v27 =	vld [tilespmem:$0x6A10];
	v1 =	vadd.f32 v37, v35;
	[tilespmem:$0x6980] =	vst v32  }
0x672: {  	v29 =	vld [tilespmem:$0x5990];
	[tilespmem:$0x6990] =	vst v34;
	v52 =	vadd.f32 v33, v31  }
0x673: {  	v41 =	vld [tilespmem:$0x59C0];
	[tilespmem:$0x6A30] =	vst v1;
	v36 =	vadd.f32 v46, v45  }
0x674: {  	v43 =	vld [tilespmem:$0x6A50];
	[tilespmem:$0x6A20] =	vst v52;
	v38 =	vadd.f32 v49, v47  }
0x675: {  	v40 =	vadd.f32 v53, v51;
	v45 =	vld [tilespmem:$0x59D0];
	[tilespmem:$0x69A0] =	vst v36  }
0x676: {  	v42 =	vadd.f32 v57, v55;
	v47 =	vld [tilespmem:$0x6A60];
	[tilespmem:$0x69B0] =	vst v38  }
0x677: {  	v44 =	vadd.f32 v61, v59;
	v49 =	vld [tilespmem:$0x59E0];
	[tilespmem:$0x69C0] =	vst v40  }
0x678: {  	v46 =	vadd.f32 v21, v63;
	v51 =	vld [tilespmem:$0x6A70];
	[tilespmem:$0x69D0] =	vst v42  }
0x679: {  	v48 =	vadd.f32 v25, v23;
	v53 =	vld [tilespmem:$0x59F0];
	[tilespmem:$0x69E0] =	vst v44  }
0x67a: {  	v50 =	vadd.f32 v29, v27;
	[tilespmem:$0x69F0] =	vst v46  }
0x67b: {  	v54 =	vadd.f32 v41, v39;
	[tilespmem:$0x6A00] =	vst v48  }
0x67c: {  	[tilespmem:$0x6A10] =	vst v50;
	v55 =	vadd.f32 v45, v43  }
0x67d: {  	[tilespmem:$0x6A40] =	vst v54;
	v56 =	vadd.f32 v49, v47  }
0x67e: {  	v57 =	vadd.f32 v53, v51;
	[tilespmem:$0x6A50] =	vst v55  }
0x67f: {  	[tilespmem:$0x6A60] =	vst v56  }
0x680: {  	[tilespmem:$0x6A70] =	vst v57  }
0x681: {  	_ =	swait.ge [sflag:s31], $0x200  }
0x682: {  	[sflag:s31] =	ssyncset.done $0x0  }
0x683: {  	[sflag:s31] =	ssyncadd.s32 $0xFFFFFE00  }
0x684: {  	v0 =	vld [tilespmem:$0x6880]  }
0x685: {  	v58 =	vld [tilespmem:$0x5A00]  }
0x686: {  	v2 =	vld [tilespmem:$0x6890]  }
0x687: {  	v3 =	vld [tilespmem:$0x5A10]  }
0x688: {  	v4 =	vld [tilespmem:$0x68A0]  }
0x689: {  	v59 =	vld [tilespmem:$0x5A20]  }
0x68a: {  	v6 =	vld [tilespmem:$0x68B0]  }
0x68b: {  	v60 =	vld [tilespmem:$0x5A30]  }
0x68c: {  	v61 =	vld [tilespmem:$0x68C0]  }
0x68d: {  	v62 =	vld [tilespmem:$0x5A40]  }
0x68e: {  	v10 =	vld [tilespmem:$0x68D0]  }
0x68f: {  	v63 =	vld [tilespmem:$0x5A50]  }
0x690: {  	v12 =	vld [tilespmem:$0x68E0]  }
0x691: {  	v13 =	vld [tilespmem:$0x5A60]  }
0x692: {  	v14 =	vld [tilespmem:$0x68F0]  }
0x693: {  	v15 =	vld [tilespmem:$0x5A70]  }
0x694: {  	v16 =	vld [tilespmem:$0x6900]  }
0x695: {  	v17 =	vld [tilespmem:$0x5A80]  }
0x696: {  	v40 =	vld [tilespmem:$0x6910]  }
0x697: {  	v41 =	vld [tilespmem:$0x5A90]  }
0x698: {  	v42 =	vld [tilespmem:$0x6920]  }
0x699: {  	v43 =	vld [tilespmem:$0x5AA0]  }
0x69a: {  	v44 =	vld [tilespmem:$0x6930]  }
0x69b: {  	v45 =	vld [tilespmem:$0x5AB0]  }
0x69c: {  	v46 =	vld [tilespmem:$0x6940]  }
0x69d: {  	v47 =	vld [tilespmem:$0x5AC0]  }
0x69e: {  	v48 =	vld [tilespmem:$0x6950]  }
0x69f: {  	v49 =	vld [tilespmem:$0x5AD0]  }
0x6a0: {  	v50 =	vld [tilespmem:$0x6960]  }
0x6a1: {  	v51 =	vld [tilespmem:$0x5AE0]  }
0x6a2: {  	v52 =	vld [tilespmem:$0x6970]  }
0x6a3: {  	v53 =	vld [tilespmem:$0x5AF0]  }
0x6a4: {  	v54 =	vld [tilespmem:$0x6980]  }
0x6a5: {  	v55 =	vld [tilespmem:$0x5B00]  }
0x6a6: {  	v56 =	vld [tilespmem:$0x6990]  }
0x6a7: {  	v57 =	vld [tilespmem:$0x5B10]  }
0x6a8: {  	v36 =	vld [tilespmem:$0x69A0]  }
0x6a9: {  	v5 =	vld [tilespmem:$0x69C0];
	v0 =	vadd.f32 v58, v0  }
0x6aa: {  	v7 =	vld [tilespmem:$0x69D0];
	v2 =	vadd.f32 v3, v2  }
0x6ab: {  	v8 =	vld [tilespmem:$0x5B50];
	v59 =	vadd.f32 v59, v4;
	[tilespmem:$0x6880] =	vst v0  }
0x6ac: {  	v37 =	vld [tilespmem:$0x69E0];
	v60 =	vadd.f32 v60, v6;
	[tilespmem:$0x6890] =	vst v2  }
0x6ad: {  	v39 =	vld [tilespmem:$0x5B60];
	v61 =	vadd.f32 v62, v61;
	[tilespmem:$0x68A0] =	vst v59  }
0x6ae: {  	v21 =	vld [tilespmem:$0x6A50];
	v63 =	vadd.f32 v63, v10;
	[tilespmem:$0x68B0] =	vst v60  }
0x6af: {  	v23 =	vld [tilespmem:$0x5BD0];
	v13 =	vadd.f32 v13, v12;
	[tilespmem:$0x68C0] =	vst v61  }
0x6b0: {  	v25 =	vld [tilespmem:$0x6A60];
	v15 =	vadd.f32 v15, v14;
	[tilespmem:$0x68D0] =	vst v63  }
0x6b1: {  	v27 =	vld [tilespmem:$0x5BE0];
	v38 =	vadd.f32 v17, v16;
	[tilespmem:$0x68E0] =	vst v13  }
0x6b2: {  	v29 =	vld [tilespmem:$0x6A70];
	v40 =	vadd.f32 v41, v40;
	[tilespmem:$0x68F0] =	vst v15  }
0x6b3: {  	v31 =	vld [tilespmem:$0x5BF0];
	v42 =	vadd.f32 v43, v42;
	[tilespmem:$0x6900] =	vst v38  }
0x6b4: {  	v58 =	vld [tilespmem:$0x5B20];
	v44 =	vadd.f32 v45, v44;
	[tilespmem:$0x6910] =	vst v40  }
0x6b5: {  	v3 =	vld [tilespmem:$0x69B0];
	v46 =	vadd.f32 v47, v46;
	[tilespmem:$0x6920] =	vst v42  }
0x6b6: {  	v4 =	vld [tilespmem:$0x5B30];
	v48 =	vadd.f32 v49, v48;
	[tilespmem:$0x6930] =	vst v44  }
0x6b7: {  	v62 =	vld [tilespmem:$0x5B40];
	v50 =	vadd.f32 v51, v50;
	[tilespmem:$0x6940] =	vst v46  }
0x6b8: {  	v41 =	vld [tilespmem:$0x69F0];
	v52 =	vadd.f32 v53, v52;
	[tilespmem:$0x6950] =	vst v48  }
0x6b9: {  	v43 =	vld [tilespmem:$0x5B70];
	v54 =	vadd.f32 v55, v54;
	[tilespmem:$0x6960] =	vst v50  }
0x6ba: {  	v45 =	vld [tilespmem:$0x6A00];
	v56 =	vadd.f32 v57, v56;
	[tilespmem:$0x6970] =	vst v52  }
0x6bb: {  	v47 =	vld [tilespmem:$0x5B80];
	v20 =	vadd.f32 v8, v7;
	[tilespmem:$0x6980] =	vst v54  }
0x6bc: {  	v49 =	vld [tilespmem:$0x6A10];
	v22 =	vadd.f32 v39, v37;
	[tilespmem:$0x6990] =	vst v56  }
0x6bd: {  	v51 =	vld [tilespmem:$0x5B90];
	v33 =	vadd.f32 v23, v21;
	[tilespmem:$0x69D0] =	vst v20  }
0x6be: {  	v53 =	vld [tilespmem:$0x6A20];
	v34 =	vadd.f32 v27, v25;
	[tilespmem:$0x69E0] =	vst v22  }
0x6bf: {  	v55 =	vld [tilespmem:$0x5BA0];
	v35 =	vadd.f32 v31, v29;
	[tilespmem:$0x6A50] =	vst v33  }
0x6c0: {  	v57 =	vld [tilespmem:$0x6A30];
	[tilespmem:$0x6A60] =	vst v34;
	v58 =	vadd.f32 v58, v36  }
0x6c1: {  	v59 =	vld [tilespmem:$0x5BB0];
	[tilespmem:$0x6A70] =	vst v35;
	v60 =	vadd.f32 v4, v3  }
0x6c2: {  	v61 =	vld [tilespmem:$0x6A40];
	v62 =	vadd.f32 v62, v5;
	[tilespmem:$0x69A0] =	vst v58  }
0x6c3: {  	v63 =	vld [tilespmem:$0x5BC0];
	v24 =	vadd.f32 v43, v41;
	[tilespmem:$0x69B0] =	vst v60  }
0x6c4: {  	v26 =	vadd.f32 v47, v45;
	[tilespmem:$0x69C0] =	vst v62  }
0x6c5: {  	v28 =	vadd.f32 v51, v49;
	[tilespmem:$0x69F0] =	vst v24  }
0x6c6: {  	v30 =	vadd.f32 v55, v53;
	[tilespmem:$0x6A00] =	vst v26  }
0x6c7: {  	[tilespmem:$0x6A10] =	vst v28;
	v1 =	vadd.f32 v59, v57  }
0x6c8: {  	[tilespmem:$0x6A20] =	vst v30;
	v32 =	vadd.f32 v63, v61  }
0x6c9: {  	[tilespmem:$0x6A30] =	vst v1  }
0x6ca: {  	[tilespmem:$0x6A40] =	vst v32  }
0x6cb: {  	_ =	swait.ge [sflag:s0], $0x200  }
0x6cc: {  	[sflag:s0] =	ssyncset.done $0x0  }
0x6cd: {  	[sflag:s0] =	ssyncadd.s32 $0xFFFFFE00  }
0x6ce: {  	v0 =	vld [tilespmem:$0x6880]  }
0x6cf: {  	v1 =	vld [tilespmem:$0x5C00]  }
0x6d0: {  	v2 =	vld [tilespmem:$0x6890]  }
0x6d1: {  	v3 =	vld [tilespmem:$0x5C10]  }
0x6d2: {  	v4 =	vld [tilespmem:$0x68A0]  }
0x6d3: {  	v36 =	vld [tilespmem:$0x5C20]  }
0x6d4: {  	v37 =	vld [tilespmem:$0x68B0]  }
0x6d5: {  	v38 =	vld [tilespmem:$0x5C30]  }
0x6d6: {  	v39 =	vld [tilespmem:$0x68C0]  }
0x6d7: {  	v40 =	vld [tilespmem:$0x5C40]  }
0x6d8: {  	v41 =	vld [tilespmem:$0x68D0]  }
0x6d9: {  	v42 =	vld [tilespmem:$0x5C50]  }
0x6da: {  	v43 =	vld [tilespmem:$0x68E0]  }
0x6db: {  	v44 =	vld [tilespmem:$0x5C60]  }
0x6dc: {  	v45 =	vld [tilespmem:$0x68F0]  }
0x6dd: {  	v46 =	vld [tilespmem:$0x5C70]  }
0x6de: {  	v47 =	vld [tilespmem:$0x6900]  }
0x6df: {  	v48 =	vld [tilespmem:$0x5C80]  }
0x6e0: {  	v49 =	vld [tilespmem:$0x6910]  }
0x6e1: {  	v50 =	vld [tilespmem:$0x5C90]  }
0x6e2: {  	v51 =	vld [tilespmem:$0x6920]  }
0x6e3: {  	v52 =	vld [tilespmem:$0x5CA0]  }
0x6e4: {  	v53 =	vld [tilespmem:$0x6930]  }
0x6e5: {  	v54 =	vld [tilespmem:$0x5CB0]  }
0x6e6: {  	v55 =	vld [tilespmem:$0x6940]  }
0x6e7: {  	v56 =	vld [tilespmem:$0x5CC0]  }
0x6e8: {  	v57 =	vld [tilespmem:$0x6950]  }
0x6e9: {  	v58 =	vld [tilespmem:$0x5CD0]  }
0x6ea: {  	v59 =	vld [tilespmem:$0x6960]  }
0x6eb: {  	v60 =	vld [tilespmem:$0x5CE0]  }
0x6ec: {  	v61 =	vld [tilespmem:$0x6970]  }
0x6ed: {  	v62 =	vld [tilespmem:$0x5CF0]  }
0x6ee: {  	v32 =	vld [tilespmem:$0x6980]  }
0x6ef: {  	v63 =	vld [tilespmem:$0x5D00]  }
0x6f0: {  	v34 =	vld [tilespmem:$0x6990]  }
0x6f1: {  	v21 =	vld [tilespmem:$0x5D90];
	v0 =	vadd.f32 v1, v0  }
0x6f2: {  	v22 =	vld [tilespmem:$0x6A20];
	v2 =	vadd.f32 v3, v2  }
0x6f3: {  	v24 =	vld [tilespmem:$0x5DA0];
	v35 =	vadd.f32 v36, v4;
	[tilespmem:$0x6880] =	vst v0  }
0x6f4: {  	v26 =	vld [tilespmem:$0x6A30];
	v37 =	vadd.f32 v38, v37;
	[tilespmem:$0x6890] =	vst v2  }
0x6f5: {  	v28 =	vld [tilespmem:$0x5DB0];
	v39 =	vadd.f32 v40, v39;
	[tilespmem:$0x68A0] =	vst v35  }
0x6f6: {  	v30 =	vld [tilespmem:$0x6A40];
	v41 =	vadd.f32 v42, v41;
	[tilespmem:$0x68B0] =	vst v37  }
0x6f7: {  	v1 =	vld [tilespmem:$0x5D10];
	v43 =	vadd.f32 v44, v43;
	[tilespmem:$0x68C0] =	vst v39  }
0x6f8: {  	v3 =	vld [tilespmem:$0x69A0];
	v45 =	vadd.f32 v46, v45;
	[tilespmem:$0x68D0] =	vst v41  }
0x6f9: {  	v36 =	vld [tilespmem:$0x5D20];
	v47 =	vadd.f32 v48, v47;
	[tilespmem:$0x68E0] =	vst v43  }
0x6fa: {  	v38 =	vld [tilespmem:$0x69B0];
	v49 =	vadd.f32 v50, v49;
	[tilespmem:$0x68F0] =	vst v45  }
0x6fb: {  	v40 =	vld [tilespmem:$0x5D30];
	v51 =	vadd.f32 v52, v51;
	[tilespmem:$0x6900] =	vst v47  }
0x6fc: {  	v42 =	vld [tilespmem:$0x69C0];
	v53 =	vadd.f32 v54, v53;
	[tilespmem:$0x6910] =	vst v49  }
0x6fd: {  	v44 =	vld [tilespmem:$0x5D40];
	v55 =	vadd.f32 v56, v55;
	[tilespmem:$0x6920] =	vst v51  }
0x6fe: {  	v46 =	vld [tilespmem:$0x69D0];
	v57 =	vadd.f32 v58, v57;
	[tilespmem:$0x6930] =	vst v53  }
0x6ff: {  	v48 =	vld [tilespmem:$0x5D50];
	v59 =	vadd.f32 v60, v59;
	[tilespmem:$0x6940] =	vst v55  }
0x700: {  	v50 =	vld [tilespmem:$0x69E0];
	v61 =	vadd.f32 v62, v61;
	[tilespmem:$0x6950] =	vst v57  }
0x701: {  	v52 =	vld [tilespmem:$0x5D60];
	v63 =	vadd.f32 v63, v32;
	[tilespmem:$0x6960] =	vst v59  }
0x702: {  	v54 =	vld [tilespmem:$0x69F0];
	[tilespmem:$0x6970] =	vst v61;
	v39 =	vadd.f32 v28, v26  }
0x703: {  	v56 =	vld [tilespmem:$0x5D70];
	[tilespmem:$0x6980] =	vst v63;
	v1 =	vadd.f32 v1, v34  }
0x704: {  	v58 =	vld [tilespmem:$0x6A00];
	[tilespmem:$0x6A30] =	vst v39;
	v23 =	vadd.f32 v36, v3  }
0x705: {  	v60 =	vld [tilespmem:$0x5D80];
	v25 =	vadd.f32 v40, v38;
	[tilespmem:$0x6990] =	vst v1  }
0x706: {  	v62 =	vld [tilespmem:$0x6A10];
	v27 =	vadd.f32 v44, v42;
	[tilespmem:$0x69A0] =	vst v23  }
0x707: {  	v32 =	vld [tilespmem:$0x5DC0];
	v29 =	vadd.f32 v48, v46;
	[tilespmem:$0x69B0] =	vst v25  }
0x708: {  	v31 =	vadd.f32 v52, v50;
	v34 =	vld [tilespmem:$0x6A50];
	[tilespmem:$0x69C0] =	vst v27  }
0x709: {  	v33 =	vadd.f32 v56, v54;
	v36 =	vld [tilespmem:$0x5DD0];
	[tilespmem:$0x69D0] =	vst v29  }
0x70a: {  	v35 =	vadd.f32 v60, v58;
	[tilespmem:$0x69E0] =	vst v31  }
0x70b: {  	v37 =	vadd.f32 v21, v62;
	[tilespmem:$0x69F0] =	vst v33  }
0x70c: {  	v38 =	vadd.f32 v24, v22;
	[tilespmem:$0x6A00] =	vst v35  }
0x70d: {  	v40 =	vadd.f32 v32, v30;
	[tilespmem:$0x6A10] =	vst v37  }
0x70e: {  	[tilespmem:$0x6A20] =	vst v38;
	v41 =	vadd.f32 v36, v34  }
0x70f: {  	[tilespmem:$0x6A40] =	vst v40  }
0x710: {  	v42 =	vld [tilespmem:$0x6A60];
	[tilespmem:$0x6A50] =	vst v41  }
0x711: {  	v1 =	vld [tilespmem:$0x5DE0]  }
0x712: {  	v43 =	vld [tilespmem:$0x6A70]  }
0x713: {  	v44 =	vld [tilespmem:$0x5DF0];
	_ =	sdelay $0x3  }
0x714: {  	v0 =	vadd.f32 v1, v42  }
0x715: {  	v45 =	vadd.f32 v44, v43  }
0x716: {  	[tilespmem:$0x6A60] =	vst v0  }
0x717: {  	[tilespmem:$0x6A70] =	vst v45  }
0x718: {  	_ =	swait.ge [sflag:s1], $0x200  }
0x719: {  	[sflag:s1] =	ssyncset.done $0x0  }
0x71a: {  	[sflag:s1] =	ssyncadd.s32 $0xFFFFFE00  }
0x71b: {  	v0 =	vld [tilespmem:$0x6880]  }
0x71c: {  	v46 =	vld [tilespmem:$0x5E00]  }
0x71d: {  	v2 =	vld [tilespmem:$0x6890]  }
0x71e: {  	v47 =	vld [tilespmem:$0x5E10]  }
0x71f: {  	v48 =	vld [tilespmem:$0x68A0]  }
0x720: {  	v49 =	vld [tilespmem:$0x5E20]  }
0x721: {  	v50 =	vld [tilespmem:$0x68B0]  }
0x722: {  	v51 =	vld [tilespmem:$0x5E30]  }
0x723: {  	v52 =	vld [tilespmem:$0x68C0]  }
0x724: {  	v53 =	vld [tilespmem:$0x5E40]  }
0x725: {  	v54 =	vld [tilespmem:$0x68D0]  }
0x726: {  	v55 =	vld [tilespmem:$0x5E50]  }
0x727: {  	v56 =	vld [tilespmem:$0x68E0]  }
0x728: {  	v57 =	vld [tilespmem:$0x5E60]  }
0x729: {  	v58 =	vld [tilespmem:$0x68F0]  }
0x72a: {  	v59 =	vld [tilespmem:$0x5E70]  }
0x72b: {  	v60 =	vld [tilespmem:$0x6900]  }
0x72c: {  	v61 =	vld [tilespmem:$0x5E80]  }
0x72d: {  	v62 =	vld [tilespmem:$0x6910]  }
0x72e: {  	v63 =	vld [tilespmem:$0x5E90]  }
0x72f: {  	v20 =	vld [tilespmem:$0x6920]  }
0x730: {  	v21 =	vld [tilespmem:$0x5EA0]  }
0x731: {  	v22 =	vld [tilespmem:$0x6930]  }
0x732: {  	v23 =	vld [tilespmem:$0x5EB0]  }
0x733: {  	v24 =	vld [tilespmem:$0x6940]  }
0x734: {  	v25 =	vld [tilespmem:$0x5EC0]  }
0x735: {  	v26 =	vld [tilespmem:$0x6950]  }
0x736: {  	v27 =	vld [tilespmem:$0x5ED0]  }
0x737: {  	v28 =	vld [tilespmem:$0x6960]  }
0x738: {  	v29 =	vld [tilespmem:$0x5EE0]  }
0x739: {  	v30 =	vld [tilespmem:$0x6970]  }
0x73a: {  	v40 =	vld [tilespmem:$0x5EF0]  }
0x73b: {  	v41 =	vld [tilespmem:$0x6980]  }
0x73c: {  	v42 =	vld [tilespmem:$0x5F00]  }
0x73d: {  	v43 =	vld [tilespmem:$0x6990]  }
0x73e: {  	v44 =	vld [tilespmem:$0x5F10]  }
0x73f: {  	v45 =	vld [tilespmem:$0x69A0]  }
0x740: {  	v31 =	vld [tilespmem:$0x6A20];
	v0 =	vadd.f32 v46, v0  }
0x741: {  	v38 =	vld [tilespmem:$0x5FA0];
	v2 =	vadd.f32 v47, v2  }
0x742: {  	v46 =	vld [tilespmem:$0x5F20];
	v48 =	vadd.f32 v49, v48;
	[tilespmem:$0x6880] =	vst v0  }
0x743: {  	v47 =	vld [tilespmem:$0x69B0];
	v50 =	vadd.f32 v51, v50;
	[tilespmem:$0x6890] =	vst v2  }
0x744: {  	v49 =	vld [tilespmem:$0x5F30];
	v52 =	vadd.f32 v53, v52;
	[tilespmem:$0x68A0] =	vst v48  }
0x745: {  	v51 =	vld [tilespmem:$0x69C0];
	v54 =	vadd.f32 v55, v54;
	[tilespmem:$0x68B0] =	vst v50  }
0x746: {  	v53 =	vld [tilespmem:$0x5F40];
	v56 =	vadd.f32 v57, v56;
	[tilespmem:$0x68C0] =	vst v52  }
0x747: {  	v55 =	vld [tilespmem:$0x69D0];
	v58 =	vadd.f32 v59, v58;
	[tilespmem:$0x68D0] =	vst v54  }
0x748: {  	v57 =	vld [tilespmem:$0x5F50];
	v60 =	vadd.f32 v61, v60;
	[tilespmem:$0x68E0] =	vst v56  }
0x749: {  	v59 =	vld [tilespmem:$0x69E0];
	v62 =	vadd.f32 v63, v62;
	[tilespmem:$0x68F0] =	vst v58  }
0x74a: {  	v61 =	vld [tilespmem:$0x5F60];
	v20 =	vadd.f32 v21, v20;
	[tilespmem:$0x6900] =	vst v60  }
0x74b: {  	v63 =	vld [tilespmem:$0x69F0];
	v22 =	vadd.f32 v23, v22;
	[tilespmem:$0x6910] =	vst v62  }
0x74c: {  	v21 =	vld [tilespmem:$0x5F70];
	v24 =	vadd.f32 v25, v24;
	[tilespmem:$0x6920] =	vst v20  }
0x74d: {  	v23 =	vld [tilespmem:$0x6A00];
	v26 =	vadd.f32 v27, v26;
	[tilespmem:$0x6930] =	vst v22  }
0x74e: {  	v25 =	vld [tilespmem:$0x5F80];
	v28 =	vadd.f32 v29, v28;
	[tilespmem:$0x6940] =	vst v24  }
0x74f: {  	v27 =	vld [tilespmem:$0x6A10];
	v30 =	vadd.f32 v40, v30;
	[tilespmem:$0x6950] =	vst v26  }
0x750: {  	v29 =	vld [tilespmem:$0x5F90];
	v37 =	vadd.f32 v42, v41;
	[tilespmem:$0x6960] =	vst v28  }
0x751: {  	v39 =	vadd.f32 v44, v43;
	v40 =	vld [tilespmem:$0x6A30];
	[tilespmem:$0x6970] =	vst v30  }
0x752: {  	v42 =	vld [tilespmem:$0x5FB0];
	[tilespmem:$0x6980] =	vst v37;
	v41 =	vadd.f32 v46, v45  }
0x753: {  	v44 =	vld [tilespmem:$0x6A40];
	[tilespmem:$0x6990] =	vst v39;
	v43 =	vadd.f32 v49, v47  }
0x754: {  	v48 =	vld [tilespmem:$0x6A50];
	v45 =	vadd.f32 v53, v51;
	[tilespmem:$0x69A0] =	vst v41  }
0x755: {  	v50 =	vld [tilespmem:$0x5FD0];
	v47 =	vadd.f32 v57, v55;
	[tilespmem:$0x69B0] =	vst v43  }
0x756: {  	v52 =	vld [tilespmem:$0x6A60];
	v49 =	vadd.f32 v61, v59;
	[tilespmem:$0x69C0] =	vst v45  }
0x757: {  	v54 =	vld [tilespmem:$0x5FE0];
	v51 =	vadd.f32 v21, v63;
	[tilespmem:$0x69D0] =	vst v47  }
0x758: {  	v56 =	vld [tilespmem:$0x6A70];
	v53 =	vadd.f32 v25, v23;
	[tilespmem:$0x69E0] =	vst v49  }
0x759: {  	v58 =	vld [tilespmem:$0x5FF0];
	v55 =	vadd.f32 v29, v27;
	[tilespmem:$0x69F0] =	vst v51  }
0x75a: {  	v46 =	vld [tilespmem:$0x5FC0];
	v57 =	vadd.f32 v38, v31;
	[tilespmem:$0x6A00] =	vst v53  }
0x75b: {  	v1 =	vadd.f32 v42, v40;
	[tilespmem:$0x6A10] =	vst v55  }
0x75c: {  	[tilespmem:$0x6A20] =	vst v57;
	v60 =	vadd.f32 v50, v48  }
0x75d: {  	[tilespmem:$0x6A30] =	vst v1;
	v61 =	vadd.f32 v54, v52  }
0x75e: {  	v62 =	vadd.f32 v58, v56;
	[tilespmem:$0x6A50] =	vst v60  }
0x75f: {  	[tilespmem:$0x6A60] =	vst v61;
	v59 =	vadd.f32 v46, v44  }
0x760: {  	[tilespmem:$0x6A70] =	vst v62  }
0x761: {  	[tilespmem:$0x6A40] =	vst v59  }
0x762: {  	_ =	swait.ge [sflag:s4], $0x200  }
0x763: {  	[sflag:s4] =	ssyncset.done $0x0  }
0x764: {  	[sflag:s4] =	ssyncadd.s32 $0xFFFFFE00  }
0x765: {  	v0 =	vld [tilespmem:$0x6880]  }
0x766: {  	v1 =	vld [tilespmem:$0x6000]  }
0x767: {  	v2 =	vld [tilespmem:$0x6890]  }
0x768: {  	v3 =	vld [tilespmem:$0x6010]  }
0x769: {  	v4 =	vld [tilespmem:$0x68A0]  }
0x76a: {  	v63 =	vld [tilespmem:$0x6020]  }
0x76b: {  	v6 =	vld [tilespmem:$0x68B0]  }
0x76c: {  	v7 =	vld [tilespmem:$0x6030]  }
0x76d: {  	v8 =	vld [tilespmem:$0x68C0]  }
0x76e: {  	v40 =	vld [tilespmem:$0x6040]  }
0x76f: {  	v41 =	vld [tilespmem:$0x68D0]  }
0x770: {  	v42 =	vld [tilespmem:$0x6050]  }
0x771: {  	v43 =	vld [tilespmem:$0x68E0]  }
0x772: {  	v44 =	vld [tilespmem:$0x6060]  }
0x773: {  	v45 =	vld [tilespmem:$0x68F0]  }
0x774: {  	v46 =	vld [tilespmem:$0x6070]  }
0x775: {  	v47 =	vld [tilespmem:$0x6900]  }
0x776: {  	v48 =	vld [tilespmem:$0x6080]  }
0x777: {  	v49 =	vld [tilespmem:$0x6910]  }
0x778: {  	v50 =	vld [tilespmem:$0x6090]  }
0x779: {  	v51 =	vld [tilespmem:$0x6920]  }
0x77a: {  	v52 =	vld [tilespmem:$0x60A0]  }
0x77b: {  	v53 =	vld [tilespmem:$0x6930]  }
0x77c: {  	v54 =	vld [tilespmem:$0x60B0]  }
0x77d: {  	v55 =	vld [tilespmem:$0x6940]  }
0x77e: {  	v56 =	vld [tilespmem:$0x60C0]  }
0x77f: {  	v57 =	vld [tilespmem:$0x6950]  }
0x780: {  	v58 =	vld [tilespmem:$0x60D0]  }
0x781: {  	v59 =	vld [tilespmem:$0x6960]  }
0x782: {  	v60 =	vld [tilespmem:$0x60E0]  }
0x783: {  	v61 =	vld [tilespmem:$0x6970]  }
0x784: {  	v62 =	vld [tilespmem:$0x60F0]  }
0x785: {  	v32 =	vld [tilespmem:$0x6980]  }
0x786: {  	v33 =	vld [tilespmem:$0x6100]  }
0x787: {  	v34 =	vld [tilespmem:$0x6990]  }
0x788: {  	v35 =	vld [tilespmem:$0x6110]  }
0x789: {  	v36 =	vld [tilespmem:$0x69A0]  }
0x78a: {  	v38 =	vld [tilespmem:$0x69C0];
	v0 =	vadd.f32 v1, v0  }
0x78b: {  	v21 =	vld [tilespmem:$0x61A0];
	v2 =	vadd.f32 v3, v2  }
0x78c: {  	v23 =	vld [tilespmem:$0x6A30];
	v63 =	vadd.f32 v63, v4;
	[tilespmem:$0x6880] =	vst v0  }
0x78d: {  	v25 =	vld [tilespmem:$0x61B0];
	v37 =	vadd.f32 v7, v6;
	[tilespmem:$0x6890] =	vst v2  }
0x78e: {  	v27 =	vld [tilespmem:$0x6A40];
	v39 =	vadd.f32 v40, v8;
	[tilespmem:$0x68A0] =	vst v63  }
0x78f: {  	v29 =	vld [tilespmem:$0x61C0];
	v41 =	vadd.f32 v42, v41;
	[tilespmem:$0x68B0] =	vst v37  }
0x790: {  	v31 =	vld [tilespmem:$0x6A50];
	v43 =	vadd.f32 v44, v43;
	[tilespmem:$0x68C0] =	vst v39  }
0x791: {  	v1 =	vld [tilespmem:$0x6120];
	v45 =	vadd.f32 v46, v45;
	[tilespmem:$0x68D0] =	vst v41  }
0x792: {  	v3 =	vld [tilespmem:$0x69B0];
	v47 =	vadd.f32 v48, v47;
	[tilespmem:$0x68E0] =	vst v43  }
0x793: {  	v4 =	vld [tilespmem:$0x6130];
	v49 =	vadd.f32 v50, v49;
	[tilespmem:$0x68F0] =	vst v45  }
0x794: {  	v40 =	vld [tilespmem:$0x6140];
	v51 =	vadd.f32 v52, v51;
	[tilespmem:$0x6900] =	vst v47  }
0x795: {  	v42 =	vld [tilespmem:$0x69D0];
	v53 =	vadd.f32 v54, v53;
	[tilespmem:$0x6910] =	vst v49  }
0x796: {  	v44 =	vld [tilespmem:$0x6150];
	v55 =	vadd.f32 v56, v55;
	[tilespmem:$0x6920] =	vst v51  }
0x797: {  	v46 =	vld [tilespmem:$0x69E0];
	v57 =	vadd.f32 v58, v57;
	[tilespmem:$0x6930] =	vst v53  }
0x798: {  	v48 =	vld [tilespmem:$0x6160];
	v59 =	vadd.f32 v60, v59;
	[tilespmem:$0x6940] =	vst v55  }
0x799: {  	v50 =	vld [tilespmem:$0x69F0];
	v61 =	vadd.f32 v62, v61;
	[tilespmem:$0x6950] =	vst v57  }
0x79a: {  	v52 =	vld [tilespmem:$0x6170];
	v22 =	vadd.f32 v35, v34;
	[tilespmem:$0x6960] =	vst v59  }
0x79b: {  	v54 =	vld [tilespmem:$0x6A00];
	v63 =	vadd.f32 v33, v32;
	[tilespmem:$0x6970] =	vst v61  }
0x79c: {  	v56 =	vld [tilespmem:$0x6180];
	[tilespmem:$0x6990] =	vst v22;
	v24 =	vadd.f32 v1, v36  }
0x79d: {  	v58 =	vld [tilespmem:$0x6A10];
	[tilespmem:$0x6980] =	vst v63;
	v26 =	vadd.f32 v4, v3  }
0x79e: {  	v60 =	vld [tilespmem:$0x6190];
	v28 =	vadd.f32 v40, v38;
	[tilespmem:$0x69A0] =	vst v24  }
0x79f: {  	v62 =	vld [tilespmem:$0x6A20];
	v30 =	vadd.f32 v44, v42;
	[tilespmem:$0x69B0] =	vst v26  }
0x7a0: {  	v35 =	vld [tilespmem:$0x6A60];
	v32 =	vadd.f32 v48, v46;
	[tilespmem:$0x69C0] =	vst v28  }
0x7a1: {  	v33 =	vld [tilespmem:$0x61D0];
	v34 =	vadd.f32 v52, v50;
	[tilespmem:$0x69D0] =	vst v30  }
0x7a2: {  	v37 =	vld [tilespmem:$0x61E0];
	v36 =	vadd.f32 v56, v54;
	[tilespmem:$0x69E0] =	vst v32  }
0x7a3: {  	v39 =	vld [tilespmem:$0x6A70];
	v38 =	vadd.f32 v60, v58;
	[tilespmem:$0x69F0] =	vst v34  }
0x7a4: {  	v41 =	vld [tilespmem:$0x61F0];
	v40 =	vadd.f32 v21, v62;
	[tilespmem:$0x6A00] =	vst v36  }
0x7a5: {  	v1 =	vadd.f32 v25, v23;
	[tilespmem:$0x6A10] =	vst v38  }
0x7a6: {  	v42 =	vadd.f32 v29, v27;
	[tilespmem:$0x6A20] =	vst v40  }
0x7a7: {  	[tilespmem:$0x6A30] =	vst v1;
	v43 =	vadd.f32 v33, v31  }
0x7a8: {  	[tilespmem:$0x6A40] =	vst v42;
	v44 =	vadd.f32 v37, v35  }
0x7a9: {  	v45 =	vadd.f32 v41, v39;
	[tilespmem:$0x6A50] =	vst v43  }
0x7aa: {  	[tilespmem:$0x6A60] =	vst v44  }
0x7ab: {  	[tilespmem:$0x6A70] =	vst v45  }
0x7ac: {  	_ =	swait.ge [sflag:s6], $0x200  }
0x7ad: {  	[sflag:s6] =	ssyncset.done $0x0  }
0x7ae: {  	[sflag:s6] =	ssyncadd.s32 $0xFFFFFE00  }
0x7af: {  	v0 =	vld [tilespmem:$0x6880]  }
0x7b0: {  	v46 =	vld [tilespmem:$0x6200]  }
0x7b1: {  	v2 =	vld [tilespmem:$0x6890]  }
0x7b2: {  	v47 =	vld [tilespmem:$0x6210]  }
0x7b3: {  	v48 =	vld [tilespmem:$0x68A0]  }
0x7b4: {  	v49 =	vld [tilespmem:$0x6220]  }
0x7b5: {  	v50 =	vld [tilespmem:$0x68B0]  }
0x7b6: {  	v51 =	vld [tilespmem:$0x6230]  }
0x7b7: {  	v52 =	vld [tilespmem:$0x68C0]  }
0x7b8: {  	v53 =	vld [tilespmem:$0x6240]  }
0x7b9: {  	v54 =	vld [tilespmem:$0x68D0]  }
0x7ba: {  	v55 =	vld [tilespmem:$0x6250]  }
0x7bb: {  	v56 =	vld [tilespmem:$0x68E0]  }
0x7bc: {  	v57 =	vld [tilespmem:$0x6260]  }
0x7bd: {  	v58 =	vld [tilespmem:$0x68F0]  }
0x7be: {  	v59 =	vld [tilespmem:$0x6270]  }
0x7bf: {  	v60 =	vld [tilespmem:$0x6900]  }
0x7c0: {  	v61 =	vld [tilespmem:$0x6280]  }
0x7c1: {  	v62 =	vld [tilespmem:$0x6910]  }
0x7c2: {  	v63 =	vld [tilespmem:$0x6290]  }
0x7c3: {  	v20 =	vld [tilespmem:$0x6920]  }
0x7c4: {  	v21 =	vld [tilespmem:$0x62A0]  }
0x7c5: {  	v22 =	vld [tilespmem:$0x6930]  }
0x7c6: {  	v23 =	vld [tilespmem:$0x62B0]  }
0x7c7: {  	v24 =	vld [tilespmem:$0x6940]  }
0x7c8: {  	v25 =	vld [tilespmem:$0x62C0]  }
0x7c9: {  	v26 =	vld [tilespmem:$0x6950]  }
0x7ca: {  	v27 =	vld [tilespmem:$0x62D0]  }
0x7cb: {  	v28 =	vld [tilespmem:$0x6960]  }
0x7cc: {  	v29 =	vld [tilespmem:$0x62E0]  }
0x7cd: {  	v30 =	vld [tilespmem:$0x6970]  }
0x7ce: {  	v40 =	vld [tilespmem:$0x62F0]  }
0x7cf: {  	v41 =	vld [tilespmem:$0x6980]  }
0x7d0: {  	v42 =	vld [tilespmem:$0x6300]  }
0x7d1: {  	v43 =	vld [tilespmem:$0x6990]  }
0x7d2: {  	v44 =	vld [tilespmem:$0x6310]  }
0x7d3: {  	v45 =	vld [tilespmem:$0x69A0]  }
0x7d4: {  	v31 =	vld [tilespmem:$0x6A20];
	v0 =	vadd.f32 v46, v0  }
0x7d5: {  	v38 =	vld [tilespmem:$0x63A0];
	v2 =	vadd.f32 v47, v2  }
0x7d6: {  	v46 =	vld [tilespmem:$0x6320];
	v48 =	vadd.f32 v49, v48;
	[tilespmem:$0x6880] =	vst v0  }
0x7d7: {  	v47 =	vld [tilespmem:$0x69B0];
	v50 =	vadd.f32 v51, v50;
	[tilespmem:$0x6890] =	vst v2  }
0x7d8: {  	v49 =	vld [tilespmem:$0x6330];
	v52 =	vadd.f32 v53, v52;
	[tilespmem:$0x68A0] =	vst v48  }
0x7d9: {  	v51 =	vld [tilespmem:$0x69C0];
	v54 =	vadd.f32 v55, v54;
	[tilespmem:$0x68B0] =	vst v50  }
0x7da: {  	v53 =	vld [tilespmem:$0x6340];
	v56 =	vadd.f32 v57, v56;
	[tilespmem:$0x68C0] =	vst v52  }
0x7db: {  	v55 =	vld [tilespmem:$0x69D0];
	v58 =	vadd.f32 v59, v58;
	[tilespmem:$0x68D0] =	vst v54  }
0x7dc: {  	v57 =	vld [tilespmem:$0x6350];
	v60 =	vadd.f32 v61, v60;
	[tilespmem:$0x68E0] =	vst v56  }
0x7dd: {  	v59 =	vld [tilespmem:$0x69E0];
	v62 =	vadd.f32 v63, v62;
	[tilespmem:$0x68F0] =	vst v58  }
0x7de: {  	v61 =	vld [tilespmem:$0x6360];
	v20 =	vadd.f32 v21, v20;
	[tilespmem:$0x6900] =	vst v60  }
0x7df: {  	v63 =	vld [tilespmem:$0x69F0];
	v22 =	vadd.f32 v23, v22;
	[tilespmem:$0x6910] =	vst v62  }
0x7e0: {  	v21 =	vld [tilespmem:$0x6370];
	v24 =	vadd.f32 v25, v24;
	[tilespmem:$0x6920] =	vst v20  }
0x7e1: {  	v23 =	vld [tilespmem:$0x6A00];
	v26 =	vadd.f32 v27, v26;
	[tilespmem:$0x6930] =	vst v22  }
0x7e2: {  	v25 =	vld [tilespmem:$0x6380];
	v28 =	vadd.f32 v29, v28;
	[tilespmem:$0x6940] =	vst v24  }
0x7e3: {  	v27 =	vld [tilespmem:$0x6A10];
	v30 =	vadd.f32 v40, v30;
	[tilespmem:$0x6950] =	vst v26  }
0x7e4: {  	v29 =	vld [tilespmem:$0x6390];
	v37 =	vadd.f32 v42, v41;
	[tilespmem:$0x6960] =	vst v28  }
0x7e5: {  	v39 =	vadd.f32 v44, v43;
	v40 =	vld [tilespmem:$0x6A30];
	[tilespmem:$0x6970] =	vst v30  }
0x7e6: {  	v42 =	vld [tilespmem:$0x63B0];
	[tilespmem:$0x6980] =	vst v37;
	v41 =	vadd.f32 v46, v45  }
0x7e7: {  	v44 =	vld [tilespmem:$0x6A40];
	[tilespmem:$0x6990] =	vst v39;
	v43 =	vadd.f32 v49, v47  }
0x7e8: {  	v48 =	vld [tilespmem:$0x6A50];
	v45 =	vadd.f32 v53, v51;
	[tilespmem:$0x69A0] =	vst v41  }
0x7e9: {  	v50 =	vld [tilespmem:$0x63D0];
	v47 =	vadd.f32 v57, v55;
	[tilespmem:$0x69B0] =	vst v43  }
0x7ea: {  	v52 =	vld [tilespmem:$0x6A60];
	v49 =	vadd.f32 v61, v59;
	[tilespmem:$0x69C0] =	vst v45  }
0x7eb: {  	v54 =	vld [tilespmem:$0x63E0];
	v51 =	vadd.f32 v21, v63;
	[tilespmem:$0x69D0] =	vst v47  }
0x7ec: {  	v56 =	vld [tilespmem:$0x6A70];
	v53 =	vadd.f32 v25, v23;
	[tilespmem:$0x69E0] =	vst v49  }
0x7ed: {  	v58 =	vld [tilespmem:$0x63F0];
	v55 =	vadd.f32 v29, v27;
	[tilespmem:$0x69F0] =	vst v51  }
0x7ee: {  	v46 =	vld [tilespmem:$0x63C0];
	v57 =	vadd.f32 v38, v31;
	[tilespmem:$0x6A00] =	vst v53  }
0x7ef: {  	v1 =	vadd.f32 v42, v40;
	[tilespmem:$0x6A10] =	vst v55  }
0x7f0: {  	[tilespmem:$0x6A20] =	vst v57;
	v60 =	vadd.f32 v50, v48  }
0x7f1: {  	[tilespmem:$0x6A30] =	vst v1;
	v61 =	vadd.f32 v54, v52  }
0x7f2: {  	v62 =	vadd.f32 v58, v56;
	[tilespmem:$0x6A50] =	vst v60  }
0x7f3: {  	[tilespmem:$0x6A60] =	vst v61;
	v59 =	vadd.f32 v46, v44  }
0x7f4: {  	[tilespmem:$0x6A70] =	vst v62  }
0x7f5: {  	[tilespmem:$0x6A40] =	vst v59  }
0x7f6: {  	_ =	swait.ge [sflag:s5], $0x200  }
0x7f7: {  	[sflag:s5] =	ssyncset.done $0x0  }
0x7f8: {  	[sflag:s5] =	ssyncadd.s32 $0xFFFFFE00  }
0x7f9: {  	v0 =	vld [tilespmem:$0x6880]  }
0x7fa: {  	v1 =	vld [tilespmem:$0x6400]  }
0x7fb: {  	v2 =	vld [tilespmem:$0x6890]  }
0x7fc: {  	v3 =	vld [tilespmem:$0x6410]  }
0x7fd: {  	v4 =	vld [tilespmem:$0x68A0]  }
0x7fe: {  	v63 =	vld [tilespmem:$0x6420]  }
0x7ff: {  	v6 =	vld [tilespmem:$0x68B0]  }
0x800: {  	v7 =	vld [tilespmem:$0x6430]  }
0x801: {  	v8 =	vld [tilespmem:$0x68C0]  }
0x802: {  	v40 =	vld [tilespmem:$0x6440]  }
0x803: {  	v41 =	vld [tilespmem:$0x68D0]  }
0x804: {  	v42 =	vld [tilespmem:$0x6450]  }
0x805: {  	v43 =	vld [tilespmem:$0x68E0]  }
0x806: {  	v44 =	vld [tilespmem:$0x6460]  }
0x807: {  	v45 =	vld [tilespmem:$0x68F0]  }
0x808: {  	v46 =	vld [tilespmem:$0x6470]  }
0x809: {  	v47 =	vld [tilespmem:$0x6900]  }
0x80a: {  	v48 =	vld [tilespmem:$0x6480]  }
0x80b: {  	v49 =	vld [tilespmem:$0x6910]  }
0x80c: {  	v50 =	vld [tilespmem:$0x6490]  }
0x80d: {  	v51 =	vld [tilespmem:$0x6920]  }
0x80e: {  	v52 =	vld [tilespmem:$0x64A0]  }
0x80f: {  	v53 =	vld [tilespmem:$0x6930]  }
0x810: {  	v54 =	vld [tilespmem:$0x64B0]  }
0x811: {  	v55 =	vld [tilespmem:$0x6940]  }
0x812: {  	v56 =	vld [tilespmem:$0x64C0]  }
0x813: {  	v57 =	vld [tilespmem:$0x6950]  }
0x814: {  	v58 =	vld [tilespmem:$0x64D0]  }
0x815: {  	v59 =	vld [tilespmem:$0x6960]  }
0x816: {  	v60 =	vld [tilespmem:$0x64E0]  }
0x817: {  	v61 =	vld [tilespmem:$0x6970]  }
0x818: {  	v62 =	vld [tilespmem:$0x64F0]  }
0x819: {  	v32 =	vld [tilespmem:$0x6980]  }
0x81a: {  	v33 =	vld [tilespmem:$0x6500]  }
0x81b: {  	v34 =	vld [tilespmem:$0x6990]  }
0x81c: {  	v35 =	vld [tilespmem:$0x6510]  }
0x81d: {  	v36 =	vld [tilespmem:$0x69A0]  }
0x81e: {  	v38 =	vld [tilespmem:$0x69C0];
	v0 =	vadd.f32 v1, v0  }
0x81f: {  	v21 =	vld [tilespmem:$0x65A0];
	v2 =	vadd.f32 v3, v2  }
0x820: {  	v23 =	vld [tilespmem:$0x6A30];
	v63 =	vadd.f32 v63, v4;
	[tilespmem:$0x6880] =	vst v0  }
0x821: {  	v25 =	vld [tilespmem:$0x65B0];
	v37 =	vadd.f32 v7, v6;
	[tilespmem:$0x6890] =	vst v2  }
0x822: {  	v27 =	vld [tilespmem:$0x6A40];
	v39 =	vadd.f32 v40, v8;
	[tilespmem:$0x68A0] =	vst v63  }
0x823: {  	v29 =	vld [tilespmem:$0x65C0];
	v41 =	vadd.f32 v42, v41;
	[tilespmem:$0x68B0] =	vst v37  }
0x824: {  	v31 =	vld [tilespmem:$0x6A50];
	v43 =	vadd.f32 v44, v43;
	[tilespmem:$0x68C0] =	vst v39  }
0x825: {  	v1 =	vld [tilespmem:$0x6520];
	v45 =	vadd.f32 v46, v45;
	[tilespmem:$0x68D0] =	vst v41  }
0x826: {  	v3 =	vld [tilespmem:$0x69B0];
	v47 =	vadd.f32 v48, v47;
	[tilespmem:$0x68E0] =	vst v43  }
0x827: {  	v4 =	vld [tilespmem:$0x6530];
	v49 =	vadd.f32 v50, v49;
	[tilespmem:$0x68F0] =	vst v45  }
0x828: {  	v40 =	vld [tilespmem:$0x6540];
	v51 =	vadd.f32 v52, v51;
	[tilespmem:$0x6900] =	vst v47  }
0x829: {  	v42 =	vld [tilespmem:$0x69D0];
	v53 =	vadd.f32 v54, v53;
	[tilespmem:$0x6910] =	vst v49  }
0x82a: {  	v44 =	vld [tilespmem:$0x6550];
	v55 =	vadd.f32 v56, v55;
	[tilespmem:$0x6920] =	vst v51  }
0x82b: {  	v46 =	vld [tilespmem:$0x69E0];
	v57 =	vadd.f32 v58, v57;
	[tilespmem:$0x6930] =	vst v53  }
0x82c: {  	v48 =	vld [tilespmem:$0x6560];
	v59 =	vadd.f32 v60, v59;
	[tilespmem:$0x6940] =	vst v55  }
0x82d: {  	v50 =	vld [tilespmem:$0x69F0];
	v61 =	vadd.f32 v62, v61;
	[tilespmem:$0x6950] =	vst v57  }
0x82e: {  	v52 =	vld [tilespmem:$0x6570];
	v22 =	vadd.f32 v35, v34;
	[tilespmem:$0x6960] =	vst v59  }
0x82f: {  	v54 =	vld [tilespmem:$0x6A00];
	v63 =	vadd.f32 v33, v32;
	[tilespmem:$0x6970] =	vst v61  }
0x830: {  	v56 =	vld [tilespmem:$0x6580];
	[tilespmem:$0x6990] =	vst v22;
	v24 =	vadd.f32 v1, v36  }
0x831: {  	v58 =	vld [tilespmem:$0x6A10];
	[tilespmem:$0x6980] =	vst v63;
	v26 =	vadd.f32 v4, v3  }
0x832: {  	v60 =	vld [tilespmem:$0x6590];
	v28 =	vadd.f32 v40, v38;
	[tilespmem:$0x69A0] =	vst v24  }
0x833: {  	v62 =	vld [tilespmem:$0x6A20];
	v30 =	vadd.f32 v44, v42;
	[tilespmem:$0x69B0] =	vst v26  }
0x834: {  	v35 =	vld [tilespmem:$0x6A60];
	v32 =	vadd.f32 v48, v46;
	[tilespmem:$0x69C0] =	vst v28  }
0x835: {  	v33 =	vld [tilespmem:$0x65D0];
	v34 =	vadd.f32 v52, v50;
	[tilespmem:$0x69D0] =	vst v30  }
0x836: {  	v37 =	vld [tilespmem:$0x65E0];
	v36 =	vadd.f32 v56, v54;
	[tilespmem:$0x69E0] =	vst v32  }
0x837: {  	v39 =	vld [tilespmem:$0x6A70];
	v38 =	vadd.f32 v60, v58;
	[tilespmem:$0x69F0] =	vst v34  }
0x838: {  	v41 =	vld [tilespmem:$0x65F0];
	v40 =	vadd.f32 v21, v62;
	[tilespmem:$0x6A00] =	vst v36  }
0x839: {  	v1 =	vadd.f32 v25, v23;
	[tilespmem:$0x6A10] =	vst v38  }
0x83a: {  	v42 =	vadd.f32 v29, v27;
	[tilespmem:$0x6A20] =	vst v40  }
0x83b: {  	[tilespmem:$0x6A30] =	vst v1;
	v43 =	vadd.f32 v33, v31  }
0x83c: {  	[tilespmem:$0x6A40] =	vst v42;
	v44 =	vadd.f32 v37, v35  }
0x83d: {  	v45 =	vadd.f32 v41, v39;
	[tilespmem:$0x6A50] =	vst v43  }
0x83e: {  	[tilespmem:$0x6A60] =	vst v44  }
0x83f: {  	[tilespmem:$0x6A70] =	vst v45  }
0x840: {  	_ =	swait.ge [sflag:s8], $0x200  }
0x841: {  	[sflag:s8] =	ssyncset.done $0x0  }
0x842: {  	[sflag:s8] =	ssyncadd.s32 $0xFFFFFE00  }
0x843: {  	v0 =	vld [tilespmem:$0x6880]  }
0x844: {  	v46 =	vld [tilespmem:$0x6600]  }
0x845: {  	v2 =	vld [tilespmem:$0x6890]  }
0x846: {  	v47 =	vld [tilespmem:$0x6610]  }
0x847: {  	v48 =	vld [tilespmem:$0x68A0]  }
0x848: {  	v49 =	vld [tilespmem:$0x6620]  }
0x849: {  	v50 =	vld [tilespmem:$0x68B0]  }
0x84a: {  	v51 =	vld [tilespmem:$0x6630]  }
0x84b: {  	v52 =	vld [tilespmem:$0x68C0]  }
0x84c: {  	v53 =	vld [tilespmem:$0x6640]  }
0x84d: {  	v54 =	vld [tilespmem:$0x68D0]  }
0x84e: {  	v55 =	vld [tilespmem:$0x6650]  }
0x84f: {  	v56 =	vld [tilespmem:$0x68E0]  }
0x850: {  	v57 =	vld [tilespmem:$0x6660]  }
0x851: {  	v58 =	vld [tilespmem:$0x68F0]  }
0x852: {  	v59 =	vld [tilespmem:$0x6670]  }
0x853: {  	v60 =	vld [tilespmem:$0x6900]  }
0x854: {  	v61 =	vld [tilespmem:$0x6680]  }
0x855: {  	v62 =	vld [tilespmem:$0x6910]  }
0x856: {  	v63 =	vld [tilespmem:$0x6690]  }
0x857: {  	v20 =	vld [tilespmem:$0x6920]  }
0x858: {  	v21 =	vld [tilespmem:$0x66A0]  }
0x859: {  	v22 =	vld [tilespmem:$0x6930]  }
0x85a: {  	v23 =	vld [tilespmem:$0x66B0]  }
0x85b: {  	v24 =	vld [tilespmem:$0x6940]  }
0x85c: {  	v25 =	vld [tilespmem:$0x66C0]  }
0x85d: {  	v26 =	vld [tilespmem:$0x6950]  }
0x85e: {  	v27 =	vld [tilespmem:$0x66D0]  }
0x85f: {  	v28 =	vld [tilespmem:$0x6960]  }
0x860: {  	v29 =	vld [tilespmem:$0x66E0]  }
0x861: {  	v30 =	vld [tilespmem:$0x6970]  }
0x862: {  	v40 =	vld [tilespmem:$0x66F0]  }
0x863: {  	v41 =	vld [tilespmem:$0x6980]  }
0x864: {  	v42 =	vld [tilespmem:$0x6700]  }
0x865: {  	v43 =	vld [tilespmem:$0x6990]  }
0x866: {  	v44 =	vld [tilespmem:$0x6710]  }
0x867: {  	v45 =	vld [tilespmem:$0x69A0]  }
0x868: {  	v37 =	vld [tilespmem:$0x6A20];
	v0 =	vadd.f32 v46, v0  }
0x869: {  	v39 =	vld [tilespmem:$0x67A0];
	v2 =	vadd.f32 v47, v2  }
0x86a: {  	v46 =	vld [tilespmem:$0x6720];
	v48 =	vadd.f32 v49, v48;
	[tilespmem:$0x6880] =	vst v0  }
0x86b: {  	v47 =	vld [tilespmem:$0x69B0];
	v50 =	vadd.f32 v51, v50;
	[tilespmem:$0x6890] =	vst v2  }
0x86c: {  	v49 =	vld [tilespmem:$0x6730];
	v52 =	vadd.f32 v53, v52;
	[tilespmem:$0x68A0] =	vst v48  }
0x86d: {  	v51 =	vld [tilespmem:$0x69C0];
	v54 =	vadd.f32 v55, v54;
	[tilespmem:$0x68B0] =	vst v50  }
0x86e: {  	v53 =	vld [tilespmem:$0x6740];
	v56 =	vadd.f32 v57, v56;
	[tilespmem:$0x68C0] =	vst v52  }
0x86f: {  	v55 =	vld [tilespmem:$0x69D0];
	v58 =	vadd.f32 v59, v58;
	[tilespmem:$0x68D0] =	vst v54  }
0x870: {  	v57 =	vld [tilespmem:$0x6750];
	v60 =	vadd.f32 v61, v60;
	[tilespmem:$0x68E0] =	vst v56  }
0x871: {  	v59 =	vld [tilespmem:$0x69E0];
	v62 =	vadd.f32 v63, v62;
	[tilespmem:$0x68F0] =	vst v58  }
0x872: {  	v61 =	vld [tilespmem:$0x6760];
	v20 =	vadd.f32 v21, v20;
	[tilespmem:$0x6900] =	vst v60  }
0x873: {  	v63 =	vld [tilespmem:$0x69F0];
	v22 =	vadd.f32 v23, v22;
	[tilespmem:$0x6910] =	vst v62  }
0x874: {  	v21 =	vld [tilespmem:$0x6770];
	v24 =	vadd.f32 v25, v24;
	[tilespmem:$0x6920] =	vst v20  }
0x875: {  	v23 =	vld [tilespmem:$0x6A00];
	v26 =	vadd.f32 v27, v26;
	[tilespmem:$0x6930] =	vst v22  }
0x876: {  	v25 =	vld [tilespmem:$0x6780];
	v28 =	vadd.f32 v29, v28;
	[tilespmem:$0x6940] =	vst v24  }
0x877: {  	v27 =	vld [tilespmem:$0x6A10];
	v31 =	vadd.f32 v40, v30;
	[tilespmem:$0x6950] =	vst v26  }
0x878: {  	v29 =	vld [tilespmem:$0x6790];
	v38 =	vadd.f32 v42, v41;
	[tilespmem:$0x6960] =	vst v28  }
0x879: {  	v40 =	vadd.f32 v44, v43;
	v41 =	vld [tilespmem:$0x6A30];
	[tilespmem:$0x6970] =	vst v31  }
0x87a: {  	v43 =	vld [tilespmem:$0x67B0];
	[tilespmem:$0x6980] =	vst v38;
	v58 =	vadd.f32 v39, v37  }
0x87b: {  	[tilespmem:$0x6990] =	vst v40;
	v42 =	vadd.f32 v46, v45;
	v45 =	vld [tilespmem:$0x6A40]  }
0x87c: {  	[tilespmem:$0x6A20] =	vst v58;
	v44 =	vadd.f32 v49, v47;
	v47 =	vld [tilespmem:$0x67C0]  }
0x87d: {  	v46 =	vadd.f32 v53, v51;
	v49 =	vld [tilespmem:$0x6A50];
	[tilespmem:$0x69A0] =	vst v42  }
0x87e: {  	v48 =	vadd.f32 v57, v55;
	v51 =	vld [tilespmem:$0x67D0];
	[tilespmem:$0x69B0] =	vst v44  }
0x87f: {  	v50 =	vadd.f32 v61, v59;
	v53 =	vld [tilespmem:$0x6A60];
	[tilespmem:$0x69C0] =	vst v46  }
0x880: {  	v52 =	vadd.f32 v21, v63;
	v55 =	vld [tilespmem:$0x67E0];
	[tilespmem:$0x69D0] =	vst v48  }
0x881: {  	v54 =	vadd.f32 v25, v23;
	v57 =	vld [tilespmem:$0x6A70];
	[tilespmem:$0x69E0] =	vst v50  }
0x882: {  	v56 =	vadd.f32 v29, v27;
	v59 =	vld [tilespmem:$0x67F0];
	[tilespmem:$0x69F0] =	vst v52  }
0x883: {  	v1 =	vadd.f32 v43, v41;
	[tilespmem:$0x6A00] =	vst v54  }
0x884: {  	[tilespmem:$0x6A10] =	vst v56;
	v60 =	vadd.f32 v47, v45  }
0x885: {  	[tilespmem:$0x6A30] =	vst v1;
	v61 =	vadd.f32 v51, v49  }
0x886: {  	s14 =	sld [smem:$0x7CB];
	v62 =	vadd.f32 v55, v53;
	[tilespmem:$0x6A40] =	vst v60  }
0x887: {  	s15 =	sld [smem:$0x7FD];
	v63 =	vadd.f32 v59, v57;
	[tilespmem:$0x6A50] =	vst v61  }
0x888: {  	p0 =	sne.s32 s3, $0x1;
	[tilespmem:$0x6A60] =	vst v62  }
.Ltmp0:
0x889: {  	[tilespmem:$0x6A70] =	vst v63;
	(pc) =	sbr.rel @p0 .LBB2_1-.Ltmp0, $4  }
0x88a: {  	[hbm4b:s14+s2] =	stream.linear.scatter [tilespmem:s15], [sflag:$0x1D], $0x200, $0x38;
	[tilespmem:$0x6A80] =	vst v63  }
0x88b: {  	_ =	swait.ge [sflag:s7], $0x200  }
0x88c: {  	[sflag:s7] =	ssyncset.done $0x0  }
0x88d: {  	s3 =	sadd.s32 $0xFFFFFFFF, s3;
	[sflag:s7] =	ssyncadd.s32 $0xFFFFFE00  }
0x88e: {  	_ =	sfence.sel $0x180000  }
0x88f: {  	[bflag:$0x0] =	sbarrier.arrive $0xFFFF  }
0x890: {  	_ =	strace $0x90000047  }
0x891: {  	s0 =	stileid.u32;
	[bflag:$0x2] =	sbarrier.arrive $0xFFFF  }
0x892: {  	p0 =	sne.s32 s0, $0x0;
	s0 =	rddreg [dreg:$0x2]  }
0x893: {  	s0 =	sadd.s32 @!p0 $0x100000, s0  }
0x894: {  	[sflag:s0] =	ssyncadd.tile.s32 @!p0 $0x1;
	_ =	shalt  }
.Lfunc_end2:
_tile_overlayer_lowered:
.L_overlay_start_2:
0x895: {  	(tag) =	ssettag $0x2  }
0x896: {  	s0 =	rddreg [dreg:$0x0];
	s2 =	stileid.u32  }
0x897: {  	s1 =	rddreg [dreg:$0x1];
	p0 =	sne.s32 s2, $0x0  }
0x898: {  	s3 =	rddreg [dreg:$0x2];
	[bflag:$0x3] =	sbarrier.arrive $0xFFFF;
	s2 =	simm.s32 @!p0 $0x1C1D  }
0x899: {  	[timem:s3], [sflag:s2] =	dma.local @!p0 [hbm:s0], s1  }
0x89a: {  	s0 =	simm.s32 @!p0 $0x1D  }
0x89b: {  	_ =	swait.ge @!p0 [sflag:s0], s1  }
0x89c: {  	s1 =	ssub.s32 @!p0 $0x0, s1;
	[sflag:s0] =	ssyncset.done @!p0 $0x0  }
0x89d: {  	[sflag:s0] =	ssyncadd.s32 @!p0 s1  }
0x89e: {  	[bflag:$0x3] =	sbarrier.arrive $0xFFFF  }
0x89f: {  	_ =	shalt  }

</sc_bundles>
